<compile_context>
chip_gen: v7x
topology: tpu7x:2x2x1
jax: 0.10.2.dev20260603
libtpu: 0.0.44.dev20260713+nightly
codegen_flags: <defaults>
</compile_context>

<pallas_src>
import functools

import jax
import jax.numpy as jnp
from jax import lax
from jax.experimental import pallas as pl
from jax.experimental.pallas import tpu as pltpu
from jax.experimental.pallas import tpu_sc as plsc

D_MODEL = 64
X_ROWS = 16384
X_COLS = 50
N_TOKENS = X_ROWS * X_COLS

_INFO = plsc.get_sparse_core_info()
NUM_CORES = _INFO.num_cores
NUM_SUBCORES = _INFO.num_subcores
NW = NUM_CORES * NUM_SUBCORES
L = 128
XR_PER_W = X_ROWS // NW
ITB_PER_W = XR_PER_W // L
N_BLOCKS = ITB_PER_W * X_COLS
N_PAIRS = N_BLOCKS // 2
DT = D_MODEL // 8
SLAB_PAD = 129
UNROLL = 4
TBL_W = 128


def _transpose_block(rows_ref, slab_ref):
    k16 = lax.iota(jnp.int32, 16)
    dtds_idx = [k16 + dc * 16 for dc in range(D_MODEL // 16)]

    @plsc.parallel_loop(0, L, UNROLL)
    def il_body(i0):
        il_vec0 = jnp.full((16,), 0, jnp.int32) + i0
        for t in range(UNROLL):
            il = i0 + t
            il_vec = il_vec0 + t
            for dc in range(D_MODEL // 16):
                vec = rows_ref[il, pl.ds(dc * 16, 16)]
                plsc.store_scatter(slab_ref, [dtds_idx[dc], il_vec], vec)


def _emb_body(table_hbm, xt_hbm, out_hbm, xt_v, rows_v, slab_v, gsems, osems):
    wid = lax.axis_index("s") * NUM_CORES + lax.axis_index("c")
    i0 = wid * XR_PER_W
    it0 = wid * ITB_PER_W

    pltpu.sync_copy(xt_hbm.at[:, pl.ds(i0, XR_PER_W)], xt_v)

    def fire_gather(s, b):
        j = s // ITB_PER_W
        c = s % ITB_PER_W
        pltpu.async_copy(
            table_hbm.at[xt_v.at[j].at[pl.ds(c * L, L)]],
            rows_v.at[b],
            gsems.at[b],
        )

    def wait_gather(s, b):
        j = s // ITB_PER_W
        c = s % ITB_PER_W
        pltpu.make_async_copy(
            table_hbm.at[xt_v.at[j].at[pl.ds(c * L, L)]],
            rows_v.at[b],
            gsems.at[b],
        ).wait()

    def fire_out(s, b):
        j = s // ITB_PER_W
        c = s % ITB_PER_W
        for dt in range(DT):
            pltpu.async_copy(
                slab_v.at[b].at[pl.ds(dt * 8, 8), pl.ds(0, L)],
                out_hbm.at[j, dt, it0 + c],
                osems.at[b],
            )

    def wait_out(s, b):
        j = s // ITB_PER_W
        c = s % ITB_PER_W
        for dt in range(DT):
            pltpu.make_async_copy(
                slab_v.at[b].at[pl.ds(dt * 8, 8), pl.ds(0, L)],
                out_hbm.at[j, dt, it0 + c],
                osems.at[b],
            ).wait()

    fire_gather(0, 0)

    def outer(g, carry):
        s0 = 2 * g
        wait_gather(s0, 0)
        fire_gather(s0 + 1, 1)
        pl.when(g > 0)(lambda: wait_out(s0 - 2, 0))
        _transpose_block(rows_v.at[0], slab_v.at[0])
        fire_out(s0, 0)
        wait_gather(s0 + 1, 1)
        pl.when(g > 0)(lambda: wait_out(s0 - 1, 1))
        _transpose_block(rows_v.at[1], slab_v.at[1])
        fire_out(s0 + 1, 1)
        pl.when(g < N_PAIRS - 1)(lambda: fire_gather(s0 + 2, 0))
        return carry

    lax.fori_loop(0, N_PAIRS, outer, 0)

    wait_out(N_BLOCKS - 2, 0)
    wait_out(N_BLOCKS - 1, 1)


@functools.partial(
    pl.kernel,
    out_type=jax.ShapeDtypeStruct((X_COLS, DT, X_ROWS // L, 8, L), jnp.float32),
    mesh=plsc.VectorSubcoreMesh(core_axis_name="c", subcore_axis_name="s"),
    compiler_params=pltpu.CompilerParams(
        use_tc_tiling_on_sc=False, needs_layout_passes=False
    ),
    scratch_types=[
        pltpu.VMEM((X_COLS, XR_PER_W), jnp.int32),
        pltpu.VMEM((2, L, TBL_W), jnp.float32),
        pltpu.VMEM((2, D_MODEL, SLAB_PAD), jnp.float32),
        pltpu.SemaphoreType.DMA((2,)),
        pltpu.SemaphoreType.DMA((2,)),
    ],
)
def _emb_kernel(table_hbm, xt_hbm, out_hbm, xt_v, rows_v, slab_v, gsems, osems):
    _emb_body(table_hbm, xt_hbm, out_hbm, xt_v, rows_v, slab_v, gsems, osems)


def kernel(x, table):
    t128 = jnp.pad(table, ((0, 0), (0, TBL_W - D_MODEL)))
    out5 = _emb_kernel(t128, x.T.astype(jnp.int32))
    return out5.transpose(2, 4, 0, 1, 3).reshape(X_ROWS, X_COLS, D_MODEL)

# --- scband reference (transcript-rebuilt; emitter-appended) ---
"""Pipeline reference for scband-embedding-2190433321186 (READ-ONLY COPY).

The authoritative reference and input builder live on the scoring server;
editing this copy changes nothing except your own understanding.
"""

import jax, jax.numpy as jnp
import numpy as np

VOCAB = 1000000
D_MODEL = 64

def setup_inputs(seed: int = 0) -> dict:
    key = jax.random.key(seed)
    k1, k2 = jax.random.split(key)
    x = jax.random.randint(k1, (16384, 50), 0, VOCAB, dtype=jnp.int64 if jax.config.jax_enable_x64 else jnp.int32)
    table = jax.random.normal(k2, (VOCAB, D_MODEL), dtype=jnp.float32)
    return {"x": x, "table": table}

def reference(x, table):
    # nn.Embedding forward: row gather from the embedding table
    embeds = jnp.take(table, x, axis=0)
    return embeds

if __name__ == "__main__":
    import jax
    _d = setup_inputs()
    print(jax.jit(kernel)(*tuple(_d.values())))

</pallas_src>

<mosaic_0001>
#map = affine_map<(d0, d1) -> (0, 0)>
#map1 = affine_map<(d0, d1) -> (0, 0, 0, 0, 0)>
module attributes {stable_mosaic.version = 14 : i64} {
  func.func @_emb_kernel(%arg0: i32, %arg1: i32, %arg2: memref<1000000x128xf32, #tpu.memory_space<hbm>>, %arg3: memref<50x16384xi32, #tpu.memory_space<hbm>>, %arg4: memref<50x8x128x8x128xf32, #tpu.memory_space<hbm>>, %arg5: memref<50x512xi32, #tpu.memory_space<vmem>>, %arg6: memref<2x128x128xf32, #tpu.memory_space<vmem>>, %arg7: memref<2x64x129xf32, #tpu.memory_space<vmem>>, %arg8: memref<2x!tpu.dma_semaphore, #tpu.memory_space<semaphore_mem>>, %arg9: memref<2x!tpu.dma_semaphore, #tpu.memory_space<semaphore_mem>>) attributes {dimension_semantics = [#tpu.dimension_semantics<core_parallel>, #tpu.dimension_semantics<subcore_parallel>], iteration_bounds = array<i64: 2, 16>, scalar_prefetch = 0 : i64, scratch_operands = 5 : i64, tpu.core_type = #tpu.core_type<sc_vector_subcore>, window_params = [{transform_indices = #map}, {transform_indices = #map}, {transform_indices = #map1}]} {
    %mul3A = arith.constant 2 : i32
    %mul3A_0 = arith.muli %arg1, %mul3A : i32
    %add3A = arith.addi %mul3A_0, %arg0 : i32
    %mul3A_1 = arith.constant 512 : i32
    %mul3A_2 = arith.muli %add3A, %mul3A_1 : i32
    %mul3A_3 = arith.constant 4 : i32
    %mul3A_4 = arith.muli %add3A, %mul3A_3 : i32
    "tpu.region"() ({
      %run_scoped3A = tpu.sem_alloc : memref<!tpu.dma_semaphore, #tpu.memory_space<semaphore_mem>>
      %dma_start3A_505 = arith.constant 0 : i32
      %dma_start3A_506 = tpu.memref_slice %arg3[%dma_start3A_505, %mul3A_2] : memref<50x16384xi32, #tpu.memory_space<hbm>> -> memref<50x512xi32, #tpu.memory_space<hbm>>
      %dma_start3A_507 = arith.constant 0 : i32
      %dma_start3A_508 = tpu.memref_slice %arg3[%dma_start3A_507, %mul3A_2] : memref<50x16384xi32, #tpu.memory_space<hbm>> -> memref<50x512xi32, #tpu.memory_space<hbm>>
      tpu.enqueue_dma source(%dma_start3A_508 : memref<50x512xi32, #tpu.memory_space<hbm>>) target(%arg5 : memref<50x512xi32, #tpu.memory_space<vmem>>) target_semaphore(%run_scoped3A : memref<!tpu.dma_semaphore, #tpu.memory_space<semaphore_mem>>)
      %dma_wait3A_509 = arith.constant 0 : i32
      %dma_wait3A_510 = tpu.memref_slice %arg3[%dma_wait3A_509, %mul3A_2] : memref<50x16384xi32, #tpu.memory_space<hbm>> -> memref<50x512xi32, #tpu.memory_space<hbm>>
      %dma_wait3A_511 = arith.constant 0 : i32
      %dma_wait3A_512 = tpu.memref_slice %arg3[%dma_wait3A_511, %mul3A_2] : memref<50x16384xi32, #tpu.memory_space<hbm>> -> memref<50x512xi32, #tpu.memory_space<hbm>>
      tpu.wait_dma2 semaphore(%run_scoped3A : memref<!tpu.dma_semaphore, #tpu.memory_space<semaphore_mem>>) src(%dma_wait3A_512 : memref<50x512xi32, #tpu.memory_space<hbm>>) dst(%arg5 : memref<50x512xi32, #tpu.memory_space<vmem>>)
      tpu.yield
    }) : () -> ()
    %dma_start3A = arith.constant 0 : i32
    %dma_start3A_5 = arith.constant 0 : i32
    %dma_start3A_6 = arith.constant 0 : i32
    %dma_start3A_7 = arith.constant 0 : i32
    %dma_start3A_8 = arith.constant 0 : i32
    %dma_start3A_9 = tpu.memref_slice %arg6[%dma_start3A_5, %dma_start3A_7, %dma_start3A_8] : memref<2x128x128xf32, #tpu.memory_space<vmem>> -> memref<1x128x128xf32, #tpu.memory_space<vmem>>
    %dma_start3A_10 = tpu.memref_squeeze %dma_start3A_9 : memref<1x128x128xf32, #tpu.memory_space<vmem>> -> memref<128x128xf32, #tpu.memory_space<vmem>>
    %dma_start3A_11 = arith.constant 0 : i32
    %dma_start3A_12 = tpu.memref_slice %arg5[%dma_start3A, %dma_start3A_11] : memref<50x512xi32, #tpu.memory_space<vmem>> -> memref<1x512xi32, #tpu.memory_space<vmem>>
    %dma_start3A_13 = tpu.memref_squeeze %dma_start3A_12 : memref<1x512xi32, #tpu.memory_space<vmem>> -> memref<512xi32, #tpu.memory_space<vmem>>
    %dma_start3A_14 = arith.constant 0 : i32
    %dma_start3A_15 = tpu.memref_slice %dma_start3A_13[%dma_start3A_14] : memref<512xi32, #tpu.memory_space<vmem>> -> memref<128xi32, #tpu.memory_space<vmem>>
    %dma_start3A_16 = arith.constant 0 : i32
    %dma_start3A_17 = arith.constant 0 : i32
    %dma_start3A_18 = tpu.memref_slice %arg2[%dma_start3A_16, %dma_start3A_17] : memref<1000000x128xf32, #tpu.memory_space<hbm>> -> memref<1000000x128xf32, #tpu.memory_space<hbm>>
    %dma_start3A_19 = tpu.memref_slice %arg8[%dma_start3A_6] : memref<2x!tpu.dma_semaphore, #tpu.memory_space<semaphore_mem>> -> memref<1x!tpu.dma_semaphore, #tpu.memory_space<semaphore_mem>>
    %dma_start3A_20 = tpu.memref_squeeze %dma_start3A_19 : memref<1x!tpu.dma_semaphore, #tpu.memory_space<semaphore_mem>> -> memref<!tpu.dma_semaphore, #tpu.memory_space<semaphore_mem>>
    tpu.enqueue_indirect_dma source(%dma_start3A_18 : memref<1000000x128xf32, #tpu.memory_space<hbm>>) target(%dma_start3A_10 : memref<128x128xf32, #tpu.memory_space<vmem>>) offsets(%dma_start3A_15 : memref<128xi32, #tpu.memory_space<vmem>>) semaphore(%dma_start3A_20 : memref<!tpu.dma_semaphore, #tpu.memory_space<semaphore_mem>>)
    %scan3A = arith.constant 0 : i32
    %scan3A_21 = arith.constant 0 : i32
    %scan3A_22 = arith.constant 100 : i32
    %scan3A_23 = arith.addi %scan3A_21, %scan3A_22 : i32
    %scan3A_24 = arith.constant 1 : i32
    scf.for %scan3A_505 = %scan3A_21 to %scan3A_23 step %scan3A_24  : i32 {
      %mul3A_506 = arith.constant 2 : i32
      %mul3A_507 = arith.muli %mul3A_506, %scan3A_505 : i32
      %jit3A = arith.constant 4 : i32
      %div3A = arith.divsi %mul3A_507, %jit3A : i32
      %sign3A = arith.constant 0 : i32
      %sign3A_508 = arith.cmpi sgt, %mul3A_507, %sign3A : i32
      %sign3A_509 = arith.extui %sign3A_508 : i1 to i32
      %sign3A_510 = arith.constant 0 : i32
      %sign3A_511 = arith.cmpi slt, %mul3A_507, %sign3A_510 : i32
      %sign3A_512 = arith.extui %sign3A_511 : i1 to i32
      %sign3A_513 = arith.subi %sign3A_509, %sign3A_512 : i32
      %sign3A_514 = arith.constant 0 : i32
      %sign3A_515 = arith.cmpi sgt, %jit3A, %sign3A_514 : i32
      %sign3A_516 = arith.extui %sign3A_515 : i1 to i32
      %sign3A_517 = arith.constant 0 : i32
      %sign3A_518 = arith.cmpi slt, %jit3A, %sign3A_517 : i32
      %sign3A_519 = arith.extui %sign3A_518 : i1 to i32
      %sign3A_520 = arith.subi %sign3A_516, %sign3A_519 : i32
      %ne3A = arith.cmpi ne, %sign3A_513, %sign3A_520 : i32
      %rem3A = arith.remsi %mul3A_507, %jit3A : i32
      %ne3A_521 = arith.constant 0 : i32
      %ne3A_522 = arith.cmpi ne, %rem3A, %ne3A_521 : i32
      %and3A = arith.andi %ne3A, %ne3A_522 : i1
      %sub3A = arith.constant 1 : i32
      %sub3A_523 = arith.subi %div3A, %sub3A : i32
      %select_n3A = arith.select %and3A, %sub3A_523, %div3A : i32
      %jit3A_524 = arith.constant 4 : i32
      %eq3A = arith.constant 0 : i32
      %eq3A_525 = arith.cmpi eq, %jit3A_524, %eq3A : i32
      %jit3A_526 = arith.constant 1 : i32
      %select_n3A_527 = arith.select %eq3A_525, %jit3A_526, %jit3A_524 : i32
      %rem3A_528 = arith.remsi %mul3A_507, %select_n3A_527 : i32
      %ne3A_529 = arith.constant 0 : i32
      %ne3A_530 = arith.cmpi ne, %rem3A_528, %ne3A_529 : i32
      %lt3A = arith.constant 0 : i32
      %lt3A_531 = arith.cmpi slt, %rem3A_528, %lt3A : i32
      %lt3A_532 = arith.constant 0 : i32
      %lt3A_533 = arith.cmpi slt, %select_n3A_527, %lt3A_532 : i32
      %ne3A_534 = arith.xori %lt3A_531, %lt3A_533 : i1
      %and3A_535 = arith.andi %ne3A_534, %ne3A_530 : i1
      %add3A_536 = arith.addi %rem3A_528, %select_n3A_527 : i32
      %select_n3A_537 = arith.select %and3A_535, %add3A_536, %rem3A_528 : i32
      %mul3A_538 = arith.constant 128 : i32
      %mul3A_539 = arith.muli %select_n3A_537, %mul3A_538 : i32
      %dma_wait3A_540 = arith.constant 0 : i32
      %dma_wait3A_541 = arith.constant 0 : i32
      %dma_wait3A_542 = arith.constant 0 : i32
      %dma_wait3A_543 = arith.constant 0 : i32
      %dma_wait3A_544 = tpu.memref_slice %arg6[%dma_wait3A_540, %dma_wait3A_542, %dma_wait3A_543] : memref<2x128x128xf32, #tpu.memory_space<vmem>> -> memref<1x128x128xf32, #tpu.memory_space<vmem>>
      %dma_wait3A_545 = tpu.memref_squeeze %dma_wait3A_544 : memref<1x128x128xf32, #tpu.memory_space<vmem>> -> memref<128x128xf32, #tpu.memory_space<vmem>>
      %dma_wait3A_546 = arith.constant 0 : i32
      %dma_wait3A_547 = tpu.memref_slice %arg5[%select_n3A, %dma_wait3A_546] : memref<50x512xi32, #tpu.memory_space<vmem>> -> memref<1x512xi32, #tpu.memory_space<vmem>>
      %dma_wait3A_548 = tpu.memref_squeeze %dma_wait3A_547 : memref<1x512xi32, #tpu.memory_space<vmem>> -> memref<512xi32, #tpu.memory_space<vmem>>
      %dma_wait3A_549 = tpu.memref_slice %dma_wait3A_548[%mul3A_539] : memref<512xi32, #tpu.memory_space<vmem>> -> memref<128xi32, #tpu.memory_space<vmem>>
      %dma_wait3A_550 = arith.constant 0 : i32
      %dma_wait3A_551 = arith.constant 0 : i32
      %dma_wait3A_552 = tpu.memref_slice %arg2[%dma_wait3A_550, %dma_wait3A_551] : memref<1000000x128xf32, #tpu.memory_space<hbm>> -> memref<1000000x128xf32, #tpu.memory_space<hbm>>
      %dma_wait3A_553 = tpu.memref_slice %arg8[%dma_wait3A_541] : memref<2x!tpu.dma_semaphore, #tpu.memory_space<semaphore_mem>> -> memref<1x!tpu.dma_semaphore, #tpu.memory_space<semaphore_mem>>
      %dma_wait3A_554 = tpu.memref_squeeze %dma_wait3A_553 : memref<1x!tpu.dma_semaphore, #tpu.memory_space<semaphore_mem>> -> memref<!tpu.dma_semaphore, #tpu.memory_space<semaphore_mem>>
      tpu.wait_indirect_dma semaphore(%dma_wait3A_554 : memref<!tpu.dma_semaphore, #tpu.memory_space<semaphore_mem>>) src(%dma_wait3A_552 : memref<1000000x128xf32, #tpu.memory_space<hbm>>) dst(%dma_wait3A_545 : memref<128x128xf32, #tpu.memory_space<vmem>>)
      %add3A_555 = arith.constant 1 : i32
      %add3A_556 = arith.addi %mul3A_507, %add3A_555 : i32
      %jit3A_557 = arith.constant 4 : i32
      %div3A_558 = arith.divsi %add3A_556, %jit3A_557 : i32
      %sign3A_559 = arith.constant 0 : i32
      %sign3A_560 = arith.cmpi sgt, %add3A_556, %sign3A_559 : i32
      %sign3A_561 = arith.extui %sign3A_560 : i1 to i32
      %sign3A_562 = arith.constant 0 : i32
      %sign3A_563 = arith.cmpi slt, %add3A_556, %sign3A_562 : i32
      %sign3A_564 = arith.extui %sign3A_563 : i1 to i32
      %sign3A_565 = arith.subi %sign3A_561, %sign3A_564 : i32
      %sign3A_566 = arith.constant 0 : i32
      %sign3A_567 = arith.cmpi sgt, %jit3A_557, %sign3A_566 : i32
      %sign3A_568 = arith.extui %sign3A_567 : i1 to i32
      %sign3A_569 = arith.constant 0 : i32
      %sign3A_570 = arith.cmpi slt, %jit3A_557, %sign3A_569 : i32
      %sign3A_571 = arith.extui %sign3A_570 : i1 to i32
      %sign3A_572 = arith.subi %sign3A_568, %sign3A_571 : i32
      %ne3A_573 = arith.cmpi ne, %sign3A_565, %sign3A_572 : i32
      %rem3A_574 = arith.remsi %add3A_556, %jit3A_557 : i32
      %ne3A_575 = arith.constant 0 : i32
      %ne3A_576 = arith.cmpi ne, %rem3A_574, %ne3A_575 : i32
      %and3A_577 = arith.andi %ne3A_573, %ne3A_576 : i1
      %sub3A_578 = arith.constant 1 : i32
      %sub3A_579 = arith.subi %div3A_558, %sub3A_578 : i32
      %select_n3A_580 = arith.select %and3A_577, %sub3A_579, %div3A_558 : i32
      %jit3A_581 = arith.constant 4 : i32
      %eq3A_582 = arith.constant 0 : i32
      %eq3A_583 = arith.cmpi eq, %jit3A_581, %eq3A_582 : i32
      %jit3A_584 = arith.constant 1 : i32
      %select_n3A_585 = arith.select %eq3A_583, %jit3A_584, %jit3A_581 : i32
      %rem3A_586 = arith.remsi %add3A_556, %select_n3A_585 : i32
      %ne3A_587 = arith.constant 0 : i32
      %ne3A_588 = arith.cmpi ne, %rem3A_586, %ne3A_587 : i32
      %lt3A_589 = arith.constant 0 : i32
      %lt3A_590 = arith.cmpi slt, %rem3A_586, %lt3A_589 : i32
      %lt3A_591 = arith.constant 0 : i32
      %lt3A_592 = arith.cmpi slt, %select_n3A_585, %lt3A_591 : i32
      %ne3A_593 = arith.xori %lt3A_590, %lt3A_592 : i1
      %and3A_594 = arith.andi %ne3A_593, %ne3A_588 : i1
      %add3A_595 = arith.addi %rem3A_586, %select_n3A_585 : i32
      %select_n3A_596 = arith.select %and3A_594, %add3A_595, %rem3A_586 : i32
      %mul3A_597 = arith.constant 128 : i32
      %mul3A_598 = arith.muli %select_n3A_596, %mul3A_597 : i32
      %dma_start3A_599 = arith.constant 1 : i32
      %dma_start3A_600 = arith.constant 1 : i32
      %dma_start3A_601 = arith.constant 0 : i32
      %dma_start3A_602 = arith.constant 0 : i32
      %dma_start3A_603 = tpu.memref_slice %arg6[%dma_start3A_599, %dma_start3A_601, %dma_start3A_602] : memref<2x128x128xf32, #tpu.memory_space<vmem>> -> memref<1x128x128xf32, #tpu.memory_space<vmem>>
      %dma_start3A_604 = tpu.memref_squeeze %dma_start3A_603 : memref<1x128x128xf32, #tpu.memory_space<vmem>> -> memref<128x128xf32, #tpu.memory_space<vmem>>
      %dma_start3A_605 = arith.constant 0 : i32
      %dma_start3A_606 = tpu.memref_slice %arg5[%select_n3A_580, %dma_start3A_605] : memref<50x512xi32, #tpu.memory_space<vmem>> -> memref<1x512xi32, #tpu.memory_space<vmem>>
      %dma_start3A_607 = tpu.memref_squeeze %dma_start3A_606 : memref<1x512xi32, #tpu.memory_space<vmem>> -> memref<512xi32, #tpu.memory_space<vmem>>
      %dma_start3A_608 = tpu.memref_slice %dma_start3A_607[%mul3A_598] : memref<512xi32, #tpu.memory_space<vmem>> -> memref<128xi32, #tpu.memory_space<vmem>>
      %dma_start3A_609 = arith.constant 0 : i32
      %dma_start3A_610 = arith.constant 0 : i32
      %dma_start3A_611 = tpu.memref_slice %arg2[%dma_start3A_609, %dma_start3A_610] : memref<1000000x128xf32, #tpu.memory_space<hbm>> -> memref<1000000x128xf32, #tpu.memory_space<hbm>>
      %dma_start3A_612 = tpu.memref_slice %arg8[%dma_start3A_600] : memref<2x!tpu.dma_semaphore, #tpu.memory_space<semaphore_mem>> -> memref<1x!tpu.dma_semaphore, #tpu.memory_space<semaphore_mem>>
      %dma_start3A_613 = tpu.memref_squeeze %dma_start3A_612 : memref<1x!tpu.dma_semaphore, #tpu.memory_space<semaphore_mem>> -> memref<!tpu.dma_semaphore, #tpu.memory_space<semaphore_mem>>
      tpu.enqueue_indirect_dma source(%dma_start3A_611 : memref<1000000x128xf32, #tpu.memory_space<hbm>>) target(%dma_start3A_604 : memref<128x128xf32, #tpu.memory_space<vmem>>) offsets(%dma_start3A_608 : memref<128xi32, #tpu.memory_space<vmem>>) semaphore(%dma_start3A_613 : memref<!tpu.dma_semaphore, #tpu.memory_space<semaphore_mem>>)
      %gt3A = arith.constant 0 : i32
      %gt3A_614 = arith.cmpi sgt, %scan3A_505, %gt3A : i32
      %convert_element_type3A = arith.extui %gt3A_614 : i1 to i32
      %cond3A = arith.constant 0 : i32
      %cond3A_615 = arith.cmpi ne, %convert_element_type3A, %cond3A : i32
      scf.if %cond3A_615 {
        %sub3A_1249 = arith.constant 2 : i32
        %sub3A_1250 = arith.subi %mul3A_507, %sub3A_1249 : i32
        %jit3A_1251 = arith.constant 4 : i32
        %div3A_1252 = arith.divsi %sub3A_1250, %jit3A_1251 : i32
        %sign3A_1253 = arith.constant 0 : i32
        %sign3A_1254 = arith.cmpi sgt, %sub3A_1250, %sign3A_1253 : i32
        %sign3A_1255 = arith.extui %sign3A_1254 : i1 to i32
        %sign3A_1256 = arith.constant 0 : i32
        %sign3A_1257 = arith.cmpi slt, %sub3A_1250, %sign3A_1256 : i32
        %sign3A_1258 = arith.extui %sign3A_1257 : i1 to i32
        %sign3A_1259 = arith.subi %sign3A_1255, %sign3A_1258 : i32
        %sign3A_1260 = arith.constant 0 : i32
        %sign3A_1261 = arith.cmpi sgt, %jit3A_1251, %sign3A_1260 : i32
        %sign3A_1262 = arith.extui %sign3A_1261 : i1 to i32
        %sign3A_1263 = arith.constant 0 : i32
        %sign3A_1264 = arith.cmpi slt, %jit3A_1251, %sign3A_1263 : i32
        %sign3A_1265 = arith.extui %sign3A_1264 : i1 to i32
        %sign3A_1266 = arith.subi %sign3A_1262, %sign3A_1265 : i32
        %ne3A_1267 = arith.cmpi ne, %sign3A_1259, %sign3A_1266 : i32
        %rem3A_1268 = arith.remsi %sub3A_1250, %jit3A_1251 : i32
        %ne3A_1269 = arith.constant 0 : i32
        %ne3A_1270 = arith.cmpi ne, %rem3A_1268, %ne3A_1269 : i32
        %and3A_1271 = arith.andi %ne3A_1267, %ne3A_1270 : i1
        %sub3A_1272 = arith.constant 1 : i32
        %sub3A_1273 = arith.subi %div3A_1252, %sub3A_1272 : i32
        %select_n3A_1274 = arith.select %and3A_1271, %sub3A_1273, %div3A_1252 : i32
        %jit3A_1275 = arith.constant 4 : i32
        %eq3A_1276 = arith.constant 0 : i32
        %eq3A_1277 = arith.cmpi eq, %jit3A_1275, %eq3A_1276 : i32
        %jit3A_1278 = arith.constant 1 : i32
        %select_n3A_1279 = arith.select %eq3A_1277, %jit3A_1278, %jit3A_1275 : i32
        %rem3A_1280 = arith.remsi %sub3A_1250, %select_n3A_1279 : i32
        %ne3A_1281 = arith.constant 0 : i32
        %ne3A_1282 = arith.cmpi ne, %rem3A_1280, %ne3A_1281 : i32
        %lt3A_1283 = arith.constant 0 : i32
        %lt3A_1284 = arith.cmpi slt, %rem3A_1280, %lt3A_1283 : i32
        %lt3A_1285 = arith.constant 0 : i32
        %lt3A_1286 = arith.cmpi slt, %select_n3A_1279, %lt3A_1285 : i32
        %ne3A_1287 = arith.xori %lt3A_1284, %lt3A_1286 : i1
        %and3A_1288 = arith.andi %ne3A_1287, %ne3A_1282 : i1
        %add3A_1289 = arith.addi %rem3A_1280, %select_n3A_1279 : i32
        %select_n3A_1290 = arith.select %and3A_1288, %add3A_1289, %rem3A_1280 : i32
        %add3A_1291 = arith.addi %mul3A_4, %select_n3A_1290 : i32
        %dma_wait3A_1292 = arith.constant 0 : i32
        %dma_wait3A_1293 = arith.constant 0 : i32
        %dma_wait3A_1294 = arith.constant 0 : i32
        %dma_wait3A_1295 = arith.constant 0 : i32
        %dma_wait3A_1296 = arith.constant 0 : i32
        %dma_wait3A_1297 = tpu.memref_slice %arg7[%dma_wait3A_1292, %dma_wait3A_1295, %dma_wait3A_1296] : memref<2x64x129xf32, #tpu.memory_space<vmem>> -> memref<1x64x129xf32, #tpu.memory_space<vmem>>
        %dma_wait3A_1298 = tpu.memref_squeeze %dma_wait3A_1297 : memref<1x64x129xf32, #tpu.memory_space<vmem>> -> memref<64x129xf32, #tpu.memory_space<vmem>>
        %dma_wait3A_1299 = arith.constant 0 : i32
        %dma_wait3A_1300 = arith.constant 0 : i32
        %dma_wait3A_1301 = tpu.memref_slice %dma_wait3A_1298[%dma_wait3A_1299, %dma_wait3A_1300] : memref<64x129xf32, #tpu.memory_space<vmem>> -> memref<8x128xf32, #tpu.memory_space<vmem>>
        %dma_wait3A_1302 = arith.constant 0 : i32
        %dma_wait3A_1303 = arith.constant 0 : i32
        %dma_wait3A_1304 = tpu.memref_slice %arg4[%select_n3A_1274, %dma_wait3A_1293, %add3A_1291, %dma_wait3A_1302, %dma_wait3A_1303] : memref<50x8x128x8x128xf32, #tpu.memory_space<hbm>> -> memref<1x1x1x8x128xf32, #tpu.memory_space<hbm>>
        %dma_wait3A_1305 = tpu.memref_squeeze %dma_wait3A_1304 : memref<1x1x1x8x128xf32, #tpu.memory_space<hbm>> -> memref<8x128xf32, #tpu.memory_space<hbm>>
        %dma_wait3A_1306 = tpu.memref_slice %arg9[%dma_wait3A_1294] : memref<2x!tpu.dma_semaphore, #tpu.memory_space<semaphore_mem>> -> memref<1x!tpu.dma_semaphore, #tpu.memory_space<semaphore_mem>>
        %dma_wait3A_1307 = tpu.memref_squeeze %dma_wait3A_1306 : memref<1x!tpu.dma_semaphore, #tpu.memory_space<semaphore_mem>> -> memref<!tpu.dma_semaphore, #tpu.memory_space<semaphore_mem>>
        %dma_wait3A_1308 = arith.constant 0 : i32
        %dma_wait3A_1309 = arith.constant 0 : i32
        %dma_wait3A_1310 = tpu.memref_slice %arg4[%select_n3A_1274, %dma_wait3A_1293, %add3A_1291, %dma_wait3A_1308, %dma_wait3A_1309] : memref<50x8x128x8x128xf32, #tpu.memory_space<hbm>> -> memref<1x1x1x8x128xf32, #tpu.memory_space<hbm>>
        %dma_wait3A_1311 = tpu.memref_squeeze %dma_wait3A_1310 : memref<1x1x1x8x128xf32, #tpu.memory_space<hbm>> -> memref<8x128xf32, #tpu.memory_space<hbm>>
        %dma_wait3A_1312 = arith.constant 0 : i32
        %dma_wait3A_1313 = arith.constant 0 : i32
        %dma_wait3A_1314 = tpu.memref_slice %arg7[%dma_wait3A_1292, %dma_wait3A_1312, %dma_wait3A_1313] : memref<2x64x129xf32, #tpu.memory_space<vmem>> -> memref<1x64x129xf32, #tpu.memory_space<vmem>>
        %dma_wait3A_1315 = tpu.memref_squeeze %dma_wait3A_1314 : memref<1x64x129xf32, #tpu.memory_space<vmem>> -> memref<64x129xf32, #tpu.memory_space<vmem>>
        %dma_wait3A_1316 = arith.constant 0 : i32
        %dma_wait3A_1317 = arith.constant 0 : i32
        %dma_wait3A_1318 = tpu.memref_slice %dma_wait3A_1315[%dma_wait3A_1316, %dma_wait3A_1317] : memref<64x129xf32, #tpu.memory_space<vmem>> -> memref<8x128xf32, #tpu.memory_space<vmem>>
        tpu.wait_dma2 semaphore(%dma_wait3A_1307 : memref<!tpu.dma_semaphore, #tpu.memory_space<semaphore_mem>>) src(%dma_wait3A_1318 : memref<8x128xf32, #tpu.memory_space<vmem>>) dst(%dma_wait3A_1311 : memref<8x128xf32, #tpu.memory_space<hbm>>)
        %add3A_1319 = arith.addi %mul3A_4, %select_n3A_1290 : i32
        %dma_wait3A_1320 = arith.constant 0 : i32
        %dma_wait3A_1321 = arith.constant 1 : i32
        %dma_wait3A_1322 = arith.constant 0 : i32
        %dma_wait3A_1323 = arith.constant 0 : i32
        %dma_wait3A_1324 = arith.constant 0 : i32
        %dma_wait3A_1325 = tpu.memref_slice %arg7[%dma_wait3A_1320, %dma_wait3A_1323, %dma_wait3A_1324] : memref<2x64x129xf32, #tpu.memory_space<vmem>> -> memref<1x64x129xf32, #tpu.memory_space<vmem>>
        %dma_wait3A_1326 = tpu.memref_squeeze %dma_wait3A_1325 : memref<1x64x129xf32, #tpu.memory_space<vmem>> -> memref<64x129xf32, #tpu.memory_space<vmem>>
        %dma_wait3A_1327 = arith.constant 8 : i32
        %dma_wait3A_1328 = arith.constant 0 : i32
        %dma_wait3A_1329 = tpu.memref_slice %dma_wait3A_1326[%dma_wait3A_1327, %dma_wait3A_1328] : memref<64x129xf32, #tpu.memory_space<vmem>> -> memref<8x128xf32, #tpu.memory_space<vmem>>
        %dma_wait3A_1330 = arith.constant 0 : i32
        %dma_wait3A_1331 = arith.constant 0 : i32
        %dma_wait3A_1332 = tpu.memref_slice %arg4[%select_n3A_1274, %dma_wait3A_1321, %add3A_1319, %dma_wait3A_1330, %dma_wait3A_1331] : memref<50x8x128x8x128xf32, #tpu.memory_space<hbm>> -> memref<1x1x1x8x128xf32, #tpu.memory_space<hbm>>
        %dma_wait3A_1333 = tpu.memref_squeeze %dma_wait3A_1332 : memref<1x1x1x8x128xf32, #tpu.memory_space<hbm>> -> memref<8x128xf32, #tpu.memory_space<hbm>>
        %dma_wait3A_1334 = tpu.memref_slice %arg9[%dma_wait3A_1322] : memref<2x!tpu.dma_semaphore, #tpu.memory_space<semaphore_mem>> -> memref<1x!tpu.dma_semaphore, #tpu.memory_space<semaphore_mem>>
        %dma_wait3A_1335 = tpu.memref_squeeze %dma_wait3A_1334 : memref<1x!tpu.dma_semaphore, #tpu.memory_space<semaphore_mem>> -> memref<!tpu.dma_semaphore, #tpu.memory_space<semaphore_mem>>
        %dma_wait3A_1336 = arith.constant 0 : i32
        %dma_wait3A_1337 = arith.constant 0 : i32
        %dma_wait3A_1338 = tpu.memref_slice %arg4[%select_n3A_1274, %dma_wait3A_1321, %add3A_1319, %dma_wait3A_1336, %dma_wait3A_1337] : memref<50x8x128x8x128xf32, #tpu.memory_space<hbm>> -> memref<1x1x1x8x128xf32, #tpu.memory_space<hbm>>
        %dma_wait3A_1339 = tpu.memref_squeeze %dma_wait3A_1338 : memref<1x1x1x8x128xf32, #tpu.memory_space<hbm>> -> memref<8x128xf32, #tpu.memory_space<hbm>>
        %dma_wait3A_1340 = arith.constant 0 : i32
        %dma_wait3A_1341 = arith.constant 0 : i32
        %dma_wait3A_1342 = tpu.memref_slice %arg7[%dma_wait3A_1320, %dma_wait3A_1340, %dma_wait3A_1341] : memref<2x64x129xf32, #tpu.memory_space<vmem>> -> memref<1x64x129xf32, #tpu.memory_space<vmem>>
        %dma_wait3A_1343 = tpu.memref_squeeze %dma_wait3A_1342 : memref<1x64x129xf32, #tpu.memory_space<vmem>> -> memref<64x129xf32, #tpu.memory_space<vmem>>
        %dma_wait3A_1344 = arith.constant 8 : i32
        %dma_wait3A_1345 = arith.constant 0 : i32
        %dma_wait3A_1346 = tpu.memref_slice %dma_wait3A_1343[%dma_wait3A_1344, %dma_wait3A_1345] : memref<64x129xf32, #tpu.memory_space<vmem>> -> memref<8x128xf32, #tpu.memory_space<vmem>>
        tpu.wait_dma2 semaphore(%dma_wait3A_1335 : memref<!tpu.dma_semaphore, #tpu.memory_space<semaphore_mem>>) src(%dma_wait3A_1346 : memref<8x128xf32, #tpu.memory_space<vmem>>) dst(%dma_wait3A_1339 : memref<8x128xf32, #tpu.memory_space<hbm>>)
        %add3A_1347 = arith.addi %mul3A_4, %select_n3A_1290 : i32
        %dma_wait3A_1348 = arith.constant 0 : i32
        %dma_wait3A_1349 = arith.constant 2 : i32
        %dma_wait3A_1350 = arith.constant 0 : i32
        %dma_wait3A_1351 = arith.constant 0 : i32
        %dma_wait3A_1352 = arith.constant 0 : i32
        %dma_wait3A_1353 = tpu.memref_slice %arg7[%dma_wait3A_1348, %dma_wait3A_1351, %dma_wait3A_1352] : memref<2x64x129xf32, #tpu.memory_space<vmem>> -> memref<1x64x129xf32, #tpu.memory_space<vmem>>
        %dma_wait3A_1354 = tpu.memref_squeeze %dma_wait3A_1353 : memref<1x64x129xf32, #tpu.memory_space<vmem>> -> memref<64x129xf32, #tpu.memory_space<vmem>>
        %dma_wait3A_1355 = arith.constant 16 : i32
        %dma_wait3A_1356 = arith.constant 0 : i32
        %dma_wait3A_1357 = tpu.memref_slice %dma_wait3A_1354[%dma_wait3A_1355, %dma_wait3A_1356] : memref<64x129xf32, #tpu.memory_space<vmem>> -> memref<8x128xf32, #tpu.memory_space<vmem>>
        %dma_wait3A_1358 = arith.constant 0 : i32
        %dma_wait3A_1359 = arith.constant 0 : i32
        %dma_wait3A_1360 = tpu.memref_slice %arg4[%select_n3A_1274, %dma_wait3A_1349, %add3A_1347, %dma_wait3A_1358, %dma_wait3A_1359] : memref<50x8x128x8x128xf32, #tpu.memory_space<hbm>> -> memref<1x1x1x8x128xf32, #tpu.memory_space<hbm>>
        %dma_wait3A_1361 = tpu.memref_squeeze %dma_wait3A_1360 : memref<1x1x1x8x128xf32, #tpu.memory_space<hbm>> -> memref<8x128xf32, #tpu.memory_space<hbm>>
        %dma_wait3A_1362 = tpu.memref_slice %arg9[%dma_wait3A_1350] : memref<2x!tpu.dma_semaphore, #tpu.memory_space<semaphore_mem>> -> memref<1x!tpu.dma_semaphore, #tpu.memory_space<semaphore_mem>>
        %dma_wait3A_1363 = tpu.memref_squeeze %dma_wait3A_1362 : memref<1x!tpu.dma_semaphore, #tpu.memory_space<semaphore_mem>> -> memref<!tpu.dma_semaphore, #tpu.memory_space<semaphore_mem>>
        %dma_wait3A_1364 = arith.constant 0 : i32
        %dma_wait3A_1365 = arith.constant 0 : i32
        %dma_wait3A_1366 = tpu.memref_slice %arg4[%select_n3A_1274, %dma_wait3A_1349, %add3A_1347, %dma_wait3A_1364, %dma_wait3A_1365] : memref<50x8x128x8x128xf32, #tpu.memory_space<hbm>> -> memref<1x1x1x8x128xf32, #tpu.memory_space<hbm>>
        %dma_wait3A_1367 = tpu.memref_squeeze %dma_wait3A_1366 : memref<1x1x1x8x128xf32, #tpu.memory_space<hbm>> -> memref<8x128xf32, #tpu.memory_space<hbm>>
        %dma_wait3A_1368 = arith.constant 0 : i32
        %dma_wait3A_1369 = arith.constant 0 : i32
        %dma_wait3A_1370 = tpu.memref_slice %arg7[%dma_wait3A_1348, %dma_wait3A_1368, %dma_wait3A_1369] : memref<2x64x129xf32, #tpu.memory_space<vmem>> -> memref<1x64x129xf32, #tpu.memory_space<vmem>>
        %dma_wait3A_1371 = tpu.memref_squeeze %dma_wait3A_1370 : memref<1x64x129xf32, #tpu.memory_space<vmem>> -> memref<64x129xf32, #tpu.memory_space<vmem>>
        %dma_wait3A_1372 = arith.constant 16 : i32
        %dma_wait3A_1373 = arith.constant 0 : i32
        %dma_wait3A_1374 = tpu.memref_slice %dma_wait3A_1371[%dma_wait3A_1372, %dma_wait3A_1373] : memref<64x129xf32, #tpu.memory_space<vmem>> -> memref<8x128xf32, #tpu.memory_space<vmem>>
        tpu.wait_dma2 semaphore(%dma_wait3A_1363 : memref<!tpu.dma_semaphore, #tpu.memory_space<semaphore_mem>>) src(%dma_wait3A_1374 : memref<8x128xf32, #tpu.memory_space<vmem>>) dst(%dma_wait3A_1367 : memref<8x128xf32, #tpu.memory_space<hbm>>)
        %add3A_1375 = arith.addi %mul3A_4, %select_n3A_1290 : i32
        %dma_wait3A_1376 = arith.constant 0 : i32
        %dma_wait3A_1377 = arith.constant 3 : i32
        %dma_wait3A_1378 = arith.constant 0 : i32
        %dma_wait3A_1379 = arith.constant 0 : i32
        %dma_wait3A_1380 = arith.constant 0 : i32
        %dma_wait3A_1381 = tpu.memref_slice %arg7[%dma_wait3A_1376, %dma_wait3A_1379, %dma_wait3A_1380] : memref<2x64x129xf32, #tpu.memory_space<vmem>> -> memref<1x64x129xf32, #tpu.memory_space<vmem>>
        %dma_wait3A_1382 = tpu.memref_squeeze %dma_wait3A_1381 : memref<1x64x129xf32, #tpu.memory_space<vmem>> -> memref<64x129xf32, #tpu.memory_space<vmem>>
        %dma_wait3A_1383 = arith.constant 24 : i32
        %dma_wait3A_1384 = arith.constant 0 : i32
        %dma_wait3A_1385 = tpu.memref_slice %dma_wait3A_1382[%dma_wait3A_1383, %dma_wait3A_1384] : memref<64x129xf32, #tpu.memory_space<vmem>> -> memref<8x128xf32, #tpu.memory_space<vmem>>
        %dma_wait3A_1386 = arith.constant 0 : i32
        %dma_wait3A_1387 = arith.constant 0 : i32
        %dma_wait3A_1388 = tpu.memref_slice %arg4[%select_n3A_1274, %dma_wait3A_1377, %add3A_1375, %dma_wait3A_1386, %dma_wait3A_1387] : memref<50x8x128x8x128xf32, #tpu.memory_space<hbm>> -> memref<1x1x1x8x128xf32, #tpu.memory_space<hbm>>
        %dma_wait3A_1389 = tpu.memref_squeeze %dma_wait3A_1388 : memref<1x1x1x8x128xf32, #tpu.memory_space<hbm>> -> memref<8x128xf32, #tpu.memory_space<hbm>>
        %dma_wait3A_1390 = tpu.memref_slice %arg9[%dma_wait3A_1378] : memref<2x!tpu.dma_semaphore, #tpu.memory_space<semaphore_mem>> -> memref<1x!tpu.dma_semaphore, #tpu.memory_space<semaphore_mem>>
        %dma_wait3A_1391 = tpu.memref_squeeze %dma_wait3A_1390 : memref<1x!tpu.dma_semaphore, #tpu.memory_space<semaphore_mem>> -> memref<!tpu.dma_semaphore, #tpu.memory_space<semaphore_mem>>
        %dma_wait3A_1392 = arith.constant 0 : i32
        %dma_wait3A_1393 = arith.constant 0 : i32
        %dma_wait3A_1394 = tpu.memref_slice %arg4[%select_n3A_1274, %dma_wait3A_1377, %add3A_1375, %dma_wait3A_1392, %dma_wait3A_1393] : memref<50x8x128x8x128xf32, #tpu.memory_space<hbm>> -> memref<1x1x1x8x128xf32, #tpu.memory_space<hbm>>
        %dma_wait3A_1395 = tpu.memref_squeeze %dma_wait3A_1394 : memref<1x1x1x8x128xf32, #tpu.memory_space<hbm>> -> memref<8x128xf32, #tpu.memory_space<hbm>>
        %dma_wait3A_1396 = arith.constant 0 : i32
        %dma_wait3A_1397 = arith.constant 0 : i32
        %dma_wait3A_1398 = tpu.memref_slice %arg7[%dma_wait3A_1376, %dma_wait3A_1396, %dma_wait3A_1397] : memref<2x64x129xf32, #tpu.memory_space<vmem>> -> memref<1x64x129xf32, #tpu.memory_space<vmem>>
        %dma_wait3A_1399 = tpu.memref_squeeze %dma_wait3A_1398 : memref<1x64x129xf32, #tpu.memory_space<vmem>> -> memref<64x129xf32, #tpu.memory_space<vmem>>
        %dma_wait3A_1400 = arith.constant 24 : i32
        %dma_wait3A_1401 = arith.constant 0 : i32
        %dma_wait3A_1402 = tpu.memref_slice %dma_wait3A_1399[%dma_wait3A_1400, %dma_wait3A_1401] : memref<64x129xf32, #tpu.memory_space<vmem>> -> memref<8x128xf32, #tpu.memory_space<vmem>>
        tpu.wait_dma2 semaphore(%dma_wait3A_1391 : memref<!tpu.dma_semaphore, #tpu.memory_space<semaphore_mem>>) src(%dma_wait3A_1402 : memref<8x128xf32, #tpu.memory_space<vmem>>) dst(%dma_wait3A_1395 : memref<8x128xf32, #tpu.memory_space<hbm>>)
        %add3A_1403 = arith.addi %mul3A_4, %select_n3A_1290 : i32
        %dma_wait3A_1404 = arith.constant 0 : i32
        %dma_wait3A_1405 = arith.constant 4 : i32
        %dma_wait3A_1406 = arith.constant 0 : i32
        %dma_wait3A_1407 = arith.constant 0 : i32
        %dma_wait3A_1408 = arith.constant 0 : i32
        %dma_wait3A_1409 = tpu.memref_slice %arg7[%dma_wait3A_1404, %dma_wait3A_1407, %dma_wait3A_1408] : memref<2x64x129xf32, #tpu.memory_space<vmem>> -> memref<1x64x129xf32, #tpu.memory_space<vmem>>
        %dma_wait3A_1410 = tpu.memref_squeeze %dma_wait3A_1409 : memref<1x64x129xf32, #tpu.memory_space<vmem>> -> memref<64x129xf32, #tpu.memory_space<vmem>>
        %dma_wait3A_1411 = arith.constant 32 : i32
        %dma_wait3A_1412 = arith.constant 0 : i32
        %dma_wait3A_1413 = tpu.memref_slice %dma_wait3A_1410[%dma_wait3A_1411, %dma_wait3A_1412] : memref<64x129xf32, #tpu.memory_space<vmem>> -> memref<8x128xf32, #tpu.memory_space<vmem>>
        %dma_wait3A_1414 = arith.constant 0 : i32
        %dma_wait3A_1415 = arith.constant 0 : i32
        %dma_wait3A_1416 = tpu.memref_slice %arg4[%select_n3A_1274, %dma_wait3A_1405, %add3A_1403, %dma_wait3A_1414, %dma_wait3A_1415] : memref<50x8x128x8x128xf32, #tpu.memory_space<hbm>> -> memref<1x1x1x8x128xf32, #tpu.memory_space<hbm>>
        %dma_wait3A_1417 = tpu.memref_squeeze %dma_wait3A_1416 : memref<1x1x1x8x128xf32, #tpu.memory_space<hbm>> -> memref<8x128xf32, #tpu.memory_space<hbm>>
        %dma_wait3A_1418 = tpu.memref_slice %arg9[%dma_wait3A_1406] : memref<2x!tpu.dma_semaphore, #tpu.memory_space<semaphore_mem>> -> memref<1x!tpu.dma_semaphore, #tpu.memory_space<semaphore_mem>>
        %dma_wait3A_1419 = tpu.memref_squeeze %dma_wait3A_1418 : memref<1x!tpu.dma_semaphore, #tpu.memory_space<semaphore_mem>> -> memref<!tpu.dma_semaphore, #tpu.memory_space<semaphore_mem>>
        %dma_wait3A_1420 = arith.constant 0 : i32
        %dma_wait3A_1421 = arith.constant 0 : i32
        %dma_wait3A_1422 = tpu.memref_slice %arg4[%select_n3A_1274, %dma_wait3A_1405, %add3A_1403, %dma_wait3A_1420, %dma_wait3A_1421] : memref<50x8x128x8x128xf32, #tpu.memory_space<hbm>> -> memref<1x1x1x8x128xf32, #tpu.memory_space<hbm>>
        %dma_wait3A_1423 = tpu.memref_squeeze %dma_wait3A_1422 : memref<1x1x1x8x128xf32, #tpu.memory_space<hbm>> -> memref<8x128xf32, #tpu.memory_space<hbm>>
        %dma_wait3A_1424 = arith.constant 0 : i32
        %dma_wait3A_1425 = arith.constant 0 : i32
        %dma_wait3A_1426 = tpu.memref_slice %arg7[%dma_wait3A_1404, %dma_wait3A_1424, %dma_wait3A_1425] : memref<2x64x129xf32, #tpu.memory_space<vmem>> -> memref<1x64x129xf32, #tpu.memory_space<vmem>>
        %dma_wait3A_1427 = tpu.memref_squeeze %dma_wait3A_1426 : memref<1x64x129xf32, #tpu.memory_space<vmem>> -> memref<64x129xf32, #tpu.memory_space<vmem>>
        %dma_wait3A_1428 = arith.constant 32 : i32
        %dma_wait3A_1429 = arith.constant 0 : i32
        %dma_wait3A_1430 = tpu.memref_slice %dma_wait3A_1427[%dma_wait3A_1428, %dma_wait3A_1429] : memref<64x129xf32, #tpu.memory_space<vmem>> -> memref<8x128xf32, #tpu.memory_space<vmem>>
        tpu.wait_dma2 semaphore(%dma_wait3A_1419 : memref<!tpu.dma_semaphore, #tpu.memory_space<semaphore_mem>>) src(%dma_wait3A_1430 : memref<8x128xf32, #tpu.memory_space<vmem>>) dst(%dma_wait3A_1423 : memref<8x128xf32, #tpu.memory_space<hbm>>)
        %add3A_1431 = arith.addi %mul3A_4, %select_n3A_1290 : i32
        %dma_wait3A_1432 = arith.constant 0 : i32
        %dma_wait3A_1433 = arith.constant 5 : i32
        %dma_wait3A_1434 = arith.constant 0 : i32
        %dma_wait3A_1435 = arith.constant 0 : i32
        %dma_wait3A_1436 = arith.constant 0 : i32
        %dma_wait3A_1437 = tpu.memref_slice %arg7[%dma_wait3A_1432, %dma_wait3A_1435, %dma_wait3A_1436] : memref<2x64x129xf32, #tpu.memory_space<vmem>> -> memref<1x64x129xf32, #tpu.memory_space<vmem>>
        %dma_wait3A_1438 = tpu.memref_squeeze %dma_wait3A_1437 : memref<1x64x129xf32, #tpu.memory_space<vmem>> -> memref<64x129xf32, #tpu.memory_space<vmem>>
        %dma_wait3A_1439 = arith.constant 40 : i32
        %dma_wait3A_1440 = arith.constant 0 : i32
        %dma_wait3A_1441 = tpu.memref_slice %dma_wait3A_1438[%dma_wait3A_1439, %dma_wait3A_1440] : memref<64x129xf32, #tpu.memory_space<vmem>> -> memref<8x128xf32, #tpu.memory_space<vmem>>
        %dma_wait3A_1442 = arith.constant 0 : i32
        %dma_wait3A_1443 = arith.constant 0 : i32
        %dma_wait3A_1444 = tpu.memref_slice %arg4[%select_n3A_1274, %dma_wait3A_1433, %add3A_1431, %dma_wait3A_1442, %dma_wait3A_1443] : memref<50x8x128x8x128xf32, #tpu.memory_space<hbm>> -> memref<1x1x1x8x128xf32, #tpu.memory_space<hbm>>
        %dma_wait3A_1445 = tpu.memref_squeeze %dma_wait3A_1444 : memref<1x1x1x8x128xf32, #tpu.memory_space<hbm>> -> memref<8x128xf32, #tpu.memory_space<hbm>>
        %dma_wait3A_1446 = tpu.memref_slice %arg9[%dma_wait3A_1434] : memref<2x!tpu.dma_semaphore, #tpu.memory_space<semaphore_mem>> -> memref<1x!tpu.dma_semaphore, #tpu.memory_space<semaphore_mem>>
        %dma_wait3A_1447 = tpu.memref_squeeze %dma_wait3A_1446 : memref<1x!tpu.dma_semaphore, #tpu.memory_space<semaphore_mem>> -> memref<!tpu.dma_semaphore, #tpu.memory_space<semaphore_mem>>
        %dma_wait3A_1448 = arith.constant 0 : i32
        %dma_wait3A_1449 = arith.constant 0 : i32
        %dma_wait3A_1450 = tpu.memref_slice %arg4[%select_n3A_1274, %dma_wait3A_1433, %add3A_1431, %dma_wait3A_1448, %dma_wait3A_1449] : memref<50x8x128x8x128xf32, #tpu.memory_space<hbm>> -> memref<1x1x1x8x128xf32, #tpu.memory_space<hbm>>
        %dma_wait3A_1451 = tpu.memref_squeeze %dma_wait3A_1450 : memref<1x1x1x8x128xf32, #tpu.memory_space<hbm>> -> memref<8x128xf32, #tpu.memory_space<hbm>>
        %dma_wait3A_1452 = arith.constant 0 : i32
        %dma_wait3A_1453 = arith.constant 0 : i32
        %dma_wait3A_1454 = tpu.memref_slice %arg7[%dma_wait3A_1432, %dma_wait3A_1452, %dma_wait3A_1453] : memref<2x64x129xf32, #tpu.memory_space<vmem>> -> memref<1x64x129xf32, #tpu.memory_space<vmem>>
        %dma_wait3A_1455 = tpu.memref_squeeze %dma_wait3A_1454 : memref<1x64x129xf32, #tpu.memory_space<vmem>> -> memref<64x129xf32, #tpu.memory_space<vmem>>
        %dma_wait3A_1456 = arith.constant 40 : i32
        %dma_wait3A_1457 = arith.constant 0 : i32
        %dma_wait3A_1458 = tpu.memref_slice %dma_wait3A_1455[%dma_wait3A_1456, %dma_wait3A_1457] : memref<64x129xf32, #tpu.memory_space<vmem>> -> memref<8x128xf32, #tpu.memory_space<vmem>>
        tpu.wait_dma2 semaphore(%dma_wait3A_1447 : memref<!tpu.dma_semaphore, #tpu.memory_space<semaphore_mem>>) src(%dma_wait3A_1458 : memref<8x128xf32, #tpu.memory_space<vmem>>) dst(%dma_wait3A_1451 : memref<8x128xf32, #tpu.memory_space<hbm>>)
        %add3A_1459 = arith.addi %mul3A_4, %select_n3A_1290 : i32
        %dma_wait3A_1460 = arith.constant 0 : i32
        %dma_wait3A_1461 = arith.constant 6 : i32
        %dma_wait3A_1462 = arith.constant 0 : i32
        %dma_wait3A_1463 = arith.constant 0 : i32
        %dma_wait3A_1464 = arith.constant 0 : i32
        %dma_wait3A_1465 = tpu.memref_slice %arg7[%dma_wait3A_1460, %dma_wait3A_1463, %dma_wait3A_1464] : memref<2x64x129xf32, #tpu.memory_space<vmem>> -> memref<1x64x129xf32, #tpu.memory_space<vmem>>
        %dma_wait3A_1466 = tpu.memref_squeeze %dma_wait3A_1465 : memref<1x64x129xf32, #tpu.memory_space<vmem>> -> memref<64x129xf32, #tpu.memory_space<vmem>>
        %dma_wait3A_1467 = arith.constant 48 : i32
        %dma_wait3A_1468 = arith.constant 0 : i32
        %dma_wait3A_1469 = tpu.memref_slice %dma_wait3A_1466[%dma_wait3A_1467, %dma_wait3A_1468] : memref<64x129xf32, #tpu.memory_space<vmem>> -> memref<8x128xf32, #tpu.memory_space<vmem>>
        %dma_wait3A_1470 = arith.constant 0 : i32
        %dma_wait3A_1471 = arith.constant 0 : i32
        %dma_wait3A_1472 = tpu.memref_slice %arg4[%select_n3A_1274, %dma_wait3A_1461, %add3A_1459, %dma_wait3A_1470, %dma_wait3A_1471] : memref<50x8x128x8x128xf32, #tpu.memory_space<hbm>> -> memref<1x1x1x8x128xf32, #tpu.memory_space<hbm>>
        %dma_wait3A_1473 = tpu.memref_squeeze %dma_wait3A_1472 : memref<1x1x1x8x128xf32, #tpu.memory_space<hbm>> -> memref<8x128xf32, #tpu.memory_space<hbm>>
        %dma_wait3A_1474 = tpu.memref_slice %arg9[%dma_wait3A_1462] : memref<2x!tpu.dma_semaphore, #tpu.memory_space<semaphore_mem>> -> memref<1x!tpu.dma_semaphore, #tpu.memory_space<semaphore_mem>>
        %dma_wait3A_1475 = tpu.memref_squeeze %dma_wait3A_1474 : memref<1x!tpu.dma_semaphore, #tpu.memory_space<semaphore_mem>> -> memref<!tpu.dma_semaphore, #tpu.memory_space<semaphore_mem>>
        %dma_wait3A_1476 = arith.constant 0 : i32
        %dma_wait3A_1477 = arith.constant 0 : i32
        %dma_wait3A_1478 = tpu.memref_slice %arg4[%select_n3A_1274, %dma_wait3A_1461, %add3A_1459, %dma_wait3A_1476, %dma_wait3A_1477] : memref<50x8x128x8x128xf32, #tpu.memory_space<hbm>> -> memref<1x1x1x8x128xf32, #tpu.memory_space<hbm>>
        %dma_wait3A_1479 = tpu.memref_squeeze %dma_wait3A_1478 : memref<1x1x1x8x128xf32, #tpu.memory_space<hbm>> -> memref<8x128xf32, #tpu.memory_space<hbm>>
        %dma_wait3A_1480 = arith.constant 0 : i32
        %dma_wait3A_1481 = arith.constant 0 : i32
        %dma_wait3A_1482 = tpu.memref_slice %arg7[%dma_wait3A_1460, %dma_wait3A_1480, %dma_wait3A_1481] : memref<2x64x129xf32, #tpu.memory_space<vmem>> -> memref<1x64x129xf32, #tpu.memory_space<vmem>>
        %dma_wait3A_1483 = tpu.memref_squeeze %dma_wait3A_1482 : memref<1x64x129xf32, #tpu.memory_space<vmem>> -> memref<64x129xf32, #tpu.memory_space<vmem>>
        %dma_wait3A_1484 = arith.constant 48 : i32
        %dma_wait3A_1485 = arith.constant 0 : i32
        %dma_wait3A_1486 = tpu.memref_slice %dma_wait3A_1483[%dma_wait3A_1484, %dma_wait3A_1485] : memref<64x129xf32, #tpu.memory_space<vmem>> -> memref<8x128xf32, #tpu.memory_space<vmem>>
        tpu.wait_dma2 semaphore(%dma_wait3A_1475 : memref<!tpu.dma_semaphore, #tpu.memory_space<semaphore_mem>>) src(%dma_wait3A_1486 : memref<8x128xf32, #tpu.memory_space<vmem>>) dst(%dma_wait3A_1479 : memref<8x128xf32, #tpu.memory_space<hbm>>)
        %add3A_1487 = arith.addi %mul3A_4, %select_n3A_1290 : i32
        %dma_wait3A_1488 = arith.constant 0 : i32
        %dma_wait3A_1489 = arith.constant 7 : i32
        %dma_wait3A_1490 = arith.constant 0 : i32
        %dma_wait3A_1491 = arith.constant 0 : i32
        %dma_wait3A_1492 = arith.constant 0 : i32
        %dma_wait3A_1493 = tpu.memref_slice %arg7[%dma_wait3A_1488, %dma_wait3A_1491, %dma_wait3A_1492] : memref<2x64x129xf32, #tpu.memory_space<vmem>> -> memref<1x64x129xf32, #tpu.memory_space<vmem>>
        %dma_wait3A_1494 = tpu.memref_squeeze %dma_wait3A_1493 : memref<1x64x129xf32, #tpu.memory_space<vmem>> -> memref<64x129xf32, #tpu.memory_space<vmem>>
        %dma_wait3A_1495 = arith.constant 56 : i32
        %dma_wait3A_1496 = arith.constant 0 : i32
        %dma_wait3A_1497 = tpu.memref_slice %dma_wait3A_1494[%dma_wait3A_1495, %dma_wait3A_1496] : memref<64x129xf32, #tpu.memory_space<vmem>> -> memref<8x128xf32, #tpu.memory_space<vmem>>
        %dma_wait3A_1498 = arith.constant 0 : i32
        %dma_wait3A_1499 = arith.constant 0 : i32
        %dma_wait3A_1500 = tpu.memref_slice %arg4[%select_n3A_1274, %dma_wait3A_1489, %add3A_1487, %dma_wait3A_1498, %dma_wait3A_1499] : memref<50x8x128x8x128xf32, #tpu.memory_space<hbm>> -> memref<1x1x1x8x128xf32, #tpu.memory_space<hbm>>
        %dma_wait3A_1501 = tpu.memref_squeeze %dma_wait3A_1500 : memref<1x1x1x8x128xf32, #tpu.memory_space<hbm>> -> memref<8x128xf32, #tpu.memory_space<hbm>>
        %dma_wait3A_1502 = tpu.memref_slice %arg9[%dma_wait3A_1490] : memref<2x!tpu.dma_semaphore, #tpu.memory_space<semaphore_mem>> -> memref<1x!tpu.dma_semaphore, #tpu.memory_space<semaphore_mem>>
        %dma_wait3A_1503 = tpu.memref_squeeze %dma_wait3A_1502 : memref<1x!tpu.dma_semaphore, #tpu.memory_space<semaphore_mem>> -> memref<!tpu.dma_semaphore, #tpu.memory_space<semaphore_mem>>
        %dma_wait3A_1504 = arith.constant 0 : i32
        %dma_wait3A_1505 = arith.constant 0 : i32
        %dma_wait3A_1506 = tpu.memref_slice %arg4[%select_n3A_1274, %dma_wait3A_1489, %add3A_1487, %dma_wait3A_1504, %dma_wait3A_1505] : memref<50x8x128x8x128xf32, #tpu.memory_space<hbm>> -> memref<1x1x1x8x128xf32, #tpu.memory_space<hbm>>
        %dma_wait3A_1507 = tpu.memref_squeeze %dma_wait3A_1506 : memref<1x1x1x8x128xf32, #tpu.memory_space<hbm>> -> memref<8x128xf32, #tpu.memory_space<hbm>>
        %dma_wait3A_1508 = arith.constant 0 : i32
        %dma_wait3A_1509 = arith.constant 0 : i32
        %dma_wait3A_1510 = tpu.memref_slice %arg7[%dma_wait3A_1488, %dma_wait3A_1508, %dma_wait3A_1509] : memref<2x64x129xf32, #tpu.memory_space<vmem>> -> memref<1x64x129xf32, #tpu.memory_space<vmem>>
        %dma_wait3A_1511 = tpu.memref_squeeze %dma_wait3A_1510 : memref<1x64x129xf32, #tpu.memory_space<vmem>> -> memref<64x129xf32, #tpu.memory_space<vmem>>
        %dma_wait3A_1512 = arith.constant 56 : i32
        %dma_wait3A_1513 = arith.constant 0 : i32
        %dma_wait3A_1514 = tpu.memref_slice %dma_wait3A_1511[%dma_wait3A_1512, %dma_wait3A_1513] : memref<64x129xf32, #tpu.memory_space<vmem>> -> memref<8x128xf32, #tpu.memory_space<vmem>>
        tpu.wait_dma2 semaphore(%dma_wait3A_1503 : memref<!tpu.dma_semaphore, #tpu.memory_space<semaphore_mem>>) src(%dma_wait3A_1514 : memref<8x128xf32, #tpu.memory_space<vmem>>) dst(%dma_wait3A_1507 : memref<8x128xf32, #tpu.memory_space<hbm>>)
      } else {
      }
      %iota3A = tpu.iota {dimensions = array<i32: 0>} : vector<16xi32>
      %add3A_616 = arith.constant 0 : i32
      %add3A_617 = vector.broadcast %add3A_616 : i32 to vector<16xi32>
      %add3A_618 = arith.addi %iota3A, %add3A_617 : vector<16xi32>
      %add3A_619 = arith.constant 16 : i32
      %add3A_620 = vector.broadcast %add3A_619 : i32 to vector<16xi32>
      %add3A_621 = arith.addi %iota3A, %add3A_620 : vector<16xi32>
      %add3A_622 = arith.constant 32 : i32
      %add3A_623 = vector.broadcast %add3A_622 : i32 to vector<16xi32>
      %add3A_624 = arith.addi %iota3A, %add3A_623 : vector<16xi32>
      %add3A_625 = arith.constant 48 : i32
      %add3A_626 = vector.broadcast %add3A_625 : i32 to vector<16xi32>
      %add3A_627 = arith.addi %iota3A, %add3A_626 : vector<16xi32>
      %parallel_loop3A = arith.constant 0 : i32
      %parallel_loop3A_628 = arith.constant 128 : i32
      %parallel_loop3A_629 = arith.constant 4 : i32
      %parallel_loop3A_630 = arith.constant 0 : i32
      %parallel_loop3A_631 = arith.constant 0 : i32
      scf.for %parallel_loop3A_1249 = %parallel_loop3A to %parallel_loop3A_628 step %parallel_loop3A_629  : i32 {
        %parallel_loop3A_1250 = arith.constant 0 : i32
        %parallel_loop3A_1251 = vector.broadcast %parallel_loop3A_1250 : i32 to vector<16xi32>
        %parallel_loop3A_1252 = vector.broadcast %parallel_loop3A_1249 : i32 to vector<16xi32>
        %parallel_loop3A_1253 = arith.addi %parallel_loop3A_1251, %parallel_loop3A_1252 : vector<16xi32>
        %parallel_loop3A_1254 = arith.constant 0 : i32
        %parallel_loop3A_1255 = arith.addi %parallel_loop3A_1249, %parallel_loop3A_1254 : i32
        %parallel_loop3A_1256 = arith.constant 0 : i32
        %parallel_loop3A_1257 = vector.broadcast %parallel_loop3A_1256 : i32 to vector<16xi32>
        %parallel_loop3A_1258 = arith.addi %parallel_loop3A_1253, %parallel_loop3A_1257 : vector<16xi32>
        %parallel_loop3A_1259 = arith.constant 0 : i32
        %parallel_loop3A_1260 = arith.constant 0 : i32
        %parallel_loop3A_1261 = tpu.memref_slice %arg6[%parallel_loop3A_630, %parallel_loop3A_1259, %parallel_loop3A_1260] : memref<2x128x128xf32, #tpu.memory_space<vmem>> -> memref<1x128x128xf32, #tpu.memory_space<vmem>>
        %parallel_loop3A_1262 = tpu.memref_squeeze %parallel_loop3A_1261 : memref<1x128x128xf32, #tpu.memory_space<vmem>> -> memref<128x128xf32, #tpu.memory_space<vmem>>
        %parallel_loop3A_1263 = arith.index_cast %parallel_loop3A_1255 : i32 to index
        %parallel_loop3A_1264 = arith.constant 0 : index
        %parallel_loop3A_1265 = tpu.vector_load %parallel_loop3A_1262[%parallel_loop3A_1263, %parallel_loop3A_1264] {strides = array<i32>} : memref<128x128xf32, #tpu.memory_space<vmem>>, vector<16xf32>,
        %parallel_loop3A_1266 = arith.constant 0 : i32
        %parallel_loop3A_1267 = arith.constant 0 : i32
        %parallel_loop3A_1268 = tpu.memref_slice %arg7[%parallel_loop3A_631, %parallel_loop3A_1266, %parallel_loop3A_1267] : memref<2x64x129xf32, #tpu.memory_space<vmem>> -> memref<1x64x129xf32, #tpu.memory_space<vmem>>
        %parallel_loop3A_1269 = tpu.memref_squeeze %parallel_loop3A_1268 : memref<1x64x129xf32, #tpu.memory_space<vmem>> -> memref<64x129xf32, #tpu.memory_space<vmem>>
        tpu.vector_store_idx %parallel_loop3A_1269[%add3A_618, %parallel_loop3A_1258], %parallel_loop3A_1265 : memref<64x129xf32, #tpu.memory_space<vmem>>[vector<16xi32>, vector<16xi32>], vector<16xf32>,
        %parallel_loop3A_1270 = arith.constant 0 : i32
        %parallel_loop3A_1271 = arith.constant 0 : i32
        %parallel_loop3A_1272 = tpu.memref_slice %arg6[%parallel_loop3A_630, %parallel_loop3A_1270, %parallel_loop3A_1271] : memref<2x128x128xf32, #tpu.memory_space<vmem>> -> memref<1x128x128xf32, #tpu.memory_space<vmem>>
        %parallel_loop3A_1273 = tpu.memref_squeeze %parallel_loop3A_1272 : memref<1x128x128xf32, #tpu.memory_space<vmem>> -> memref<128x128xf32, #tpu.memory_space<vmem>>
        %parallel_loop3A_1274 = arith.index_cast %parallel_loop3A_1255 : i32 to index
        %parallel_loop3A_1275 = arith.constant 16 : index
        %parallel_loop3A_1276 = tpu.vector_load %parallel_loop3A_1273[%parallel_loop3A_1274, %parallel_loop3A_1275] {strides = array<i32>} : memref<128x128xf32, #tpu.memory_space<vmem>>, vector<16xf32>,
        %parallel_loop3A_1277 = arith.constant 0 : i32
        %parallel_loop3A_1278 = arith.constant 0 : i32
        %parallel_loop3A_1279 = tpu.memref_slice %arg7[%parallel_loop3A_631, %parallel_loop3A_1277, %parallel_loop3A_1278] : memref<2x64x129xf32, #tpu.memory_space<vmem>> -> memref<1x64x129xf32, #tpu.memory_space<vmem>>
        %parallel_loop3A_1280 = tpu.memref_squeeze %parallel_loop3A_1279 : memref<1x64x129xf32, #tpu.memory_space<vmem>> -> memref<64x129xf32, #tpu.memory_space<vmem>>
        tpu.vector_store_idx %parallel_loop3A_1280[%add3A_621, %parallel_loop3A_1258], %parallel_loop3A_1276 : memref<64x129xf32, #tpu.memory_space<vmem>>[vector<16xi32>, vector<16xi32>], vector<16xf32>,
        %parallel_loop3A_1281 = arith.constant 0 : i32
        %parallel_loop3A_1282 = arith.constant 0 : i32
        %parallel_loop3A_1283 = tpu.memref_slice %arg6[%parallel_loop3A_630, %parallel_loop3A_1281, %parallel_loop3A_1282] : memref<2x128x128xf32, #tpu.memory_space<vmem>> -> memref<1x128x128xf32, #tpu.memory_space<vmem>>
        %parallel_loop3A_1284 = tpu.memref_squeeze %parallel_loop3A_1283 : memref<1x128x128xf32, #tpu.memory_space<vmem>> -> memref<128x128xf32, #tpu.memory_space<vmem>>
        %parallel_loop3A_1285 = arith.index_cast %parallel_loop3A_1255 : i32 to index
        %parallel_loop3A_1286 = arith.constant 32 : index
        %parallel_loop3A_1287 = tpu.vector_load %parallel_loop3A_1284[%parallel_loop3A_1285, %parallel_loop3A_1286] {strides = array<i32>} : memref<128x128xf32, #tpu.memory_space<vmem>>, vector<16xf32>,
        %parallel_loop3A_1288 = arith.constant 0 : i32
        %parallel_loop3A_1289 = arith.constant 0 : i32
        %parallel_loop3A_1290 = tpu.memref_slice %arg7[%parallel_loop3A_631, %parallel_loop3A_1288, %parallel_loop3A_1289] : memref<2x64x129xf32, #tpu.memory_space<vmem>> -> memref<1x64x129xf32, #tpu.memory_space<vmem>>
        %parallel_loop3A_1291 = tpu.memref_squeeze %parallel_loop3A_1290 : memref<1x64x129xf32, #tpu.memory_space<vmem>> -> memref<64x129xf32, #tpu.memory_space<vmem>>
        tpu.vector_store_idx %parallel_loop3A_1291[%add3A_624, %parallel_loop3A_1258], %parallel_loop3A_1287 : memref<64x129xf32, #tpu.memory_space<vmem>>[vector<16xi32>, vector<16xi32>], vector<16xf32>,
        %parallel_loop3A_1292 = arith.constant 0 : i32
        %parallel_loop3A_1293 = arith.constant 0 : i32
        %parallel_loop3A_1294 = tpu.memref_slice %arg6[%parallel_loop3A_630, %parallel_loop3A_1292, %parallel_loop3A_1293] : memref<2x128x128xf32, #tpu.memory_space<vmem>> -> memref<1x128x128xf32, #tpu.memory_space<vmem>>
        %parallel_loop3A_1295 = tpu.memref_squeeze %parallel_loop3A_1294 : memref<1x128x128xf32, #tpu.memory_space<vmem>> -> memref<128x128xf32, #tpu.memory_space<vmem>>
        %parallel_loop3A_1296 = arith.index_cast %parallel_loop3A_1255 : i32 to index
        %parallel_loop3A_1297 = arith.constant 48 : index
        %parallel_loop3A_1298 = tpu.vector_load %parallel_loop3A_1295[%parallel_loop3A_1296, %parallel_loop3A_1297] {strides = array<i32>} : memref<128x128xf32, #tpu.memory_space<vmem>>, vector<16xf32>,
        %parallel_loop3A_1299 = arith.constant 0 : i32
        %parallel_loop3A_1300 = arith.constant 0 : i32
        %parallel_loop3A_1301 = tpu.memref_slice %arg7[%parallel_loop3A_631, %parallel_loop3A_1299, %parallel_loop3A_1300] : memref<2x64x129xf32, #tpu.memory_space<vmem>> -> memref<1x64x129xf32, #tpu.memory_space<vmem>>
        %parallel_loop3A_1302 = tpu.memref_squeeze %parallel_loop3A_1301 : memref<1x64x129xf32, #tpu.memory_space<vmem>> -> memref<64x129xf32, #tpu.memory_space<vmem>>
        tpu.vector_store_idx %parallel_loop3A_1302[%add3A_627, %parallel_loop3A_1258], %parallel_loop3A_1298 : memref<64x129xf32, #tpu.memory_space<vmem>>[vector<16xi32>, vector<16xi32>], vector<16xf32>,
        %parallel_loop3A_1303 = arith.constant 1 : i32
        %parallel_loop3A_1304 = arith.addi %parallel_loop3A_1249, %parallel_loop3A_1303 : i32
        %parallel_loop3A_1305 = arith.constant 1 : i32
        %parallel_loop3A_1306 = vector.broadcast %parallel_loop3A_1305 : i32 to vector<16xi32>
        %parallel_loop3A_1307 = arith.addi %parallel_loop3A_1253, %parallel_loop3A_1306 : vector<16xi32>
        %parallel_loop3A_1308 = arith.constant 0 : i32
        %parallel_loop3A_1309 = arith.constant 0 : i32
        %parallel_loop3A_1310 = tpu.memref_slice %arg6[%parallel_loop3A_630, %parallel_loop3A_1308, %parallel_loop3A_1309] : memref<2x128x128xf32, #tpu.memory_space<vmem>> -> memref<1x128x128xf32, #tpu.memory_space<vmem>>
        %parallel_loop3A_1311 = tpu.memref_squeeze %parallel_loop3A_1310 : memref<1x128x128xf32, #tpu.memory_space<vmem>> -> memref<128x128xf32, #tpu.memory_space<vmem>>
        %parallel_loop3A_1312 = arith.index_cast %parallel_loop3A_1304 : i32 to index
        %parallel_loop3A_1313 = arith.constant 0 : index
        %parallel_loop3A_1314 = tpu.vector_load %parallel_loop3A_1311[%parallel_loop3A_1312, %parallel_loop3A_1313] {strides = array<i32>} : memref<128x128xf32, #tpu.memory_space<vmem>>, vector<16xf32>,
        %parallel_loop3A_1315 = arith.constant 0 : i32
        %parallel_loop3A_1316 = arith.constant 0 : i32
        %parallel_loop3A_1317 = tpu.memref_slice %arg7[%parallel_loop3A_631, %parallel_loop3A_1315, %parallel_loop3A_1316] : memref<2x64x129xf32, #tpu.memory_space<vmem>> -> memref<1x64x129xf32, #tpu.memory_space<vmem>>
        %parallel_loop3A_1318 = tpu.memref_squeeze %parallel_loop3A_1317 : memref<1x64x129xf32, #tpu.memory_space<vmem>> -> memref<64x129xf32, #tpu.memory_space<vmem>>
        tpu.vector_store_idx %parallel_loop3A_1318[%add3A_618, %parallel_loop3A_1307], %parallel_loop3A_1314 : memref<64x129xf32, #tpu.memory_space<vmem>>[vector<16xi32>, vector<16xi32>], vector<16xf32>,
        %parallel_loop3A_1319 = arith.constant 0 : i32
        %parallel_loop3A_1320 = arith.constant 0 : i32
        %parallel_loop3A_1321 = tpu.memref_slice %arg6[%parallel_loop3A_630, %parallel_loop3A_1319, %parallel_loop3A_1320] : memref<2x128x128xf32, #tpu.memory_space<vmem>> -> memref<1x128x128xf32, #tpu.memory_space<vmem>>
        %parallel_loop3A_1322 = tpu.memref_squeeze %parallel_loop3A_1321 : memref<1x128x128xf32, #tpu.memory_space<vmem>> -> memref<128x128xf32, #tpu.memory_space<vmem>>
        %parallel_loop3A_1323 = arith.index_cast %parallel_loop3A_1304 : i32 to index
        %parallel_loop3A_1324 = arith.constant 16 : index
        %parallel_loop3A_1325 = tpu.vector_load %parallel_loop3A_1322[%parallel_loop3A_1323, %parallel_loop3A_1324] {strides = array<i32>} : memref<128x128xf32, #tpu.memory_space<vmem>>, vector<16xf32>,
        %parallel_loop3A_1326 = arith.constant 0 : i32
        %parallel_loop3A_1327 = arith.constant 0 : i32
        %parallel_loop3A_1328 = tpu.memref_slice %arg7[%parallel_loop3A_631, %parallel_loop3A_1326, %parallel_loop3A_1327] : memref<2x64x129xf32, #tpu.memory_space<vmem>> -> memref<1x64x129xf32, #tpu.memory_space<vmem>>
        %parallel_loop3A_1329 = tpu.memref_squeeze %parallel_loop3A_1328 : memref<1x64x129xf32, #tpu.memory_space<vmem>> -> memref<64x129xf32, #tpu.memory_space<vmem>>
        tpu.vector_store_idx %parallel_loop3A_1329[%add3A_621, %parallel_loop3A_1307], %parallel_loop3A_1325 : memref<64x129xf32, #tpu.memory_space<vmem>>[vector<16xi32>, vector<16xi32>], vector<16xf32>,
        %parallel_loop3A_1330 = arith.constant 0 : i32
        %parallel_loop3A_1331 = arith.constant 0 : i32
        %parallel_loop3A_1332 = tpu.memref_slice %arg6[%parallel_loop3A_630, %parallel_loop3A_1330, %parallel_loop3A_1331] : memref<2x128x128xf32, #tpu.memory_space<vmem>> -> memref<1x128x128xf32, #tpu.memory_space<vmem>>
        %parallel_loop3A_1333 = tpu.memref_squeeze %parallel_loop3A_1332 : memref<1x128x128xf32, #tpu.memory_space<vmem>> -> memref<128x128xf32, #tpu.memory_space<vmem>>
        %parallel_loop3A_1334 = arith.index_cast %parallel_loop3A_1304 : i32 to index
        %parallel_loop3A_1335 = arith.constant 32 : index
        %parallel_loop3A_1336 = tpu.vector_load %parallel_loop3A_1333[%parallel_loop3A_1334, %parallel_loop3A_1335] {strides = array<i32>} : memref<128x128xf32, #tpu.memory_space<vmem>>, vector<16xf32>,
        %parallel_loop3A_1337 = arith.constant 0 : i32
        %parallel_loop3A_1338 = arith.constant 0 : i32
        %parallel_loop3A_1339 = tpu.memref_slice %arg7[%parallel_loop3A_631, %parallel_loop3A_1337, %parallel_loop3A_1338] : memref<2x64x129xf32, #tpu.memory_space<vmem>> -> memref<1x64x129xf32, #tpu.memory_space<vmem>>
        %parallel_loop3A_1340 = tpu.memref_squeeze %parallel_loop3A_1339 : memref<1x64x129xf32, #tpu.memory_space<vmem>> -> memref<64x129xf32, #tpu.memory_space<vmem>>
        tpu.vector_store_idx %parallel_loop3A_1340[%add3A_624, %parallel_loop3A_1307], %parallel_loop3A_1336 : memref<64x129xf32, #tpu.memory_space<vmem>>[vector<16xi32>, vector<16xi32>], vector<16xf32>,
        %parallel_loop3A_1341 = arith.constant 0 : i32
        %parallel_loop3A_1342 = arith.constant 0 : i32
        %parallel_loop3A_1343 = tpu.memref_slice %arg6[%parallel_loop3A_630, %parallel_loop3A_1341, %parallel_loop3A_1342] : memref<2x128x128xf32, #tpu.memory_space<vmem>> -> memref<1x128x128xf32, #tpu.memory_space<vmem>>
        %parallel_loop3A_1344 = tpu.memref_squeeze %parallel_loop3A_1343 : memref<1x128x128xf32, #tpu.memory_space<vmem>> -> memref<128x128xf32, #tpu.memory_space<vmem>>
        %parallel_loop3A_1345 = arith.index_cast %parallel_loop3A_1304 : i32 to index
        %parallel_loop3A_1346 = arith.constant 48 : index
        %parallel_loop3A_1347 = tpu.vector_load %parallel_loop3A_1344[%parallel_loop3A_1345, %parallel_loop3A_1346] {strides = array<i32>} : memref<128x128xf32, #tpu.memory_space<vmem>>, vector<16xf32>,
        %parallel_loop3A_1348 = arith.constant 0 : i32
        %parallel_loop3A_1349 = arith.constant 0 : i32
        %parallel_loop3A_1350 = tpu.memref_slice %arg7[%parallel_loop3A_631, %parallel_loop3A_1348, %parallel_loop3A_1349] : memref<2x64x129xf32, #tpu.memory_space<vmem>> -> memref<1x64x129xf32, #tpu.memory_space<vmem>>
        %parallel_loop3A_1351 = tpu.memref_squeeze %parallel_loop3A_1350 : memref<1x64x129xf32, #tpu.memory_space<vmem>> -> memref<64x129xf32, #tpu.memory_space<vmem>>
        tpu.vector_store_idx %parallel_loop3A_1351[%add3A_627, %parallel_loop3A_1307], %parallel_loop3A_1347 : memref<64x129xf32, #tpu.memory_space<vmem>>[vector<16xi32>, vector<16xi32>], vector<16xf32>,
        %parallel_loop3A_1352 = arith.constant 2 : i32
        %parallel_loop3A_1353 = arith.addi %parallel_loop3A_1249, %parallel_loop3A_1352 : i32
        %parallel_loop3A_1354 = arith.constant 2 : i32
        %parallel_loop3A_1355 = vector.broadcast %parallel_loop3A_1354 : i32 to vector<16xi32>
        %parallel_loop3A_1356 = arith.addi %parallel_loop3A_1253, %parallel_loop3A_1355 : vector<16xi32>
        %parallel_loop3A_1357 = arith.constant 0 : i32
        %parallel_loop3A_1358 = arith.constant 0 : i32
        %parallel_loop3A_1359 = tpu.memref_slice %arg6[%parallel_loop3A_630, %parallel_loop3A_1357, %parallel_loop3A_1358] : memref<2x128x128xf32, #tpu.memory_space<vmem>> -> memref<1x128x128xf32, #tpu.memory_space<vmem>>
        %parallel_loop3A_1360 = tpu.memref_squeeze %parallel_loop3A_1359 : memref<1x128x128xf32, #tpu.memory_space<vmem>> -> memref<128x128xf32, #tpu.memory_space<vmem>>
        %parallel_loop3A_1361 = arith.index_cast %parallel_loop3A_1353 : i32 to index
        %parallel_loop3A_1362 = arith.constant 0 : index
        %parallel_loop3A_1363 = tpu.vector_load %parallel_loop3A_1360[%parallel_loop3A_1361, %parallel_loop3A_1362] {strides = array<i32>} : memref<128x128xf32, #tpu.memory_space<vmem>>, vector<16xf32>,
        %parallel_loop3A_1364 = arith.constant 0 : i32
        %parallel_loop3A_1365 = arith.constant 0 : i32
        %parallel_loop3A_1366 = tpu.memref_slice %arg7[%parallel_loop3A_631, %parallel_loop3A_1364, %parallel_loop3A_1365] : memref<2x64x129xf32, #tpu.memory_space<vmem>> -> memref<1x64x129xf32, #tpu.memory_space<vmem>>
        %parallel_loop3A_1367 = tpu.memref_squeeze %parallel_loop3A_1366 : memref<1x64x129xf32, #tpu.memory_space<vmem>> -> memref<64x129xf32, #tpu.memory_space<vmem>>
        tpu.vector_store_idx %parallel_loop3A_1367[%add3A_618, %parallel_loop3A_1356], %parallel_loop3A_1363 : memref<64x129xf32, #tpu.memory_space<vmem>>[vector<16xi32>, vector<16xi32>], vector<16xf32>,
        %parallel_loop3A_1368 = arith.constant 0 : i32
        %parallel_loop3A_1369 = arith.constant 0 : i32
        %parallel_loop3A_1370 = tpu.memref_slice %arg6[%parallel_loop3A_630, %parallel_loop3A_1368, %parallel_loop3A_1369] : memref<2x128x128xf32, #tpu.memory_space<vmem>> -> memref<1x128x128xf32, #tpu.memory_space<vmem>>
        %parallel_loop3A_1371 = tpu.memref_squeeze %parallel_loop3A_1370 : memref<1x128x128xf32, #tpu.memory_space<vmem>> -> memref<128x128xf32, #tpu.memory_space<vmem>>
        %parallel_loop3A_1372 = arith.index_cast %parallel_loop3A_1353 : i32 to index
        %parallel_loop3A_1373 = arith.constant 16 : index
        %parallel_loop3A_1374 = tpu.vector_load %parallel_loop3A_1371[%parallel_loop3A_1372, %parallel_loop3A_1373] {strides = array<i32>} : memref<128x128xf32, #tpu.memory_space<vmem>>, vector<16xf32>,
        %parallel_loop3A_1375 = arith.constant 0 : i32
        %parallel_loop3A_1376 = arith.constant 0 : i32
        %parallel_loop3A_1377 = tpu.memref_slice %arg7[%parallel_loop3A_631, %parallel_loop3A_1375, %parallel_loop3A_1376] : memref<2x64x129xf32, #tpu.memory_space<vmem>> -> memref<1x64x129xf32, #tpu.memory_space<vmem>>
        %parallel_loop3A_1378 = tpu.memref_squeeze %parallel_loop3A_1377 : memref<1x64x129xf32, #tpu.memory_space<vmem>> -> memref<64x129xf32, #tpu.memory_space<vmem>>
        tpu.vector_store_idx %parallel_loop3A_1378[%add3A_621, %parallel_loop3A_1356], %parallel_loop3A_1374 : memref<64x129xf32, #tpu.memory_space<vmem>>[vector<16xi32>, vector<16xi32>], vector<16xf32>,
        %parallel_loop3A_1379 = arith.constant 0 : i32
        %parallel_loop3A_1380 = arith.constant 0 : i32
        %parallel_loop3A_1381 = tpu.memref_slice %arg6[%parallel_loop3A_630, %parallel_loop3A_1379, %parallel_loop3A_1380] : memref<2x128x128xf32, #tpu.memory_space<vmem>> -> memref<1x128x128xf32, #tpu.memory_space<vmem>>
        %parallel_loop3A_1382 = tpu.memref_squeeze %parallel_loop3A_1381 : memref<1x128x128xf32, #tpu.memory_space<vmem>> -> memref<128x128xf32, #tpu.memory_space<vmem>>
        %parallel_loop3A_1383 = arith.index_cast %parallel_loop3A_1353 : i32 to index
        %parallel_loop3A_1384 = arith.constant 32 : index
        %parallel_loop3A_1385 = tpu.vector_load %parallel_loop3A_1382[%parallel_loop3A_1383, %parallel_loop3A_1384] {strides = array<i32>} : memref<128x128xf32, #tpu.memory_space<vmem>>, vector<16xf32>,
        %parallel_loop3A_1386 = arith.constant 0 : i32
        %parallel_loop3A_1387 = arith.constant 0 : i32
        %parallel_loop3A_1388 = tpu.memref_slice %arg7[%parallel_loop3A_631, %parallel_loop3A_1386, %parallel_loop3A_1387] : memref<2x64x129xf32, #tpu.memory_space<vmem>> -> memref<1x64x129xf32, #tpu.memory_space<vmem>>
        %parallel_loop3A_1389 = tpu.memref_squeeze %parallel_loop3A_1388 : memref<1x64x129xf32, #tpu.memory_space<vmem>> -> memref<64x129xf32, #tpu.memory_space<vmem>>
        tpu.vector_store_idx %parallel_loop3A_1389[%add3A_624, %parallel_loop3A_1356], %parallel_loop3A_1385 : memref<64x129xf32, #tpu.memory_space<vmem>>[vector<16xi32>, vector<16xi32>], vector<16xf32>,
        %parallel_loop3A_1390 = arith.constant 0 : i32
        %parallel_loop3A_1391 = arith.constant 0 : i32
        %parallel_loop3A_1392 = tpu.memref_slice %arg6[%parallel_loop3A_630, %parallel_loop3A_1390, %parallel_loop3A_1391] : memref<2x128x128xf32, #tpu.memory_space<vmem>> -> memref<1x128x128xf32, #tpu.memory_space<vmem>>
        %parallel_loop3A_1393 = tpu.memref_squeeze %parallel_loop3A_1392 : memref<1x128x128xf32, #tpu.memory_space<vmem>> -> memref<128x128xf32, #tpu.memory_space<vmem>>
        %parallel_loop3A_1394 = arith.index_cast %parallel_loop3A_1353 : i32 to index
        %parallel_loop3A_1395 = arith.constant 48 : index
        %parallel_loop3A_1396 = tpu.vector_load %parallel_loop3A_1393[%parallel_loop3A_1394, %parallel_loop3A_1395] {strides = array<i32>} : memref<128x128xf32, #tpu.memory_space<vmem>>, vector<16xf32>,
        %parallel_loop3A_1397 = arith.constant 0 : i32
        %parallel_loop3A_1398 = arith.constant 0 : i32
        %parallel_loop3A_1399 = tpu.memref_slice %arg7[%parallel_loop3A_631, %parallel_loop3A_1397, %parallel_loop3A_1398] : memref<2x64x129xf32, #tpu.memory_space<vmem>> -> memref<1x64x129xf32, #tpu.memory_space<vmem>>
        %parallel_loop3A_1400 = tpu.memref_squeeze %parallel_loop3A_1399 : memref<1x64x129xf32, #tpu.memory_space<vmem>> -> memref<64x129xf32, #tpu.memory_space<vmem>>
        tpu.vector_store_idx %parallel_loop3A_1400[%add3A_627, %parallel_loop3A_1356], %parallel_loop3A_1396 : memref<64x129xf32, #tpu.memory_space<vmem>>[vector<16xi32>, vector<16xi32>], vector<16xf32>,
        %parallel_loop3A_1401 = arith.constant 3 : i32
        %parallel_loop3A_1402 = arith.addi %parallel_loop3A_1249, %parallel_loop3A_1401 : i32
        %parallel_loop3A_1403 = arith.constant 3 : i32
        %parallel_loop3A_1404 = vector.broadcast %parallel_loop3A_1403 : i32 to vector<16xi32>
        %parallel_loop3A_1405 = arith.addi %parallel_loop3A_1253, %parallel_loop3A_1404 : vector<16xi32>
        %parallel_loop3A_1406 = arith.constant 0 : i32
        %parallel_loop3A_1407 = arith.constant 0 : i32
        %parallel_loop3A_1408 = tpu.memref_slice %arg6[%parallel_loop3A_630, %parallel_loop3A_1406, %parallel_loop3A_1407] : memref<2x128x128xf32, #tpu.memory_space<vmem>> -> memref<1x128x128xf32, #tpu.memory_space<vmem>>
        %parallel_loop3A_1409 = tpu.memref_squeeze %parallel_loop3A_1408 : memref<1x128x128xf32, #tpu.memory_space<vmem>> -> memref<128x128xf32, #tpu.memory_space<vmem>>
        %parallel_loop3A_1410 = arith.index_cast %parallel_loop3A_1402 : i32 to index
        %parallel_loop3A_1411 = arith.constant 0 : index
        %parallel_loop3A_1412 = tpu.vector_load %parallel_loop3A_1409[%parallel_loop3A_1410, %parallel_loop3A_1411] {strides = array<i32>} : memref<128x128xf32, #tpu.memory_space<vmem>>, vector<16xf32>,
        %parallel_loop3A_1413 = arith.constant 0 : i32
        %parallel_loop3A_1414 = arith.constant 0 : i32
        %parallel_loop3A_1415 = tpu.memref_slice %arg7[%parallel_loop3A_631, %parallel_loop3A_1413, %parallel_loop3A_1414] : memref<2x64x129xf32, #tpu.memory_space<vmem>> -> memref<1x64x129xf32, #tpu.memory_space<vmem>>
        %parallel_loop3A_1416 = tpu.memref_squeeze %parallel_loop3A_1415 : memref<1x64x129xf32, #tpu.memory_space<vmem>> -> memref<64x129xf32, #tpu.memory_space<vmem>>
        tpu.vector_store_idx %parallel_loop3A_1416[%add3A_618, %parallel_loop3A_1405], %parallel_loop3A_1412 : memref<64x129xf32, #tpu.memory_space<vmem>>[vector<16xi32>, vector<16xi32>], vector<16xf32>,
        %parallel_loop3A_1417 = arith.constant 0 : i32
        %parallel_loop3A_1418 = arith.constant 0 : i32
        %parallel_loop3A_1419 = tpu.memref_slice %arg6[%parallel_loop3A_630, %parallel_loop3A_1417, %parallel_loop3A_1418] : memref<2x128x128xf32, #tpu.memory_space<vmem>> -> memref<1x128x128xf32, #tpu.memory_space<vmem>>
        %parallel_loop3A_1420 = tpu.memref_squeeze %parallel_loop3A_1419 : memref<1x128x128xf32, #tpu.memory_space<vmem>> -> memref<128x128xf32, #tpu.memory_space<vmem>>
        %parallel_loop3A_1421 = arith.index_cast %parallel_loop3A_1402 : i32 to index
        %parallel_loop3A_1422 = arith.constant 16 : index
        %parallel_loop3A_1423 = tpu.vector_load %parallel_loop3A_1420[%parallel_loop3A_1421, %parallel_loop3A_1422] {strides = array<i32>} : memref<128x128xf32, #tpu.memory_space<vmem>>, vector<16xf32>,
        %parallel_loop3A_1424 = arith.constant 0 : i32
        %parallel_loop3A_1425 = arith.constant 0 : i32
        %parallel_loop3A_1426 = tpu.memref_slice %arg7[%parallel_loop3A_631, %parallel_loop3A_1424, %parallel_loop3A_1425] : memref<2x64x129xf32, #tpu.memory_space<vmem>> -> memref<1x64x129xf32, #tpu.memory_space<vmem>>
        %parallel_loop3A_1427 = tpu.memref_squeeze %parallel_loop3A_1426 : memref<1x64x129xf32, #tpu.memory_space<vmem>> -> memref<64x129xf32, #tpu.memory_space<vmem>>
        tpu.vector_store_idx %parallel_loop3A_1427[%add3A_621, %parallel_loop3A_1405], %parallel_loop3A_1423 : memref<64x129xf32, #tpu.memory_space<vmem>>[vector<16xi32>, vector<16xi32>], vector<16xf32>,
        %parallel_loop3A_1428 = arith.constant 0 : i32
        %parallel_loop3A_1429 = arith.constant 0 : i32
        %parallel_loop3A_1430 = tpu.memref_slice %arg6[%parallel_loop3A_630, %parallel_loop3A_1428, %parallel_loop3A_1429] : memref<2x128x128xf32, #tpu.memory_space<vmem>> -> memref<1x128x128xf32, #tpu.memory_space<vmem>>
        %parallel_loop3A_1431 = tpu.memref_squeeze %parallel_loop3A_1430 : memref<1x128x128xf32, #tpu.memory_space<vmem>> -> memref<128x128xf32, #tpu.memory_space<vmem>>
        %parallel_loop3A_1432 = arith.index_cast %parallel_loop3A_1402 : i32 to index
        %parallel_loop3A_1433 = arith.constant 32 : index
        %parallel_loop3A_1434 = tpu.vector_load %parallel_loop3A_1431[%parallel_loop3A_1432, %parallel_loop3A_1433] {strides = array<i32>} : memref<128x128xf32, #tpu.memory_space<vmem>>, vector<16xf32>,
        %parallel_loop3A_1435 = arith.constant 0 : i32
        %parallel_loop3A_1436 = arith.constant 0 : i32
        %parallel_loop3A_1437 = tpu.memref_slice %arg7[%parallel_loop3A_631, %parallel_loop3A_1435, %parallel_loop3A_1436] : memref<2x64x129xf32, #tpu.memory_space<vmem>> -> memref<1x64x129xf32, #tpu.memory_space<vmem>>
        %parallel_loop3A_1438 = tpu.memref_squeeze %parallel_loop3A_1437 : memref<1x64x129xf32, #tpu.memory_space<vmem>> -> memref<64x129xf32, #tpu.memory_space<vmem>>
        tpu.vector_store_idx %parallel_loop3A_1438[%add3A_624, %parallel_loop3A_1405], %parallel_loop3A_1434 : memref<64x129xf32, #tpu.memory_space<vmem>>[vector<16xi32>, vector<16xi32>], vector<16xf32>,
        %parallel_loop3A_1439 = arith.constant 0 : i32
        %parallel_loop3A_1440 = arith.constant 0 : i32
        %parallel_loop3A_1441 = tpu.memref_slice %arg6[%parallel_loop3A_630, %parallel_loop3A_1439, %parallel_loop3A_1440] : memref<2x128x128xf32, #tpu.memory_space<vmem>> -> memref<1x128x128xf32, #tpu.memory_space<vmem>>
        %parallel_loop3A_1442 = tpu.memref_squeeze %parallel_loop3A_1441 : memref<1x128x128xf32, #tpu.memory_space<vmem>> -> memref<128x128xf32, #tpu.memory_space<vmem>>
        %parallel_loop3A_1443 = arith.index_cast %parallel_loop3A_1402 : i32 to index
        %parallel_loop3A_1444 = arith.constant 48 : index
        %parallel_loop3A_1445 = tpu.vector_load %parallel_loop3A_1442[%parallel_loop3A_1443, %parallel_loop3A_1444] {strides = array<i32>} : memref<128x128xf32, #tpu.memory_space<vmem>>, vector<16xf32>,
        %parallel_loop3A_1446 = arith.constant 0 : i32
        %parallel_loop3A_1447 = arith.constant 0 : i32
        %parallel_loop3A_1448 = tpu.memref_slice %arg7[%parallel_loop3A_631, %parallel_loop3A_1446, %parallel_loop3A_1447] : memref<2x64x129xf32, #tpu.memory_space<vmem>> -> memref<1x64x129xf32, #tpu.memory_space<vmem>>
        %parallel_loop3A_1449 = tpu.memref_squeeze %parallel_loop3A_1448 : memref<1x64x129xf32, #tpu.memory_space<vmem>> -> memref<64x129xf32, #tpu.memory_space<vmem>>
        tpu.vector_store_idx %parallel_loop3A_1449[%add3A_627, %parallel_loop3A_1405], %parallel_loop3A_1445 : memref<64x129xf32, #tpu.memory_space<vmem>>[vector<16xi32>, vector<16xi32>], vector<16xf32>,
      } {sc.loop_unroll_factor = 1 : i64, sc.parallel_access}
      %jit3A_632 = arith.constant 4 : i32
      %div3A_633 = arith.divsi %mul3A_507, %jit3A_632 : i32
      %sign3A_634 = arith.constant 0 : i32
      %sign3A_635 = arith.cmpi sgt, %mul3A_507, %sign3A_634 : i32
      %sign3A_636 = arith.extui %sign3A_635 : i1 to i32
      %sign3A_637 = arith.constant 0 : i32
      %sign3A_638 = arith.cmpi slt, %mul3A_507, %sign3A_637 : i32
      %sign3A_639 = arith.extui %sign3A_638 : i1 to i32
      %sign3A_640 = arith.subi %sign3A_636, %sign3A_639 : i32
      %sign3A_641 = arith.constant 0 : i32
      %sign3A_642 = arith.cmpi sgt, %jit3A_632, %sign3A_641 : i32
      %sign3A_643 = arith.extui %sign3A_642 : i1 to i32
      %sign3A_644 = arith.constant 0 : i32
      %sign3A_645 = arith.cmpi slt, %jit3A_632, %sign3A_644 : i32
      %sign3A_646 = arith.extui %sign3A_645 : i1 to i32
      %sign3A_647 = arith.subi %sign3A_643, %sign3A_646 : i32
      %ne3A_648 = arith.cmpi ne, %sign3A_640, %sign3A_647 : i32
      %rem3A_649 = arith.remsi %mul3A_507, %jit3A_632 : i32
      %ne3A_650 = arith.constant 0 : i32
      %ne3A_651 = arith.cmpi ne, %rem3A_649, %ne3A_650 : i32
      %and3A_652 = arith.andi %ne3A_648, %ne3A_651 : i1
      %sub3A_653 = arith.constant 1 : i32
      %sub3A_654 = arith.subi %div3A_633, %sub3A_653 : i32
      %select_n3A_655 = arith.select %and3A_652, %sub3A_654, %div3A_633 : i32
      %jit3A_656 = arith.constant 4 : i32
      %eq3A_657 = arith.constant 0 : i32
      %eq3A_658 = arith.cmpi eq, %jit3A_656, %eq3A_657 : i32
      %jit3A_659 = arith.constant 1 : i32
      %select_n3A_660 = arith.select %eq3A_658, %jit3A_659, %jit3A_656 : i32
      %rem3A_661 = arith.remsi %mul3A_507, %select_n3A_660 : i32
      %ne3A_662 = arith.constant 0 : i32
      %ne3A_663 = arith.cmpi ne, %rem3A_661, %ne3A_662 : i32
      %lt3A_664 = arith.constant 0 : i32
      %lt3A_665 = arith.cmpi slt, %rem3A_661, %lt3A_664 : i32
      %lt3A_666 = arith.constant 0 : i32
      %lt3A_667 = arith.cmpi slt, %select_n3A_660, %lt3A_666 : i32
      %ne3A_668 = arith.xori %lt3A_665, %lt3A_667 : i1
      %and3A_669 = arith.andi %ne3A_668, %ne3A_663 : i1
      %add3A_670 = arith.addi %rem3A_661, %select_n3A_660 : i32
      %select_n3A_671 = arith.select %and3A_669, %add3A_670, %rem3A_661 : i32
      %add3A_672 = arith.addi %mul3A_4, %select_n3A_671 : i32
      %dma_start3A_673 = arith.constant 0 : i32
      %dma_start3A_674 = arith.constant 0 : i32
      %dma_start3A_675 = arith.constant 0 : i32
      %dma_start3A_676 = arith.constant 0 : i32
      %dma_start3A_677 = arith.constant 0 : i32
      %dma_start3A_678 = tpu.memref_slice %arg7[%dma_start3A_673, %dma_start3A_676, %dma_start3A_677] : memref<2x64x129xf32, #tpu.memory_space<vmem>> -> memref<1x64x129xf32, #tpu.memory_space<vmem>>
      %dma_start3A_679 = tpu.memref_squeeze %dma_start3A_678 : memref<1x64x129xf32, #tpu.memory_space<vmem>> -> memref<64x129xf32, #tpu.memory_space<vmem>>
      %dma_start3A_680 = arith.constant 0 : i32
      %dma_start3A_681 = arith.constant 0 : i32
      %dma_start3A_682 = tpu.memref_slice %dma_start3A_679[%dma_start3A_680, %dma_start3A_681] : memref<64x129xf32, #tpu.memory_space<vmem>> -> memref<8x128xf32, #tpu.memory_space<vmem>>
      %dma_start3A_683 = arith.constant 0 : i32
      %dma_start3A_684 = arith.constant 0 : i32
      %dma_start3A_685 = tpu.memref_slice %arg4[%select_n3A_655, %dma_start3A_674, %add3A_672, %dma_start3A_683, %dma_start3A_684] : memref<50x8x128x8x128xf32, #tpu.memory_space<hbm>> -> memref<1x1x1x8x128xf32, #tpu.memory_space<hbm>>
      %dma_start3A_686 = tpu.memref_squeeze %dma_start3A_685 : memref<1x1x1x8x128xf32, #tpu.memory_space<hbm>> -> memref<8x128xf32, #tpu.memory_space<hbm>>
      %dma_start3A_687 = tpu.memref_slice %arg9[%dma_start3A_675] : memref<2x!tpu.dma_semaphore, #tpu.memory_space<semaphore_mem>> -> memref<1x!tpu.dma_semaphore, #tpu.memory_space<semaphore_mem>>
      %dma_start3A_688 = tpu.memref_squeeze %dma_start3A_687 : memref<1x!tpu.dma_semaphore, #tpu.memory_space<semaphore_mem>> -> memref<!tpu.dma_semaphore, #tpu.memory_space<semaphore_mem>>
      %dma_start3A_689 = arith.constant 0 : i32
      %dma_start3A_690 = arith.constant 0 : i32
      %dma_start3A_691 = tpu.memref_slice %arg4[%select_n3A_655, %dma_start3A_674, %add3A_672, %dma_start3A_689, %dma_start3A_690] : memref<50x8x128x8x128xf32, #tpu.memory_space<hbm>> -> memref<1x1x1x8x128xf32, #tpu.memory_space<hbm>>
      %dma_start3A_692 = tpu.memref_squeeze %dma_start3A_691 : memref<1x1x1x8x128xf32, #tpu.memory_space<hbm>> -> memref<8x128xf32, #tpu.memory_space<hbm>>
      %dma_start3A_693 = arith.constant 0 : i32
      %dma_start3A_694 = arith.constant 0 : i32
      %dma_start3A_695 = tpu.memref_slice %arg7[%dma_start3A_673, %dma_start3A_693, %dma_start3A_694] : memref<2x64x129xf32, #tpu.memory_space<vmem>> -> memref<1x64x129xf32, #tpu.memory_space<vmem>>
      %dma_start3A_696 = tpu.memref_squeeze %dma_start3A_695 : memref<1x64x129xf32, #tpu.memory_space<vmem>> -> memref<64x129xf32, #tpu.memory_space<vmem>>
      %dma_start3A_697 = arith.constant 0 : i32
      %dma_start3A_698 = arith.constant 0 : i32
      %dma_start3A_699 = tpu.memref_slice %dma_start3A_696[%dma_start3A_697, %dma_start3A_698] : memref<64x129xf32, #tpu.memory_space<vmem>> -> memref<8x128xf32, #tpu.memory_space<vmem>>
      tpu.enqueue_dma source(%dma_start3A_699 : memref<8x128xf32, #tpu.memory_space<vmem>>) target(%dma_start3A_692 : memref<8x128xf32, #tpu.memory_space<hbm>>) target_semaphore(%dma_start3A_688 : memref<!tpu.dma_semaphore, #tpu.memory_space<semaphore_mem>>)
      %add3A_700 = arith.addi %mul3A_4, %select_n3A_671 : i32
      %dma_start3A_701 = arith.constant 0 : i32
      %dma_start3A_702 = arith.constant 1 : i32
      %dma_start3A_703 = arith.constant 0 : i32
      %dma_start3A_704 = arith.constant 0 : i32
      %dma_start3A_705 = arith.constant 0 : i32
      %dma_start3A_706 = tpu.memref_slice %arg7[%dma_start3A_701, %dma_start3A_704, %dma_start3A_705] : memref<2x64x129xf32, #tpu.memory_space<vmem>> -> memref<1x64x129xf32, #tpu.memory_space<vmem>>
      %dma_start3A_707 = tpu.memref_squeeze %dma_start3A_706 : memref<1x64x129xf32, #tpu.memory_space<vmem>> -> memref<64x129xf32, #tpu.memory_space<vmem>>
      %dma_start3A_708 = arith.constant 8 : i32
      %dma_start3A_709 = arith.constant 0 : i32
      %dma_start3A_710 = tpu.memref_slice %dma_start3A_707[%dma_start3A_708, %dma_start3A_709] : memref<64x129xf32, #tpu.memory_space<vmem>> -> memref<8x128xf32, #tpu.memory_space<vmem>>
      %dma_start3A_711 = arith.constant 0 : i32
      %dma_start3A_712 = arith.constant 0 : i32
      %dma_start3A_713 = tpu.memref_slice %arg4[%select_n3A_655, %dma_start3A_702, %add3A_700, %dma_start3A_711, %dma_start3A_712] : memref<50x8x128x8x128xf32, #tpu.memory_space<hbm>> -> memref<1x1x1x8x128xf32, #tpu.memory_space<hbm>>
      %dma_start3A_714 = tpu.memref_squeeze %dma_start3A_713 : memref<1x1x1x8x128xf32, #tpu.memory_space<hbm>> -> memref<8x128xf32, #tpu.memory_space<hbm>>
      %dma_start3A_715 = tpu.memref_slice %arg9[%dma_start3A_703] : memref<2x!tpu.dma_semaphore, #tpu.memory_space<semaphore_mem>> -> memref<1x!tpu.dma_semaphore, #tpu.memory_space<semaphore_mem>>
      %dma_start3A_716 = tpu.memref_squeeze %dma_start3A_715 : memref<1x!tpu.dma_semaphore, #tpu.memory_space<semaphore_mem>> -> memref<!tpu.dma_semaphore, #tpu.memory_space<semaphore_mem>>
      %dma_start3A_717 = arith.constant 0 : i32
      %dma_start3A_718 = arith.constant 0 : i32
      %dma_start3A_719 = tpu.memref_slice %arg4[%select_n3A_655, %dma_start3A_702, %add3A_700, %dma_start3A_717, %dma_start3A_718] : memref<50x8x128x8x128xf32, #tpu.memory_space<hbm>> -> memref<1x1x1x8x128xf32, #tpu.memory_space<hbm>>
      %dma_start3A_720 = tpu.memref_squeeze %dma_start3A_719 : memref<1x1x1x8x128xf32, #tpu.memory_space<hbm>> -> memref<8x128xf32, #tpu.memory_space<hbm>>
      %dma_start3A_721 = arith.constant 0 : i32
      %dma_start3A_722 = arith.constant 0 : i32
      %dma_start3A_723 = tpu.memref_slice %arg7[%dma_start3A_701, %dma_start3A_721, %dma_start3A_722] : memref<2x64x129xf32, #tpu.memory_space<vmem>> -> memref<1x64x129xf32, #tpu.memory_space<vmem>>
      %dma_start3A_724 = tpu.memref_squeeze %dma_start3A_723 : memref<1x64x129xf32, #tpu.memory_space<vmem>> -> memref<64x129xf32, #tpu.memory_space<vmem>>
      %dma_start3A_725 = arith.constant 8 : i32
      %dma_start3A_726 = arith.constant 0 : i32
      %dma_start3A_727 = tpu.memref_slice %dma_start3A_724[%dma_start3A_725, %dma_start3A_726] : memref<64x129xf32, #tpu.memory_space<vmem>> -> memref<8x128xf32, #tpu.memory_space<vmem>>
      tpu.enqueue_dma source(%dma_start3A_727 : memref<8x128xf32, #tpu.memory_space<vmem>>) target(%dma_start3A_720 : memref<8x128xf32, #tpu.memory_space<hbm>>) target_semaphore(%dma_start3A_716 : memref<!tpu.dma_semaphore, #tpu.memory_space<semaphore_mem>>)
      %add3A_728 = arith.addi %mul3A_4, %select_n3A_671 : i32
      %dma_start3A_729 = arith.constant 0 : i32
      %dma_start3A_730 = arith.constant 2 : i32
      %dma_start3A_731 = arith.constant 0 : i32
      %dma_start3A_732 = arith.constant 0 : i32
      %dma_start3A_733 = arith.constant 0 : i32
      %dma_start3A_734 = tpu.memref_slice %arg7[%dma_start3A_729, %dma_start3A_732, %dma_start3A_733] : memref<2x64x129xf32, #tpu.memory_space<vmem>> -> memref<1x64x129xf32, #tpu.memory_space<vmem>>
      %dma_start3A_735 = tpu.memref_squeeze %dma_start3A_734 : memref<1x64x129xf32, #tpu.memory_space<vmem>> -> memref<64x129xf32, #tpu.memory_space<vmem>>
      %dma_start3A_736 = arith.constant 16 : i32
      %dma_start3A_737 = arith.constant 0 : i32
      %dma_start3A_738 = tpu.memref_slice %dma_start3A_735[%dma_start3A_736, %dma_start3A_737] : memref<64x129xf32, #tpu.memory_space<vmem>> -> memref<8x128xf32, #tpu.memory_space<vmem>>
      %dma_start3A_739 = arith.constant 0 : i32
      %dma_start3A_740 = arith.constant 0 : i32
      %dma_start3A_741 = tpu.memref_slice %arg4[%select_n3A_655, %dma_start3A_730, %add3A_728, %dma_start3A_739, %dma_start3A_740] : memref<50x8x128x8x128xf32, #tpu.memory_space<hbm>> -> memref<1x1x1x8x128xf32, #tpu.memory_space<hbm>>
      %dma_start3A_742 = tpu.memref_squeeze %dma_start3A_741 : memref<1x1x1x8x128xf32, #tpu.memory_space<hbm>> -> memref<8x128xf32, #tpu.memory_space<hbm>>
      %dma_start3A_743 = tpu.memref_slice %arg9[%dma_start3A_731] : memref<2x!tpu.dma_semaphore, #tpu.memory_space<semaphore_mem>> -> memref<1x!tpu.dma_semaphore, #tpu.memory_space<semaphore_mem>>
      %dma_start3A_744 = tpu.memref_squeeze %dma_start3A_743 : memref<1x!tpu.dma_semaphore, #tpu.memory_space<semaphore_mem>> -> memref<!tpu.dma_semaphore, #tpu.memory_space<semaphore_mem>>
      %dma_start3A_745 = arith.constant 0 : i32
      %dma_start3A_746 = arith.constant 0 : i32
      %dma_start3A_747 = tpu.memref_slice %arg4[%select_n3A_655, %dma_start3A_730, %add3A_728, %dma_start3A_745, %dma_start3A_746] : memref<50x8x128x8x128xf32, #tpu.memory_space<hbm>> -> memref<1x1x1x8x128xf32, #tpu.memory_space<hbm>>
      %dma_start3A_748 = tpu.memref_squeeze %dma_start3A_747 : memref<1x1x1x8x128xf32, #tpu.memory_space<hbm>> -> memref<8x128xf32, #tpu.memory_space<hbm>>
      %dma_start3A_749 = arith.constant 0 : i32
      %dma_start3A_750 = arith.constant 0 : i32
      %dma_start3A_751 = tpu.memref_slice %arg7[%dma_start3A_729, %dma_start3A_749, %dma_start3A_750] : memref<2x64x129xf32, #tpu.memory_space<vmem>> -> memref<1x64x129xf32, #tpu.memory_space<vmem>>
      %dma_start3A_752 = tpu.memref_squeeze %dma_start3A_751 : memref<1x64x129xf32, #tpu.memory_space<vmem>> -> memref<64x129xf32, #tpu.memory_space<vmem>>
      %dma_start3A_753 = arith.constant 16 : i32
      %dma_start3A_754 = arith.constant 0 : i32
      %dma_start3A_755 = tpu.memref_slice %dma_start3A_752[%dma_start3A_753, %dma_start3A_754] : memref<64x129xf32, #tpu.memory_space<vmem>> -> memref<8x128xf32, #tpu.memory_space<vmem>>
      tpu.enqueue_dma source(%dma_start3A_755 : memref<8x128xf32, #tpu.memory_space<vmem>>) target(%dma_start3A_748 : memref<8x128xf32, #tpu.memory_space<hbm>>) target_semaphore(%dma_start3A_744 : memref<!tpu.dma_semaphore, #tpu.memory_space<semaphore_mem>>)
      %add3A_756 = arith.addi %mul3A_4, %select_n3A_671 : i32
      %dma_start3A_757 = arith.constant 0 : i32
      %dma_start3A_758 = arith.constant 3 : i32
      %dma_start3A_759 = arith.constant 0 : i32
      %dma_start3A_760 = arith.constant 0 : i32
      %dma_start3A_761 = arith.constant 0 : i32
      %dma_start3A_762 = tpu.memref_slice %arg7[%dma_start3A_757, %dma_start3A_760, %dma_start3A_761] : memref<2x64x129xf32, #tpu.memory_space<vmem>> -> memref<1x64x129xf32, #tpu.memory_space<vmem>>
      %dma_start3A_763 = tpu.memref_squeeze %dma_start3A_762 : memref<1x64x129xf32, #tpu.memory_space<vmem>> -> memref<64x129xf32, #tpu.memory_space<vmem>>
      %dma_start3A_764 = arith.constant 24 : i32
      %dma_start3A_765 = arith.constant 0 : i32
      %dma_start3A_766 = tpu.memref_slice %dma_start3A_763[%dma_start3A_764, %dma_start3A_765] : memref<64x129xf32, #tpu.memory_space<vmem>> -> memref<8x128xf32, #tpu.memory_space<vmem>>
      %dma_start3A_767 = arith.constant 0 : i32
      %dma_start3A_768 = arith.constant 0 : i32
      %dma_start3A_769 = tpu.memref_slice %arg4[%select_n3A_655, %dma_start3A_758, %add3A_756, %dma_start3A_767, %dma_start3A_768] : memref<50x8x128x8x128xf32, #tpu.memory_space<hbm>> -> memref<1x1x1x8x128xf32, #tpu.memory_space<hbm>>
      %dma_start3A_770 = tpu.memref_squeeze %dma_start3A_769 : memref<1x1x1x8x128xf32, #tpu.memory_space<hbm>> -> memref<8x128xf32, #tpu.memory_space<hbm>>
      %dma_start3A_771 = tpu.memref_slice %arg9[%dma_start3A_759] : memref<2x!tpu.dma_semaphore, #tpu.memory_space<semaphore_mem>> -> memref<1x!tpu.dma_semaphore, #tpu.memory_space<semaphore_mem>>
      %dma_start3A_772 = tpu.memref_squeeze %dma_start3A_771 : memref<1x!tpu.dma_semaphore, #tpu.memory_space<semaphore_mem>> -> memref<!tpu.dma_semaphore, #tpu.memory_space<semaphore_mem>>
      %dma_start3A_773 = arith.constant 0 : i32
      %dma_start3A_774 = arith.constant 0 : i32
      %dma_start3A_775 = tpu.memref_slice %arg4[%select_n3A_655, %dma_start3A_758, %add3A_756, %dma_start3A_773, %dma_start3A_774] : memref<50x8x128x8x128xf32, #tpu.memory_space<hbm>> -> memref<1x1x1x8x128xf32, #tpu.memory_space<hbm>>
      %dma_start3A_776 = tpu.memref_squeeze %dma_start3A_775 : memref<1x1x1x8x128xf32, #tpu.memory_space<hbm>> -> memref<8x128xf32, #tpu.memory_space<hbm>>
      %dma_start3A_777 = arith.constant 0 : i32
      %dma_start3A_778 = arith.constant 0 : i32
      %dma_start3A_779 = tpu.memref_slice %arg7[%dma_start3A_757, %dma_start3A_777, %dma_start3A_778] : memref<2x64x129xf32, #tpu.memory_space<vmem>> -> memref<1x64x129xf32, #tpu.memory_space<vmem>>
      %dma_start3A_780 = tpu.memref_squeeze %dma_start3A_779 : memref<1x64x129xf32, #tpu.memory_space<vmem>> -> memref<64x129xf32, #tpu.memory_space<vmem>>
      %dma_start3A_781 = arith.constant 24 : i32
      %dma_start3A_782 = arith.constant 0 : i32
      %dma_start3A_783 = tpu.memref_slice %dma_start3A_780[%dma_start3A_781, %dma_start3A_782] : memref<64x129xf32, #tpu.memory_space<vmem>> -> memref<8x128xf32, #tpu.memory_space<vmem>>
      tpu.enqueue_dma source(%dma_start3A_783 : memref<8x128xf32, #tpu.memory_space<vmem>>) target(%dma_start3A_776 : memref<8x128xf32, #tpu.memory_space<hbm>>) target_semaphore(%dma_start3A_772 : memref<!tpu.dma_semaphore, #tpu.memory_space<semaphore_mem>>)
      %add3A_784 = arith.addi %mul3A_4, %select_n3A_671 : i32
      %dma_start3A_785 = arith.constant 0 : i32
      %dma_start3A_786 = arith.constant 4 : i32
      %dma_start3A_787 = arith.constant 0 : i32
      %dma_start3A_788 = arith.constant 0 : i32
      %dma_start3A_789 = arith.constant 0 : i32
      %dma_start3A_790 = tpu.memref_slice %arg7[%dma_start3A_785, %dma_start3A_788, %dma_start3A_789] : memref<2x64x129xf32, #tpu.memory_space<vmem>> -> memref<1x64x129xf32, #tpu.memory_space<vmem>>
      %dma_start3A_791 = tpu.memref_squeeze %dma_start3A_790 : memref<1x64x129xf32, #tpu.memory_space<vmem>> -> memref<64x129xf32, #tpu.memory_space<vmem>>
      %dma_start3A_792 = arith.constant 32 : i32
      %dma_start3A_793 = arith.constant 0 : i32
      %dma_start3A_794 = tpu.memref_slice %dma_start3A_791[%dma_start3A_792, %dma_start3A_793] : memref<64x129xf32, #tpu.memory_space<vmem>> -> memref<8x128xf32, #tpu.memory_space<vmem>>
      %dma_start3A_795 = arith.constant 0 : i32
      %dma_start3A_796 = arith.constant 0 : i32
      %dma_start3A_797 = tpu.memref_slice %arg4[%select_n3A_655, %dma_start3A_786, %add3A_784, %dma_start3A_795, %dma_start3A_796] : memref<50x8x128x8x128xf32, #tpu.memory_space<hbm>> -> memref<1x1x1x8x128xf32, #tpu.memory_space<hbm>>
      %dma_start3A_798 = tpu.memref_squeeze %dma_start3A_797 : memref<1x1x1x8x128xf32, #tpu.memory_space<hbm>> -> memref<8x128xf32, #tpu.memory_space<hbm>>
      %dma_start3A_799 = tpu.memref_slice %arg9[%dma_start3A_787] : memref<2x!tpu.dma_semaphore, #tpu.memory_space<semaphore_mem>> -> memref<1x!tpu.dma_semaphore, #tpu.memory_space<semaphore_mem>>
      %dma_start3A_800 = tpu.memref_squeeze %dma_start3A_799 : memref<1x!tpu.dma_semaphore, #tpu.memory_space<semaphore_mem>> -> memref<!tpu.dma_semaphore, #tpu.memory_space<semaphore_mem>>
      %dma_start3A_801 = arith.constant 0 : i32
      %dma_start3A_802 = arith.constant 0 : i32
      %dma_start3A_803 = tpu.memref_slice %arg4[%select_n3A_655, %dma_start3A_786, %add3A_784, %dma_start3A_801, %dma_start3A_802] : memref<50x8x128x8x128xf32, #tpu.memory_space<hbm>> -> memref<1x1x1x8x128xf32, #tpu.memory_space<hbm>>
      %dma_start3A_804 = tpu.memref_squeeze %dma_start3A_803 : memref<1x1x1x8x128xf32, #tpu.memory_space<hbm>> -> memref<8x128xf32, #tpu.memory_space<hbm>>
      %dma_start3A_805 = arith.constant 0 : i32
      %dma_start3A_806 = arith.constant 0 : i32
      %dma_start3A_807 = tpu.memref_slice %arg7[%dma_start3A_785, %dma_start3A_805, %dma_start3A_806] : memref<2x64x129xf32, #tpu.memory_space<vmem>> -> memref<1x64x129xf32, #tpu.memory_space<vmem>>
      %dma_start3A_808 = tpu.memref_squeeze %dma_start3A_807 : memref<1x64x129xf32, #tpu.memory_space<vmem>> -> memref<64x129xf32, #tpu.memory_space<vmem>>
      %dma_start3A_809 = arith.constant 32 : i32
      %dma_start3A_810 = arith.constant 0 : i32
      %dma_start3A_811 = tpu.memref_slice %dma_start3A_808[%dma_start3A_809, %dma_start3A_810] : memref<64x129xf32, #tpu.memory_space<vmem>> -> memref<8x128xf32, #tpu.memory_space<vmem>>
      tpu.enqueue_dma source(%dma_start3A_811 : memref<8x128xf32, #tpu.memory_space<vmem>>) target(%dma_start3A_804 : memref<8x128xf32, #tpu.memory_space<hbm>>) target_semaphore(%dma_start3A_800 : memref<!tpu.dma_semaphore, #tpu.memory_space<semaphore_mem>>)
      %add3A_812 = arith.addi %mul3A_4, %select_n3A_671 : i32
      %dma_start3A_813 = arith.constant 0 : i32
      %dma_start3A_814 = arith.constant 5 : i32
      %dma_start3A_815 = arith.constant 0 : i32
      %dma_start3A_816 = arith.constant 0 : i32
      %dma_start3A_817 = arith.constant 0 : i32
      %dma_start3A_818 = tpu.memref_slice %arg7[%dma_start3A_813, %dma_start3A_816, %dma_start3A_817] : memref<2x64x129xf32, #tpu.memory_space<vmem>> -> memref<1x64x129xf32, #tpu.memory_space<vmem>>
      %dma_start3A_819 = tpu.memref_squeeze %dma_start3A_818 : memref<1x64x129xf32, #tpu.memory_space<vmem>> -> memref<64x129xf32, #tpu.memory_space<vmem>>
      %dma_start3A_820 = arith.constant 40 : i32
      %dma_start3A_821 = arith.constant 0 : i32
      %dma_start3A_822 = tpu.memref_slice %dma_start3A_819[%dma_start3A_820, %dma_start3A_821] : memref<64x129xf32, #tpu.memory_space<vmem>> -> memref<8x128xf32, #tpu.memory_space<vmem>>
      %dma_start3A_823 = arith.constant 0 : i32
      %dma_start3A_824 = arith.constant 0 : i32
      %dma_start3A_825 = tpu.memref_slice %arg4[%select_n3A_655, %dma_start3A_814, %add3A_812, %dma_start3A_823, %dma_start3A_824] : memref<50x8x128x8x128xf32, #tpu.memory_space<hbm>> -> memref<1x1x1x8x128xf32, #tpu.memory_space<hbm>>
      %dma_start3A_826 = tpu.memref_squeeze %dma_start3A_825 : memref<1x1x1x8x128xf32, #tpu.memory_space<hbm>> -> memref<8x128xf32, #tpu.memory_space<hbm>>
      %dma_start3A_827 = tpu.memref_slice %arg9[%dma_start3A_815] : memref<2x!tpu.dma_semaphore, #tpu.memory_space<semaphore_mem>> -> memref<1x!tpu.dma_semaphore, #tpu.memory_space<semaphore_mem>>
      %dma_start3A_828 = tpu.memref_squeeze %dma_start3A_827 : memref<1x!tpu.dma_semaphore, #tpu.memory_space<semaphore_mem>> -> memref<!tpu.dma_semaphore, #tpu.memory_space<semaphore_mem>>
      %dma_start3A_829 = arith.constant 0 : i32
      %dma_start3A_830 = arith.constant 0 : i32
      %dma_start3A_831 = tpu.memref_slice %arg4[%select_n3A_655, %dma_start3A_814, %add3A_812, %dma_start3A_829, %dma_start3A_830] : memref<50x8x128x8x128xf32, #tpu.memory_space<hbm>> -> memref<1x1x1x8x128xf32, #tpu.memory_space<hbm>>
      %dma_start3A_832 = tpu.memref_squeeze %dma_start3A_831 : memref<1x1x1x8x128xf32, #tpu.memory_space<hbm>> -> memref<8x128xf32, #tpu.memory_space<hbm>>
      %dma_start3A_833 = arith.constant 0 : i32
      %dma_start3A_834 = arith.constant 0 : i32
      %dma_start3A_835 = tpu.memref_slice %arg7[%dma_start3A_813, %dma_start3A_833, %dma_start3A_834] : memref<2x64x129xf32, #tpu.memory_space<vmem>> -> memref<1x64x129xf32, #tpu.memory_space<vmem>>
      %dma_start3A_836 = tpu.memref_squeeze %dma_start3A_835 : memref<1x64x129xf32, #tpu.memory_space<vmem>> -> memref<64x129xf32, #tpu.memory_space<vmem>>
      %dma_start3A_837 = arith.constant 40 : i32
      %dma_start3A_838 = arith.constant 0 : i32
      %dma_start3A_839 = tpu.memref_slice %dma_start3A_836[%dma_start3A_837, %dma_start3A_838] : memref<64x129xf32, #tpu.memory_space<vmem>> -> memref<8x128xf32, #tpu.memory_space<vmem>>
      tpu.enqueue_dma source(%dma_start3A_839 : memref<8x128xf32, #tpu.memory_space<vmem>>) target(%dma_start3A_832 : memref<8x128xf32, #tpu.memory_space<hbm>>) target_semaphore(%dma_start3A_828 : memref<!tpu.dma_semaphore, #tpu.memory_space<semaphore_mem>>)
      %add3A_840 = arith.addi %mul3A_4, %select_n3A_671 : i32
      %dma_start3A_841 = arith.constant 0 : i32
      %dma_start3A_842 = arith.constant 6 : i32
      %dma_start3A_843 = arith.constant 0 : i32
      %dma_start3A_844 = arith.constant 0 : i32
      %dma_start3A_845 = arith.constant 0 : i32
      %dma_start3A_846 = tpu.memref_slice %arg7[%dma_start3A_841, %dma_start3A_844, %dma_start3A_845] : memref<2x64x129xf32, #tpu.memory_space<vmem>> -> memref<1x64x129xf32, #tpu.memory_space<vmem>>
      %dma_start3A_847 = tpu.memref_squeeze %dma_start3A_846 : memref<1x64x129xf32, #tpu.memory_space<vmem>> -> memref<64x129xf32, #tpu.memory_space<vmem>>
      %dma_start3A_848 = arith.constant 48 : i32
      %dma_start3A_849 = arith.constant 0 : i32
      %dma_start3A_850 = tpu.memref_slice %dma_start3A_847[%dma_start3A_848, %dma_start3A_849] : memref<64x129xf32, #tpu.memory_space<vmem>> -> memref<8x128xf32, #tpu.memory_space<vmem>>
      %dma_start3A_851 = arith.constant 0 : i32
      %dma_start3A_852 = arith.constant 0 : i32
      %dma_start3A_853 = tpu.memref_slice %arg4[%select_n3A_655, %dma_start3A_842, %add3A_840, %dma_start3A_851, %dma_start3A_852] : memref<50x8x128x8x128xf32, #tpu.memory_space<hbm>> -> memref<1x1x1x8x128xf32, #tpu.memory_space<hbm>>
      %dma_start3A_854 = tpu.memref_squeeze %dma_start3A_853 : memref<1x1x1x8x128xf32, #tpu.memory_space<hbm>> -> memref<8x128xf32, #tpu.memory_space<hbm>>
      %dma_start3A_855 = tpu.memref_slice %arg9[%dma_start3A_843] : memref<2x!tpu.dma_semaphore, #tpu.memory_space<semaphore_mem>> -> memref<1x!tpu.dma_semaphore, #tpu.memory_space<semaphore_mem>>
      %dma_start3A_856 = tpu.memref_squeeze %dma_start3A_855 : memref<1x!tpu.dma_semaphore, #tpu.memory_space<semaphore_mem>> -> memref<!tpu.dma_semaphore, #tpu.memory_space<semaphore_mem>>
      %dma_start3A_857 = arith.constant 0 : i32
      %dma_start3A_858 = arith.constant 0 : i32
      %dma_start3A_859 = tpu.memref_slice %arg4[%select_n3A_655, %dma_start3A_842, %add3A_840, %dma_start3A_857, %dma_start3A_858] : memref<50x8x128x8x128xf32, #tpu.memory_space<hbm>> -> memref<1x1x1x8x128xf32, #tpu.memory_space<hbm>>
      %dma_start3A_860 = tpu.memref_squeeze %dma_start3A_859 : memref<1x1x1x8x128xf32, #tpu.memory_space<hbm>> -> memref<8x128xf32, #tpu.memory_space<hbm>>
      %dma_start3A_861 = arith.constant 0 : i32
      %dma_start3A_862 = arith.constant 0 : i32
      %dma_start3A_863 = tpu.memref_slice %arg7[%dma_start3A_841, %dma_start3A_861, %dma_start3A_862] : memref<2x64x129xf32, #tpu.memory_space<vmem>> -> memref<1x64x129xf32, #tpu.memory_space<vmem>>
      %dma_start3A_864 = tpu.memref_squeeze %dma_start3A_863 : memref<1x64x129xf32, #tpu.memory_space<vmem>> -> memref<64x129xf32, #tpu.memory_space<vmem>>
      %dma_start3A_865 = arith.constant 48 : i32
      %dma_start3A_866 = arith.constant 0 : i32
      %dma_start3A_867 = tpu.memref_slice %dma_start3A_864[%dma_start3A_865, %dma_start3A_866] : memref<64x129xf32, #tpu.memory_space<vmem>> -> memref<8x128xf32, #tpu.memory_space<vmem>>
      tpu.enqueue_dma source(%dma_start3A_867 : memref<8x128xf32, #tpu.memory_space<vmem>>) target(%dma_start3A_860 : memref<8x128xf32, #tpu.memory_space<hbm>>) target_semaphore(%dma_start3A_856 : memref<!tpu.dma_semaphore, #tpu.memory_space<semaphore_mem>>)
      %add3A_868 = arith.addi %mul3A_4, %select_n3A_671 : i32
      %dma_start3A_869 = arith.constant 0 : i32
      %dma_start3A_870 = arith.constant 7 : i32
      %dma_start3A_871 = arith.constant 0 : i32
      %dma_start3A_872 = arith.constant 0 : i32
      %dma_start3A_873 = arith.constant 0 : i32
      %dma_start3A_874 = tpu.memref_slice %arg7[%dma_start3A_869, %dma_start3A_872, %dma_start3A_873] : memref<2x64x129xf32, #tpu.memory_space<vmem>> -> memref<1x64x129xf32, #tpu.memory_space<vmem>>
      %dma_start3A_875 = tpu.memref_squeeze %dma_start3A_874 : memref<1x64x129xf32, #tpu.memory_space<vmem>> -> memref<64x129xf32, #tpu.memory_space<vmem>>
      %dma_start3A_876 = arith.constant 56 : i32
      %dma_start3A_877 = arith.constant 0 : i32
      %dma_start3A_878 = tpu.memref_slice %dma_start3A_875[%dma_start3A_876, %dma_start3A_877] : memref<64x129xf32, #tpu.memory_space<vmem>> -> memref<8x128xf32, #tpu.memory_space<vmem>>
      %dma_start3A_879 = arith.constant 0 : i32
      %dma_start3A_880 = arith.constant 0 : i32
      %dma_start3A_881 = tpu.memref_slice %arg4[%select_n3A_655, %dma_start3A_870, %add3A_868, %dma_start3A_879, %dma_start3A_880] : memref<50x8x128x8x128xf32, #tpu.memory_space<hbm>> -> memref<1x1x1x8x128xf32, #tpu.memory_space<hbm>>
      %dma_start3A_882 = tpu.memref_squeeze %dma_start3A_881 : memref<1x1x1x8x128xf32, #tpu.memory_space<hbm>> -> memref<8x128xf32, #tpu.memory_space<hbm>>
      %dma_start3A_883 = tpu.memref_slice %arg9[%dma_start3A_871] : memref<2x!tpu.dma_semaphore, #tpu.memory_space<semaphore_mem>> -> memref<1x!tpu.dma_semaphore, #tpu.memory_space<semaphore_mem>>
      %dma_start3A_884 = tpu.memref_squeeze %dma_start3A_883 : memref<1x!tpu.dma_semaphore, #tpu.memory_space<semaphore_mem>> -> memref<!tpu.dma_semaphore, #tpu.memory_space<semaphore_mem>>
      %dma_start3A_885 = arith.constant 0 : i32
      %dma_start3A_886 = arith.constant 0 : i32
      %dma_start3A_887 = tpu.memref_slice %arg4[%select_n3A_655, %dma_start3A_870, %add3A_868, %dma_start3A_885, %dma_start3A_886] : memref<50x8x128x8x128xf32, #tpu.memory_space<hbm>> -> memref<1x1x1x8x128xf32, #tpu.memory_space<hbm>>
      %dma_start3A_888 = tpu.memref_squeeze %dma_start3A_887 : memref<1x1x1x8x128xf32, #tpu.memory_space<hbm>> -> memref<8x128xf32, #tpu.memory_space<hbm>>
      %dma_start3A_889 = arith.constant 0 : i32
      %dma_start3A_890 = arith.constant 0 : i32
      %dma_start3A_891 = tpu.memref_slice %arg7[%dma_start3A_869, %dma_start3A_889, %dma_start3A_890] : memref<2x64x129xf32, #tpu.memory_space<vmem>> -> memref<1x64x129xf32, #tpu.memory_space<vmem>>
      %dma_start3A_892 = tpu.memref_squeeze %dma_start3A_891 : memref<1x64x129xf32, #tpu.memory_space<vmem>> -> memref<64x129xf32, #tpu.memory_space<vmem>>
      %dma_start3A_893 = arith.constant 56 : i32
      %dma_start3A_894 = arith.constant 0 : i32
      %dma_start3A_895 = tpu.memref_slice %dma_start3A_892[%dma_start3A_893, %dma_start3A_894] : memref<64x129xf32, #tpu.memory_space<vmem>> -> memref<8x128xf32, #tpu.memory_space<vmem>>
      tpu.enqueue_dma source(%dma_start3A_895 : memref<8x128xf32, #tpu.memory_space<vmem>>) target(%dma_start3A_888 : memref<8x128xf32, #tpu.memory_space<hbm>>) target_semaphore(%dma_start3A_884 : memref<!tpu.dma_semaphore, #tpu.memory_space<semaphore_mem>>)
      %add3A_896 = arith.constant 1 : i32
      %add3A_897 = arith.addi %mul3A_507, %add3A_896 : i32
      %jit3A_898 = arith.constant 4 : i32
      %div3A_899 = arith.divsi %add3A_897, %jit3A_898 : i32
      %sign3A_900 = arith.constant 0 : i32
      %sign3A_901 = arith.cmpi sgt, %add3A_897, %sign3A_900 : i32
      %sign3A_902 = arith.extui %sign3A_901 : i1 to i32
      %sign3A_903 = arith.constant 0 : i32
      %sign3A_904 = arith.cmpi slt, %add3A_897, %sign3A_903 : i32
      %sign3A_905 = arith.extui %sign3A_904 : i1 to i32
      %sign3A_906 = arith.subi %sign3A_902, %sign3A_905 : i32
      %sign3A_907 = arith.constant 0 : i32
      %sign3A_908 = arith.cmpi sgt, %jit3A_898, %sign3A_907 : i32
      %sign3A_909 = arith.extui %sign3A_908 : i1 to i32
      %sign3A_910 = arith.constant 0 : i32
      %sign3A_911 = arith.cmpi slt, %jit3A_898, %sign3A_910 : i32
      %sign3A_912 = arith.extui %sign3A_911 : i1 to i32
      %sign3A_913 = arith.subi %sign3A_909, %sign3A_912 : i32
      %ne3A_914 = arith.cmpi ne, %sign3A_906, %sign3A_913 : i32
      %rem3A_915 = arith.remsi %add3A_897, %jit3A_898 : i32
      %ne3A_916 = arith.constant 0 : i32
      %ne3A_917 = arith.cmpi ne, %rem3A_915, %ne3A_916 : i32
      %and3A_918 = arith.andi %ne3A_914, %ne3A_917 : i1
      %sub3A_919 = arith.constant 1 : i32
      %sub3A_920 = arith.subi %div3A_899, %sub3A_919 : i32
      %select_n3A_921 = arith.select %and3A_918, %sub3A_920, %div3A_899 : i32
      %jit3A_922 = arith.constant 4 : i32
      %eq3A_923 = arith.constant 0 : i32
      %eq3A_924 = arith.cmpi eq, %jit3A_922, %eq3A_923 : i32
      %jit3A_925 = arith.constant 1 : i32
      %select_n3A_926 = arith.select %eq3A_924, %jit3A_925, %jit3A_922 : i32
      %rem3A_927 = arith.remsi %add3A_897, %select_n3A_926 : i32
      %ne3A_928 = arith.constant 0 : i32
      %ne3A_929 = arith.cmpi ne, %rem3A_927, %ne3A_928 : i32
      %lt3A_930 = arith.constant 0 : i32
      %lt3A_931 = arith.cmpi slt, %rem3A_927, %lt3A_930 : i32
      %lt3A_932 = arith.constant 0 : i32
      %lt3A_933 = arith.cmpi slt, %select_n3A_926, %lt3A_932 : i32
      %ne3A_934 = arith.xori %lt3A_931, %lt3A_933 : i1
      %and3A_935 = arith.andi %ne3A_934, %ne3A_929 : i1
      %add3A_936 = arith.addi %rem3A_927, %select_n3A_926 : i32
      %select_n3A_937 = arith.select %and3A_935, %add3A_936, %rem3A_927 : i32
      %mul3A_938 = arith.constant 128 : i32
      %mul3A_939 = arith.muli %select_n3A_937, %mul3A_938 : i32
      %dma_wait3A_940 = arith.constant 1 : i32
      %dma_wait3A_941 = arith.constant 1 : i32
      %dma_wait3A_942 = arith.constant 0 : i32
      %dma_wait3A_943 = arith.constant 0 : i32
      %dma_wait3A_944 = tpu.memref_slice %arg6[%dma_wait3A_940, %dma_wait3A_942, %dma_wait3A_943] : memref<2x128x128xf32, #tpu.memory_space<vmem>> -> memref<1x128x128xf32, #tpu.memory_space<vmem>>
      %dma_wait3A_945 = tpu.memref_squeeze %dma_wait3A_944 : memref<1x128x128xf32, #tpu.memory_space<vmem>> -> memref<128x128xf32, #tpu.memory_space<vmem>>
      %dma_wait3A_946 = arith.constant 0 : i32
      %dma_wait3A_947 = tpu.memref_slice %arg5[%select_n3A_921, %dma_wait3A_946] : memref<50x512xi32, #tpu.memory_space<vmem>> -> memref<1x512xi32, #tpu.memory_space<vmem>>
      %dma_wait3A_948 = tpu.memref_squeeze %dma_wait3A_947 : memref<1x512xi32, #tpu.memory_space<vmem>> -> memref<512xi32, #tpu.memory_space<vmem>>
      %dma_wait3A_949 = tpu.memref_slice %dma_wait3A_948[%mul3A_939] : memref<512xi32, #tpu.memory_space<vmem>> -> memref<128xi32, #tpu.memory_space<vmem>>
      %dma_wait3A_950 = arith.constant 0 : i32
      %dma_wait3A_951 = arith.constant 0 : i32
      %dma_wait3A_952 = tpu.memref_slice %arg2[%dma_wait3A_950, %dma_wait3A_951] : memref<1000000x128xf32, #tpu.memory_space<hbm>> -> memref<1000000x128xf32, #tpu.memory_space<hbm>>
      %dma_wait3A_953 = tpu.memref_slice %arg8[%dma_wait3A_941] : memref<2x!tpu.dma_semaphore, #tpu.memory_space<semaphore_mem>> -> memref<1x!tpu.dma_semaphore, #tpu.memory_space<semaphore_mem>>
      %dma_wait3A_954 = tpu.memref_squeeze %dma_wait3A_953 : memref<1x!tpu.dma_semaphore, #tpu.memory_space<semaphore_mem>> -> memref<!tpu.dma_semaphore, #tpu.memory_space<semaphore_mem>>
      tpu.wait_indirect_dma semaphore(%dma_wait3A_954 : memref<!tpu.dma_semaphore, #tpu.memory_space<semaphore_mem>>) src(%dma_wait3A_952 : memref<1000000x128xf32, #tpu.memory_space<hbm>>) dst(%dma_wait3A_945 : memref<128x128xf32, #tpu.memory_space<vmem>>)
      %gt3A_955 = arith.constant 0 : i32
      %gt3A_956 = arith.cmpi sgt, %scan3A_505, %gt3A_955 : i32
      %convert_element_type3A_957 = arith.extui %gt3A_956 : i1 to i32
      %cond3A_958 = arith.constant 0 : i32
      %cond3A_959 = arith.cmpi ne, %convert_element_type3A_957, %cond3A_958 : i32
      scf.if %cond3A_959 {
        %sub3A_1249 = arith.constant 1 : i32
        %sub3A_1250 = arith.subi %mul3A_507, %sub3A_1249 : i32
        %jit3A_1251 = arith.constant 4 : i32
        %div3A_1252 = arith.divsi %sub3A_1250, %jit3A_1251 : i32
        %sign3A_1253 = arith.constant 0 : i32
        %sign3A_1254 = arith.cmpi sgt, %sub3A_1250, %sign3A_1253 : i32
        %sign3A_1255 = arith.extui %sign3A_1254 : i1 to i32
        %sign3A_1256 = arith.constant 0 : i32
        %sign3A_1257 = arith.cmpi slt, %sub3A_1250, %sign3A_1256 : i32
        %sign3A_1258 = arith.extui %sign3A_1257 : i1 to i32
        %sign3A_1259 = arith.subi %sign3A_1255, %sign3A_1258 : i32
        %sign3A_1260 = arith.constant 0 : i32
        %sign3A_1261 = arith.cmpi sgt, %jit3A_1251, %sign3A_1260 : i32
        %sign3A_1262 = arith.extui %sign3A_1261 : i1 to i32
        %sign3A_1263 = arith.constant 0 : i32
        %sign3A_1264 = arith.cmpi slt, %jit3A_1251, %sign3A_1263 : i32
        %sign3A_1265 = arith.extui %sign3A_1264 : i1 to i32
        %sign3A_1266 = arith.subi %sign3A_1262, %sign3A_1265 : i32
        %ne3A_1267 = arith.cmpi ne, %sign3A_1259, %sign3A_1266 : i32
        %rem3A_1268 = arith.remsi %sub3A_1250, %jit3A_1251 : i32
        %ne3A_1269 = arith.constant 0 : i32
        %ne3A_1270 = arith.cmpi ne, %rem3A_1268, %ne3A_1269 : i32
        %and3A_1271 = arith.andi %ne3A_1267, %ne3A_1270 : i1
        %sub3A_1272 = arith.constant 1 : i32
        %sub3A_1273 = arith.subi %div3A_1252, %sub3A_1272 : i32
        %select_n3A_1274 = arith.select %and3A_1271, %sub3A_1273, %div3A_1252 : i32
        %jit3A_1275 = arith.constant 4 : i32
        %eq3A_1276 = arith.constant 0 : i32
        %eq3A_1277 = arith.cmpi eq, %jit3A_1275, %eq3A_1276 : i32
        %jit3A_1278 = arith.constant 1 : i32
        %select_n3A_1279 = arith.select %eq3A_1277, %jit3A_1278, %jit3A_1275 : i32
        %rem3A_1280 = arith.remsi %sub3A_1250, %select_n3A_1279 : i32
        %ne3A_1281 = arith.constant 0 : i32
        %ne3A_1282 = arith.cmpi ne, %rem3A_1280, %ne3A_1281 : i32
        %lt3A_1283 = arith.constant 0 : i32
        %lt3A_1284 = arith.cmpi slt, %rem3A_1280, %lt3A_1283 : i32
        %lt3A_1285 = arith.constant 0 : i32
        %lt3A_1286 = arith.cmpi slt, %select_n3A_1279, %lt3A_1285 : i32
        %ne3A_1287 = arith.xori %lt3A_1284, %lt3A_1286 : i1
        %and3A_1288 = arith.andi %ne3A_1287, %ne3A_1282 : i1
        %add3A_1289 = arith.addi %rem3A_1280, %select_n3A_1279 : i32
        %select_n3A_1290 = arith.select %and3A_1288, %add3A_1289, %rem3A_1280 : i32
        %add3A_1291 = arith.addi %mul3A_4, %select_n3A_1290 : i32
        %dma_wait3A_1292 = arith.constant 1 : i32
        %dma_wait3A_1293 = arith.constant 0 : i32
        %dma_wait3A_1294 = arith.constant 1 : i32
        %dma_wait3A_1295 = arith.constant 0 : i32
        %dma_wait3A_1296 = arith.constant 0 : i32
        %dma_wait3A_1297 = tpu.memref_slice %arg7[%dma_wait3A_1292, %dma_wait3A_1295, %dma_wait3A_1296] : memref<2x64x129xf32, #tpu.memory_space<vmem>> -> memref<1x64x129xf32, #tpu.memory_space<vmem>>
        %dma_wait3A_1298 = tpu.memref_squeeze %dma_wait3A_1297 : memref<1x64x129xf32, #tpu.memory_space<vmem>> -> memref<64x129xf32, #tpu.memory_space<vmem>>
        %dma_wait3A_1299 = arith.constant 0 : i32
        %dma_wait3A_1300 = arith.constant 0 : i32
        %dma_wait3A_1301 = tpu.memref_slice %dma_wait3A_1298[%dma_wait3A_1299, %dma_wait3A_1300] : memref<64x129xf32, #tpu.memory_space<vmem>> -> memref<8x128xf32, #tpu.memory_space<vmem>>
        %dma_wait3A_1302 = arith.constant 0 : i32
        %dma_wait3A_1303 = arith.constant 0 : i32
        %dma_wait3A_1304 = tpu.memref_slice %arg4[%select_n3A_1274, %dma_wait3A_1293, %add3A_1291, %dma_wait3A_1302, %dma_wait3A_1303] : memref<50x8x128x8x128xf32, #tpu.memory_space<hbm>> -> memref<1x1x1x8x128xf32, #tpu.memory_space<hbm>>
        %dma_wait3A_1305 = tpu.memref_squeeze %dma_wait3A_1304 : memref<1x1x1x8x128xf32, #tpu.memory_space<hbm>> -> memref<8x128xf32, #tpu.memory_space<hbm>>
        %dma_wait3A_1306 = tpu.memref_slice %arg9[%dma_wait3A_1294] : memref<2x!tpu.dma_semaphore, #tpu.memory_space<semaphore_mem>> -> memref<1x!tpu.dma_semaphore, #tpu.memory_space<semaphore_mem>>
        %dma_wait3A_1307 = tpu.memref_squeeze %dma_wait3A_1306 : memref<1x!tpu.dma_semaphore, #tpu.memory_space<semaphore_mem>> -> memref<!tpu.dma_semaphore, #tpu.memory_space<semaphore_mem>>
        %dma_wait3A_1308 = arith.constant 0 : i32
        %dma_wait3A_1309 = arith.constant 0 : i32
        %dma_wait3A_1310 = tpu.memref_slice %arg4[%select_n3A_1274, %dma_wait3A_1293, %add3A_1291, %dma_wait3A_1308, %dma_wait3A_1309] : memref<50x8x128x8x128xf32, #tpu.memory_space<hbm>> -> memref<1x1x1x8x128xf32, #tpu.memory_space<hbm>>
        %dma_wait3A_1311 = tpu.memref_squeeze %dma_wait3A_1310 : memref<1x1x1x8x128xf32, #tpu.memory_space<hbm>> -> memref<8x128xf32, #tpu.memory_space<hbm>>
        %dma_wait3A_1312 = arith.constant 0 : i32
        %dma_wait3A_1313 = arith.constant 0 : i32
        %dma_wait3A_1314 = tpu.memref_slice %arg7[%dma_wait3A_1292, %dma_wait3A_1312, %dma_wait3A_1313] : memref<2x64x129xf32, #tpu.memory_space<vmem>> -> memref<1x64x129xf32, #tpu.memory_space<vmem>>
        %dma_wait3A_1315 = tpu.memref_squeeze %dma_wait3A_1314 : memref<1x64x129xf32, #tpu.memory_space<vmem>> -> memref<64x129xf32, #tpu.memory_space<vmem>>
        %dma_wait3A_1316 = arith.constant 0 : i32
        %dma_wait3A_1317 = arith.constant 0 : i32
        %dma_wait3A_1318 = tpu.memref_slice %dma_wait3A_1315[%dma_wait3A_1316, %dma_wait3A_1317] : memref<64x129xf32, #tpu.memory_space<vmem>> -> memref<8x128xf32, #tpu.memory_space<vmem>>
        tpu.wait_dma2 semaphore(%dma_wait3A_1307 : memref<!tpu.dma_semaphore, #tpu.memory_space<semaphore_mem>>) src(%dma_wait3A_1318 : memref<8x128xf32, #tpu.memory_space<vmem>>) dst(%dma_wait3A_1311 : memref<8x128xf32, #tpu.memory_space<hbm>>)
        %add3A_1319 = arith.addi %mul3A_4, %select_n3A_1290 : i32
        %dma_wait3A_1320 = arith.constant 1 : i32
        %dma_wait3A_1321 = arith.constant 1 : i32
        %dma_wait3A_1322 = arith.constant 1 : i32
        %dma_wait3A_1323 = arith.constant 0 : i32
        %dma_wait3A_1324 = arith.constant 0 : i32
        %dma_wait3A_1325 = tpu.memref_slice %arg7[%dma_wait3A_1320, %dma_wait3A_1323, %dma_wait3A_1324] : memref<2x64x129xf32, #tpu.memory_space<vmem>> -> memref<1x64x129xf32, #tpu.memory_space<vmem>>
        %dma_wait3A_1326 = tpu.memref_squeeze %dma_wait3A_1325 : memref<1x64x129xf32, #tpu.memory_space<vmem>> -> memref<64x129xf32, #tpu.memory_space<vmem>>
        %dma_wait3A_1327 = arith.constant 8 : i32
        %dma_wait3A_1328 = arith.constant 0 : i32
        %dma_wait3A_1329 = tpu.memref_slice %dma_wait3A_1326[%dma_wait3A_1327, %dma_wait3A_1328] : memref<64x129xf32, #tpu.memory_space<vmem>> -> memref<8x128xf32, #tpu.memory_space<vmem>>
        %dma_wait3A_1330 = arith.constant 0 : i32
        %dma_wait3A_1331 = arith.constant 0 : i32
        %dma_wait3A_1332 = tpu.memref_slice %arg4[%select_n3A_1274, %dma_wait3A_1321, %add3A_1319, %dma_wait3A_1330, %dma_wait3A_1331] : memref<50x8x128x8x128xf32, #tpu.memory_space<hbm>> -> memref<1x1x1x8x128xf32, #tpu.memory_space<hbm>>
        %dma_wait3A_1333 = tpu.memref_squeeze %dma_wait3A_1332 : memref<1x1x1x8x128xf32, #tpu.memory_space<hbm>> -> memref<8x128xf32, #tpu.memory_space<hbm>>
        %dma_wait3A_1334 = tpu.memref_slice %arg9[%dma_wait3A_1322] : memref<2x!tpu.dma_semaphore, #tpu.memory_space<semaphore_mem>> -> memref<1x!tpu.dma_semaphore, #tpu.memory_space<semaphore_mem>>
        %dma_wait3A_1335 = tpu.memref_squeeze %dma_wait3A_1334 : memref<1x!tpu.dma_semaphore, #tpu.memory_space<semaphore_mem>> -> memref<!tpu.dma_semaphore, #tpu.memory_space<semaphore_mem>>
        %dma_wait3A_1336 = arith.constant 0 : i32
        %dma_wait3A_1337 = arith.constant 0 : i32
        %dma_wait3A_1338 = tpu.memref_slice %arg4[%select_n3A_1274, %dma_wait3A_1321, %add3A_1319, %dma_wait3A_1336, %dma_wait3A_1337] : memref<50x8x128x8x128xf32, #tpu.memory_space<hbm>> -> memref<1x1x1x8x128xf32, #tpu.memory_space<hbm>>
        %dma_wait3A_1339 = tpu.memref_squeeze %dma_wait3A_1338 : memref<1x1x1x8x128xf32, #tpu.memory_space<hbm>> -> memref<8x128xf32, #tpu.memory_space<hbm>>
        %dma_wait3A_1340 = arith.constant 0 : i32
        %dma_wait3A_1341 = arith.constant 0 : i32
        %dma_wait3A_1342 = tpu.memref_slice %arg7[%dma_wait3A_1320, %dma_wait3A_1340, %dma_wait3A_1341] : memref<2x64x129xf32, #tpu.memory_space<vmem>> -> memref<1x64x129xf32, #tpu.memory_space<vmem>>
        %dma_wait3A_1343 = tpu.memref_squeeze %dma_wait3A_1342 : memref<1x64x129xf32, #tpu.memory_space<vmem>> -> memref<64x129xf32, #tpu.memory_space<vmem>>
        %dma_wait3A_1344 = arith.constant 8 : i32
        %dma_wait3A_1345 = arith.constant 0 : i32
        %dma_wait3A_1346 = tpu.memref_slice %dma_wait3A_1343[%dma_wait3A_1344, %dma_wait3A_1345] : memref<64x129xf32, #tpu.memory_space<vmem>> -> memref<8x128xf32, #tpu.memory_space<vmem>>
        tpu.wait_dma2 semaphore(%dma_wait3A_1335 : memref<!tpu.dma_semaphore, #tpu.memory_space<semaphore_mem>>) src(%dma_wait3A_1346 : memref<8x128xf32, #tpu.memory_space<vmem>>) dst(%dma_wait3A_1339 : memref<8x128xf32, #tpu.memory_space<hbm>>)
        %add3A_1347 = arith.addi %mul3A_4, %select_n3A_1290 : i32
        %dma_wait3A_1348 = arith.constant 1 : i32
        %dma_wait3A_1349 = arith.constant 2 : i32
        %dma_wait3A_1350 = arith.constant 1 : i32
        %dma_wait3A_1351 = arith.constant 0 : i32
        %dma_wait3A_1352 = arith.constant 0 : i32
        %dma_wait3A_1353 = tpu.memref_slice %arg7[%dma_wait3A_1348, %dma_wait3A_1351, %dma_wait3A_1352] : memref<2x64x129xf32, #tpu.memory_space<vmem>> -> memref<1x64x129xf32, #tpu.memory_space<vmem>>
        %dma_wait3A_1354 = tpu.memref_squeeze %dma_wait3A_1353 : memref<1x64x129xf32, #tpu.memory_space<vmem>> -> memref<64x129xf32, #tpu.memory_space<vmem>>
        %dma_wait3A_1355 = arith.constant 16 : i32
        %dma_wait3A_1356 = arith.constant 0 : i32
        %dma_wait3A_1357 = tpu.memref_slice %dma_wait3A_1354[%dma_wait3A_1355, %dma_wait3A_1356] : memref<64x129xf32, #tpu.memory_space<vmem>> -> memref<8x128xf32, #tpu.memory_space<vmem>>
        %dma_wait3A_1358 = arith.constant 0 : i32
        %dma_wait3A_1359 = arith.constant 0 : i32
        %dma_wait3A_1360 = tpu.memref_slice %arg4[%select_n3A_1274, %dma_wait3A_1349, %add3A_1347, %dma_wait3A_1358, %dma_wait3A_1359] : memref<50x8x128x8x128xf32, #tpu.memory_space<hbm>> -> memref<1x1x1x8x128xf32, #tpu.memory_space<hbm>>
        %dma_wait3A_1361 = tpu.memref_squeeze %dma_wait3A_1360 : memref<1x1x1x8x128xf32, #tpu.memory_space<hbm>> -> memref<8x128xf32, #tpu.memory_space<hbm>>
        %dma_wait3A_1362 = tpu.memref_slice %arg9[%dma_wait3A_1350] : memref<2x!tpu.dma_semaphore, #tpu.memory_space<semaphore_mem>> -> memref<1x!tpu.dma_semaphore, #tpu.memory_space<semaphore_mem>>
        %dma_wait3A_1363 = tpu.memref_squeeze %dma_wait3A_1362 : memref<1x!tpu.dma_semaphore, #tpu.memory_space<semaphore_mem>> -> memref<!tpu.dma_semaphore, #tpu.memory_space<semaphore_mem>>
        %dma_wait3A_1364 = arith.constant 0 : i32
        %dma_wait3A_1365 = arith.constant 0 : i32
        %dma_wait3A_1366 = tpu.memref_slice %arg4[%select_n3A_1274, %dma_wait3A_1349, %add3A_1347, %dma_wait3A_1364, %dma_wait3A_1365] : memref<50x8x128x8x128xf32, #tpu.memory_space<hbm>> -> memref<1x1x1x8x128xf32, #tpu.memory_space<hbm>>
        %dma_wait3A_1367 = tpu.memref_squeeze %dma_wait3A_1366 : memref<1x1x1x8x128xf32, #tpu.memory_space<hbm>> -> memref<8x128xf32, #tpu.memory_space<hbm>>
        %dma_wait3A_1368 = arith.constant 0 : i32
        %dma_wait3A_1369 = arith.constant 0 : i32
        %dma_wait3A_1370 = tpu.memref_slice %arg7[%dma_wait3A_1348, %dma_wait3A_1368, %dma_wait3A_1369] : memref<2x64x129xf32, #tpu.memory_space<vmem>> -> memref<1x64x129xf32, #tpu.memory_space<vmem>>
        %dma_wait3A_1371 = tpu.memref_squeeze %dma_wait3A_1370 : memref<1x64x129xf32, #tpu.memory_space<vmem>> -> memref<64x129xf32, #tpu.memory_space<vmem>>
        %dma_wait3A_1372 = arith.constant 16 : i32
        %dma_wait3A_1373 = arith.constant 0 : i32
        %dma_wait3A_1374 = tpu.memref_slice %dma_wait3A_1371[%dma_wait3A_1372, %dma_wait3A_1373] : memref<64x129xf32, #tpu.memory_space<vmem>> -> memref<8x128xf32, #tpu.memory_space<vmem>>
        tpu.wait_dma2 semaphore(%dma_wait3A_1363 : memref<!tpu.dma_semaphore, #tpu.memory_space<semaphore_mem>>) src(%dma_wait3A_1374 : memref<8x128xf32, #tpu.memory_space<vmem>>) dst(%dma_wait3A_1367 : memref<8x128xf32, #tpu.memory_space<hbm>>)
        %add3A_1375 = arith.addi %mul3A_4, %select_n3A_1290 : i32
        %dma_wait3A_1376 = arith.constant 1 : i32
        %dma_wait3A_1377 = arith.constant 3 : i32
        %dma_wait3A_1378 = arith.constant 1 : i32
        %dma_wait3A_1379 = arith.constant 0 : i32
        %dma_wait3A_1380 = arith.constant 0 : i32
        %dma_wait3A_1381 = tpu.memref_slice %arg7[%dma_wait3A_1376, %dma_wait3A_1379, %dma_wait3A_1380] : memref<2x64x129xf32, #tpu.memory_space<vmem>> -> memref<1x64x129xf32, #tpu.memory_space<vmem>>
        %dma_wait3A_1382 = tpu.memref_squeeze %dma_wait3A_1381 : memref<1x64x129xf32, #tpu.memory_space<vmem>> -> memref<64x129xf32, #tpu.memory_space<vmem>>
        %dma_wait3A_1383 = arith.constant 24 : i32
        %dma_wait3A_1384 = arith.constant 0 : i32
        %dma_wait3A_1385 = tpu.memref_slice %dma_wait3A_1382[%dma_wait3A_1383, %dma_wait3A_1384] : memref<64x129xf32, #tpu.memory_space<vmem>> -> memref<8x128xf32, #tpu.memory_space<vmem>>
        %dma_wait3A_1386 = arith.constant 0 : i32
        %dma_wait3A_1387 = arith.constant 0 : i32
        %dma_wait3A_1388 = tpu.memref_slice %arg4[%select_n3A_1274, %dma_wait3A_1377, %add3A_1375, %dma_wait3A_1386, %dma_wait3A_1387] : memref<50x8x128x8x128xf32, #tpu.memory_space<hbm>> -> memref<1x1x1x8x128xf32, #tpu.memory_space<hbm>>
        %dma_wait3A_1389 = tpu.memref_squeeze %dma_wait3A_1388 : memref<1x1x1x8x128xf32, #tpu.memory_space<hbm>> -> memref<8x128xf32, #tpu.memory_space<hbm>>
        %dma_wait3A_1390 = tpu.memref_slice %arg9[%dma_wait3A_1378] : memref<2x!tpu.dma_semaphore, #tpu.memory_space<semaphore_mem>> -> memref<1x!tpu.dma_semaphore, #tpu.memory_space<semaphore_mem>>
        %dma_wait3A_1391 = tpu.memref_squeeze %dma_wait3A_1390 : memref<1x!tpu.dma_semaphore, #tpu.memory_space<semaphore_mem>> -> memref<!tpu.dma_semaphore, #tpu.memory_space<semaphore_mem>>
        %dma_wait3A_1392 = arith.constant 0 : i32
        %dma_wait3A_1393 = arith.constant 0 : i32
        %dma_wait3A_1394 = tpu.memref_slice %arg4[%select_n3A_1274, %dma_wait3A_1377, %add3A_1375, %dma_wait3A_1392, %dma_wait3A_1393] : memref<50x8x128x8x128xf32, #tpu.memory_space<hbm>> -> memref<1x1x1x8x128xf32, #tpu.memory_space<hbm>>
        %dma_wait3A_1395 = tpu.memref_squeeze %dma_wait3A_1394 : memref<1x1x1x8x128xf32, #tpu.memory_space<hbm>> -> memref<8x128xf32, #tpu.memory_space<hbm>>
        %dma_wait3A_1396 = arith.constant 0 : i32
        %dma_wait3A_1397 = arith.constant 0 : i32
        %dma_wait3A_1398 = tpu.memref_slice %arg7[%dma_wait3A_1376, %dma_wait3A_1396, %dma_wait3A_1397] : memref<2x64x129xf32, #tpu.memory_space<vmem>> -> memref<1x64x129xf32, #tpu.memory_space<vmem>>
        %dma_wait3A_1399 = tpu.memref_squeeze %dma_wait3A_1398 : memref<1x64x129xf32, #tpu.memory_space<vmem>> -> memref<64x129xf32, #tpu.memory_space<vmem>>
        %dma_wait3A_1400 = arith.constant 24 : i32
        %dma_wait3A_1401 = arith.constant 0 : i32
        %dma_wait3A_1402 = tpu.memref_slice %dma_wait3A_1399[%dma_wait3A_1400, %dma_wait3A_1401] : memref<64x129xf32, #tpu.memory_space<vmem>> -> memref<8x128xf32, #tpu.memory_space<vmem>>
        tpu.wait_dma2 semaphore(%dma_wait3A_1391 : memref<!tpu.dma_semaphore, #tpu.memory_space<semaphore_mem>>) src(%dma_wait3A_1402 : memref<8x128xf32, #tpu.memory_space<vmem>>) dst(%dma_wait3A_1395 : memref<8x128xf32, #tpu.memory_space<hbm>>)
        %add3A_1403 = arith.addi %mul3A_4, %select_n3A_1290 : i32
        %dma_wait3A_1404 = arith.constant 1 : i32
        %dma_wait3A_1405 = arith.constant 4 : i32
        %dma_wait3A_1406 = arith.constant 1 : i32
        %dma_wait3A_1407 = arith.constant 0 : i32
        %dma_wait3A_1408 = arith.constant 0 : i32
        %dma_wait3A_1409 = tpu.memref_slice %arg7[%dma_wait3A_1404, %dma_wait3A_1407, %dma_wait3A_1408] : memref<2x64x129xf32, #tpu.memory_space<vmem>> -> memref<1x64x129xf32, #tpu.memory_space<vmem>>
        %dma_wait3A_1410 = tpu.memref_squeeze %dma_wait3A_1409 : memref<1x64x129xf32, #tpu.memory_space<vmem>> -> memref<64x129xf32, #tpu.memory_space<vmem>>
        %dma_wait3A_1411 = arith.constant 32 : i32
        %dma_wait3A_1412 = arith.constant 0 : i32
        %dma_wait3A_1413 = tpu.memref_slice %dma_wait3A_1410[%dma_wait3A_1411, %dma_wait3A_1412] : memref<64x129xf32, #tpu.memory_space<vmem>> -> memref<8x128xf32, #tpu.memory_space<vmem>>
        %dma_wait3A_1414 = arith.constant 0 : i32
        %dma_wait3A_1415 = arith.constant 0 : i32
        %dma_wait3A_1416 = tpu.memref_slice %arg4[%select_n3A_1274, %dma_wait3A_1405, %add3A_1403, %dma_wait3A_1414, %dma_wait3A_1415] : memref<50x8x128x8x128xf32, #tpu.memory_space<hbm>> -> memref<1x1x1x8x128xf32, #tpu.memory_space<hbm>>
        %dma_wait3A_1417 = tpu.memref_squeeze %dma_wait3A_1416 : memref<1x1x1x8x128xf32, #tpu.memory_space<hbm>> -> memref<8x128xf32, #tpu.memory_space<hbm>>
        %dma_wait3A_1418 = tpu.memref_slice %arg9[%dma_wait3A_1406] : memref<2x!tpu.dma_semaphore, #tpu.memory_space<semaphore_mem>> -> memref<1x!tpu.dma_semaphore, #tpu.memory_space<semaphore_mem>>
        %dma_wait3A_1419 = tpu.memref_squeeze %dma_wait3A_1418 : memref<1x!tpu.dma_semaphore, #tpu.memory_space<semaphore_mem>> -> memref<!tpu.dma_semaphore, #tpu.memory_space<semaphore_mem>>
        %dma_wait3A_1420 = arith.constant 0 : i32
        %dma_wait3A_1421 = arith.constant 0 : i32
        %dma_wait3A_1422 = tpu.memref_slice %arg4[%select_n3A_1274, %dma_wait3A_1405, %add3A_1403, %dma_wait3A_1420, %dma_wait3A_1421] : memref<50x8x128x8x128xf32, #tpu.memory_space<hbm>> -> memref<1x1x1x8x128xf32, #tpu.memory_space<hbm>>
        %dma_wait3A_1423 = tpu.memref_squeeze %dma_wait3A_1422 : memref<1x1x1x8x128xf32, #tpu.memory_space<hbm>> -> memref<8x128xf32, #tpu.memory_space<hbm>>
        %dma_wait3A_1424 = arith.constant 0 : i32
        %dma_wait3A_1425 = arith.constant 0 : i32
        %dma_wait3A_1426 = tpu.memref_slice %arg7[%dma_wait3A_1404, %dma_wait3A_1424, %dma_wait3A_1425] : memref<2x64x129xf32, #tpu.memory_space<vmem>> -> memref<1x64x129xf32, #tpu.memory_space<vmem>>
        %dma_wait3A_1427 = tpu.memref_squeeze %dma_wait3A_1426 : memref<1x64x129xf32, #tpu.memory_space<vmem>> -> memref<64x129xf32, #tpu.memory_space<vmem>>
        %dma_wait3A_1428 = arith.constant 32 : i32
        %dma_wait3A_1429 = arith.constant 0 : i32
        %dma_wait3A_1430 = tpu.memref_slice %dma_wait3A_1427[%dma_wait3A_1428, %dma_wait3A_1429] : memref<64x129xf32, #tpu.memory_space<vmem>> -> memref<8x128xf32, #tpu.memory_space<vmem>>
        tpu.wait_dma2 semaphore(%dma_wait3A_1419 : memref<!tpu.dma_semaphore, #tpu.memory_space<semaphore_mem>>) src(%dma_wait3A_1430 : memref<8x128xf32, #tpu.memory_space<vmem>>) dst(%dma_wait3A_1423 : memref<8x128xf32, #tpu.memory_space<hbm>>)
        %add3A_1431 = arith.addi %mul3A_4, %select_n3A_1290 : i32
        %dma_wait3A_1432 = arith.constant 1 : i32
        %dma_wait3A_1433 = arith.constant 5 : i32
        %dma_wait3A_1434 = arith.constant 1 : i32
        %dma_wait3A_1435 = arith.constant 0 : i32
        %dma_wait3A_1436 = arith.constant 0 : i32
        %dma_wait3A_1437 = tpu.memref_slice %arg7[%dma_wait3A_1432, %dma_wait3A_1435, %dma_wait3A_1436] : memref<2x64x129xf32, #tpu.memory_space<vmem>> -> memref<1x64x129xf32, #tpu.memory_space<vmem>>
        %dma_wait3A_1438 = tpu.memref_squeeze %dma_wait3A_1437 : memref<1x64x129xf32, #tpu.memory_space<vmem>> -> memref<64x129xf32, #tpu.memory_space<vmem>>
        %dma_wait3A_1439 = arith.constant 40 : i32
        %dma_wait3A_1440 = arith.constant 0 : i32
        %dma_wait3A_1441 = tpu.memref_slice %dma_wait3A_1438[%dma_wait3A_1439, %dma_wait3A_1440] : memref<64x129xf32, #tpu.memory_space<vmem>> -> memref<8x128xf32, #tpu.memory_space<vmem>>
        %dma_wait3A_1442 = arith.constant 0 : i32
        %dma_wait3A_1443 = arith.constant 0 : i32
        %dma_wait3A_1444 = tpu.memref_slice %arg4[%select_n3A_1274, %dma_wait3A_1433, %add3A_1431, %dma_wait3A_1442, %dma_wait3A_1443] : memref<50x8x128x8x128xf32, #tpu.memory_space<hbm>> -> memref<1x1x1x8x128xf32, #tpu.memory_space<hbm>>
        %dma_wait3A_1445 = tpu.memref_squeeze %dma_wait3A_1444 : memref<1x1x1x8x128xf32, #tpu.memory_space<hbm>> -> memref<8x128xf32, #tpu.memory_space<hbm>>
        %dma_wait3A_1446 = tpu.memref_slice %arg9[%dma_wait3A_1434] : memref<2x!tpu.dma_semaphore, #tpu.memory_space<semaphore_mem>> -> memref<1x!tpu.dma_semaphore, #tpu.memory_space<semaphore_mem>>
        %dma_wait3A_1447 = tpu.memref_squeeze %dma_wait3A_1446 : memref<1x!tpu.dma_semaphore, #tpu.memory_space<semaphore_mem>> -> memref<!tpu.dma_semaphore, #tpu.memory_space<semaphore_mem>>
        %dma_wait3A_1448 = arith.constant 0 : i32
        %dma_wait3A_1449 = arith.constant 0 : i32
        %dma_wait3A_1450 = tpu.memref_slice %arg4[%select_n3A_1274, %dma_wait3A_1433, %add3A_1431, %dma_wait3A_1448, %dma_wait3A_1449] : memref<50x8x128x8x128xf32, #tpu.memory_space<hbm>> -> memref<1x1x1x8x128xf32, #tpu.memory_space<hbm>>
        %dma_wait3A_1451 = tpu.memref_squeeze %dma_wait3A_1450 : memref<1x1x1x8x128xf32, #tpu.memory_space<hbm>> -> memref<8x128xf32, #tpu.memory_space<hbm>>
        %dma_wait3A_1452 = arith.constant 0 : i32
        %dma_wait3A_1453 = arith.constant 0 : i32
        %dma_wait3A_1454 = tpu.memref_slice %arg7[%dma_wait3A_1432, %dma_wait3A_1452, %dma_wait3A_1453] : memref<2x64x129xf32, #tpu.memory_space<vmem>> -> memref<1x64x129xf32, #tpu.memory_space<vmem>>
        %dma_wait3A_1455 = tpu.memref_squeeze %dma_wait3A_1454 : memref<1x64x129xf32, #tpu.memory_space<vmem>> -> memref<64x129xf32, #tpu.memory_space<vmem>>
        %dma_wait3A_1456 = arith.constant 40 : i32
        %dma_wait3A_1457 = arith.constant 0 : i32
        %dma_wait3A_1458 = tpu.memref_slice %dma_wait3A_1455[%dma_wait3A_1456, %dma_wait3A_1457] : memref<64x129xf32, #tpu.memory_space<vmem>> -> memref<8x128xf32, #tpu.memory_space<vmem>>
        tpu.wait_dma2 semaphore(%dma_wait3A_1447 : memref<!tpu.dma_semaphore, #tpu.memory_space<semaphore_mem>>) src(%dma_wait3A_1458 : memref<8x128xf32, #tpu.memory_space<vmem>>) dst(%dma_wait3A_1451 : memref<8x128xf32, #tpu.memory_space<hbm>>)
        %add3A_1459 = arith.addi %mul3A_4, %select_n3A_1290 : i32
        %dma_wait3A_1460 = arith.constant 1 : i32
        %dma_wait3A_1461 = arith.constant 6 : i32
        %dma_wait3A_1462 = arith.constant 1 : i32
        %dma_wait3A_1463 = arith.constant 0 : i32
        %dma_wait3A_1464 = arith.constant 0 : i32
        %dma_wait3A_1465 = tpu.memref_slice %arg7[%dma_wait3A_1460, %dma_wait3A_1463, %dma_wait3A_1464] : memref<2x64x129xf32, #tpu.memory_space<vmem>> -> memref<1x64x129xf32, #tpu.memory_space<vmem>>
        %dma_wait3A_1466 = tpu.memref_squeeze %dma_wait3A_1465 : memref<1x64x129xf32, #tpu.memory_space<vmem>> -> memref<64x129xf32, #tpu.memory_space<vmem>>
        %dma_wait3A_1467 = arith.constant 48 : i32
        %dma_wait3A_1468 = arith.constant 0 : i32
        %dma_wait3A_1469 = tpu.memref_slice %dma_wait3A_1466[%dma_wait3A_1467, %dma_wait3A_1468] : memref<64x129xf32, #tpu.memory_space<vmem>> -> memref<8x128xf32, #tpu.memory_space<vmem>>
        %dma_wait3A_1470 = arith.constant 0 : i32
        %dma_wait3A_1471 = arith.constant 0 : i32
        %dma_wait3A_1472 = tpu.memref_slice %arg4[%select_n3A_1274, %dma_wait3A_1461, %add3A_1459, %dma_wait3A_1470, %dma_wait3A_1471] : memref<50x8x128x8x128xf32, #tpu.memory_space<hbm>> -> memref<1x1x1x8x128xf32, #tpu.memory_space<hbm>>
        %dma_wait3A_1473 = tpu.memref_squeeze %dma_wait3A_1472 : memref<1x1x1x8x128xf32, #tpu.memory_space<hbm>> -> memref<8x128xf32, #tpu.memory_space<hbm>>
        %dma_wait3A_1474 = tpu.memref_slice %arg9[%dma_wait3A_1462] : memref<2x!tpu.dma_semaphore, #tpu.memory_space<semaphore_mem>> -> memref<1x!tpu.dma_semaphore, #tpu.memory_space<semaphore_mem>>
        %dma_wait3A_1475 = tpu.memref_squeeze %dma_wait3A_1474 : memref<1x!tpu.dma_semaphore, #tpu.memory_space<semaphore_mem>> -> memref<!tpu.dma_semaphore, #tpu.memory_space<semaphore_mem>>
        %dma_wait3A_1476 = arith.constant 0 : i32
        %dma_wait3A_1477 = arith.constant 0 : i32
        %dma_wait3A_1478 = tpu.memref_slice %arg4[%select_n3A_1274, %dma_wait3A_1461, %add3A_1459, %dma_wait3A_1476, %dma_wait3A_1477] : memref<50x8x128x8x128xf32, #tpu.memory_space<hbm>> -> memref<1x1x1x8x128xf32, #tpu.memory_space<hbm>>
        %dma_wait3A_1479 = tpu.memref_squeeze %dma_wait3A_1478 : memref<1x1x1x8x128xf32, #tpu.memory_space<hbm>> -> memref<8x128xf32, #tpu.memory_space<hbm>>
        %dma_wait3A_1480 = arith.constant 0 : i32
        %dma_wait3A_1481 = arith.constant 0 : i32
        %dma_wait3A_1482 = tpu.memref_slice %arg7[%dma_wait3A_1460, %dma_wait3A_1480, %dma_wait3A_1481] : memref<2x64x129xf32, #tpu.memory_space<vmem>> -> memref<1x64x129xf32, #tpu.memory_space<vmem>>
        %dma_wait3A_1483 = tpu.memref_squeeze %dma_wait3A_1482 : memref<1x64x129xf32, #tpu.memory_space<vmem>> -> memref<64x129xf32, #tpu.memory_space<vmem>>
        %dma_wait3A_1484 = arith.constant 48 : i32
        %dma_wait3A_1485 = arith.constant 0 : i32
        %dma_wait3A_1486 = tpu.memref_slice %dma_wait3A_1483[%dma_wait3A_1484, %dma_wait3A_1485] : memref<64x129xf32, #tpu.memory_space<vmem>> -> memref<8x128xf32, #tpu.memory_space<vmem>>
        tpu.wait_dma2 semaphore(%dma_wait3A_1475 : memref<!tpu.dma_semaphore, #tpu.memory_space<semaphore_mem>>) src(%dma_wait3A_1486 : memref<8x128xf32, #tpu.memory_space<vmem>>) dst(%dma_wait3A_1479 : memref<8x128xf32, #tpu.memory_space<hbm>>)
        %add3A_1487 = arith.addi %mul3A_4, %select_n3A_1290 : i32
        %dma_wait3A_1488 = arith.constant 1 : i32
        %dma_wait3A_1489 = arith.constant 7 : i32
        %dma_wait3A_1490 = arith.constant 1 : i32
        %dma_wait3A_1491 = arith.constant 0 : i32
        %dma_wait3A_1492 = arith.constant 0 : i32
        %dma_wait3A_1493 = tpu.memref_slice %arg7[%dma_wait3A_1488, %dma_wait3A_1491, %dma_wait3A_1492] : memref<2x64x129xf32, #tpu.memory_space<vmem>> -> memref<1x64x129xf32, #tpu.memory_space<vmem>>
        %dma_wait3A_1494 = tpu.memref_squeeze %dma_wait3A_1493 : memref<1x64x129xf32, #tpu.memory_space<vmem>> -> memref<64x129xf32, #tpu.memory_space<vmem>>
        %dma_wait3A_1495 = arith.constant 56 : i32
        %dma_wait3A_1496 = arith.constant 0 : i32
        %dma_wait3A_1497 = tpu.memref_slice %dma_wait3A_1494[%dma_wait3A_1495, %dma_wait3A_1496] : memref<64x129xf32, #tpu.memory_space<vmem>> -> memref<8x128xf32, #tpu.memory_space<vmem>>
        %dma_wait3A_1498 = arith.constant 0 : i32
        %dma_wait3A_1499 = arith.constant 0 : i32
        %dma_wait3A_1500 = tpu.memref_slice %arg4[%select_n3A_1274, %dma_wait3A_1489, %add3A_1487, %dma_wait3A_1498, %dma_wait3A_1499] : memref<50x8x128x8x128xf32, #tpu.memory_space<hbm>> -> memref<1x1x1x8x128xf32, #tpu.memory_space<hbm>>
        %dma_wait3A_1501 = tpu.memref_squeeze %dma_wait3A_1500 : memref<1x1x1x8x128xf32, #tpu.memory_space<hbm>> -> memref<8x128xf32, #tpu.memory_space<hbm>>
        %dma_wait3A_1502 = tpu.memref_slice %arg9[%dma_wait3A_1490] : memref<2x!tpu.dma_semaphore, #tpu.memory_space<semaphore_mem>> -> memref<1x!tpu.dma_semaphore, #tpu.memory_space<semaphore_mem>>
        %dma_wait3A_1503 = tpu.memref_squeeze %dma_wait3A_1502 : memref<1x!tpu.dma_semaphore, #tpu.memory_space<semaphore_mem>> -> memref<!tpu.dma_semaphore, #tpu.memory_space<semaphore_mem>>
        %dma_wait3A_1504 = arith.constant 0 : i32
        %dma_wait3A_1505 = arith.constant 0 : i32
        %dma_wait3A_1506 = tpu.memref_slice %arg4[%select_n3A_1274, %dma_wait3A_1489, %add3A_1487, %dma_wait3A_1504, %dma_wait3A_1505] : memref<50x8x128x8x128xf32, #tpu.memory_space<hbm>> -> memref<1x1x1x8x128xf32, #tpu.memory_space<hbm>>
        %dma_wait3A_1507 = tpu.memref_squeeze %dma_wait3A_1506 : memref<1x1x1x8x128xf32, #tpu.memory_space<hbm>> -> memref<8x128xf32, #tpu.memory_space<hbm>>
        %dma_wait3A_1508 = arith.constant 0 : i32
        %dma_wait3A_1509 = arith.constant 0 : i32
        %dma_wait3A_1510 = tpu.memref_slice %arg7[%dma_wait3A_1488, %dma_wait3A_1508, %dma_wait3A_1509] : memref<2x64x129xf32, #tpu.memory_space<vmem>> -> memref<1x64x129xf32, #tpu.memory_space<vmem>>
        %dma_wait3A_1511 = tpu.memref_squeeze %dma_wait3A_1510 : memref<1x64x129xf32, #tpu.memory_space<vmem>> -> memref<64x129xf32, #tpu.memory_space<vmem>>
        %dma_wait3A_1512 = arith.constant 56 : i32
        %dma_wait3A_1513 = arith.constant 0 : i32
        %dma_wait3A_1514 = tpu.memref_slice %dma_wait3A_1511[%dma_wait3A_1512, %dma_wait3A_1513] : memref<64x129xf32, #tpu.memory_space<vmem>> -> memref<8x128xf32, #tpu.memory_space<vmem>>
        tpu.wait_dma2 semaphore(%dma_wait3A_1503 : memref<!tpu.dma_semaphore, #tpu.memory_space<semaphore_mem>>) src(%dma_wait3A_1514 : memref<8x128xf32, #tpu.memory_space<vmem>>) dst(%dma_wait3A_1507 : memref<8x128xf32, #tpu.memory_space<hbm>>)
      } else {
      }
      %iota3A_960 = tpu.iota {dimensions = array<i32: 0>} : vector<16xi32>
      %add3A_961 = arith.constant 0 : i32
      %add3A_962 = vector.broadcast %add3A_961 : i32 to vector<16xi32>
      %add3A_963 = arith.addi %iota3A_960, %add3A_962 : vector<16xi32>
      %add3A_964 = arith.constant 16 : i32
      %add3A_965 = vector.broadcast %add3A_964 : i32 to vector<16xi32>
      %add3A_966 = arith.addi %iota3A_960, %add3A_965 : vector<16xi32>
      %add3A_967 = arith.constant 32 : i32
      %add3A_968 = vector.broadcast %add3A_967 : i32 to vector<16xi32>
      %add3A_969 = arith.addi %iota3A_960, %add3A_968 : vector<16xi32>
      %add3A_970 = arith.constant 48 : i32
      %add3A_971 = vector.broadcast %add3A_970 : i32 to vector<16xi32>
      %add3A_972 = arith.addi %iota3A_960, %add3A_971 : vector<16xi32>
      %parallel_loop3A_973 = arith.constant 0 : i32
      %parallel_loop3A_974 = arith.constant 128 : i32
      %parallel_loop3A_975 = arith.constant 4 : i32
      %parallel_loop3A_976 = arith.constant 1 : i32
      %parallel_loop3A_977 = arith.constant 1 : i32
      scf.for %parallel_loop3A_1249 = %parallel_loop3A_973 to %parallel_loop3A_974 step %parallel_loop3A_975  : i32 {
        %parallel_loop3A_1250 = arith.constant 0 : i32
        %parallel_loop3A_1251 = vector.broadcast %parallel_loop3A_1250 : i32 to vector<16xi32>
        %parallel_loop3A_1252 = vector.broadcast %parallel_loop3A_1249 : i32 to vector<16xi32>
        %parallel_loop3A_1253 = arith.addi %parallel_loop3A_1251, %parallel_loop3A_1252 : vector<16xi32>
        %parallel_loop3A_1254 = arith.constant 0 : i32
        %parallel_loop3A_1255 = arith.addi %parallel_loop3A_1249, %parallel_loop3A_1254 : i32
        %parallel_loop3A_1256 = arith.constant 0 : i32
        %parallel_loop3A_1257 = vector.broadcast %parallel_loop3A_1256 : i32 to vector<16xi32>
        %parallel_loop3A_1258 = arith.addi %parallel_loop3A_1253, %parallel_loop3A_1257 : vector<16xi32>
        %parallel_loop3A_1259 = arith.constant 0 : i32
        %parallel_loop3A_1260 = arith.constant 0 : i32
        %parallel_loop3A_1261 = tpu.memref_slice %arg6[%parallel_loop3A_976, %parallel_loop3A_1259, %parallel_loop3A_1260] : memref<2x128x128xf32, #tpu.memory_space<vmem>> -> memref<1x128x128xf32, #tpu.memory_space<vmem>>
        %parallel_loop3A_1262 = tpu.memref_squeeze %parallel_loop3A_1261 : memref<1x128x128xf32, #tpu.memory_space<vmem>> -> memref<128x128xf32, #tpu.memory_space<vmem>>
        %parallel_loop3A_1263 = arith.index_cast %parallel_loop3A_1255 : i32 to index
        %parallel_loop3A_1264 = arith.constant 0 : index
        %parallel_loop3A_1265 = tpu.vector_load %parallel_loop3A_1262[%parallel_loop3A_1263, %parallel_loop3A_1264] {strides = array<i32>} : memref<128x128xf32, #tpu.memory_space<vmem>>, vector<16xf32>,
        %parallel_loop3A_1266 = arith.constant 0 : i32
        %parallel_loop3A_1267 = arith.constant 0 : i32
        %parallel_loop3A_1268 = tpu.memref_slice %arg7[%parallel_loop3A_977, %parallel_loop3A_1266, %parallel_loop3A_1267] : memref<2x64x129xf32, #tpu.memory_space<vmem>> -> memref<1x64x129xf32, #tpu.memory_space<vmem>>
        %parallel_loop3A_1269 = tpu.memref_squeeze %parallel_loop3A_1268 : memref<1x64x129xf32, #tpu.memory_space<vmem>> -> memref<64x129xf32, #tpu.memory_space<vmem>>
        tpu.vector_store_idx %parallel_loop3A_1269[%add3A_963, %parallel_loop3A_1258], %parallel_loop3A_1265 : memref<64x129xf32, #tpu.memory_space<vmem>>[vector<16xi32>, vector<16xi32>], vector<16xf32>,
        %parallel_loop3A_1270 = arith.constant 0 : i32
        %parallel_loop3A_1271 = arith.constant 0 : i32
        %parallel_loop3A_1272 = tpu.memref_slice %arg6[%parallel_loop3A_976, %parallel_loop3A_1270, %parallel_loop3A_1271] : memref<2x128x128xf32, #tpu.memory_space<vmem>> -> memref<1x128x128xf32, #tpu.memory_space<vmem>>
        %parallel_loop3A_1273 = tpu.memref_squeeze %parallel_loop3A_1272 : memref<1x128x128xf32, #tpu.memory_space<vmem>> -> memref<128x128xf32, #tpu.memory_space<vmem>>
        %parallel_loop3A_1274 = arith.index_cast %parallel_loop3A_1255 : i32 to index
        %parallel_loop3A_1275 = arith.constant 16 : index
        %parallel_loop3A_1276 = tpu.vector_load %parallel_loop3A_1273[%parallel_loop3A_1274, %parallel_loop3A_1275] {strides = array<i32>} : memref<128x128xf32, #tpu.memory_space<vmem>>, vector<16xf32>,
        %parallel_loop3A_1277 = arith.constant 0 : i32
        %parallel_loop3A_1278 = arith.constant 0 : i32
        %parallel_loop3A_1279 = tpu.memref_slice %arg7[%parallel_loop3A_977, %parallel_loop3A_1277, %parallel_loop3A_1278] : memref<2x64x129xf32, #tpu.memory_space<vmem>> -> memref<1x64x129xf32, #tpu.memory_space<vmem>>
        %parallel_loop3A_1280 = tpu.memref_squeeze %parallel_loop3A_1279 : memref<1x64x129xf32, #tpu.memory_space<vmem>> -> memref<64x129xf32, #tpu.memory_space<vmem>>
        tpu.vector_store_idx %parallel_loop3A_1280[%add3A_966, %parallel_loop3A_1258], %parallel_loop3A_1276 : memref<64x129xf32, #tpu.memory_space<vmem>>[vector<16xi32>, vector<16xi32>], vector<16xf32>,
        %parallel_loop3A_1281 = arith.constant 0 : i32
        %parallel_loop3A_1282 = arith.constant 0 : i32
        %parallel_loop3A_1283 = tpu.memref_slice %arg6[%parallel_loop3A_976, %parallel_loop3A_1281, %parallel_loop3A_1282] : memref<2x128x128xf32, #tpu.memory_space<vmem>> -> memref<1x128x128xf32, #tpu.memory_space<vmem>>
        %parallel_loop3A_1284 = tpu.memref_squeeze %parallel_loop3A_1283 : memref<1x128x128xf32, #tpu.memory_space<vmem>> -> memref<128x128xf32, #tpu.memory_space<vmem>>
        %parallel_loop3A_1285 = arith.index_cast %parallel_loop3A_1255 : i32 to index
        %parallel_loop3A_1286 = arith.constant 32 : index
        %parallel_loop3A_1287 = tpu.vector_load %parallel_loop3A_1284[%parallel_loop3A_1285, %parallel_loop3A_1286] {strides = array<i32>} : memref<128x128xf32, #tpu.memory_space<vmem>>, vector<16xf32>,
        %parallel_loop3A_1288 = arith.constant 0 : i32
        %parallel_loop3A_1289 = arith.constant 0 : i32
        %parallel_loop3A_1290 = tpu.memref_slice %arg7[%parallel_loop3A_977, %parallel_loop3A_1288, %parallel_loop3A_1289] : memref<2x64x129xf32, #tpu.memory_space<vmem>> -> memref<1x64x129xf32, #tpu.memory_space<vmem>>
        %parallel_loop3A_1291 = tpu.memref_squeeze %parallel_loop3A_1290 : memref<1x64x129xf32, #tpu.memory_space<vmem>> -> memref<64x129xf32, #tpu.memory_space<vmem>>
        tpu.vector_store_idx %parallel_loop3A_1291[%add3A_969, %parallel_loop3A_1258], %parallel_loop3A_1287 : memref<64x129xf32, #tpu.memory_space<vmem>>[vector<16xi32>, vector<16xi32>], vector<16xf32>,
        %parallel_loop3A_1292 = arith.constant 0 : i32
        %parallel_loop3A_1293 = arith.constant 0 : i32
        %parallel_loop3A_1294 = tpu.memref_slice %arg6[%parallel_loop3A_976, %parallel_loop3A_1292, %parallel_loop3A_1293] : memref<2x128x128xf32, #tpu.memory_space<vmem>> -> memref<1x128x128xf32, #tpu.memory_space<vmem>>
        %parallel_loop3A_1295 = tpu.memref_squeeze %parallel_loop3A_1294 : memref<1x128x128xf32, #tpu.memory_space<vmem>> -> memref<128x128xf32, #tpu.memory_space<vmem>>
        %parallel_loop3A_1296 = arith.index_cast %parallel_loop3A_1255 : i32 to index
        %parallel_loop3A_1297 = arith.constant 48 : index
        %parallel_loop3A_1298 = tpu.vector_load %parallel_loop3A_1295[%parallel_loop3A_1296, %parallel_loop3A_1297] {strides = array<i32>} : memref<128x128xf32, #tpu.memory_space<vmem>>, vector<16xf32>,
        %parallel_loop3A_1299 = arith.constant 0 : i32
        %parallel_loop3A_1300 = arith.constant 0 : i32
        %parallel_loop3A_1301 = tpu.memref_slice %arg7[%parallel_loop3A_977, %parallel_loop3A_1299, %parallel_loop3A_1300] : memref<2x64x129xf32, #tpu.memory_space<vmem>> -> memref<1x64x129xf32, #tpu.memory_space<vmem>>
        %parallel_loop3A_1302 = tpu.memref_squeeze %parallel_loop3A_1301 : memref<1x64x129xf32, #tpu.memory_space<vmem>> -> memref<64x129xf32, #tpu.memory_space<vmem>>
        tpu.vector_store_idx %parallel_loop3A_1302[%add3A_972, %parallel_loop3A_1258], %parallel_loop3A_1298 : memref<64x129xf32, #tpu.memory_space<vmem>>[vector<16xi32>, vector<16xi32>], vector<16xf32>,
        %parallel_loop3A_1303 = arith.constant 1 : i32
        %parallel_loop3A_1304 = arith.addi %parallel_loop3A_1249, %parallel_loop3A_1303 : i32
        %parallel_loop3A_1305 = arith.constant 1 : i32
        %parallel_loop3A_1306 = vector.broadcast %parallel_loop3A_1305 : i32 to vector<16xi32>
        %parallel_loop3A_1307 = arith.addi %parallel_loop3A_1253, %parallel_loop3A_1306 : vector<16xi32>
        %parallel_loop3A_1308 = arith.constant 0 : i32
        %parallel_loop3A_1309 = arith.constant 0 : i32
        %parallel_loop3A_1310 = tpu.memref_slice %arg6[%parallel_loop3A_976, %parallel_loop3A_1308, %parallel_loop3A_1309] : memref<2x128x128xf32, #tpu.memory_space<vmem>> -> memref<1x128x128xf32, #tpu.memory_space<vmem>>
        %parallel_loop3A_1311 = tpu.memref_squeeze %parallel_loop3A_1310 : memref<1x128x128xf32, #tpu.memory_space<vmem>> -> memref<128x128xf32, #tpu.memory_space<vmem>>
        %parallel_loop3A_1312 = arith.index_cast %parallel_loop3A_1304 : i32 to index
        %parallel_loop3A_1313 = arith.constant 0 : index
        %parallel_loop3A_1314 = tpu.vector_load %parallel_loop3A_1311[%parallel_loop3A_1312, %parallel_loop3A_1313] {strides = array<i32>} : memref<128x128xf32, #tpu.memory_space<vmem>>, vector<16xf32>,
        %parallel_loop3A_1315 = arith.constant 0 : i32
        %parallel_loop3A_1316 = arith.constant 0 : i32
        %parallel_loop3A_1317 = tpu.memref_slice %arg7[%parallel_loop3A_977, %parallel_loop3A_1315, %parallel_loop3A_1316] : memref<2x64x129xf32, #tpu.memory_space<vmem>> -> memref<1x64x129xf32, #tpu.memory_space<vmem>>
        %parallel_loop3A_1318 = tpu.memref_squeeze %parallel_loop3A_1317 : memref<1x64x129xf32, #tpu.memory_space<vmem>> -> memref<64x129xf32, #tpu.memory_space<vmem>>
        tpu.vector_store_idx %parallel_loop3A_1318[%add3A_963, %parallel_loop3A_1307], %parallel_loop3A_1314 : memref<64x129xf32, #tpu.memory_space<vmem>>[vector<16xi32>, vector<16xi32>], vector<16xf32>,
        %parallel_loop3A_1319 = arith.constant 0 : i32
        %parallel_loop3A_1320 = arith.constant 0 : i32
        %parallel_loop3A_1321 = tpu.memref_slice %arg6[%parallel_loop3A_976, %parallel_loop3A_1319, %parallel_loop3A_1320] : memref<2x128x128xf32, #tpu.memory_space<vmem>> -> memref<1x128x128xf32, #tpu.memory_space<vmem>>
        %parallel_loop3A_1322 = tpu.memref_squeeze %parallel_loop3A_1321 : memref<1x128x128xf32, #tpu.memory_space<vmem>> -> memref<128x128xf32, #tpu.memory_space<vmem>>
        %parallel_loop3A_1323 = arith.index_cast %parallel_loop3A_1304 : i32 to index
        %parallel_loop3A_1324 = arith.constant 16 : index
        %parallel_loop3A_1325 = tpu.vector_load %parallel_loop3A_1322[%parallel_loop3A_1323, %parallel_loop3A_1324] {strides = array<i32>} : memref<128x128xf32, #tpu.memory_space<vmem>>, vector<16xf32>,
        %parallel_loop3A_1326 = arith.constant 0 : i32
        %parallel_loop3A_1327 = arith.constant 0 : i32
        %parallel_loop3A_1328 = tpu.memref_slice %arg7[%parallel_loop3A_977, %parallel_loop3A_1326, %parallel_loop3A_1327] : memref<2x64x129xf32, #tpu.memory_space<vmem>> -> memref<1x64x129xf32, #tpu.memory_space<vmem>>
        %parallel_loop3A_1329 = tpu.memref_squeeze %parallel_loop3A_1328 : memref<1x64x129xf32, #tpu.memory_space<vmem>> -> memref<64x129xf32, #tpu.memory_space<vmem>>
        tpu.vector_store_idx %parallel_loop3A_1329[%add3A_966, %parallel_loop3A_1307], %parallel_loop3A_1325 : memref<64x129xf32, #tpu.memory_space<vmem>>[vector<16xi32>, vector<16xi32>], vector<16xf32>,
        %parallel_loop3A_1330 = arith.constant 0 : i32
        %parallel_loop3A_1331 = arith.constant 0 : i32
        %parallel_loop3A_1332 = tpu.memref_slice %arg6[%parallel_loop3A_976, %parallel_loop3A_1330, %parallel_loop3A_1331] : memref<2x128x128xf32, #tpu.memory_space<vmem>> -> memref<1x128x128xf32, #tpu.memory_space<vmem>>
        %parallel_loop3A_1333 = tpu.memref_squeeze %parallel_loop3A_1332 : memref<1x128x128xf32, #tpu.memory_space<vmem>> -> memref<128x128xf32, #tpu.memory_space<vmem>>
        %parallel_loop3A_1334 = arith.index_cast %parallel_loop3A_1304 : i32 to index
        %parallel_loop3A_1335 = arith.constant 32 : index
        %parallel_loop3A_1336 = tpu.vector_load %parallel_loop3A_1333[%parallel_loop3A_1334, %parallel_loop3A_1335] {strides = array<i32>} : memref<128x128xf32, #tpu.memory_space<vmem>>, vector<16xf32>,
        %parallel_loop3A_1337 = arith.constant 0 : i32
        %parallel_loop3A_1338 = arith.constant 0 : i32
        %parallel_loop3A_1339 = tpu.memref_slice %arg7[%parallel_loop3A_977, %parallel_loop3A_1337, %parallel_loop3A_1338] : memref<2x64x129xf32, #tpu.memory_space<vmem>> -> memref<1x64x129xf32, #tpu.memory_space<vmem>>
        %parallel_loop3A_1340 = tpu.memref_squeeze %parallel_loop3A_1339 : memref<1x64x129xf32, #tpu.memory_space<vmem>> -> memref<64x129xf32, #tpu.memory_space<vmem>>
        tpu.vector_store_idx %parallel_loop3A_1340[%add3A_969, %parallel_loop3A_1307], %parallel_loop3A_1336 : memref<64x129xf32, #tpu.memory_space<vmem>>[vector<16xi32>, vector<16xi32>], vector<16xf32>,
        %parallel_loop3A_1341 = arith.constant 0 : i32
        %parallel_loop3A_1342 = arith.constant 0 : i32
        %parallel_loop3A_1343 = tpu.memref_slice %arg6[%parallel_loop3A_976, %parallel_loop3A_1341, %parallel_loop3A_1342] : memref<2x128x128xf32, #tpu.memory_space<vmem>> -> memref<1x128x128xf32, #tpu.memory_space<vmem>>
        %parallel_loop3A_1344 = tpu.memref_squeeze %parallel_loop3A_1343 : memref<1x128x128xf32, #tpu.memory_space<vmem>> -> memref<128x128xf32, #tpu.memory_space<vmem>>
        %parallel_loop3A_1345 = arith.index_cast %parallel_loop3A_1304 : i32 to index
        %parallel_loop3A_1346 = arith.constant 48 : index
        %parallel_loop3A_1347 = tpu.vector_load %parallel_loop3A_1344[%parallel_loop3A_1345, %parallel_loop3A_1346] {strides = array<i32>} : memref<128x128xf32, #tpu.memory_space<vmem>>, vector<16xf32>,
        %parallel_loop3A_1348 = arith.constant 0 : i32
        %parallel_loop3A_1349 = arith.constant 0 : i32
        %parallel_loop3A_1350 = tpu.memref_slice %arg7[%parallel_loop3A_977, %parallel_loop3A_1348, %parallel_loop3A_1349] : memref<2x64x129xf32, #tpu.memory_space<vmem>> -> memref<1x64x129xf32, #tpu.memory_space<vmem>>
        %parallel_loop3A_1351 = tpu.memref_squeeze %parallel_loop3A_1350 : memref<1x64x129xf32, #tpu.memory_space<vmem>> -> memref<64x129xf32, #tpu.memory_space<vmem>>
        tpu.vector_store_idx %parallel_loop3A_1351[%add3A_972, %parallel_loop3A_1307], %parallel_loop3A_1347 : memref<64x129xf32, #tpu.memory_space<vmem>>[vector<16xi32>, vector<16xi32>], vector<16xf32>,
        %parallel_loop3A_1352 = arith.constant 2 : i32
        %parallel_loop3A_1353 = arith.addi %parallel_loop3A_1249, %parallel_loop3A_1352 : i32
        %parallel_loop3A_1354 = arith.constant 2 : i32
        %parallel_loop3A_1355 = vector.broadcast %parallel_loop3A_1354 : i32 to vector<16xi32>
        %parallel_loop3A_1356 = arith.addi %parallel_loop3A_1253, %parallel_loop3A_1355 : vector<16xi32>
        %parallel_loop3A_1357 = arith.constant 0 : i32
        %parallel_loop3A_1358 = arith.constant 0 : i32
        %parallel_loop3A_1359 = tpu.memref_slice %arg6[%parallel_loop3A_976, %parallel_loop3A_1357, %parallel_loop3A_1358] : memref<2x128x128xf32, #tpu.memory_space<vmem>> -> memref<1x128x128xf32, #tpu.memory_space<vmem>>
        %parallel_loop3A_1360 = tpu.memref_squeeze %parallel_loop3A_1359 : memref<1x128x128xf32, #tpu.memory_space<vmem>> -> memref<128x128xf32, #tpu.memory_space<vmem>>
        %parallel_loop3A_1361 = arith.index_cast %parallel_loop3A_1353 : i32 to index
        %parallel_loop3A_1362 = arith.constant 0 : index
        %parallel_loop3A_1363 = tpu.vector_load %parallel_loop3A_1360[%parallel_loop3A_1361, %parallel_loop3A_1362] {strides = array<i32>} : memref<128x128xf32, #tpu.memory_space<vmem>>, vector<16xf32>,
        %parallel_loop3A_1364 = arith.constant 0 : i32
        %parallel_loop3A_1365 = arith.constant 0 : i32
        %parallel_loop3A_1366 = tpu.memref_slice %arg7[%parallel_loop3A_977, %parallel_loop3A_1364, %parallel_loop3A_1365] : memref<2x64x129xf32, #tpu.memory_space<vmem>> -> memref<1x64x129xf32, #tpu.memory_space<vmem>>
        %parallel_loop3A_1367 = tpu.memref_squeeze %parallel_loop3A_1366 : memref<1x64x129xf32, #tpu.memory_space<vmem>> -> memref<64x129xf32, #tpu.memory_space<vmem>>
        tpu.vector_store_idx %parallel_loop3A_1367[%add3A_963, %parallel_loop3A_1356], %parallel_loop3A_1363 : memref<64x129xf32, #tpu.memory_space<vmem>>[vector<16xi32>, vector<16xi32>], vector<16xf32>,
        %parallel_loop3A_1368 = arith.constant 0 : i32
        %parallel_loop3A_1369 = arith.constant 0 : i32
        %parallel_loop3A_1370 = tpu.memref_slice %arg6[%parallel_loop3A_976, %parallel_loop3A_1368, %parallel_loop3A_1369] : memref<2x128x128xf32, #tpu.memory_space<vmem>> -> memref<1x128x128xf32, #tpu.memory_space<vmem>>
        %parallel_loop3A_1371 = tpu.memref_squeeze %parallel_loop3A_1370 : memref<1x128x128xf32, #tpu.memory_space<vmem>> -> memref<128x128xf32, #tpu.memory_space<vmem>>
        %parallel_loop3A_1372 = arith.index_cast %parallel_loop3A_1353 : i32 to index
        %parallel_loop3A_1373 = arith.constant 16 : index
        %parallel_loop3A_1374 = tpu.vector_load %parallel_loop3A_1371[%parallel_loop3A_1372, %parallel_loop3A_1373] {strides = array<i32>} : memref<128x128xf32, #tpu.memory_space<vmem>>, vector<16xf32>,
        %parallel_loop3A_1375 = arith.constant 0 : i32
        %parallel_loop3A_1376 = arith.constant 0 : i32
        %parallel_loop3A_1377 = tpu.memref_slice %arg7[%parallel_loop3A_977, %parallel_loop3A_1375, %parallel_loop3A_1376] : memref<2x64x129xf32, #tpu.memory_space<vmem>> -> memref<1x64x129xf32, #tpu.memory_space<vmem>>
        %parallel_loop3A_1378 = tpu.memref_squeeze %parallel_loop3A_1377 : memref<1x64x129xf32, #tpu.memory_space<vmem>> -> memref<64x129xf32, #tpu.memory_space<vmem>>
        tpu.vector_store_idx %parallel_loop3A_1378[%add3A_966, %parallel_loop3A_1356], %parallel_loop3A_1374 : memref<64x129xf32, #tpu.memory_space<vmem>>[vector<16xi32>, vector<16xi32>], vector<16xf32>,
        %parallel_loop3A_1379 = arith.constant 0 : i32
        %parallel_loop3A_1380 = arith.constant 0 : i32
        %parallel_loop3A_1381 = tpu.memref_slice %arg6[%parallel_loop3A_976, %parallel_loop3A_1379, %parallel_loop3A_1380] : memref<2x128x128xf32, #tpu.memory_space<vmem>> -> memref<1x128x128xf32, #tpu.memory_space<vmem>>
        %parallel_loop3A_1382 = tpu.memref_squeeze %parallel_loop3A_1381 : memref<1x128x128xf32, #tpu.memory_space<vmem>> -> memref<128x128xf32, #tpu.memory_space<vmem>>
        %parallel_loop3A_1383 = arith.index_cast %parallel_loop3A_1353 : i32 to index
        %parallel_loop3A_1384 = arith.constant 32 : index
        %parallel_loop3A_1385 = tpu.vector_load %parallel_loop3A_1382[%parallel_loop3A_1383, %parallel_loop3A_1384] {strides = array<i32>} : memref<128x128xf32, #tpu.memory_space<vmem>>, vector<16xf32>,
        %parallel_loop3A_1386 = arith.constant 0 : i32
        %parallel_loop3A_1387 = arith.constant 0 : i32
        %parallel_loop3A_1388 = tpu.memref_slice %arg7[%parallel_loop3A_977, %parallel_loop3A_1386, %parallel_loop3A_1387] : memref<2x64x129xf32, #tpu.memory_space<vmem>> -> memref<1x64x129xf32, #tpu.memory_space<vmem>>
        %parallel_loop3A_1389 = tpu.memref_squeeze %parallel_loop3A_1388 : memref<1x64x129xf32, #tpu.memory_space<vmem>> -> memref<64x129xf32, #tpu.memory_space<vmem>>
        tpu.vector_store_idx %parallel_loop3A_1389[%add3A_969, %parallel_loop3A_1356], %parallel_loop3A_1385 : memref<64x129xf32, #tpu.memory_space<vmem>>[vector<16xi32>, vector<16xi32>], vector<16xf32>,
        %parallel_loop3A_1390 = arith.constant 0 : i32
        %parallel_loop3A_1391 = arith.constant 0 : i32
        %parallel_loop3A_1392 = tpu.memref_slice %arg6[%parallel_loop3A_976, %parallel_loop3A_1390, %parallel_loop3A_1391] : memref<2x128x128xf32, #tpu.memory_space<vmem>> -> memref<1x128x128xf32, #tpu.memory_space<vmem>>
        %parallel_loop3A_1393 = tpu.memref_squeeze %parallel_loop3A_1392 : memref<1x128x128xf32, #tpu.memory_space<vmem>> -> memref<128x128xf32, #tpu.memory_space<vmem>>
        %parallel_loop3A_1394 = arith.index_cast %parallel_loop3A_1353 : i32 to index
        %parallel_loop3A_1395 = arith.constant 48 : index
        %parallel_loop3A_1396 = tpu.vector_load %parallel_loop3A_1393[%parallel_loop3A_1394, %parallel_loop3A_1395] {strides = array<i32>} : memref<128x128xf32, #tpu.memory_space<vmem>>, vector<16xf32>,
        %parallel_loop3A_1397 = arith.constant 0 : i32
        %parallel_loop3A_1398 = arith.constant 0 : i32
        %parallel_loop3A_1399 = tpu.memref_slice %arg7[%parallel_loop3A_977, %parallel_loop3A_1397, %parallel_loop3A_1398] : memref<2x64x129xf32, #tpu.memory_space<vmem>> -> memref<1x64x129xf32, #tpu.memory_space<vmem>>
        %parallel_loop3A_1400 = tpu.memref_squeeze %parallel_loop3A_1399 : memref<1x64x129xf32, #tpu.memory_space<vmem>> -> memref<64x129xf32, #tpu.memory_space<vmem>>
        tpu.vector_store_idx %parallel_loop3A_1400[%add3A_972, %parallel_loop3A_1356], %parallel_loop3A_1396 : memref<64x129xf32, #tpu.memory_space<vmem>>[vector<16xi32>, vector<16xi32>], vector<16xf32>,
        %parallel_loop3A_1401 = arith.constant 3 : i32
        %parallel_loop3A_1402 = arith.addi %parallel_loop3A_1249, %parallel_loop3A_1401 : i32
        %parallel_loop3A_1403 = arith.constant 3 : i32
        %parallel_loop3A_1404 = vector.broadcast %parallel_loop3A_1403 : i32 to vector<16xi32>
        %parallel_loop3A_1405 = arith.addi %parallel_loop3A_1253, %parallel_loop3A_1404 : vector<16xi32>
        %parallel_loop3A_1406 = arith.constant 0 : i32
        %parallel_loop3A_1407 = arith.constant 0 : i32
        %parallel_loop3A_1408 = tpu.memref_slice %arg6[%parallel_loop3A_976, %parallel_loop3A_1406, %parallel_loop3A_1407] : memref<2x128x128xf32, #tpu.memory_space<vmem>> -> memref<1x128x128xf32, #tpu.memory_space<vmem>>
        %parallel_loop3A_1409 = tpu.memref_squeeze %parallel_loop3A_1408 : memref<1x128x128xf32, #tpu.memory_space<vmem>> -> memref<128x128xf32, #tpu.memory_space<vmem>>
        %parallel_loop3A_1410 = arith.index_cast %parallel_loop3A_1402 : i32 to index
        %parallel_loop3A_1411 = arith.constant 0 : index
        %parallel_loop3A_1412 = tpu.vector_load %parallel_loop3A_1409[%parallel_loop3A_1410, %parallel_loop3A_1411] {strides = array<i32>} : memref<128x128xf32, #tpu.memory_space<vmem>>, vector<16xf32>,
        %parallel_loop3A_1413 = arith.constant 0 : i32
        %parallel_loop3A_1414 = arith.constant 0 : i32
        %parallel_loop3A_1415 = tpu.memref_slice %arg7[%parallel_loop3A_977, %parallel_loop3A_1413, %parallel_loop3A_1414] : memref<2x64x129xf32, #tpu.memory_space<vmem>> -> memref<1x64x129xf32, #tpu.memory_space<vmem>>
        %parallel_loop3A_1416 = tpu.memref_squeeze %parallel_loop3A_1415 : memref<1x64x129xf32, #tpu.memory_space<vmem>> -> memref<64x129xf32, #tpu.memory_space<vmem>>
        tpu.vector_store_idx %parallel_loop3A_1416[%add3A_963, %parallel_loop3A_1405], %parallel_loop3A_1412 : memref<64x129xf32, #tpu.memory_space<vmem>>[vector<16xi32>, vector<16xi32>], vector<16xf32>,
        %parallel_loop3A_1417 = arith.constant 0 : i32
        %parallel_loop3A_1418 = arith.constant 0 : i32
        %parallel_loop3A_1419 = tpu.memref_slice %arg6[%parallel_loop3A_976, %parallel_loop3A_1417, %parallel_loop3A_1418] : memref<2x128x128xf32, #tpu.memory_space<vmem>> -> memref<1x128x128xf32, #tpu.memory_space<vmem>>
        %parallel_loop3A_1420 = tpu.memref_squeeze %parallel_loop3A_1419 : memref<1x128x128xf32, #tpu.memory_space<vmem>> -> memref<128x128xf32, #tpu.memory_space<vmem>>
        %parallel_loop3A_1421 = arith.index_cast %parallel_loop3A_1402 : i32 to index
        %parallel_loop3A_1422 = arith.constant 16 : index
        %parallel_loop3A_1423 = tpu.vector_load %parallel_loop3A_1420[%parallel_loop3A_1421, %parallel_loop3A_1422] {strides = array<i32>} : memref<128x128xf32, #tpu.memory_space<vmem>>, vector<16xf32>,
        %parallel_loop3A_1424 = arith.constant 0 : i32
        %parallel_loop3A_1425 = arith.constant 0 : i32
        %parallel_loop3A_1426 = tpu.memref_slice %arg7[%parallel_loop3A_977, %parallel_loop3A_1424, %parallel_loop3A_1425] : memref<2x64x129xf32, #tpu.memory_space<vmem>> -> memref<1x64x129xf32, #tpu.memory_space<vmem>>
        %parallel_loop3A_1427 = tpu.memref_squeeze %parallel_loop3A_1426 : memref<1x64x129xf32, #tpu.memory_space<vmem>> -> memref<64x129xf32, #tpu.memory_space<vmem>>
        tpu.vector_store_idx %parallel_loop3A_1427[%add3A_966, %parallel_loop3A_1405], %parallel_loop3A_1423 : memref<64x129xf32, #tpu.memory_space<vmem>>[vector<16xi32>, vector<16xi32>], vector<16xf32>,
        %parallel_loop3A_1428 = arith.constant 0 : i32
        %parallel_loop3A_1429 = arith.constant 0 : i32
        %parallel_loop3A_1430 = tpu.memref_slice %arg6[%parallel_loop3A_976, %parallel_loop3A_1428, %parallel_loop3A_1429] : memref<2x128x128xf32, #tpu.memory_space<vmem>> -> memref<1x128x128xf32, #tpu.memory_space<vmem>>
        %parallel_loop3A_1431 = tpu.memref_squeeze %parallel_loop3A_1430 : memref<1x128x128xf32, #tpu.memory_space<vmem>> -> memref<128x128xf32, #tpu.memory_space<vmem>>
        %parallel_loop3A_1432 = arith.index_cast %parallel_loop3A_1402 : i32 to index
        %parallel_loop3A_1433 = arith.constant 32 : index
        %parallel_loop3A_1434 = tpu.vector_load %parallel_loop3A_1431[%parallel_loop3A_1432, %parallel_loop3A_1433] {strides = array<i32>} : memref<128x128xf32, #tpu.memory_space<vmem>>, vector<16xf32>,
        %parallel_loop3A_1435 = arith.constant 0 : i32
        %parallel_loop3A_1436 = arith.constant 0 : i32
        %parallel_loop3A_1437 = tpu.memref_slice %arg7[%parallel_loop3A_977, %parallel_loop3A_1435, %parallel_loop3A_1436] : memref<2x64x129xf32, #tpu.memory_space<vmem>> -> memref<1x64x129xf32, #tpu.memory_space<vmem>>
        %parallel_loop3A_1438 = tpu.memref_squeeze %parallel_loop3A_1437 : memref<1x64x129xf32, #tpu.memory_space<vmem>> -> memref<64x129xf32, #tpu.memory_space<vmem>>
        tpu.vector_store_idx %parallel_loop3A_1438[%add3A_969, %parallel_loop3A_1405], %parallel_loop3A_1434 : memref<64x129xf32, #tpu.memory_space<vmem>>[vector<16xi32>, vector<16xi32>], vector<16xf32>,
        %parallel_loop3A_1439 = arith.constant 0 : i32
        %parallel_loop3A_1440 = arith.constant 0 : i32
        %parallel_loop3A_1441 = tpu.memref_slice %arg6[%parallel_loop3A_976, %parallel_loop3A_1439, %parallel_loop3A_1440] : memref<2x128x128xf32, #tpu.memory_space<vmem>> -> memref<1x128x128xf32, #tpu.memory_space<vmem>>
        %parallel_loop3A_1442 = tpu.memref_squeeze %parallel_loop3A_1441 : memref<1x128x128xf32, #tpu.memory_space<vmem>> -> memref<128x128xf32, #tpu.memory_space<vmem>>
        %parallel_loop3A_1443 = arith.index_cast %parallel_loop3A_1402 : i32 to index
        %parallel_loop3A_1444 = arith.constant 48 : index
        %parallel_loop3A_1445 = tpu.vector_load %parallel_loop3A_1442[%parallel_loop3A_1443, %parallel_loop3A_1444] {strides = array<i32>} : memref<128x128xf32, #tpu.memory_space<vmem>>, vector<16xf32>,
        %parallel_loop3A_1446 = arith.constant 0 : i32
        %parallel_loop3A_1447 = arith.constant 0 : i32
        %parallel_loop3A_1448 = tpu.memref_slice %arg7[%parallel_loop3A_977, %parallel_loop3A_1446, %parallel_loop3A_1447] : memref<2x64x129xf32, #tpu.memory_space<vmem>> -> memref<1x64x129xf32, #tpu.memory_space<vmem>>
        %parallel_loop3A_1449 = tpu.memref_squeeze %parallel_loop3A_1448 : memref<1x64x129xf32, #tpu.memory_space<vmem>> -> memref<64x129xf32, #tpu.memory_space<vmem>>
        tpu.vector_store_idx %parallel_loop3A_1449[%add3A_972, %parallel_loop3A_1405], %parallel_loop3A_1445 : memref<64x129xf32, #tpu.memory_space<vmem>>[vector<16xi32>, vector<16xi32>], vector<16xf32>,
      } {sc.loop_unroll_factor = 1 : i64, sc.parallel_access}
      %add3A_978 = arith.constant 1 : i32
      %add3A_979 = arith.addi %mul3A_507, %add3A_978 : i32
      %jit3A_980 = arith.constant 4 : i32
      %div3A_981 = arith.divsi %add3A_979, %jit3A_980 : i32
      %sign3A_982 = arith.constant 0 : i32
      %sign3A_983 = arith.cmpi sgt, %add3A_979, %sign3A_982 : i32
      %sign3A_984 = arith.extui %sign3A_983 : i1 to i32
      %sign3A_985 = arith.constant 0 : i32
      %sign3A_986 = arith.cmpi slt, %add3A_979, %sign3A_985 : i32
      %sign3A_987 = arith.extui %sign3A_986 : i1 to i32
      %sign3A_988 = arith.subi %sign3A_984, %sign3A_987 : i32
      %sign3A_989 = arith.constant 0 : i32
      %sign3A_990 = arith.cmpi sgt, %jit3A_980, %sign3A_989 : i32
      %sign3A_991 = arith.extui %sign3A_990 : i1 to i32
      %sign3A_992 = arith.constant 0 : i32
      %sign3A_993 = arith.cmpi slt, %jit3A_980, %sign3A_992 : i32
      %sign3A_994 = arith.extui %sign3A_993 : i1 to i32
      %sign3A_995 = arith.subi %sign3A_991, %sign3A_994 : i32
      %ne3A_996 = arith.cmpi ne, %sign3A_988, %sign3A_995 : i32
      %rem3A_997 = arith.remsi %add3A_979, %jit3A_980 : i32
      %ne3A_998 = arith.constant 0 : i32
      %ne3A_999 = arith.cmpi ne, %rem3A_997, %ne3A_998 : i32
      %and3A_1000 = arith.andi %ne3A_996, %ne3A_999 : i1
      %sub3A_1001 = arith.constant 1 : i32
      %sub3A_1002 = arith.subi %div3A_981, %sub3A_1001 : i32
      %select_n3A_1003 = arith.select %and3A_1000, %sub3A_1002, %div3A_981 : i32
      %jit3A_1004 = arith.constant 4 : i32
      %eq3A_1005 = arith.constant 0 : i32
      %eq3A_1006 = arith.cmpi eq, %jit3A_1004, %eq3A_1005 : i32
      %jit3A_1007 = arith.constant 1 : i32
      %select_n3A_1008 = arith.select %eq3A_1006, %jit3A_1007, %jit3A_1004 : i32
      %rem3A_1009 = arith.remsi %add3A_979, %select_n3A_1008 : i32
      %ne3A_1010 = arith.constant 0 : i32
      %ne3A_1011 = arith.cmpi ne, %rem3A_1009, %ne3A_1010 : i32
      %lt3A_1012 = arith.constant 0 : i32
      %lt3A_1013 = arith.cmpi slt, %rem3A_1009, %lt3A_1012 : i32
      %lt3A_1014 = arith.constant 0 : i32
      %lt3A_1015 = arith.cmpi slt, %select_n3A_1008, %lt3A_1014 : i32
      %ne3A_1016 = arith.xori %lt3A_1013, %lt3A_1015 : i1
      %and3A_1017 = arith.andi %ne3A_1016, %ne3A_1011 : i1
      %add3A_1018 = arith.addi %rem3A_1009, %select_n3A_1008 : i32
      %select_n3A_1019 = arith.select %and3A_1017, %add3A_1018, %rem3A_1009 : i32
      %add3A_1020 = arith.addi %mul3A_4, %select_n3A_1019 : i32
      %dma_start3A_1021 = arith.constant 1 : i32
      %dma_start3A_1022 = arith.constant 0 : i32
      %dma_start3A_1023 = arith.constant 1 : i32
      %dma_start3A_1024 = arith.constant 0 : i32
      %dma_start3A_1025 = arith.constant 0 : i32
      %dma_start3A_1026 = tpu.memref_slice %arg7[%dma_start3A_1021, %dma_start3A_1024, %dma_start3A_1025] : memref<2x64x129xf32, #tpu.memory_space<vmem>> -> memref<1x64x129xf32, #tpu.memory_space<vmem>>
      %dma_start3A_1027 = tpu.memref_squeeze %dma_start3A_1026 : memref<1x64x129xf32, #tpu.memory_space<vmem>> -> memref<64x129xf32, #tpu.memory_space<vmem>>
      %dma_start3A_1028 = arith.constant 0 : i32
      %dma_start3A_1029 = arith.constant 0 : i32
      %dma_start3A_1030 = tpu.memref_slice %dma_start3A_1027[%dma_start3A_1028, %dma_start3A_1029] : memref<64x129xf32, #tpu.memory_space<vmem>> -> memref<8x128xf32, #tpu.memory_space<vmem>>
      %dma_start3A_1031 = arith.constant 0 : i32
      %dma_start3A_1032 = arith.constant 0 : i32
      %dma_start3A_1033 = tpu.memref_slice %arg4[%select_n3A_1003, %dma_start3A_1022, %add3A_1020, %dma_start3A_1031, %dma_start3A_1032] : memref<50x8x128x8x128xf32, #tpu.memory_space<hbm>> -> memref<1x1x1x8x128xf32, #tpu.memory_space<hbm>>
      %dma_start3A_1034 = tpu.memref_squeeze %dma_start3A_1033 : memref<1x1x1x8x128xf32, #tpu.memory_space<hbm>> -> memref<8x128xf32, #tpu.memory_space<hbm>>
      %dma_start3A_1035 = tpu.memref_slice %arg9[%dma_start3A_1023] : memref<2x!tpu.dma_semaphore, #tpu.memory_space<semaphore_mem>> -> memref<1x!tpu.dma_semaphore, #tpu.memory_space<semaphore_mem>>
      %dma_start3A_1036 = tpu.memref_squeeze %dma_start3A_1035 : memref<1x!tpu.dma_semaphore, #tpu.memory_space<semaphore_mem>> -> memref<!tpu.dma_semaphore, #tpu.memory_space<semaphore_mem>>
      %dma_start3A_1037 = arith.constant 0 : i32
      %dma_start3A_1038 = arith.constant 0 : i32
      %dma_start3A_1039 = tpu.memref_slice %arg4[%select_n3A_1003, %dma_start3A_1022, %add3A_1020, %dma_start3A_1037, %dma_start3A_1038] : memref<50x8x128x8x128xf32, #tpu.memory_space<hbm>> -> memref<1x1x1x8x128xf32, #tpu.memory_space<hbm>>
      %dma_start3A_1040 = tpu.memref_squeeze %dma_start3A_1039 : memref<1x1x1x8x128xf32, #tpu.memory_space<hbm>> -> memref<8x128xf32, #tpu.memory_space<hbm>>
      %dma_start3A_1041 = arith.constant 0 : i32
      %dma_start3A_1042 = arith.constant 0 : i32
      %dma_start3A_1043 = tpu.memref_slice %arg7[%dma_start3A_1021, %dma_start3A_1041, %dma_start3A_1042] : memref<2x64x129xf32, #tpu.memory_space<vmem>> -> memref<1x64x129xf32, #tpu.memory_space<vmem>>
      %dma_start3A_1044 = tpu.memref_squeeze %dma_start3A_1043 : memref<1x64x129xf32, #tpu.memory_space<vmem>> -> memref<64x129xf32, #tpu.memory_space<vmem>>
      %dma_start3A_1045 = arith.constant 0 : i32
      %dma_start3A_1046 = arith.constant 0 : i32
      %dma_start3A_1047 = tpu.memref_slice %dma_start3A_1044[%dma_start3A_1045, %dma_start3A_1046] : memref<64x129xf32, #tpu.memory_space<vmem>> -> memref<8x128xf32, #tpu.memory_space<vmem>>
      tpu.enqueue_dma source(%dma_start3A_1047 : memref<8x128xf32, #tpu.memory_space<vmem>>) target(%dma_start3A_1040 : memref<8x128xf32, #tpu.memory_space<hbm>>) target_semaphore(%dma_start3A_1036 : memref<!tpu.dma_semaphore, #tpu.memory_space<semaphore_mem>>)
      %add3A_1048 = arith.addi %mul3A_4, %select_n3A_1019 : i32
      %dma_start3A_1049 = arith.constant 1 : i32
      %dma_start3A_1050 = arith.constant 1 : i32
      %dma_start3A_1051 = arith.constant 1 : i32
      %dma_start3A_1052 = arith.constant 0 : i32
      %dma_start3A_1053 = arith.constant 0 : i32
      %dma_start3A_1054 = tpu.memref_slice %arg7[%dma_start3A_1049, %dma_start3A_1052, %dma_start3A_1053] : memref<2x64x129xf32, #tpu.memory_space<vmem>> -> memref<1x64x129xf32, #tpu.memory_space<vmem>>
      %dma_start3A_1055 = tpu.memref_squeeze %dma_start3A_1054 : memref<1x64x129xf32, #tpu.memory_space<vmem>> -> memref<64x129xf32, #tpu.memory_space<vmem>>
      %dma_start3A_1056 = arith.constant 8 : i32
      %dma_start3A_1057 = arith.constant 0 : i32
      %dma_start3A_1058 = tpu.memref_slice %dma_start3A_1055[%dma_start3A_1056, %dma_start3A_1057] : memref<64x129xf32, #tpu.memory_space<vmem>> -> memref<8x128xf32, #tpu.memory_space<vmem>>
      %dma_start3A_1059 = arith.constant 0 : i32
      %dma_start3A_1060 = arith.constant 0 : i32
      %dma_start3A_1061 = tpu.memref_slice %arg4[%select_n3A_1003, %dma_start3A_1050, %add3A_1048, %dma_start3A_1059, %dma_start3A_1060] : memref<50x8x128x8x128xf32, #tpu.memory_space<hbm>> -> memref<1x1x1x8x128xf32, #tpu.memory_space<hbm>>
      %dma_start3A_1062 = tpu.memref_squeeze %dma_start3A_1061 : memref<1x1x1x8x128xf32, #tpu.memory_space<hbm>> -> memref<8x128xf32, #tpu.memory_space<hbm>>
      %dma_start3A_1063 = tpu.memref_slice %arg9[%dma_start3A_1051] : memref<2x!tpu.dma_semaphore, #tpu.memory_space<semaphore_mem>> -> memref<1x!tpu.dma_semaphore, #tpu.memory_space<semaphore_mem>>
      %dma_start3A_1064 = tpu.memref_squeeze %dma_start3A_1063 : memref<1x!tpu.dma_semaphore, #tpu.memory_space<semaphore_mem>> -> memref<!tpu.dma_semaphore, #tpu.memory_space<semaphore_mem>>
      %dma_start3A_1065 = arith.constant 0 : i32
      %dma_start3A_1066 = arith.constant 0 : i32
      %dma_start3A_1067 = tpu.memref_slice %arg4[%select_n3A_1003, %dma_start3A_1050, %add3A_1048, %dma_start3A_1065, %dma_start3A_1066] : memref<50x8x128x8x128xf32, #tpu.memory_space<hbm>> -> memref<1x1x1x8x128xf32, #tpu.memory_space<hbm>>
      %dma_start3A_1068 = tpu.memref_squeeze %dma_start3A_1067 : memref<1x1x1x8x128xf32, #tpu.memory_space<hbm>> -> memref<8x128xf32, #tpu.memory_space<hbm>>
      %dma_start3A_1069 = arith.constant 0 : i32
      %dma_start3A_1070 = arith.constant 0 : i32
      %dma_start3A_1071 = tpu.memref_slice %arg7[%dma_start3A_1049, %dma_start3A_1069, %dma_start3A_1070] : memref<2x64x129xf32, #tpu.memory_space<vmem>> -> memref<1x64x129xf32, #tpu.memory_space<vmem>>
      %dma_start3A_1072 = tpu.memref_squeeze %dma_start3A_1071 : memref<1x64x129xf32, #tpu.memory_space<vmem>> -> memref<64x129xf32, #tpu.memory_space<vmem>>
      %dma_start3A_1073 = arith.constant 8 : i32
      %dma_start3A_1074 = arith.constant 0 : i32
      %dma_start3A_1075 = tpu.memref_slice %dma_start3A_1072[%dma_start3A_1073, %dma_start3A_1074] : memref<64x129xf32, #tpu.memory_space<vmem>> -> memref<8x128xf32, #tpu.memory_space<vmem>>
      tpu.enqueue_dma source(%dma_start3A_1075 : memref<8x128xf32, #tpu.memory_space<vmem>>) target(%dma_start3A_1068 : memref<8x128xf32, #tpu.memory_space<hbm>>) target_semaphore(%dma_start3A_1064 : memref<!tpu.dma_semaphore, #tpu.memory_space<semaphore_mem>>)
      %add3A_1076 = arith.addi %mul3A_4, %select_n3A_1019 : i32
      %dma_start3A_1077 = arith.constant 1 : i32
      %dma_start3A_1078 = arith.constant 2 : i32
      %dma_start3A_1079 = arith.constant 1 : i32
      %dma_start3A_1080 = arith.constant 0 : i32
      %dma_start3A_1081 = arith.constant 0 : i32
      %dma_start3A_1082 = tpu.memref_slice %arg7[%dma_start3A_1077, %dma_start3A_1080, %dma_start3A_1081] : memref<2x64x129xf32, #tpu.memory_space<vmem>> -> memref<1x64x129xf32, #tpu.memory_space<vmem>>
      %dma_start3A_1083 = tpu.memref_squeeze %dma_start3A_1082 : memref<1x64x129xf32, #tpu.memory_space<vmem>> -> memref<64x129xf32, #tpu.memory_space<vmem>>
      %dma_start3A_1084 = arith.constant 16 : i32
      %dma_start3A_1085 = arith.constant 0 : i32
      %dma_start3A_1086 = tpu.memref_slice %dma_start3A_1083[%dma_start3A_1084, %dma_start3A_1085] : memref<64x129xf32, #tpu.memory_space<vmem>> -> memref<8x128xf32, #tpu.memory_space<vmem>>
      %dma_start3A_1087 = arith.constant 0 : i32
      %dma_start3A_1088 = arith.constant 0 : i32
      %dma_start3A_1089 = tpu.memref_slice %arg4[%select_n3A_1003, %dma_start3A_1078, %add3A_1076, %dma_start3A_1087, %dma_start3A_1088] : memref<50x8x128x8x128xf32, #tpu.memory_space<hbm>> -> memref<1x1x1x8x128xf32, #tpu.memory_space<hbm>>
      %dma_start3A_1090 = tpu.memref_squeeze %dma_start3A_1089 : memref<1x1x1x8x128xf32, #tpu.memory_space<hbm>> -> memref<8x128xf32, #tpu.memory_space<hbm>>
      %dma_start3A_1091 = tpu.memref_slice %arg9[%dma_start3A_1079] : memref<2x!tpu.dma_semaphore, #tpu.memory_space<semaphore_mem>> -> memref<1x!tpu.dma_semaphore, #tpu.memory_space<semaphore_mem>>
      %dma_start3A_1092 = tpu.memref_squeeze %dma_start3A_1091 : memref<1x!tpu.dma_semaphore, #tpu.memory_space<semaphore_mem>> -> memref<!tpu.dma_semaphore, #tpu.memory_space<semaphore_mem>>
      %dma_start3A_1093 = arith.constant 0 : i32
      %dma_start3A_1094 = arith.constant 0 : i32
      %dma_start3A_1095 = tpu.memref_slice %arg4[%select_n3A_1003, %dma_start3A_1078, %add3A_1076, %dma_start3A_1093, %dma_start3A_1094] : memref<50x8x128x8x128xf32, #tpu.memory_space<hbm>> -> memref<1x1x1x8x128xf32, #tpu.memory_space<hbm>>
      %dma_start3A_1096 = tpu.memref_squeeze %dma_start3A_1095 : memref<1x1x1x8x128xf32, #tpu.memory_space<hbm>> -> memref<8x128xf32, #tpu.memory_space<hbm>>
      %dma_start3A_1097 = arith.constant 0 : i32
      %dma_start3A_1098 = arith.constant 0 : i32
      %dma_start3A_1099 = tpu.memref_slice %arg7[%dma_start3A_1077, %dma_start3A_1097, %dma_start3A_1098] : memref<2x64x129xf32, #tpu.memory_space<vmem>> -> memref<1x64x129xf32, #tpu.memory_space<vmem>>
      %dma_start3A_1100 = tpu.memref_squeeze %dma_start3A_1099 : memref<1x64x129xf32, #tpu.memory_space<vmem>> -> memref<64x129xf32, #tpu.memory_space<vmem>>
      %dma_start3A_1101 = arith.constant 16 : i32
      %dma_start3A_1102 = arith.constant 0 : i32
      %dma_start3A_1103 = tpu.memref_slice %dma_start3A_1100[%dma_start3A_1101, %dma_start3A_1102] : memref<64x129xf32, #tpu.memory_space<vmem>> -> memref<8x128xf32, #tpu.memory_space<vmem>>
      tpu.enqueue_dma source(%dma_start3A_1103 : memref<8x128xf32, #tpu.memory_space<vmem>>) target(%dma_start3A_1096 : memref<8x128xf32, #tpu.memory_space<hbm>>) target_semaphore(%dma_start3A_1092 : memref<!tpu.dma_semaphore, #tpu.memory_space<semaphore_mem>>)
      %add3A_1104 = arith.addi %mul3A_4, %select_n3A_1019 : i32
      %dma_start3A_1105 = arith.constant 1 : i32
      %dma_start3A_1106 = arith.constant 3 : i32
      %dma_start3A_1107 = arith.constant 1 : i32
      %dma_start3A_1108 = arith.constant 0 : i32
      %dma_start3A_1109 = arith.constant 0 : i32
      %dma_start3A_1110 = tpu.memref_slice %arg7[%dma_start3A_1105, %dma_start3A_1108, %dma_start3A_1109] : memref<2x64x129xf32, #tpu.memory_space<vmem>> -> memref<1x64x129xf32, #tpu.memory_space<vmem>>
      %dma_start3A_1111 = tpu.memref_squeeze %dma_start3A_1110 : memref<1x64x129xf32, #tpu.memory_space<vmem>> -> memref<64x129xf32, #tpu.memory_space<vmem>>
      %dma_start3A_1112 = arith.constant 24 : i32
      %dma_start3A_1113 = arith.constant 0 : i32
      %dma_start3A_1114 = tpu.memref_slice %dma_start3A_1111[%dma_start3A_1112, %dma_start3A_1113] : memref<64x129xf32, #tpu.memory_space<vmem>> -> memref<8x128xf32, #tpu.memory_space<vmem>>
      %dma_start3A_1115 = arith.constant 0 : i32
      %dma_start3A_1116 = arith.constant 0 : i32
      %dma_start3A_1117 = tpu.memref_slice %arg4[%select_n3A_1003, %dma_start3A_1106, %add3A_1104, %dma_start3A_1115, %dma_start3A_1116] : memref<50x8x128x8x128xf32, #tpu.memory_space<hbm>> -> memref<1x1x1x8x128xf32, #tpu.memory_space<hbm>>
      %dma_start3A_1118 = tpu.memref_squeeze %dma_start3A_1117 : memref<1x1x1x8x128xf32, #tpu.memory_space<hbm>> -> memref<8x128xf32, #tpu.memory_space<hbm>>
      %dma_start3A_1119 = tpu.memref_slice %arg9[%dma_start3A_1107] : memref<2x!tpu.dma_semaphore, #tpu.memory_space<semaphore_mem>> -> memref<1x!tpu.dma_semaphore, #tpu.memory_space<semaphore_mem>>
      %dma_start3A_1120 = tpu.memref_squeeze %dma_start3A_1119 : memref<1x!tpu.dma_semaphore, #tpu.memory_space<semaphore_mem>> -> memref<!tpu.dma_semaphore, #tpu.memory_space<semaphore_mem>>
      %dma_start3A_1121 = arith.constant 0 : i32
      %dma_start3A_1122 = arith.constant 0 : i32
      %dma_start3A_1123 = tpu.memref_slice %arg4[%select_n3A_1003, %dma_start3A_1106, %add3A_1104, %dma_start3A_1121, %dma_start3A_1122] : memref<50x8x128x8x128xf32, #tpu.memory_space<hbm>> -> memref<1x1x1x8x128xf32, #tpu.memory_space<hbm>>
      %dma_start3A_1124 = tpu.memref_squeeze %dma_start3A_1123 : memref<1x1x1x8x128xf32, #tpu.memory_space<hbm>> -> memref<8x128xf32, #tpu.memory_space<hbm>>
      %dma_start3A_1125 = arith.constant 0 : i32
      %dma_start3A_1126 = arith.constant 0 : i32
      %dma_start3A_1127 = tpu.memref_slice %arg7[%dma_start3A_1105, %dma_start3A_1125, %dma_start3A_1126] : memref<2x64x129xf32, #tpu.memory_space<vmem>> -> memref<1x64x129xf32, #tpu.memory_space<vmem>>
      %dma_start3A_1128 = tpu.memref_squeeze %dma_start3A_1127 : memref<1x64x129xf32, #tpu.memory_space<vmem>> -> memref<64x129xf32, #tpu.memory_space<vmem>>
      %dma_start3A_1129 = arith.constant 24 : i32
      %dma_start3A_1130 = arith.constant 0 : i32
      %dma_start3A_1131 = tpu.memref_slice %dma_start3A_1128[%dma_start3A_1129, %dma_start3A_1130] : memref<64x129xf32, #tpu.memory_space<vmem>> -> memref<8x128xf32, #tpu.memory_space<vmem>>
      tpu.enqueue_dma source(%dma_start3A_1131 : memref<8x128xf32, #tpu.memory_space<vmem>>) target(%dma_start3A_1124 : memref<8x128xf32, #tpu.memory_space<hbm>>) target_semaphore(%dma_start3A_1120 : memref<!tpu.dma_semaphore, #tpu.memory_space<semaphore_mem>>)
      %add3A_1132 = arith.addi %mul3A_4, %select_n3A_1019 : i32
      %dma_start3A_1133 = arith.constant 1 : i32
      %dma_start3A_1134 = arith.constant 4 : i32
      %dma_start3A_1135 = arith.constant 1 : i32
      %dma_start3A_1136 = arith.constant 0 : i32
      %dma_start3A_1137 = arith.constant 0 : i32
      %dma_start3A_1138 = tpu.memref_slice %arg7[%dma_start3A_1133, %dma_start3A_1136, %dma_start3A_1137] : memref<2x64x129xf32, #tpu.memory_space<vmem>> -> memref<1x64x129xf32, #tpu.memory_space<vmem>>
      %dma_start3A_1139 = tpu.memref_squeeze %dma_start3A_1138 : memref<1x64x129xf32, #tpu.memory_space<vmem>> -> memref<64x129xf32, #tpu.memory_space<vmem>>
      %dma_start3A_1140 = arith.constant 32 : i32
      %dma_start3A_1141 = arith.constant 0 : i32
      %dma_start3A_1142 = tpu.memref_slice %dma_start3A_1139[%dma_start3A_1140, %dma_start3A_1141] : memref<64x129xf32, #tpu.memory_space<vmem>> -> memref<8x128xf32, #tpu.memory_space<vmem>>
      %dma_start3A_1143 = arith.constant 0 : i32
      %dma_start3A_1144 = arith.constant 0 : i32
      %dma_start3A_1145 = tpu.memref_slice %arg4[%select_n3A_1003, %dma_start3A_1134, %add3A_1132, %dma_start3A_1143, %dma_start3A_1144] : memref<50x8x128x8x128xf32, #tpu.memory_space<hbm>> -> memref<1x1x1x8x128xf32, #tpu.memory_space<hbm>>
      %dma_start3A_1146 = tpu.memref_squeeze %dma_start3A_1145 : memref<1x1x1x8x128xf32, #tpu.memory_space<hbm>> -> memref<8x128xf32, #tpu.memory_space<hbm>>
      %dma_start3A_1147 = tpu.memref_slice %arg9[%dma_start3A_1135] : memref<2x!tpu.dma_semaphore, #tpu.memory_space<semaphore_mem>> -> memref<1x!tpu.dma_semaphore, #tpu.memory_space<semaphore_mem>>
      %dma_start3A_1148 = tpu.memref_squeeze %dma_start3A_1147 : memref<1x!tpu.dma_semaphore, #tpu.memory_space<semaphore_mem>> -> memref<!tpu.dma_semaphore, #tpu.memory_space<semaphore_mem>>
      %dma_start3A_1149 = arith.constant 0 : i32
      %dma_start3A_1150 = arith.constant 0 : i32
      %dma_start3A_1151 = tpu.memref_slice %arg4[%select_n3A_1003, %dma_start3A_1134, %add3A_1132, %dma_start3A_1149, %dma_start3A_1150] : memref<50x8x128x8x128xf32, #tpu.memory_space<hbm>> -> memref<1x1x1x8x128xf32, #tpu.memory_space<hbm>>
      %dma_start3A_1152 = tpu.memref_squeeze %dma_start3A_1151 : memref<1x1x1x8x128xf32, #tpu.memory_space<hbm>> -> memref<8x128xf32, #tpu.memory_space<hbm>>
      %dma_start3A_1153 = arith.constant 0 : i32
      %dma_start3A_1154 = arith.constant 0 : i32
      %dma_start3A_1155 = tpu.memref_slice %arg7[%dma_start3A_1133, %dma_start3A_1153, %dma_start3A_1154] : memref<2x64x129xf32, #tpu.memory_space<vmem>> -> memref<1x64x129xf32, #tpu.memory_space<vmem>>
      %dma_start3A_1156 = tpu.memref_squeeze %dma_start3A_1155 : memref<1x64x129xf32, #tpu.memory_space<vmem>> -> memref<64x129xf32, #tpu.memory_space<vmem>>
      %dma_start3A_1157 = arith.constant 32 : i32
      %dma_start3A_1158 = arith.constant 0 : i32
      %dma_start3A_1159 = tpu.memref_slice %dma_start3A_1156[%dma_start3A_1157, %dma_start3A_1158] : memref<64x129xf32, #tpu.memory_space<vmem>> -> memref<8x128xf32, #tpu.memory_space<vmem>>
      tpu.enqueue_dma source(%dma_start3A_1159 : memref<8x128xf32, #tpu.memory_space<vmem>>) target(%dma_start3A_1152 : memref<8x128xf32, #tpu.memory_space<hbm>>) target_semaphore(%dma_start3A_1148 : memref<!tpu.dma_semaphore, #tpu.memory_space<semaphore_mem>>)
      %add3A_1160 = arith.addi %mul3A_4, %select_n3A_1019 : i32
      %dma_start3A_1161 = arith.constant 1 : i32
      %dma_start3A_1162 = arith.constant 5 : i32
      %dma_start3A_1163 = arith.constant 1 : i32
      %dma_start3A_1164 = arith.constant 0 : i32
      %dma_start3A_1165 = arith.constant 0 : i32
      %dma_start3A_1166 = tpu.memref_slice %arg7[%dma_start3A_1161, %dma_start3A_1164, %dma_start3A_1165] : memref<2x64x129xf32, #tpu.memory_space<vmem>> -> memref<1x64x129xf32, #tpu.memory_space<vmem>>
      %dma_start3A_1167 = tpu.memref_squeeze %dma_start3A_1166 : memref<1x64x129xf32, #tpu.memory_space<vmem>> -> memref<64x129xf32, #tpu.memory_space<vmem>>
      %dma_start3A_1168 = arith.constant 40 : i32
      %dma_start3A_1169 = arith.constant 0 : i32
      %dma_start3A_1170 = tpu.memref_slice %dma_start3A_1167[%dma_start3A_1168, %dma_start3A_1169] : memref<64x129xf32, #tpu.memory_space<vmem>> -> memref<8x128xf32, #tpu.memory_space<vmem>>
      %dma_start3A_1171 = arith.constant 0 : i32
      %dma_start3A_1172 = arith.constant 0 : i32
      %dma_start3A_1173 = tpu.memref_slice %arg4[%select_n3A_1003, %dma_start3A_1162, %add3A_1160, %dma_start3A_1171, %dma_start3A_1172] : memref<50x8x128x8x128xf32, #tpu.memory_space<hbm>> -> memref<1x1x1x8x128xf32, #tpu.memory_space<hbm>>
      %dma_start3A_1174 = tpu.memref_squeeze %dma_start3A_1173 : memref<1x1x1x8x128xf32, #tpu.memory_space<hbm>> -> memref<8x128xf32, #tpu.memory_space<hbm>>
      %dma_start3A_1175 = tpu.memref_slice %arg9[%dma_start3A_1163] : memref<2x!tpu.dma_semaphore, #tpu.memory_space<semaphore_mem>> -> memref<1x!tpu.dma_semaphore, #tpu.memory_space<semaphore_mem>>
      %dma_start3A_1176 = tpu.memref_squeeze %dma_start3A_1175 : memref<1x!tpu.dma_semaphore, #tpu.memory_space<semaphore_mem>> -> memref<!tpu.dma_semaphore, #tpu.memory_space<semaphore_mem>>
      %dma_start3A_1177 = arith.constant 0 : i32
      %dma_start3A_1178 = arith.constant 0 : i32
      %dma_start3A_1179 = tpu.memref_slice %arg4[%select_n3A_1003, %dma_start3A_1162, %add3A_1160, %dma_start3A_1177, %dma_start3A_1178] : memref<50x8x128x8x128xf32, #tpu.memory_space<hbm>> -> memref<1x1x1x8x128xf32, #tpu.memory_space<hbm>>
      %dma_start3A_1180 = tpu.memref_squeeze %dma_start3A_1179 : memref<1x1x1x8x128xf32, #tpu.memory_space<hbm>> -> memref<8x128xf32, #tpu.memory_space<hbm>>
      %dma_start3A_1181 = arith.constant 0 : i32
      %dma_start3A_1182 = arith.constant 0 : i32
      %dma_start3A_1183 = tpu.memref_slice %arg7[%dma_start3A_1161, %dma_start3A_1181, %dma_start3A_1182] : memref<2x64x129xf32, #tpu.memory_space<vmem>> -> memref<1x64x129xf32, #tpu.memory_space<vmem>>
      %dma_start3A_1184 = tpu.memref_squeeze %dma_start3A_1183 : memref<1x64x129xf32, #tpu.memory_space<vmem>> -> memref<64x129xf32, #tpu.memory_space<vmem>>
      %dma_start3A_1185 = arith.constant 40 : i32
      %dma_start3A_1186 = arith.constant 0 : i32
      %dma_start3A_1187 = tpu.memref_slice %dma_start3A_1184[%dma_start3A_1185, %dma_start3A_1186] : memref<64x129xf32, #tpu.memory_space<vmem>> -> memref<8x128xf32, #tpu.memory_space<vmem>>
      tpu.enqueue_dma source(%dma_start3A_1187 : memref<8x128xf32, #tpu.memory_space<vmem>>) target(%dma_start3A_1180 : memref<8x128xf32, #tpu.memory_space<hbm>>) target_semaphore(%dma_start3A_1176 : memref<!tpu.dma_semaphore, #tpu.memory_space<semaphore_mem>>)
      %add3A_1188 = arith.addi %mul3A_4, %select_n3A_1019 : i32
      %dma_start3A_1189 = arith.constant 1 : i32
      %dma_start3A_1190 = arith.constant 6 : i32
      %dma_start3A_1191 = arith.constant 1 : i32
      %dma_start3A_1192 = arith.constant 0 : i32
      %dma_start3A_1193 = arith.constant 0 : i32
      %dma_start3A_1194 = tpu.memref_slice %arg7[%dma_start3A_1189, %dma_start3A_1192, %dma_start3A_1193] : memref<2x64x129xf32, #tpu.memory_space<vmem>> -> memref<1x64x129xf32, #tpu.memory_space<vmem>>
      %dma_start3A_1195 = tpu.memref_squeeze %dma_start3A_1194 : memref<1x64x129xf32, #tpu.memory_space<vmem>> -> memref<64x129xf32, #tpu.memory_space<vmem>>
      %dma_start3A_1196 = arith.constant 48 : i32
      %dma_start3A_1197 = arith.constant 0 : i32
      %dma_start3A_1198 = tpu.memref_slice %dma_start3A_1195[%dma_start3A_1196, %dma_start3A_1197] : memref<64x129xf32, #tpu.memory_space<vmem>> -> memref<8x128xf32, #tpu.memory_space<vmem>>
      %dma_start3A_1199 = arith.constant 0 : i32
      %dma_start3A_1200 = arith.constant 0 : i32
      %dma_start3A_1201 = tpu.memref_slice %arg4[%select_n3A_1003, %dma_start3A_1190, %add3A_1188, %dma_start3A_1199, %dma_start3A_1200] : memref<50x8x128x8x128xf32, #tpu.memory_space<hbm>> -> memref<1x1x1x8x128xf32, #tpu.memory_space<hbm>>
      %dma_start3A_1202 = tpu.memref_squeeze %dma_start3A_1201 : memref<1x1x1x8x128xf32, #tpu.memory_space<hbm>> -> memref<8x128xf32, #tpu.memory_space<hbm>>
      %dma_start3A_1203 = tpu.memref_slice %arg9[%dma_start3A_1191] : memref<2x!tpu.dma_semaphore, #tpu.memory_space<semaphore_mem>> -> memref<1x!tpu.dma_semaphore, #tpu.memory_space<semaphore_mem>>
      %dma_start3A_1204 = tpu.memref_squeeze %dma_start3A_1203 : memref<1x!tpu.dma_semaphore, #tpu.memory_space<semaphore_mem>> -> memref<!tpu.dma_semaphore, #tpu.memory_space<semaphore_mem>>
      %dma_start3A_1205 = arith.constant 0 : i32
      %dma_start3A_1206 = arith.constant 0 : i32
      %dma_start3A_1207 = tpu.memref_slice %arg4[%select_n3A_1003, %dma_start3A_1190, %add3A_1188, %dma_start3A_1205, %dma_start3A_1206] : memref<50x8x128x8x128xf32, #tpu.memory_space<hbm>> -> memref<1x1x1x8x128xf32, #tpu.memory_space<hbm>>
      %dma_start3A_1208 = tpu.memref_squeeze %dma_start3A_1207 : memref<1x1x1x8x128xf32, #tpu.memory_space<hbm>> -> memref<8x128xf32, #tpu.memory_space<hbm>>
      %dma_start3A_1209 = arith.constant 0 : i32
      %dma_start3A_1210 = arith.constant 0 : i32
      %dma_start3A_1211 = tpu.memref_slice %arg7[%dma_start3A_1189, %dma_start3A_1209, %dma_start3A_1210] : memref<2x64x129xf32, #tpu.memory_space<vmem>> -> memref<1x64x129xf32, #tpu.memory_space<vmem>>
      %dma_start3A_1212 = tpu.memref_squeeze %dma_start3A_1211 : memref<1x64x129xf32, #tpu.memory_space<vmem>> -> memref<64x129xf32, #tpu.memory_space<vmem>>
      %dma_start3A_1213 = arith.constant 48 : i32
      %dma_start3A_1214 = arith.constant 0 : i32
      %dma_start3A_1215 = tpu.memref_slice %dma_start3A_1212[%dma_start3A_1213, %dma_start3A_1214] : memref<64x129xf32, #tpu.memory_space<vmem>> -> memref<8x128xf32, #tpu.memory_space<vmem>>
      tpu.enqueue_dma source(%dma_start3A_1215 : memref<8x128xf32, #tpu.memory_space<vmem>>) target(%dma_start3A_1208 : memref<8x128xf32, #tpu.memory_space<hbm>>) target_semaphore(%dma_start3A_1204 : memref<!tpu.dma_semaphore, #tpu.memory_space<semaphore_mem>>)
      %add3A_1216 = arith.addi %mul3A_4, %select_n3A_1019 : i32
      %dma_start3A_1217 = arith.constant 1 : i32
      %dma_start3A_1218 = arith.constant 7 : i32
      %dma_start3A_1219 = arith.constant 1 : i32
      %dma_start3A_1220 = arith.constant 0 : i32
      %dma_start3A_1221 = arith.constant 0 : i32
      %dma_start3A_1222 = tpu.memref_slice %arg7[%dma_start3A_1217, %dma_start3A_1220, %dma_start3A_1221] : memref<2x64x129xf32, #tpu.memory_space<vmem>> -> memref<1x64x129xf32, #tpu.memory_space<vmem>>
      %dma_start3A_1223 = tpu.memref_squeeze %dma_start3A_1222 : memref<1x64x129xf32, #tpu.memory_space<vmem>> -> memref<64x129xf32, #tpu.memory_space<vmem>>
      %dma_start3A_1224 = arith.constant 56 : i32
      %dma_start3A_1225 = arith.constant 0 : i32
      %dma_start3A_1226 = tpu.memref_slice %dma_start3A_1223[%dma_start3A_1224, %dma_start3A_1225] : memref<64x129xf32, #tpu.memory_space<vmem>> -> memref<8x128xf32, #tpu.memory_space<vmem>>
      %dma_start3A_1227 = arith.constant 0 : i32
      %dma_start3A_1228 = arith.constant 0 : i32
      %dma_start3A_1229 = tpu.memref_slice %arg4[%select_n3A_1003, %dma_start3A_1218, %add3A_1216, %dma_start3A_1227, %dma_start3A_1228] : memref<50x8x128x8x128xf32, #tpu.memory_space<hbm>> -> memref<1x1x1x8x128xf32, #tpu.memory_space<hbm>>
      %dma_start3A_1230 = tpu.memref_squeeze %dma_start3A_1229 : memref<1x1x1x8x128xf32, #tpu.memory_space<hbm>> -> memref<8x128xf32, #tpu.memory_space<hbm>>
      %dma_start3A_1231 = tpu.memref_slice %arg9[%dma_start3A_1219] : memref<2x!tpu.dma_semaphore, #tpu.memory_space<semaphore_mem>> -> memref<1x!tpu.dma_semaphore, #tpu.memory_space<semaphore_mem>>
      %dma_start3A_1232 = tpu.memref_squeeze %dma_start3A_1231 : memref<1x!tpu.dma_semaphore, #tpu.memory_space<semaphore_mem>> -> memref<!tpu.dma_semaphore, #tpu.memory_space<semaphore_mem>>
      %dma_start3A_1233 = arith.constant 0 : i32
      %dma_start3A_1234 = arith.constant 0 : i32
      %dma_start3A_1235 = tpu.memref_slice %arg4[%select_n3A_1003, %dma_start3A_1218, %add3A_1216, %dma_start3A_1233, %dma_start3A_1234] : memref<50x8x128x8x128xf32, #tpu.memory_space<hbm>> -> memref<1x1x1x8x128xf32, #tpu.memory_space<hbm>>
      %dma_start3A_1236 = tpu.memref_squeeze %dma_start3A_1235 : memref<1x1x1x8x128xf32, #tpu.memory_space<hbm>> -> memref<8x128xf32, #tpu.memory_space<hbm>>
      %dma_start3A_1237 = arith.constant 0 : i32
      %dma_start3A_1238 = arith.constant 0 : i32
      %dma_start3A_1239 = tpu.memref_slice %arg7[%dma_start3A_1217, %dma_start3A_1237, %dma_start3A_1238] : memref<2x64x129xf32, #tpu.memory_space<vmem>> -> memref<1x64x129xf32, #tpu.memory_space<vmem>>
      %dma_start3A_1240 = tpu.memref_squeeze %dma_start3A_1239 : memref<1x64x129xf32, #tpu.memory_space<vmem>> -> memref<64x129xf32, #tpu.memory_space<vmem>>
      %dma_start3A_1241 = arith.constant 56 : i32
      %dma_start3A_1242 = arith.constant 0 : i32
      %dma_start3A_1243 = tpu.memref_slice %dma_start3A_1240[%dma_start3A_1241, %dma_start3A_1242] : memref<64x129xf32, #tpu.memory_space<vmem>> -> memref<8x128xf32, #tpu.memory_space<vmem>>
      tpu.enqueue_dma source(%dma_start3A_1243 : memref<8x128xf32, #tpu.memory_space<vmem>>) target(%dma_start3A_1236 : memref<8x128xf32, #tpu.memory_space<hbm>>) target_semaphore(%dma_start3A_1232 : memref<!tpu.dma_semaphore, #tpu.memory_space<semaphore_mem>>)
      %lt3A_1244 = arith.constant 99 : i32
      %lt3A_1245 = arith.cmpi slt, %scan3A_505, %lt3A_1244 : i32
      %convert_element_type3A_1246 = arith.extui %lt3A_1245 : i1 to i32
      %cond3A_1247 = arith.constant 0 : i32
      %cond3A_1248 = arith.cmpi ne, %convert_element_type3A_1246, %cond3A_1247 : i32
      scf.if %cond3A_1248 {
        %add3A_1249 = arith.constant 2 : i32
        %add3A_1250 = arith.addi %mul3A_507, %add3A_1249 : i32
        %jit3A_1251 = arith.constant 4 : i32
        %div3A_1252 = arith.divsi %add3A_1250, %jit3A_1251 : i32
        %sign3A_1253 = arith.constant 0 : i32
        %sign3A_1254 = arith.cmpi sgt, %add3A_1250, %sign3A_1253 : i32
        %sign3A_1255 = arith.extui %sign3A_1254 : i1 to i32
        %sign3A_1256 = arith.constant 0 : i32
        %sign3A_1257 = arith.cmpi slt, %add3A_1250, %sign3A_1256 : i32
        %sign3A_1258 = arith.extui %sign3A_1257 : i1 to i32
        %sign3A_1259 = arith.subi %sign3A_1255, %sign3A_1258 : i32
        %sign3A_1260 = arith.constant 0 : i32
        %sign3A_1261 = arith.cmpi sgt, %jit3A_1251, %sign3A_1260 : i32
        %sign3A_1262 = arith.extui %sign3A_1261 : i1 to i32
        %sign3A_1263 = arith.constant 0 : i32
        %sign3A_1264 = arith.cmpi slt, %jit3A_1251, %sign3A_1263 : i32
        %sign3A_1265 = arith.extui %sign3A_1264 : i1 to i32
        %sign3A_1266 = arith.subi %sign3A_1262, %sign3A_1265 : i32
        %ne3A_1267 = arith.cmpi ne, %sign3A_1259, %sign3A_1266 : i32
        %rem3A_1268 = arith.remsi %add3A_1250, %jit3A_1251 : i32
        %ne3A_1269 = arith.constant 0 : i32
        %ne3A_1270 = arith.cmpi ne, %rem3A_1268, %ne3A_1269 : i32
        %and3A_1271 = arith.andi %ne3A_1267, %ne3A_1270 : i1
        %sub3A_1272 = arith.constant 1 : i32
        %sub3A_1273 = arith.subi %div3A_1252, %sub3A_1272 : i32
        %select_n3A_1274 = arith.select %and3A_1271, %sub3A_1273, %div3A_1252 : i32
        %jit3A_1275 = arith.constant 4 : i32
        %eq3A_1276 = arith.constant 0 : i32
        %eq3A_1277 = arith.cmpi eq, %jit3A_1275, %eq3A_1276 : i32
        %jit3A_1278 = arith.constant 1 : i32
        %select_n3A_1279 = arith.select %eq3A_1277, %jit3A_1278, %jit3A_1275 : i32
        %rem3A_1280 = arith.remsi %add3A_1250, %select_n3A_1279 : i32
        %ne3A_1281 = arith.constant 0 : i32
        %ne3A_1282 = arith.cmpi ne, %rem3A_1280, %ne3A_1281 : i32
        %lt3A_1283 = arith.constant 0 : i32
        %lt3A_1284 = arith.cmpi slt, %rem3A_1280, %lt3A_1283 : i32
        %lt3A_1285 = arith.constant 0 : i32
        %lt3A_1286 = arith.cmpi slt, %select_n3A_1279, %lt3A_1285 : i32
        %ne3A_1287 = arith.xori %lt3A_1284, %lt3A_1286 : i1
        %and3A_1288 = arith.andi %ne3A_1287, %ne3A_1282 : i1
        %add3A_1289 = arith.addi %rem3A_1280, %select_n3A_1279 : i32
        %select_n3A_1290 = arith.select %and3A_1288, %add3A_1289, %rem3A_1280 : i32
        %mul3A_1291 = arith.constant 128 : i32
        %mul3A_1292 = arith.muli %select_n3A_1290, %mul3A_1291 : i32
        %dma_start3A_1293 = arith.constant 0 : i32
        %dma_start3A_1294 = arith.constant 0 : i32
        %dma_start3A_1295 = arith.constant 0 : i32
        %dma_start3A_1296 = arith.constant 0 : i32
        %dma_start3A_1297 = tpu.memref_slice %arg6[%dma_start3A_1293, %dma_start3A_1295, %dma_start3A_1296] : memref<2x128x128xf32, #tpu.memory_space<vmem>> -> memref<1x128x128xf32, #tpu.memory_space<vmem>>
        %dma_start3A_1298 = tpu.memref_squeeze %dma_start3A_1297 : memref<1x128x128xf32, #tpu.memory_space<vmem>> -> memref<128x128xf32, #tpu.memory_space<vmem>>
        %dma_start3A_1299 = arith.constant 0 : i32
        %dma_start3A_1300 = tpu.memref_slice %arg5[%select_n3A_1274, %dma_start3A_1299] : memref<50x512xi32, #tpu.memory_space<vmem>> -> memref<1x512xi32, #tpu.memory_space<vmem>>
        %dma_start3A_1301 = tpu.memref_squeeze %dma_start3A_1300 : memref<1x512xi32, #tpu.memory_space<vmem>> -> memref<512xi32, #tpu.memory_space<vmem>>
        %dma_start3A_1302 = tpu.memref_slice %dma_start3A_1301[%mul3A_1292] : memref<512xi32, #tpu.memory_space<vmem>> -> memref<128xi32, #tpu.memory_space<vmem>>
        %dma_start3A_1303 = arith.constant 0 : i32
        %dma_start3A_1304 = arith.constant 0 : i32
        %dma_start3A_1305 = tpu.memref_slice %arg2[%dma_start3A_1303, %dma_start3A_1304] : memref<1000000x128xf32, #tpu.memory_space<hbm>> -> memref<1000000x128xf32, #tpu.memory_space<hbm>>
        %dma_start3A_1306 = tpu.memref_slice %arg8[%dma_start3A_1294] : memref<2x!tpu.dma_semaphore, #tpu.memory_space<semaphore_mem>> -> memref<1x!tpu.dma_semaphore, #tpu.memory_space<semaphore_mem>>
        %dma_start3A_1307 = tpu.memref_squeeze %dma_start3A_1306 : memref<1x!tpu.dma_semaphore, #tpu.memory_space<semaphore_mem>> -> memref<!tpu.dma_semaphore, #tpu.memory_space<semaphore_mem>>
        tpu.enqueue_indirect_dma source(%dma_start3A_1305 : memref<1000000x128xf32, #tpu.memory_space<hbm>>) target(%dma_start3A_1298 : memref<128x128xf32, #tpu.memory_space<vmem>>) offsets(%dma_start3A_1302 : memref<128xi32, #tpu.memory_space<vmem>>) semaphore(%dma_start3A_1307 : memref<!tpu.dma_semaphore, #tpu.memory_space<semaphore_mem>>)
      } else {
      }
    }
    %scan3A_25 = arith.constant 100 : i32
    %add3A_26 = arith.constant 2 : i32
    %add3A_27 = arith.addi %mul3A_4, %add3A_26 : i32
    %dma_wait3A = arith.constant 0 : i32
    %dma_wait3A_28 = arith.constant 49 : i32
    %dma_wait3A_29 = arith.constant 0 : i32
    %dma_wait3A_30 = arith.constant 0 : i32
    %dma_wait3A_31 = arith.constant 0 : i32
    %dma_wait3A_32 = arith.constant 0 : i32
    %dma_wait3A_33 = tpu.memref_slice %arg7[%dma_wait3A, %dma_wait3A_31, %dma_wait3A_32] : memref<2x64x129xf32, #tpu.memory_space<vmem>> -> memref<1x64x129xf32, #tpu.memory_space<vmem>>
    %dma_wait3A_34 = tpu.memref_squeeze %dma_wait3A_33 : memref<1x64x129xf32, #tpu.memory_space<vmem>> -> memref<64x129xf32, #tpu.memory_space<vmem>>
    %dma_wait3A_35 = arith.constant 0 : i32
    %dma_wait3A_36 = arith.constant 0 : i32
    %dma_wait3A_37 = tpu.memref_slice %dma_wait3A_34[%dma_wait3A_35, %dma_wait3A_36] : memref<64x129xf32, #tpu.memory_space<vmem>> -> memref<8x128xf32, #tpu.memory_space<vmem>>
    %dma_wait3A_38 = arith.constant 0 : i32
    %dma_wait3A_39 = arith.constant 0 : i32
    %dma_wait3A_40 = tpu.memref_slice %arg4[%dma_wait3A_28, %dma_wait3A_29, %add3A_27, %dma_wait3A_38, %dma_wait3A_39] : memref<50x8x128x8x128xf32, #tpu.memory_space<hbm>> -> memref<1x1x1x8x128xf32, #tpu.memory_space<hbm>>
    %dma_wait3A_41 = tpu.memref_squeeze %dma_wait3A_40 : memref<1x1x1x8x128xf32, #tpu.memory_space<hbm>> -> memref<8x128xf32, #tpu.memory_space<hbm>>
    %dma_wait3A_42 = tpu.memref_slice %arg9[%dma_wait3A_30] : memref<2x!tpu.dma_semaphore, #tpu.memory_space<semaphore_mem>> -> memref<1x!tpu.dma_semaphore, #tpu.memory_space<semaphore_mem>>
    %dma_wait3A_43 = tpu.memref_squeeze %dma_wait3A_42 : memref<1x!tpu.dma_semaphore, #tpu.memory_space<semaphore_mem>> -> memref<!tpu.dma_semaphore, #tpu.memory_space<semaphore_mem>>
    %dma_wait3A_44 = arith.constant 0 : i32
    %dma_wait3A_45 = arith.constant 0 : i32
    %dma_wait3A_46 = tpu.memref_slice %arg4[%dma_wait3A_28, %dma_wait3A_29, %add3A_27, %dma_wait3A_44, %dma_wait3A_45] : memref<50x8x128x8x128xf32, #tpu.memory_space<hbm>> -> memref<1x1x1x8x128xf32, #tpu.memory_space<hbm>>
    %dma_wait3A_47 = tpu.memref_squeeze %dma_wait3A_46 : memref<1x1x1x8x128xf32, #tpu.memory_space<hbm>> -> memref<8x128xf32, #tpu.memory_space<hbm>>
    %dma_wait3A_48 = arith.constant 0 : i32
    %dma_wait3A_49 = arith.constant 0 : i32
    %dma_wait3A_50 = tpu.memref_slice %arg7[%dma_wait3A, %dma_wait3A_48, %dma_wait3A_49] : memref<2x64x129xf32, #tpu.memory_space<vmem>> -> memref<1x64x129xf32, #tpu.memory_space<vmem>>
    %dma_wait3A_51 = tpu.memref_squeeze %dma_wait3A_50 : memref<1x64x129xf32, #tpu.memory_space<vmem>> -> memref<64x129xf32, #tpu.memory_space<vmem>>
    %dma_wait3A_52 = arith.constant 0 : i32
    %dma_wait3A_53 = arith.constant 0 : i32
    %dma_wait3A_54 = tpu.memref_slice %dma_wait3A_51[%dma_wait3A_52, %dma_wait3A_53] : memref<64x129xf32, #tpu.memory_space<vmem>> -> memref<8x128xf32, #tpu.memory_space<vmem>>
    tpu.wait_dma2 semaphore(%dma_wait3A_43 : memref<!tpu.dma_semaphore, #tpu.memory_space<semaphore_mem>>) src(%dma_wait3A_54 : memref<8x128xf32, #tpu.memory_space<vmem>>) dst(%dma_wait3A_47 : memref<8x128xf32, #tpu.memory_space<hbm>>)
    %add3A_55 = arith.constant 2 : i32
    %add3A_56 = arith.addi %mul3A_4, %add3A_55 : i32
    %dma_wait3A_57 = arith.constant 0 : i32
    %dma_wait3A_58 = arith.constant 49 : i32
    %dma_wait3A_59 = arith.constant 1 : i32
    %dma_wait3A_60 = arith.constant 0 : i32
    %dma_wait3A_61 = arith.constant 0 : i32
    %dma_wait3A_62 = arith.constant 0 : i32
    %dma_wait3A_63 = tpu.memref_slice %arg7[%dma_wait3A_57, %dma_wait3A_61, %dma_wait3A_62] : memref<2x64x129xf32, #tpu.memory_space<vmem>> -> memref<1x64x129xf32, #tpu.memory_space<vmem>>
    %dma_wait3A_64 = tpu.memref_squeeze %dma_wait3A_63 : memref<1x64x129xf32, #tpu.memory_space<vmem>> -> memref<64x129xf32, #tpu.memory_space<vmem>>
    %dma_wait3A_65 = arith.constant 8 : i32
    %dma_wait3A_66 = arith.constant 0 : i32
    %dma_wait3A_67 = tpu.memref_slice %dma_wait3A_64[%dma_wait3A_65, %dma_wait3A_66] : memref<64x129xf32, #tpu.memory_space<vmem>> -> memref<8x128xf32, #tpu.memory_space<vmem>>
    %dma_wait3A_68 = arith.constant 0 : i32
    %dma_wait3A_69 = arith.constant 0 : i32
    %dma_wait3A_70 = tpu.memref_slice %arg4[%dma_wait3A_58, %dma_wait3A_59, %add3A_56, %dma_wait3A_68, %dma_wait3A_69] : memref<50x8x128x8x128xf32, #tpu.memory_space<hbm>> -> memref<1x1x1x8x128xf32, #tpu.memory_space<hbm>>
    %dma_wait3A_71 = tpu.memref_squeeze %dma_wait3A_70 : memref<1x1x1x8x128xf32, #tpu.memory_space<hbm>> -> memref<8x128xf32, #tpu.memory_space<hbm>>
    %dma_wait3A_72 = tpu.memref_slice %arg9[%dma_wait3A_60] : memref<2x!tpu.dma_semaphore, #tpu.memory_space<semaphore_mem>> -> memref<1x!tpu.dma_semaphore, #tpu.memory_space<semaphore_mem>>
    %dma_wait3A_73 = tpu.memref_squeeze %dma_wait3A_72 : memref<1x!tpu.dma_semaphore, #tpu.memory_space<semaphore_mem>> -> memref<!tpu.dma_semaphore, #tpu.memory_space<semaphore_mem>>
    %dma_wait3A_74 = arith.constant 0 : i32
    %dma_wait3A_75 = arith.constant 0 : i32
    %dma_wait3A_76 = tpu.memref_slice %arg4[%dma_wait3A_58, %dma_wait3A_59, %add3A_56, %dma_wait3A_74, %dma_wait3A_75] : memref<50x8x128x8x128xf32, #tpu.memory_space<hbm>> -> memref<1x1x1x8x128xf32, #tpu.memory_space<hbm>>
    %dma_wait3A_77 = tpu.memref_squeeze %dma_wait3A_76 : memref<1x1x1x8x128xf32, #tpu.memory_space<hbm>> -> memref<8x128xf32, #tpu.memory_space<hbm>>
    %dma_wait3A_78 = arith.constant 0 : i32
    %dma_wait3A_79 = arith.constant 0 : i32
    %dma_wait3A_80 = tpu.memref_slice %arg7[%dma_wait3A_57, %dma_wait3A_78, %dma_wait3A_79] : memref<2x64x129xf32, #tpu.memory_space<vmem>> -> memref<1x64x129xf32, #tpu.memory_space<vmem>>
    %dma_wait3A_81 = tpu.memref_squeeze %dma_wait3A_80 : memref<1x64x129xf32, #tpu.memory_space<vmem>> -> memref<64x129xf32, #tpu.memory_space<vmem>>
    %dma_wait3A_82 = arith.constant 8 : i32
    %dma_wait3A_83 = arith.constant 0 : i32
    %dma_wait3A_84 = tpu.memref_slice %dma_wait3A_81[%dma_wait3A_82, %dma_wait3A_83] : memref<64x129xf32, #tpu.memory_space<vmem>> -> memref<8x128xf32, #tpu.memory_space<vmem>>
    tpu.wait_dma2 semaphore(%dma_wait3A_73 : memref<!tpu.dma_semaphore, #tpu.memory_space<semaphore_mem>>) src(%dma_wait3A_84 : memref<8x128xf32, #tpu.memory_space<vmem>>) dst(%dma_wait3A_77 : memref<8x128xf32, #tpu.memory_space<hbm>>)
    %add3A_85 = arith.constant 2 : i32
    %add3A_86 = arith.addi %mul3A_4, %add3A_85 : i32
    %dma_wait3A_87 = arith.constant 0 : i32
    %dma_wait3A_88 = arith.constant 49 : i32
    %dma_wait3A_89 = arith.constant 2 : i32
    %dma_wait3A_90 = arith.constant 0 : i32
    %dma_wait3A_91 = arith.constant 0 : i32
    %dma_wait3A_92 = arith.constant 0 : i32
    %dma_wait3A_93 = tpu.memref_slice %arg7[%dma_wait3A_87, %dma_wait3A_91, %dma_wait3A_92] : memref<2x64x129xf32, #tpu.memory_space<vmem>> -> memref<1x64x129xf32, #tpu.memory_space<vmem>>
    %dma_wait3A_94 = tpu.memref_squeeze %dma_wait3A_93 : memref<1x64x129xf32, #tpu.memory_space<vmem>> -> memref<64x129xf32, #tpu.memory_space<vmem>>
    %dma_wait3A_95 = arith.constant 16 : i32
    %dma_wait3A_96 = arith.constant 0 : i32
    %dma_wait3A_97 = tpu.memref_slice %dma_wait3A_94[%dma_wait3A_95, %dma_wait3A_96] : memref<64x129xf32, #tpu.memory_space<vmem>> -> memref<8x128xf32, #tpu.memory_space<vmem>>
    %dma_wait3A_98 = arith.constant 0 : i32
    %dma_wait3A_99 = arith.constant 0 : i32
    %dma_wait3A_100 = tpu.memref_slice %arg4[%dma_wait3A_88, %dma_wait3A_89, %add3A_86, %dma_wait3A_98, %dma_wait3A_99] : memref<50x8x128x8x128xf32, #tpu.memory_space<hbm>> -> memref<1x1x1x8x128xf32, #tpu.memory_space<hbm>>
    %dma_wait3A_101 = tpu.memref_squeeze %dma_wait3A_100 : memref<1x1x1x8x128xf32, #tpu.memory_space<hbm>> -> memref<8x128xf32, #tpu.memory_space<hbm>>
    %dma_wait3A_102 = tpu.memref_slice %arg9[%dma_wait3A_90] : memref<2x!tpu.dma_semaphore, #tpu.memory_space<semaphore_mem>> -> memref<1x!tpu.dma_semaphore, #tpu.memory_space<semaphore_mem>>
    %dma_wait3A_103 = tpu.memref_squeeze %dma_wait3A_102 : memref<1x!tpu.dma_semaphore, #tpu.memory_space<semaphore_mem>> -> memref<!tpu.dma_semaphore, #tpu.memory_space<semaphore_mem>>
    %dma_wait3A_104 = arith.constant 0 : i32
    %dma_wait3A_105 = arith.constant 0 : i32
    %dma_wait3A_106 = tpu.memref_slice %arg4[%dma_wait3A_88, %dma_wait3A_89, %add3A_86, %dma_wait3A_104, %dma_wait3A_105] : memref<50x8x128x8x128xf32, #tpu.memory_space<hbm>> -> memref<1x1x1x8x128xf32, #tpu.memory_space<hbm>>
    %dma_wait3A_107 = tpu.memref_squeeze %dma_wait3A_106 : memref<1x1x1x8x128xf32, #tpu.memory_space<hbm>> -> memref<8x128xf32, #tpu.memory_space<hbm>>
    %dma_wait3A_108 = arith.constant 0 : i32
    %dma_wait3A_109 = arith.constant 0 : i32
    %dma_wait3A_110 = tpu.memref_slice %arg7[%dma_wait3A_87, %dma_wait3A_108, %dma_wait3A_109] : memref<2x64x129xf32, #tpu.memory_space<vmem>> -> memref<1x64x129xf32, #tpu.memory_space<vmem>>
    %dma_wait3A_111 = tpu.memref_squeeze %dma_wait3A_110 : memref<1x64x129xf32, #tpu.memory_space<vmem>> -> memref<64x129xf32, #tpu.memory_space<vmem>>
    %dma_wait3A_112 = arith.constant 16 : i32
    %dma_wait3A_113 = arith.constant 0 : i32
    %dma_wait3A_114 = tpu.memref_slice %dma_wait3A_111[%dma_wait3A_112, %dma_wait3A_113] : memref<64x129xf32, #tpu.memory_space<vmem>> -> memref<8x128xf32, #tpu.memory_space<vmem>>
    tpu.wait_dma2 semaphore(%dma_wait3A_103 : memref<!tpu.dma_semaphore, #tpu.memory_space<semaphore_mem>>) src(%dma_wait3A_114 : memref<8x128xf32, #tpu.memory_space<vmem>>) dst(%dma_wait3A_107 : memref<8x128xf32, #tpu.memory_space<hbm>>)
    %add3A_115 = arith.constant 2 : i32
    %add3A_116 = arith.addi %mul3A_4, %add3A_115 : i32
    %dma_wait3A_117 = arith.constant 0 : i32
    %dma_wait3A_118 = arith.constant 49 : i32
    %dma_wait3A_119 = arith.constant 3 : i32
    %dma_wait3A_120 = arith.constant 0 : i32
    %dma_wait3A_121 = arith.constant 0 : i32
    %dma_wait3A_122 = arith.constant 0 : i32
    %dma_wait3A_123 = tpu.memref_slice %arg7[%dma_wait3A_117, %dma_wait3A_121, %dma_wait3A_122] : memref<2x64x129xf32, #tpu.memory_space<vmem>> -> memref<1x64x129xf32, #tpu.memory_space<vmem>>
    %dma_wait3A_124 = tpu.memref_squeeze %dma_wait3A_123 : memref<1x64x129xf32, #tpu.memory_space<vmem>> -> memref<64x129xf32, #tpu.memory_space<vmem>>
    %dma_wait3A_125 = arith.constant 24 : i32
    %dma_wait3A_126 = arith.constant 0 : i32
    %dma_wait3A_127 = tpu.memref_slice %dma_wait3A_124[%dma_wait3A_125, %dma_wait3A_126] : memref<64x129xf32, #tpu.memory_space<vmem>> -> memref<8x128xf32, #tpu.memory_space<vmem>>
    %dma_wait3A_128 = arith.constant 0 : i32
    %dma_wait3A_129 = arith.constant 0 : i32
    %dma_wait3A_130 = tpu.memref_slice %arg4[%dma_wait3A_118, %dma_wait3A_119, %add3A_116, %dma_wait3A_128, %dma_wait3A_129] : memref<50x8x128x8x128xf32, #tpu.memory_space<hbm>> -> memref<1x1x1x8x128xf32, #tpu.memory_space<hbm>>
    %dma_wait3A_131 = tpu.memref_squeeze %dma_wait3A_130 : memref<1x1x1x8x128xf32, #tpu.memory_space<hbm>> -> memref<8x128xf32, #tpu.memory_space<hbm>>
    %dma_wait3A_132 = tpu.memref_slice %arg9[%dma_wait3A_120] : memref<2x!tpu.dma_semaphore, #tpu.memory_space<semaphore_mem>> -> memref<1x!tpu.dma_semaphore, #tpu.memory_space<semaphore_mem>>
    %dma_wait3A_133 = tpu.memref_squeeze %dma_wait3A_132 : memref<1x!tpu.dma_semaphore, #tpu.memory_space<semaphore_mem>> -> memref<!tpu.dma_semaphore, #tpu.memory_space<semaphore_mem>>
    %dma_wait3A_134 = arith.constant 0 : i32
    %dma_wait3A_135 = arith.constant 0 : i32
    %dma_wait3A_136 = tpu.memref_slice %arg4[%dma_wait3A_118, %dma_wait3A_119, %add3A_116, %dma_wait3A_134, %dma_wait3A_135] : memref<50x8x128x8x128xf32, #tpu.memory_space<hbm>> -> memref<1x1x1x8x128xf32, #tpu.memory_space<hbm>>
    %dma_wait3A_137 = tpu.memref_squeeze %dma_wait3A_136 : memref<1x1x1x8x128xf32, #tpu.memory_space<hbm>> -> memref<8x128xf32, #tpu.memory_space<hbm>>
    %dma_wait3A_138 = arith.constant 0 : i32
    %dma_wait3A_139 = arith.constant 0 : i32
    %dma_wait3A_140 = tpu.memref_slice %arg7[%dma_wait3A_117, %dma_wait3A_138, %dma_wait3A_139] : memref<2x64x129xf32, #tpu.memory_space<vmem>> -> memref<1x64x129xf32, #tpu.memory_space<vmem>>
    %dma_wait3A_141 = tpu.memref_squeeze %dma_wait3A_140 : memref<1x64x129xf32, #tpu.memory_space<vmem>> -> memref<64x129xf32, #tpu.memory_space<vmem>>
    %dma_wait3A_142 = arith.constant 24 : i32
    %dma_wait3A_143 = arith.constant 0 : i32
    %dma_wait3A_144 = tpu.memref_slice %dma_wait3A_141[%dma_wait3A_142, %dma_wait3A_143] : memref<64x129xf32, #tpu.memory_space<vmem>> -> memref<8x128xf32, #tpu.memory_space<vmem>>
    tpu.wait_dma2 semaphore(%dma_wait3A_133 : memref<!tpu.dma_semaphore, #tpu.memory_space<semaphore_mem>>) src(%dma_wait3A_144 : memref<8x128xf32, #tpu.memory_space<vmem>>) dst(%dma_wait3A_137 : memref<8x128xf32, #tpu.memory_space<hbm>>)
    %add3A_145 = arith.constant 2 : i32
    %add3A_146 = arith.addi %mul3A_4, %add3A_145 : i32
    %dma_wait3A_147 = arith.constant 0 : i32
    %dma_wait3A_148 = arith.constant 49 : i32
    %dma_wait3A_149 = arith.constant 4 : i32
    %dma_wait3A_150 = arith.constant 0 : i32
    %dma_wait3A_151 = arith.constant 0 : i32
    %dma_wait3A_152 = arith.constant 0 : i32
    %dma_wait3A_153 = tpu.memref_slice %arg7[%dma_wait3A_147, %dma_wait3A_151, %dma_wait3A_152] : memref<2x64x129xf32, #tpu.memory_space<vmem>> -> memref<1x64x129xf32, #tpu.memory_space<vmem>>
    %dma_wait3A_154 = tpu.memref_squeeze %dma_wait3A_153 : memref<1x64x129xf32, #tpu.memory_space<vmem>> -> memref<64x129xf32, #tpu.memory_space<vmem>>
    %dma_wait3A_155 = arith.constant 32 : i32
    %dma_wait3A_156 = arith.constant 0 : i32
    %dma_wait3A_157 = tpu.memref_slice %dma_wait3A_154[%dma_wait3A_155, %dma_wait3A_156] : memref<64x129xf32, #tpu.memory_space<vmem>> -> memref<8x128xf32, #tpu.memory_space<vmem>>
    %dma_wait3A_158 = arith.constant 0 : i32
    %dma_wait3A_159 = arith.constant 0 : i32
    %dma_wait3A_160 = tpu.memref_slice %arg4[%dma_wait3A_148, %dma_wait3A_149, %add3A_146, %dma_wait3A_158, %dma_wait3A_159] : memref<50x8x128x8x128xf32, #tpu.memory_space<hbm>> -> memref<1x1x1x8x128xf32, #tpu.memory_space<hbm>>
    %dma_wait3A_161 = tpu.memref_squeeze %dma_wait3A_160 : memref<1x1x1x8x128xf32, #tpu.memory_space<hbm>> -> memref<8x128xf32, #tpu.memory_space<hbm>>
    %dma_wait3A_162 = tpu.memref_slice %arg9[%dma_wait3A_150] : memref<2x!tpu.dma_semaphore, #tpu.memory_space<semaphore_mem>> -> memref<1x!tpu.dma_semaphore, #tpu.memory_space<semaphore_mem>>
    %dma_wait3A_163 = tpu.memref_squeeze %dma_wait3A_162 : memref<1x!tpu.dma_semaphore, #tpu.memory_space<semaphore_mem>> -> memref<!tpu.dma_semaphore, #tpu.memory_space<semaphore_mem>>
    %dma_wait3A_164 = arith.constant 0 : i32
    %dma_wait3A_165 = arith.constant 0 : i32
    %dma_wait3A_166 = tpu.memref_slice %arg4[%dma_wait3A_148, %dma_wait3A_149, %add3A_146, %dma_wait3A_164, %dma_wait3A_165] : memref<50x8x128x8x128xf32, #tpu.memory_space<hbm>> -> memref<1x1x1x8x128xf32, #tpu.memory_space<hbm>>
    %dma_wait3A_167 = tpu.memref_squeeze %dma_wait3A_166 : memref<1x1x1x8x128xf32, #tpu.memory_space<hbm>> -> memref<8x128xf32, #tpu.memory_space<hbm>>
    %dma_wait3A_168 = arith.constant 0 : i32
    %dma_wait3A_169 = arith.constant 0 : i32
    %dma_wait3A_170 = tpu.memref_slice %arg7[%dma_wait3A_147, %dma_wait3A_168, %dma_wait3A_169] : memref<2x64x129xf32, #tpu.memory_space<vmem>> -> memref<1x64x129xf32, #tpu.memory_space<vmem>>
    %dma_wait3A_171 = tpu.memref_squeeze %dma_wait3A_170 : memref<1x64x129xf32, #tpu.memory_space<vmem>> -> memref<64x129xf32, #tpu.memory_space<vmem>>
    %dma_wait3A_172 = arith.constant 32 : i32
    %dma_wait3A_173 = arith.constant 0 : i32
    %dma_wait3A_174 = tpu.memref_slice %dma_wait3A_171[%dma_wait3A_172, %dma_wait3A_173] : memref<64x129xf32, #tpu.memory_space<vmem>> -> memref<8x128xf32, #tpu.memory_space<vmem>>
    tpu.wait_dma2 semaphore(%dma_wait3A_163 : memref<!tpu.dma_semaphore, #tpu.memory_space<semaphore_mem>>) src(%dma_wait3A_174 : memref<8x128xf32, #tpu.memory_space<vmem>>) dst(%dma_wait3A_167 : memref<8x128xf32, #tpu.memory_space<hbm>>)
    %add3A_175 = arith.constant 2 : i32
    %add3A_176 = arith.addi %mul3A_4, %add3A_175 : i32
    %dma_wait3A_177 = arith.constant 0 : i32
    %dma_wait3A_178 = arith.constant 49 : i32
    %dma_wait3A_179 = arith.constant 5 : i32
    %dma_wait3A_180 = arith.constant 0 : i32
    %dma_wait3A_181 = arith.constant 0 : i32
    %dma_wait3A_182 = arith.constant 0 : i32
    %dma_wait3A_183 = tpu.memref_slice %arg7[%dma_wait3A_177, %dma_wait3A_181, %dma_wait3A_182] : memref<2x64x129xf32, #tpu.memory_space<vmem>> -> memref<1x64x129xf32, #tpu.memory_space<vmem>>
    %dma_wait3A_184 = tpu.memref_squeeze %dma_wait3A_183 : memref<1x64x129xf32, #tpu.memory_space<vmem>> -> memref<64x129xf32, #tpu.memory_space<vmem>>
    %dma_wait3A_185 = arith.constant 40 : i32
    %dma_wait3A_186 = arith.constant 0 : i32
    %dma_wait3A_187 = tpu.memref_slice %dma_wait3A_184[%dma_wait3A_185, %dma_wait3A_186] : memref<64x129xf32, #tpu.memory_space<vmem>> -> memref<8x128xf32, #tpu.memory_space<vmem>>
    %dma_wait3A_188 = arith.constant 0 : i32
    %dma_wait3A_189 = arith.constant 0 : i32
    %dma_wait3A_190 = tpu.memref_slice %arg4[%dma_wait3A_178, %dma_wait3A_179, %add3A_176, %dma_wait3A_188, %dma_wait3A_189] : memref<50x8x128x8x128xf32, #tpu.memory_space<hbm>> -> memref<1x1x1x8x128xf32, #tpu.memory_space<hbm>>
    %dma_wait3A_191 = tpu.memref_squeeze %dma_wait3A_190 : memref<1x1x1x8x128xf32, #tpu.memory_space<hbm>> -> memref<8x128xf32, #tpu.memory_space<hbm>>
    %dma_wait3A_192 = tpu.memref_slice %arg9[%dma_wait3A_180] : memref<2x!tpu.dma_semaphore, #tpu.memory_space<semaphore_mem>> -> memref<1x!tpu.dma_semaphore, #tpu.memory_space<semaphore_mem>>
    %dma_wait3A_193 = tpu.memref_squeeze %dma_wait3A_192 : memref<1x!tpu.dma_semaphore, #tpu.memory_space<semaphore_mem>> -> memref<!tpu.dma_semaphore, #tpu.memory_space<semaphore_mem>>
    %dma_wait3A_194 = arith.constant 0 : i32
    %dma_wait3A_195 = arith.constant 0 : i32
    %dma_wait3A_196 = tpu.memref_slice %arg4[%dma_wait3A_178, %dma_wait3A_179, %add3A_176, %dma_wait3A_194, %dma_wait3A_195] : memref<50x8x128x8x128xf32, #tpu.memory_space<hbm>> -> memref<1x1x1x8x128xf32, #tpu.memory_space<hbm>>
    %dma_wait3A_197 = tpu.memref_squeeze %dma_wait3A_196 : memref<1x1x1x8x128xf32, #tpu.memory_space<hbm>> -> memref<8x128xf32, #tpu.memory_space<hbm>>
    %dma_wait3A_198 = arith.constant 0 : i32
    %dma_wait3A_199 = arith.constant 0 : i32
    %dma_wait3A_200 = tpu.memref_slice %arg7[%dma_wait3A_177, %dma_wait3A_198, %dma_wait3A_199] : memref<2x64x129xf32, #tpu.memory_space<vmem>> -> memref<1x64x129xf32, #tpu.memory_space<vmem>>
    %dma_wait3A_201 = tpu.memref_squeeze %dma_wait3A_200 : memref<1x64x129xf32, #tpu.memory_space<vmem>> -> memref<64x129xf32, #tpu.memory_space<vmem>>
    %dma_wait3A_202 = arith.constant 40 : i32
    %dma_wait3A_203 = arith.constant 0 : i32
    %dma_wait3A_204 = tpu.memref_slice %dma_wait3A_201[%dma_wait3A_202, %dma_wait3A_203] : memref<64x129xf32, #tpu.memory_space<vmem>> -> memref<8x128xf32, #tpu.memory_space<vmem>>
    tpu.wait_dma2 semaphore(%dma_wait3A_193 : memref<!tpu.dma_semaphore, #tpu.memory_space<semaphore_mem>>) src(%dma_wait3A_204 : memref<8x128xf32, #tpu.memory_space<vmem>>) dst(%dma_wait3A_197 : memref<8x128xf32, #tpu.memory_space<hbm>>)
    %add3A_205 = arith.constant 2 : i32
    %add3A_206 = arith.addi %mul3A_4, %add3A_205 : i32
    %dma_wait3A_207 = arith.constant 0 : i32
    %dma_wait3A_208 = arith.constant 49 : i32
    %dma_wait3A_209 = arith.constant 6 : i32
    %dma_wait3A_210 = arith.constant 0 : i32
    %dma_wait3A_211 = arith.constant 0 : i32
    %dma_wait3A_212 = arith.constant 0 : i32
    %dma_wait3A_213 = tpu.memref_slice %arg7[%dma_wait3A_207, %dma_wait3A_211, %dma_wait3A_212] : memref<2x64x129xf32, #tpu.memory_space<vmem>> -> memref<1x64x129xf32, #tpu.memory_space<vmem>>
    %dma_wait3A_214 = tpu.memref_squeeze %dma_wait3A_213 : memref<1x64x129xf32, #tpu.memory_space<vmem>> -> memref<64x129xf32, #tpu.memory_space<vmem>>
    %dma_wait3A_215 = arith.constant 48 : i32
    %dma_wait3A_216 = arith.constant 0 : i32
    %dma_wait3A_217 = tpu.memref_slice %dma_wait3A_214[%dma_wait3A_215, %dma_wait3A_216] : memref<64x129xf32, #tpu.memory_space<vmem>> -> memref<8x128xf32, #tpu.memory_space<vmem>>
    %dma_wait3A_218 = arith.constant 0 : i32
    %dma_wait3A_219 = arith.constant 0 : i32
    %dma_wait3A_220 = tpu.memref_slice %arg4[%dma_wait3A_208, %dma_wait3A_209, %add3A_206, %dma_wait3A_218, %dma_wait3A_219] : memref<50x8x128x8x128xf32, #tpu.memory_space<hbm>> -> memref<1x1x1x8x128xf32, #tpu.memory_space<hbm>>
    %dma_wait3A_221 = tpu.memref_squeeze %dma_wait3A_220 : memref<1x1x1x8x128xf32, #tpu.memory_space<hbm>> -> memref<8x128xf32, #tpu.memory_space<hbm>>
    %dma_wait3A_222 = tpu.memref_slice %arg9[%dma_wait3A_210] : memref<2x!tpu.dma_semaphore, #tpu.memory_space<semaphore_mem>> -> memref<1x!tpu.dma_semaphore, #tpu.memory_space<semaphore_mem>>
    %dma_wait3A_223 = tpu.memref_squeeze %dma_wait3A_222 : memref<1x!tpu.dma_semaphore, #tpu.memory_space<semaphore_mem>> -> memref<!tpu.dma_semaphore, #tpu.memory_space<semaphore_mem>>
    %dma_wait3A_224 = arith.constant 0 : i32
    %dma_wait3A_225 = arith.constant 0 : i32
    %dma_wait3A_226 = tpu.memref_slice %arg4[%dma_wait3A_208, %dma_wait3A_209, %add3A_206, %dma_wait3A_224, %dma_wait3A_225] : memref<50x8x128x8x128xf32, #tpu.memory_space<hbm>> -> memref<1x1x1x8x128xf32, #tpu.memory_space<hbm>>
    %dma_wait3A_227 = tpu.memref_squeeze %dma_wait3A_226 : memref<1x1x1x8x128xf32, #tpu.memory_space<hbm>> -> memref<8x128xf32, #tpu.memory_space<hbm>>
    %dma_wait3A_228 = arith.constant 0 : i32
    %dma_wait3A_229 = arith.constant 0 : i32
    %dma_wait3A_230 = tpu.memref_slice %arg7[%dma_wait3A_207, %dma_wait3A_228, %dma_wait3A_229] : memref<2x64x129xf32, #tpu.memory_space<vmem>> -> memref<1x64x129xf32, #tpu.memory_space<vmem>>
    %dma_wait3A_231 = tpu.memref_squeeze %dma_wait3A_230 : memref<1x64x129xf32, #tpu.memory_space<vmem>> -> memref<64x129xf32, #tpu.memory_space<vmem>>
    %dma_wait3A_232 = arith.constant 48 : i32
    %dma_wait3A_233 = arith.constant 0 : i32
    %dma_wait3A_234 = tpu.memref_slice %dma_wait3A_231[%dma_wait3A_232, %dma_wait3A_233] : memref<64x129xf32, #tpu.memory_space<vmem>> -> memref<8x128xf32, #tpu.memory_space<vmem>>
    tpu.wait_dma2 semaphore(%dma_wait3A_223 : memref<!tpu.dma_semaphore, #tpu.memory_space<semaphore_mem>>) src(%dma_wait3A_234 : memref<8x128xf32, #tpu.memory_space<vmem>>) dst(%dma_wait3A_227 : memref<8x128xf32, #tpu.memory_space<hbm>>)
    %add3A_235 = arith.constant 2 : i32
    %add3A_236 = arith.addi %mul3A_4, %add3A_235 : i32
    %dma_wait3A_237 = arith.constant 0 : i32
    %dma_wait3A_238 = arith.constant 49 : i32
    %dma_wait3A_239 = arith.constant 7 : i32
    %dma_wait3A_240 = arith.constant 0 : i32
    %dma_wait3A_241 = arith.constant 0 : i32
    %dma_wait3A_242 = arith.constant 0 : i32
    %dma_wait3A_243 = tpu.memref_slice %arg7[%dma_wait3A_237, %dma_wait3A_241, %dma_wait3A_242] : memref<2x64x129xf32, #tpu.memory_space<vmem>> -> memref<1x64x129xf32, #tpu.memory_space<vmem>>
    %dma_wait3A_244 = tpu.memref_squeeze %dma_wait3A_243 : memref<1x64x129xf32, #tpu.memory_space<vmem>> -> memref<64x129xf32, #tpu.memory_space<vmem>>
    %dma_wait3A_245 = arith.constant 56 : i32
    %dma_wait3A_246 = arith.constant 0 : i32
    %dma_wait3A_247 = tpu.memref_slice %dma_wait3A_244[%dma_wait3A_245, %dma_wait3A_246] : memref<64x129xf32, #tpu.memory_space<vmem>> -> memref<8x128xf32, #tpu.memory_space<vmem>>
    %dma_wait3A_248 = arith.constant 0 : i32
    %dma_wait3A_249 = arith.constant 0 : i32
    %dma_wait3A_250 = tpu.memref_slice %arg4[%dma_wait3A_238, %dma_wait3A_239, %add3A_236, %dma_wait3A_248, %dma_wait3A_249] : memref<50x8x128x8x128xf32, #tpu.memory_space<hbm>> -> memref<1x1x1x8x128xf32, #tpu.memory_space<hbm>>
    %dma_wait3A_251 = tpu.memref_squeeze %dma_wait3A_250 : memref<1x1x1x8x128xf32, #tpu.memory_space<hbm>> -> memref<8x128xf32, #tpu.memory_space<hbm>>
    %dma_wait3A_252 = tpu.memref_slice %arg9[%dma_wait3A_240] : memref<2x!tpu.dma_semaphore, #tpu.memory_space<semaphore_mem>> -> memref<1x!tpu.dma_semaphore, #tpu.memory_space<semaphore_mem>>
    %dma_wait3A_253 = tpu.memref_squeeze %dma_wait3A_252 : memref<1x!tpu.dma_semaphore, #tpu.memory_space<semaphore_mem>> -> memref<!tpu.dma_semaphore, #tpu.memory_space<semaphore_mem>>
    %dma_wait3A_254 = arith.constant 0 : i32
    %dma_wait3A_255 = arith.constant 0 : i32
    %dma_wait3A_256 = tpu.memref_slice %arg4[%dma_wait3A_238, %dma_wait3A_239, %add3A_236, %dma_wait3A_254, %dma_wait3A_255] : memref<50x8x128x8x128xf32, #tpu.memory_space<hbm>> -> memref<1x1x1x8x128xf32, #tpu.memory_space<hbm>>
    %dma_wait3A_257 = tpu.memref_squeeze %dma_wait3A_256 : memref<1x1x1x8x128xf32, #tpu.memory_space<hbm>> -> memref<8x128xf32, #tpu.memory_space<hbm>>
    %dma_wait3A_258 = arith.constant 0 : i32
    %dma_wait3A_259 = arith.constant 0 : i32
    %dma_wait3A_260 = tpu.memref_slice %arg7[%dma_wait3A_237, %dma_wait3A_258, %dma_wait3A_259] : memref<2x64x129xf32, #tpu.memory_space<vmem>> -> memref<1x64x129xf32, #tpu.memory_space<vmem>>
    %dma_wait3A_261 = tpu.memref_squeeze %dma_wait3A_260 : memref<1x64x129xf32, #tpu.memory_space<vmem>> -> memref<64x129xf32, #tpu.memory_space<vmem>>
    %dma_wait3A_262 = arith.constant 56 : i32
    %dma_wait3A_263 = arith.constant 0 : i32
    %dma_wait3A_264 = tpu.memref_slice %dma_wait3A_261[%dma_wait3A_262, %dma_wait3A_263] : memref<64x129xf32, #tpu.memory_space<vmem>> -> memref<8x128xf32, #tpu.memory_space<vmem>>
    tpu.wait_dma2 semaphore(%dma_wait3A_253 : memref<!tpu.dma_semaphore, #tpu.memory_space<semaphore_mem>>) src(%dma_wait3A_264 : memref<8x128xf32, #tpu.memory_space<vmem>>) dst(%dma_wait3A_257 : memref<8x128xf32, #tpu.memory_space<hbm>>)
    %add3A_265 = arith.constant 3 : i32
    %add3A_266 = arith.addi %mul3A_4, %add3A_265 : i32
    %dma_wait3A_267 = arith.constant 1 : i32
    %dma_wait3A_268 = arith.constant 49 : i32
    %dma_wait3A_269 = arith.constant 0 : i32
    %dma_wait3A_270 = arith.constant 1 : i32
    %dma_wait3A_271 = arith.constant 0 : i32
    %dma_wait3A_272 = arith.constant 0 : i32
    %dma_wait3A_273 = tpu.memref_slice %arg7[%dma_wait3A_267, %dma_wait3A_271, %dma_wait3A_272] : memref<2x64x129xf32, #tpu.memory_space<vmem>> -> memref<1x64x129xf32, #tpu.memory_space<vmem>>
    %dma_wait3A_274 = tpu.memref_squeeze %dma_wait3A_273 : memref<1x64x129xf32, #tpu.memory_space<vmem>> -> memref<64x129xf32, #tpu.memory_space<vmem>>
    %dma_wait3A_275 = arith.constant 0 : i32
    %dma_wait3A_276 = arith.constant 0 : i32
    %dma_wait3A_277 = tpu.memref_slice %dma_wait3A_274[%dma_wait3A_275, %dma_wait3A_276] : memref<64x129xf32, #tpu.memory_space<vmem>> -> memref<8x128xf32, #tpu.memory_space<vmem>>
    %dma_wait3A_278 = arith.constant 0 : i32
    %dma_wait3A_279 = arith.constant 0 : i32
    %dma_wait3A_280 = tpu.memref_slice %arg4[%dma_wait3A_268, %dma_wait3A_269, %add3A_266, %dma_wait3A_278, %dma_wait3A_279] : memref<50x8x128x8x128xf32, #tpu.memory_space<hbm>> -> memref<1x1x1x8x128xf32, #tpu.memory_space<hbm>>
    %dma_wait3A_281 = tpu.memref_squeeze %dma_wait3A_280 : memref<1x1x1x8x128xf32, #tpu.memory_space<hbm>> -> memref<8x128xf32, #tpu.memory_space<hbm>>
    %dma_wait3A_282 = tpu.memref_slice %arg9[%dma_wait3A_270] : memref<2x!tpu.dma_semaphore, #tpu.memory_space<semaphore_mem>> -> memref<1x!tpu.dma_semaphore, #tpu.memory_space<semaphore_mem>>
    %dma_wait3A_283 = tpu.memref_squeeze %dma_wait3A_282 : memref<1x!tpu.dma_semaphore, #tpu.memory_space<semaphore_mem>> -> memref<!tpu.dma_semaphore, #tpu.memory_space<semaphore_mem>>
    %dma_wait3A_284 = arith.constant 0 : i32
    %dma_wait3A_285 = arith.constant 0 : i32
    %dma_wait3A_286 = tpu.memref_slice %arg4[%dma_wait3A_268, %dma_wait3A_269, %add3A_266, %dma_wait3A_284, %dma_wait3A_285] : memref<50x8x128x8x128xf32, #tpu.memory_space<hbm>> -> memref<1x1x1x8x128xf32, #tpu.memory_space<hbm>>
    %dma_wait3A_287 = tpu.memref_squeeze %dma_wait3A_286 : memref<1x1x1x8x128xf32, #tpu.memory_space<hbm>> -> memref<8x128xf32, #tpu.memory_space<hbm>>
    %dma_wait3A_288 = arith.constant 0 : i32
    %dma_wait3A_289 = arith.constant 0 : i32
    %dma_wait3A_290 = tpu.memref_slice %arg7[%dma_wait3A_267, %dma_wait3A_288, %dma_wait3A_289] : memref<2x64x129xf32, #tpu.memory_space<vmem>> -> memref<1x64x129xf32, #tpu.memory_space<vmem>>
    %dma_wait3A_291 = tpu.memref_squeeze %dma_wait3A_290 : memref<1x64x129xf32, #tpu.memory_space<vmem>> -> memref<64x129xf32, #tpu.memory_space<vmem>>
    %dma_wait3A_292 = arith.constant 0 : i32
    %dma_wait3A_293 = arith.constant 0 : i32
    %dma_wait3A_294 = tpu.memref_slice %dma_wait3A_291[%dma_wait3A_292, %dma_wait3A_293] : memref<64x129xf32, #tpu.memory_space<vmem>> -> memref<8x128xf32, #tpu.memory_space<vmem>>
    tpu.wait_dma2 semaphore(%dma_wait3A_283 : memref<!tpu.dma_semaphore, #tpu.memory_space<semaphore_mem>>) src(%dma_wait3A_294 : memref<8x128xf32, #tpu.memory_space<vmem>>) dst(%dma_wait3A_287 : memref<8x128xf32, #tpu.memory_space<hbm>>)
    %add3A_295 = arith.constant 3 : i32
    %add3A_296 = arith.addi %mul3A_4, %add3A_295 : i32
    %dma_wait3A_297 = arith.constant 1 : i32
    %dma_wait3A_298 = arith.constant 49 : i32
    %dma_wait3A_299 = arith.constant 1 : i32
    %dma_wait3A_300 = arith.constant 1 : i32
    %dma_wait3A_301 = arith.constant 0 : i32
    %dma_wait3A_302 = arith.constant 0 : i32
    %dma_wait3A_303 = tpu.memref_slice %arg7[%dma_wait3A_297, %dma_wait3A_301, %dma_wait3A_302] : memref<2x64x129xf32, #tpu.memory_space<vmem>> -> memref<1x64x129xf32, #tpu.memory_space<vmem>>
    %dma_wait3A_304 = tpu.memref_squeeze %dma_wait3A_303 : memref<1x64x129xf32, #tpu.memory_space<vmem>> -> memref<64x129xf32, #tpu.memory_space<vmem>>
    %dma_wait3A_305 = arith.constant 8 : i32
    %dma_wait3A_306 = arith.constant 0 : i32
    %dma_wait3A_307 = tpu.memref_slice %dma_wait3A_304[%dma_wait3A_305, %dma_wait3A_306] : memref<64x129xf32, #tpu.memory_space<vmem>> -> memref<8x128xf32, #tpu.memory_space<vmem>>
    %dma_wait3A_308 = arith.constant 0 : i32
    %dma_wait3A_309 = arith.constant 0 : i32
    %dma_wait3A_310 = tpu.memref_slice %arg4[%dma_wait3A_298, %dma_wait3A_299, %add3A_296, %dma_wait3A_308, %dma_wait3A_309] : memref<50x8x128x8x128xf32, #tpu.memory_space<hbm>> -> memref<1x1x1x8x128xf32, #tpu.memory_space<hbm>>
    %dma_wait3A_311 = tpu.memref_squeeze %dma_wait3A_310 : memref<1x1x1x8x128xf32, #tpu.memory_space<hbm>> -> memref<8x128xf32, #tpu.memory_space<hbm>>
    %dma_wait3A_312 = tpu.memref_slice %arg9[%dma_wait3A_300] : memref<2x!tpu.dma_semaphore, #tpu.memory_space<semaphore_mem>> -> memref<1x!tpu.dma_semaphore, #tpu.memory_space<semaphore_mem>>
    %dma_wait3A_313 = tpu.memref_squeeze %dma_wait3A_312 : memref<1x!tpu.dma_semaphore, #tpu.memory_space<semaphore_mem>> -> memref<!tpu.dma_semaphore, #tpu.memory_space<semaphore_mem>>
    %dma_wait3A_314 = arith.constant 0 : i32
    %dma_wait3A_315 = arith.constant 0 : i32
    %dma_wait3A_316 = tpu.memref_slice %arg4[%dma_wait3A_298, %dma_wait3A_299, %add3A_296, %dma_wait3A_314, %dma_wait3A_315] : memref<50x8x128x8x128xf32, #tpu.memory_space<hbm>> -> memref<1x1x1x8x128xf32, #tpu.memory_space<hbm>>
    %dma_wait3A_317 = tpu.memref_squeeze %dma_wait3A_316 : memref<1x1x1x8x128xf32, #tpu.memory_space<hbm>> -> memref<8x128xf32, #tpu.memory_space<hbm>>
    %dma_wait3A_318 = arith.constant 0 : i32
    %dma_wait3A_319 = arith.constant 0 : i32
    %dma_wait3A_320 = tpu.memref_slice %arg7[%dma_wait3A_297, %dma_wait3A_318, %dma_wait3A_319] : memref<2x64x129xf32, #tpu.memory_space<vmem>> -> memref<1x64x129xf32, #tpu.memory_space<vmem>>
    %dma_wait3A_321 = tpu.memref_squeeze %dma_wait3A_320 : memref<1x64x129xf32, #tpu.memory_space<vmem>> -> memref<64x129xf32, #tpu.memory_space<vmem>>
    %dma_wait3A_322 = arith.constant 8 : i32
    %dma_wait3A_323 = arith.constant 0 : i32
    %dma_wait3A_324 = tpu.memref_slice %dma_wait3A_321[%dma_wait3A_322, %dma_wait3A_323] : memref<64x129xf32, #tpu.memory_space<vmem>> -> memref<8x128xf32, #tpu.memory_space<vmem>>
    tpu.wait_dma2 semaphore(%dma_wait3A_313 : memref<!tpu.dma_semaphore, #tpu.memory_space<semaphore_mem>>) src(%dma_wait3A_324 : memref<8x128xf32, #tpu.memory_space<vmem>>) dst(%dma_wait3A_317 : memref<8x128xf32, #tpu.memory_space<hbm>>)
    %add3A_325 = arith.constant 3 : i32
    %add3A_326 = arith.addi %mul3A_4, %add3A_325 : i32
    %dma_wait3A_327 = arith.constant 1 : i32
    %dma_wait3A_328 = arith.constant 49 : i32
    %dma_wait3A_329 = arith.constant 2 : i32
    %dma_wait3A_330 = arith.constant 1 : i32
    %dma_wait3A_331 = arith.constant 0 : i32
    %dma_wait3A_332 = arith.constant 0 : i32
    %dma_wait3A_333 = tpu.memref_slice %arg7[%dma_wait3A_327, %dma_wait3A_331, %dma_wait3A_332] : memref<2x64x129xf32, #tpu.memory_space<vmem>> -> memref<1x64x129xf32, #tpu.memory_space<vmem>>
    %dma_wait3A_334 = tpu.memref_squeeze %dma_wait3A_333 : memref<1x64x129xf32, #tpu.memory_space<vmem>> -> memref<64x129xf32, #tpu.memory_space<vmem>>
    %dma_wait3A_335 = arith.constant 16 : i32
    %dma_wait3A_336 = arith.constant 0 : i32
    %dma_wait3A_337 = tpu.memref_slice %dma_wait3A_334[%dma_wait3A_335, %dma_wait3A_336] : memref<64x129xf32, #tpu.memory_space<vmem>> -> memref<8x128xf32, #tpu.memory_space<vmem>>
    %dma_wait3A_338 = arith.constant 0 : i32
    %dma_wait3A_339 = arith.constant 0 : i32
    %dma_wait3A_340 = tpu.memref_slice %arg4[%dma_wait3A_328, %dma_wait3A_329, %add3A_326, %dma_wait3A_338, %dma_wait3A_339] : memref<50x8x128x8x128xf32, #tpu.memory_space<hbm>> -> memref<1x1x1x8x128xf32, #tpu.memory_space<hbm>>
    %dma_wait3A_341 = tpu.memref_squeeze %dma_wait3A_340 : memref<1x1x1x8x128xf32, #tpu.memory_space<hbm>> -> memref<8x128xf32, #tpu.memory_space<hbm>>
    %dma_wait3A_342 = tpu.memref_slice %arg9[%dma_wait3A_330] : memref<2x!tpu.dma_semaphore, #tpu.memory_space<semaphore_mem>> -> memref<1x!tpu.dma_semaphore, #tpu.memory_space<semaphore_mem>>
    %dma_wait3A_343 = tpu.memref_squeeze %dma_wait3A_342 : memref<1x!tpu.dma_semaphore, #tpu.memory_space<semaphore_mem>> -> memref<!tpu.dma_semaphore, #tpu.memory_space<semaphore_mem>>
    %dma_wait3A_344 = arith.constant 0 : i32
    %dma_wait3A_345 = arith.constant 0 : i32
    %dma_wait3A_346 = tpu.memref_slice %arg4[%dma_wait3A_328, %dma_wait3A_329, %add3A_326, %dma_wait3A_344, %dma_wait3A_345] : memref<50x8x128x8x128xf32, #tpu.memory_space<hbm>> -> memref<1x1x1x8x128xf32, #tpu.memory_space<hbm>>
    %dma_wait3A_347 = tpu.memref_squeeze %dma_wait3A_346 : memref<1x1x1x8x128xf32, #tpu.memory_space<hbm>> -> memref<8x128xf32, #tpu.memory_space<hbm>>
    %dma_wait3A_348 = arith.constant 0 : i32
    %dma_wait3A_349 = arith.constant 0 : i32
    %dma_wait3A_350 = tpu.memref_slice %arg7[%dma_wait3A_327, %dma_wait3A_348, %dma_wait3A_349] : memref<2x64x129xf32, #tpu.memory_space<vmem>> -> memref<1x64x129xf32, #tpu.memory_space<vmem>>
    %dma_wait3A_351 = tpu.memref_squeeze %dma_wait3A_350 : memref<1x64x129xf32, #tpu.memory_space<vmem>> -> memref<64x129xf32, #tpu.memory_space<vmem>>
    %dma_wait3A_352 = arith.constant 16 : i32
    %dma_wait3A_353 = arith.constant 0 : i32
    %dma_wait3A_354 = tpu.memref_slice %dma_wait3A_351[%dma_wait3A_352, %dma_wait3A_353] : memref<64x129xf32, #tpu.memory_space<vmem>> -> memref<8x128xf32, #tpu.memory_space<vmem>>
    tpu.wait_dma2 semaphore(%dma_wait3A_343 : memref<!tpu.dma_semaphore, #tpu.memory_space<semaphore_mem>>) src(%dma_wait3A_354 : memref<8x128xf32, #tpu.memory_space<vmem>>) dst(%dma_wait3A_347 : memref<8x128xf32, #tpu.memory_space<hbm>>)
    %add3A_355 = arith.constant 3 : i32
    %add3A_356 = arith.addi %mul3A_4, %add3A_355 : i32
    %dma_wait3A_357 = arith.constant 1 : i32
    %dma_wait3A_358 = arith.constant 49 : i32
    %dma_wait3A_359 = arith.constant 3 : i32
    %dma_wait3A_360 = arith.constant 1 : i32
    %dma_wait3A_361 = arith.constant 0 : i32
    %dma_wait3A_362 = arith.constant 0 : i32
    %dma_wait3A_363 = tpu.memref_slice %arg7[%dma_wait3A_357, %dma_wait3A_361, %dma_wait3A_362] : memref<2x64x129xf32, #tpu.memory_space<vmem>> -> memref<1x64x129xf32, #tpu.memory_space<vmem>>
    %dma_wait3A_364 = tpu.memref_squeeze %dma_wait3A_363 : memref<1x64x129xf32, #tpu.memory_space<vmem>> -> memref<64x129xf32, #tpu.memory_space<vmem>>
    %dma_wait3A_365 = arith.constant 24 : i32
    %dma_wait3A_366 = arith.constant 0 : i32
    %dma_wait3A_367 = tpu.memref_slice %dma_wait3A_364[%dma_wait3A_365, %dma_wait3A_366] : memref<64x129xf32, #tpu.memory_space<vmem>> -> memref<8x128xf32, #tpu.memory_space<vmem>>
    %dma_wait3A_368 = arith.constant 0 : i32
    %dma_wait3A_369 = arith.constant 0 : i32
    %dma_wait3A_370 = tpu.memref_slice %arg4[%dma_wait3A_358, %dma_wait3A_359, %add3A_356, %dma_wait3A_368, %dma_wait3A_369] : memref<50x8x128x8x128xf32, #tpu.memory_space<hbm>> -> memref<1x1x1x8x128xf32, #tpu.memory_space<hbm>>
    %dma_wait3A_371 = tpu.memref_squeeze %dma_wait3A_370 : memref<1x1x1x8x128xf32, #tpu.memory_space<hbm>> -> memref<8x128xf32, #tpu.memory_space<hbm>>
    %dma_wait3A_372 = tpu.memref_slice %arg9[%dma_wait3A_360] : memref<2x!tpu.dma_semaphore, #tpu.memory_space<semaphore_mem>> -> memref<1x!tpu.dma_semaphore, #tpu.memory_space<semaphore_mem>>
    %dma_wait3A_373 = tpu.memref_squeeze %dma_wait3A_372 : memref<1x!tpu.dma_semaphore, #tpu.memory_space<semaphore_mem>> -> memref<!tpu.dma_semaphore, #tpu.memory_space<semaphore_mem>>
    %dma_wait3A_374 = arith.constant 0 : i32
    %dma_wait3A_375 = arith.constant 0 : i32
    %dma_wait3A_376 = tpu.memref_slice %arg4[%dma_wait3A_358, %dma_wait3A_359, %add3A_356, %dma_wait3A_374, %dma_wait3A_375] : memref<50x8x128x8x128xf32, #tpu.memory_space<hbm>> -> memref<1x1x1x8x128xf32, #tpu.memory_space<hbm>>
    %dma_wait3A_377 = tpu.memref_squeeze %dma_wait3A_376 : memref<1x1x1x8x128xf32, #tpu.memory_space<hbm>> -> memref<8x128xf32, #tpu.memory_space<hbm>>
    %dma_wait3A_378 = arith.constant 0 : i32
    %dma_wait3A_379 = arith.constant 0 : i32
    %dma_wait3A_380 = tpu.memref_slice %arg7[%dma_wait3A_357, %dma_wait3A_378, %dma_wait3A_379] : memref<2x64x129xf32, #tpu.memory_space<vmem>> -> memref<1x64x129xf32, #tpu.memory_space<vmem>>
    %dma_wait3A_381 = tpu.memref_squeeze %dma_wait3A_380 : memref<1x64x129xf32, #tpu.memory_space<vmem>> -> memref<64x129xf32, #tpu.memory_space<vmem>>
    %dma_wait3A_382 = arith.constant 24 : i32
    %dma_wait3A_383 = arith.constant 0 : i32
    %dma_wait3A_384 = tpu.memref_slice %dma_wait3A_381[%dma_wait3A_382, %dma_wait3A_383] : memref<64x129xf32, #tpu.memory_space<vmem>> -> memref<8x128xf32, #tpu.memory_space<vmem>>
    tpu.wait_dma2 semaphore(%dma_wait3A_373 : memref<!tpu.dma_semaphore, #tpu.memory_space<semaphore_mem>>) src(%dma_wait3A_384 : memref<8x128xf32, #tpu.memory_space<vmem>>) dst(%dma_wait3A_377 : memref<8x128xf32, #tpu.memory_space<hbm>>)
    %add3A_385 = arith.constant 3 : i32
    %add3A_386 = arith.addi %mul3A_4, %add3A_385 : i32
    %dma_wait3A_387 = arith.constant 1 : i32
    %dma_wait3A_388 = arith.constant 49 : i32
    %dma_wait3A_389 = arith.constant 4 : i32
    %dma_wait3A_390 = arith.constant 1 : i32
    %dma_wait3A_391 = arith.constant 0 : i32
    %dma_wait3A_392 = arith.constant 0 : i32
    %dma_wait3A_393 = tpu.memref_slice %arg7[%dma_wait3A_387, %dma_wait3A_391, %dma_wait3A_392] : memref<2x64x129xf32, #tpu.memory_space<vmem>> -> memref<1x64x129xf32, #tpu.memory_space<vmem>>
    %dma_wait3A_394 = tpu.memref_squeeze %dma_wait3A_393 : memref<1x64x129xf32, #tpu.memory_space<vmem>> -> memref<64x129xf32, #tpu.memory_space<vmem>>
    %dma_wait3A_395 = arith.constant 32 : i32
    %dma_wait3A_396 = arith.constant 0 : i32
    %dma_wait3A_397 = tpu.memref_slice %dma_wait3A_394[%dma_wait3A_395, %dma_wait3A_396] : memref<64x129xf32, #tpu.memory_space<vmem>> -> memref<8x128xf32, #tpu.memory_space<vmem>>
    %dma_wait3A_398 = arith.constant 0 : i32
    %dma_wait3A_399 = arith.constant 0 : i32
    %dma_wait3A_400 = tpu.memref_slice %arg4[%dma_wait3A_388, %dma_wait3A_389, %add3A_386, %dma_wait3A_398, %dma_wait3A_399] : memref<50x8x128x8x128xf32, #tpu.memory_space<hbm>> -> memref<1x1x1x8x128xf32, #tpu.memory_space<hbm>>
    %dma_wait3A_401 = tpu.memref_squeeze %dma_wait3A_400 : memref<1x1x1x8x128xf32, #tpu.memory_space<hbm>> -> memref<8x128xf32, #tpu.memory_space<hbm>>
    %dma_wait3A_402 = tpu.memref_slice %arg9[%dma_wait3A_390] : memref<2x!tpu.dma_semaphore, #tpu.memory_space<semaphore_mem>> -> memref<1x!tpu.dma_semaphore, #tpu.memory_space<semaphore_mem>>
    %dma_wait3A_403 = tpu.memref_squeeze %dma_wait3A_402 : memref<1x!tpu.dma_semaphore, #tpu.memory_space<semaphore_mem>> -> memref<!tpu.dma_semaphore, #tpu.memory_space<semaphore_mem>>
    %dma_wait3A_404 = arith.constant 0 : i32
    %dma_wait3A_405 = arith.constant 0 : i32
    %dma_wait3A_406 = tpu.memref_slice %arg4[%dma_wait3A_388, %dma_wait3A_389, %add3A_386, %dma_wait3A_404, %dma_wait3A_405] : memref<50x8x128x8x128xf32, #tpu.memory_space<hbm>> -> memref<1x1x1x8x128xf32, #tpu.memory_space<hbm>>
    %dma_wait3A_407 = tpu.memref_squeeze %dma_wait3A_406 : memref<1x1x1x8x128xf32, #tpu.memory_space<hbm>> -> memref<8x128xf32, #tpu.memory_space<hbm>>
    %dma_wait3A_408 = arith.constant 0 : i32
    %dma_wait3A_409 = arith.constant 0 : i32
    %dma_wait3A_410 = tpu.memref_slice %arg7[%dma_wait3A_387, %dma_wait3A_408, %dma_wait3A_409] : memref<2x64x129xf32, #tpu.memory_space<vmem>> -> memref<1x64x129xf32, #tpu.memory_space<vmem>>
    %dma_wait3A_411 = tpu.memref_squeeze %dma_wait3A_410 : memref<1x64x129xf32, #tpu.memory_space<vmem>> -> memref<64x129xf32, #tpu.memory_space<vmem>>
    %dma_wait3A_412 = arith.constant 32 : i32
    %dma_wait3A_413 = arith.constant 0 : i32
    %dma_wait3A_414 = tpu.memref_slice %dma_wait3A_411[%dma_wait3A_412, %dma_wait3A_413] : memref<64x129xf32, #tpu.memory_space<vmem>> -> memref<8x128xf32, #tpu.memory_space<vmem>>
    tpu.wait_dma2 semaphore(%dma_wait3A_403 : memref<!tpu.dma_semaphore, #tpu.memory_space<semaphore_mem>>) src(%dma_wait3A_414 : memref<8x128xf32, #tpu.memory_space<vmem>>) dst(%dma_wait3A_407 : memref<8x128xf32, #tpu.memory_space<hbm>>)
    %add3A_415 = arith.constant 3 : i32
    %add3A_416 = arith.addi %mul3A_4, %add3A_415 : i32
    %dma_wait3A_417 = arith.constant 1 : i32
    %dma_wait3A_418 = arith.constant 49 : i32
    %dma_wait3A_419 = arith.constant 5 : i32
    %dma_wait3A_420 = arith.constant 1 : i32
    %dma_wait3A_421 = arith.constant 0 : i32
    %dma_wait3A_422 = arith.constant 0 : i32
    %dma_wait3A_423 = tpu.memref_slice %arg7[%dma_wait3A_417, %dma_wait3A_421, %dma_wait3A_422] : memref<2x64x129xf32, #tpu.memory_space<vmem>> -> memref<1x64x129xf32, #tpu.memory_space<vmem>>
    %dma_wait3A_424 = tpu.memref_squeeze %dma_wait3A_423 : memref<1x64x129xf32, #tpu.memory_space<vmem>> -> memref<64x129xf32, #tpu.memory_space<vmem>>
    %dma_wait3A_425 = arith.constant 40 : i32
    %dma_wait3A_426 = arith.constant 0 : i32
    %dma_wait3A_427 = tpu.memref_slice %dma_wait3A_424[%dma_wait3A_425, %dma_wait3A_426] : memref<64x129xf32, #tpu.memory_space<vmem>> -> memref<8x128xf32, #tpu.memory_space<vmem>>
    %dma_wait3A_428 = arith.constant 0 : i32
    %dma_wait3A_429 = arith.constant 0 : i32
    %dma_wait3A_430 = tpu.memref_slice %arg4[%dma_wait3A_418, %dma_wait3A_419, %add3A_416, %dma_wait3A_428, %dma_wait3A_429] : memref<50x8x128x8x128xf32, #tpu.memory_space<hbm>> -> memref<1x1x1x8x128xf32, #tpu.memory_space<hbm>>
    %dma_wait3A_431 = tpu.memref_squeeze %dma_wait3A_430 : memref<1x1x1x8x128xf32, #tpu.memory_space<hbm>> -> memref<8x128xf32, #tpu.memory_space<hbm>>
    %dma_wait3A_432 = tpu.memref_slice %arg9[%dma_wait3A_420] : memref<2x!tpu.dma_semaphore, #tpu.memory_space<semaphore_mem>> -> memref<1x!tpu.dma_semaphore, #tpu.memory_space<semaphore_mem>>
    %dma_wait3A_433 = tpu.memref_squeeze %dma_wait3A_432 : memref<1x!tpu.dma_semaphore, #tpu.memory_space<semaphore_mem>> -> memref<!tpu.dma_semaphore, #tpu.memory_space<semaphore_mem>>
    %dma_wait3A_434 = arith.constant 0 : i32
    %dma_wait3A_435 = arith.constant 0 : i32
    %dma_wait3A_436 = tpu.memref_slice %arg4[%dma_wait3A_418, %dma_wait3A_419, %add3A_416, %dma_wait3A_434, %dma_wait3A_435] : memref<50x8x128x8x128xf32, #tpu.memory_space<hbm>> -> memref<1x1x1x8x128xf32, #tpu.memory_space<hbm>>
    %dma_wait3A_437 = tpu.memref_squeeze %dma_wait3A_436 : memref<1x1x1x8x128xf32, #tpu.memory_space<hbm>> -> memref<8x128xf32, #tpu.memory_space<hbm>>
    %dma_wait3A_438 = arith.constant 0 : i32
    %dma_wait3A_439 = arith.constant 0 : i32
    %dma_wait3A_440 = tpu.memref_slice %arg7[%dma_wait3A_417, %dma_wait3A_438, %dma_wait3A_439] : memref<2x64x129xf32, #tpu.memory_space<vmem>> -> memref<1x64x129xf32, #tpu.memory_space<vmem>>
    %dma_wait3A_441 = tpu.memref_squeeze %dma_wait3A_440 : memref<1x64x129xf32, #tpu.memory_space<vmem>> -> memref<64x129xf32, #tpu.memory_space<vmem>>
    %dma_wait3A_442 = arith.constant 40 : i32
    %dma_wait3A_443 = arith.constant 0 : i32
    %dma_wait3A_444 = tpu.memref_slice %dma_wait3A_441[%dma_wait3A_442, %dma_wait3A_443] : memref<64x129xf32, #tpu.memory_space<vmem>> -> memref<8x128xf32, #tpu.memory_space<vmem>>
    tpu.wait_dma2 semaphore(%dma_wait3A_433 : memref<!tpu.dma_semaphore, #tpu.memory_space<semaphore_mem>>) src(%dma_wait3A_444 : memref<8x128xf32, #tpu.memory_space<vmem>>) dst(%dma_wait3A_437 : memref<8x128xf32, #tpu.memory_space<hbm>>)
    %add3A_445 = arith.constant 3 : i32
    %add3A_446 = arith.addi %mul3A_4, %add3A_445 : i32
    %dma_wait3A_447 = arith.constant 1 : i32
    %dma_wait3A_448 = arith.constant 49 : i32
    %dma_wait3A_449 = arith.constant 6 : i32
    %dma_wait3A_450 = arith.constant 1 : i32
    %dma_wait3A_451 = arith.constant 0 : i32
    %dma_wait3A_452 = arith.constant 0 : i32
    %dma_wait3A_453 = tpu.memref_slice %arg7[%dma_wait3A_447, %dma_wait3A_451, %dma_wait3A_452] : memref<2x64x129xf32, #tpu.memory_space<vmem>> -> memref<1x64x129xf32, #tpu.memory_space<vmem>>
    %dma_wait3A_454 = tpu.memref_squeeze %dma_wait3A_453 : memref<1x64x129xf32, #tpu.memory_space<vmem>> -> memref<64x129xf32, #tpu.memory_space<vmem>>
    %dma_wait3A_455 = arith.constant 48 : i32
    %dma_wait3A_456 = arith.constant 0 : i32
    %dma_wait3A_457 = tpu.memref_slice %dma_wait3A_454[%dma_wait3A_455, %dma_wait3A_456] : memref<64x129xf32, #tpu.memory_space<vmem>> -> memref<8x128xf32, #tpu.memory_space<vmem>>
    %dma_wait3A_458 = arith.constant 0 : i32
    %dma_wait3A_459 = arith.constant 0 : i32
    %dma_wait3A_460 = tpu.memref_slice %arg4[%dma_wait3A_448, %dma_wait3A_449, %add3A_446, %dma_wait3A_458, %dma_wait3A_459] : memref<50x8x128x8x128xf32, #tpu.memory_space<hbm>> -> memref<1x1x1x8x128xf32, #tpu.memory_space<hbm>>
    %dma_wait3A_461 = tpu.memref_squeeze %dma_wait3A_460 : memref<1x1x1x8x128xf32, #tpu.memory_space<hbm>> -> memref<8x128xf32, #tpu.memory_space<hbm>>
    %dma_wait3A_462 = tpu.memref_slice %arg9[%dma_wait3A_450] : memref<2x!tpu.dma_semaphore, #tpu.memory_space<semaphore_mem>> -> memref<1x!tpu.dma_semaphore, #tpu.memory_space<semaphore_mem>>
    %dma_wait3A_463 = tpu.memref_squeeze %dma_wait3A_462 : memref<1x!tpu.dma_semaphore, #tpu.memory_space<semaphore_mem>> -> memref<!tpu.dma_semaphore, #tpu.memory_space<semaphore_mem>>
    %dma_wait3A_464 = arith.constant 0 : i32
    %dma_wait3A_465 = arith.constant 0 : i32
    %dma_wait3A_466 = tpu.memref_slice %arg4[%dma_wait3A_448, %dma_wait3A_449, %add3A_446, %dma_wait3A_464, %dma_wait3A_465] : memref<50x8x128x8x128xf32, #tpu.memory_space<hbm>> -> memref<1x1x1x8x128xf32, #tpu.memory_space<hbm>>
    %dma_wait3A_467 = tpu.memref_squeeze %dma_wait3A_466 : memref<1x1x1x8x128xf32, #tpu.memory_space<hbm>> -> memref<8x128xf32, #tpu.memory_space<hbm>>
    %dma_wait3A_468 = arith.constant 0 : i32
    %dma_wait3A_469 = arith.constant 0 : i32
    %dma_wait3A_470 = tpu.memref_slice %arg7[%dma_wait3A_447, %dma_wait3A_468, %dma_wait3A_469] : memref<2x64x129xf32, #tpu.memory_space<vmem>> -> memref<1x64x129xf32, #tpu.memory_space<vmem>>
    %dma_wait3A_471 = tpu.memref_squeeze %dma_wait3A_470 : memref<1x64x129xf32, #tpu.memory_space<vmem>> -> memref<64x129xf32, #tpu.memory_space<vmem>>
    %dma_wait3A_472 = arith.constant 48 : i32
    %dma_wait3A_473 = arith.constant 0 : i32
    %dma_wait3A_474 = tpu.memref_slice %dma_wait3A_471[%dma_wait3A_472, %dma_wait3A_473] : memref<64x129xf32, #tpu.memory_space<vmem>> -> memref<8x128xf32, #tpu.memory_space<vmem>>
    tpu.wait_dma2 semaphore(%dma_wait3A_463 : memref<!tpu.dma_semaphore, #tpu.memory_space<semaphore_mem>>) src(%dma_wait3A_474 : memref<8x128xf32, #tpu.memory_space<vmem>>) dst(%dma_wait3A_467 : memref<8x128xf32, #tpu.memory_space<hbm>>)
    %add3A_475 = arith.constant 3 : i32
    %add3A_476 = arith.addi %mul3A_4, %add3A_475 : i32
    %dma_wait3A_477 = arith.constant 1 : i32
    %dma_wait3A_478 = arith.constant 49 : i32
    %dma_wait3A_479 = arith.constant 7 : i32
    %dma_wait3A_480 = arith.constant 1 : i32
    %dma_wait3A_481 = arith.constant 0 : i32
    %dma_wait3A_482 = arith.constant 0 : i32
    %dma_wait3A_483 = tpu.memref_slice %arg7[%dma_wait3A_477, %dma_wait3A_481, %dma_wait3A_482] : memref<2x64x129xf32, #tpu.memory_space<vmem>> -> memref<1x64x129xf32, #tpu.memory_space<vmem>>
    %dma_wait3A_484 = tpu.memref_squeeze %dma_wait3A_483 : memref<1x64x129xf32, #tpu.memory_space<vmem>> -> memref<64x129xf32, #tpu.memory_space<vmem>>
    %dma_wait3A_485 = arith.constant 56 : i32
    %dma_wait3A_486 = arith.constant 0 : i32
    %dma_wait3A_487 = tpu.memref_slice %dma_wait3A_484[%dma_wait3A_485, %dma_wait3A_486] : memref<64x129xf32, #tpu.memory_space<vmem>> -> memref<8x128xf32, #tpu.memory_space<vmem>>
    %dma_wait3A_488 = arith.constant 0 : i32
    %dma_wait3A_489 = arith.constant 0 : i32
    %dma_wait3A_490 = tpu.memref_slice %arg4[%dma_wait3A_478, %dma_wait3A_479, %add3A_476, %dma_wait3A_488, %dma_wait3A_489] : memref<50x8x128x8x128xf32, #tpu.memory_space<hbm>> -> memref<1x1x1x8x128xf32, #tpu.memory_space<hbm>>
    %dma_wait3A_491 = tpu.memref_squeeze %dma_wait3A_490 : memref<1x1x1x8x128xf32, #tpu.memory_space<hbm>> -> memref<8x128xf32, #tpu.memory_space<hbm>>
    %dma_wait3A_492 = tpu.memref_slice %arg9[%dma_wait3A_480] : memref<2x!tpu.dma_semaphore, #tpu.memory_space<semaphore_mem>> -> memref<1x!tpu.dma_semaphore, #tpu.memory_space<semaphore_mem>>
    %dma_wait3A_493 = tpu.memref_squeeze %dma_wait3A_492 : memref<1x!tpu.dma_semaphore, #tpu.memory_space<semaphore_mem>> -> memref<!tpu.dma_semaphore, #tpu.memory_space<semaphore_mem>>
    %dma_wait3A_494 = arith.constant 0 : i32
    %dma_wait3A_495 = arith.constant 0 : i32
    %dma_wait3A_496 = tpu.memref_slice %arg4[%dma_wait3A_478, %dma_wait3A_479, %add3A_476, %dma_wait3A_494, %dma_wait3A_495] : memref<50x8x128x8x128xf32, #tpu.memory_space<hbm>> -> memref<1x1x1x8x128xf32, #tpu.memory_space<hbm>>
    %dma_wait3A_497 = tpu.memref_squeeze %dma_wait3A_496 : memref<1x1x1x8x128xf32, #tpu.memory_space<hbm>> -> memref<8x128xf32, #tpu.memory_space<hbm>>
    %dma_wait3A_498 = arith.constant 0 : i32
    %dma_wait3A_499 = arith.constant 0 : i32
    %dma_wait3A_500 = tpu.memref_slice %arg7[%dma_wait3A_477, %dma_wait3A_498, %dma_wait3A_499] : memref<2x64x129xf32, #tpu.memory_space<vmem>> -> memref<1x64x129xf32, #tpu.memory_space<vmem>>
    %dma_wait3A_501 = tpu.memref_squeeze %dma_wait3A_500 : memref<1x64x129xf32, #tpu.memory_space<vmem>> -> memref<64x129xf32, #tpu.memory_space<vmem>>
    %dma_wait3A_502 = arith.constant 56 : i32
    %dma_wait3A_503 = arith.constant 0 : i32
    %dma_wait3A_504 = tpu.memref_slice %dma_wait3A_501[%dma_wait3A_502, %dma_wait3A_503] : memref<64x129xf32, #tpu.memory_space<vmem>> -> memref<8x128xf32, #tpu.memory_space<vmem>>
    tpu.wait_dma2 semaphore(%dma_wait3A_493 : memref<!tpu.dma_semaphore, #tpu.memory_space<semaphore_mem>>) src(%dma_wait3A_504 : memref<8x128xf32, #tpu.memory_space<vmem>>) dst(%dma_wait3A_497 : memref<8x128xf32, #tpu.memory_space<hbm>>)
    return
  }
}

</mosaic_0001>

<sc_bundles>
// kernel: kernel.3.cloned.1.call-start
scs
__scs_entry_jumppad:
0x0: {  	(pc) =	sbr.rel $0x88, $3  }
0x1: {  	(tag) =	ssettag $0x0;
	lr =	simm.s32 $0x1  }
0x2: {  	[smem:$0x3F9F] =	sst lr;
	_ =	strace $0xD0000000  }
0x3: {  	_ = 	snop  }
0x4: {  	_ = 	snop  }
0x5: {  	_ = 	snop  }
0x6: {  	_ = 	snop  }
0x7: {  	_ = 	snop  }
__scs_overlays_trampoline_lowered:
0x8: {  	[smem:$0x3FAE] =	sst s0  }
0x9: {  	[smem:$0x3FAF] =	sst s1  }
0xa: {  	[smem:$0x3FB0] =	sst s2  }
0xb: {  	[smem:$0x3FB1] =	sst s3  }
0xc: {  	[smem:$0x3FB2] =	sst s4  }
0xd: {  	[smem:$0x3FB3] =	sst s5  }
0xe: {  	[smem:$0x3FB4] =	sst s6  }
0xf: {  	[smem:$0x3FB5] =	sst s7  }
0x10: {  	[smem:$0x3FB6] =	sst s8  }
0x11: {  	[smem:$0x3FB7] =	sst s9;
	s0 =	simm.s32 @!p0 $0x0  }
0x12: {  	s1 =	sld [smem:$0x3F9D];
	s0 =	simm.s32 @p0 $0x1  }
0x13: {  	[smem:$0x3FB8] =	sst s0;
	s0 =	simm.s32 @!p1 $0x0  }
0x14: {  	s2 =	sld [smem:$0x3F9C];
	s0 =	simm.s32 @p1 $0x1  }
0x15: {  	[smem:$0x3FB9] =	sst s0;
	s0 =	simm.s32 @!p2 $0x0  }
0x16: {  	s3 =	sld [smem:$0x3FDB];
	s0 =	simm.s32 @p2 $0x1  }
0x17: {  	s4 =	simm.s32 $0x1BF5;
	[smem:$0x3FBB] =	sst s0  }
0x18: {  	s0 =	sld [smem:$0x3F9E];
	_ =	swait.ge [sflag:s4], $0x0  }
0x19: {  	s7 =	sld [smem:$0x3F9F]  }
0x1a: {  	s8 =	sadd.s32 $0xFFFFE003, lr  }
0x1b: {  	s9 =	sadd.s32 $0xFFFFFEF7, lr;
	s5 =	simm.s32 $0xFFFFFFFF;
	p2 =	slt.u32 s8, $0xFFFFF086  }
0x1c: {  	p1 =	slt.u32 s9, $0xF7A;
	s5 =	simm.s32 @!p2 $0x0  }
0x1d: {  	s5 =	simm.s32 @p1 $0x1;
	p0 =	seq.s32 s7, s2  }
0x1e: {  	s7 =	smul.u32 @!p0 $0xF7A, s2;
	p2 =	seq.s32 @!p0 s5, $0x0  }
0x1f: {  	s9 =	smul.u32 $0xF7A, s1;
	s8 =	simm.s32 @!p0 $0x1BF5;
	p2 =	por !p2, p0  }
0x20: {  	[sflag:s8] =	ssyncset.s32 @!p0 $0xFFFFF086;
	s6 =	sadd.s32 @!p0 s3, s7;
	s7 =	simm.s32 @!p0 $0x108  }
0x21: {  	s3 =	sadd.s32 s3, s9;
	s6 =	sadd.s32 @!p0 $0x88, s6;
	s7 =	simm.s32 @p2 $0x1082  }
0x22: {  	[simem:s7], [sflag:s8] =	dma.local @!p0 [hbm:s6], $0xF7A  }
0x23: {  	s9 =	sor.u32 $0xD0000000, s2;
	s6 =	simm.s32 $0x108;
	_ =	swait.ge @!p0 [sflag:s8], $0x0  }
0x24: {  	s3 =	sadd.s32 $0x88, s3;
	s6 =	simm.s32 @!p1 $0x1082;
	[sflag:s4] =	ssyncset.s32 $0xFFFFF086  }
0x25: {  	[simem:s6], [sflag:s4] =	dma.local [hbm:s3], $0xF7A  }
0x26: {  	[smem:$0x3F9F] =	sst s1;
	(tag) =	ssettag s2;
	_ =	strace s9  }
0x27: {  	s1 =	sld [smem:$0x3FAF]  }
0x28: {  	s2 =	sld [smem:$0x3FB0]  }
0x29: {  	s4 =	sld [smem:$0x3FB2]  }
0x2a: {  	p0 =	seq.s32 s5, $0x0;
	s5 =	sld [smem:$0x3FB3]  }
0x2b: {  	s6 =	sld [smem:$0x3FB4]  }
0x2c: {  	s7 =	sld [smem:$0x3FB5]  }
0x2d: {  	s3 =	simm.s32 $0x108;
	s8 =	sld [smem:$0x3FB6]  }
0x2e: {  	s3 =	simm.s32 @!p0 $0x1082;
	s9 =	sld [smem:$0x3FB7]  }
0x2f: {  	lr =	sadd.s32 s0, s3;
	s0 =	sld [smem:$0x3FAE]  }
0x30: {  	s3 =	sld [smem:$0x3FB1]  }
0x31: {  	[smem:$0x3FBA] =	sst s10  }
0x32: {  	s10 =	sld [smem:$0x3FB8];
	_ =	sdelay $0x3  }
0x33: {  	p0 =	seq.s32 s10, $0x1;
	s10 =	sld [smem:$0x3FBA];
	_ =	sdelay $0x3  }
0x34: {  	[smem:$0x3FBA] =	sst s10  }
0x35: {  	s10 =	sld [smem:$0x3FB9];
	_ =	sdelay $0x3  }
0x36: {  	p1 =	seq.s32 s10, $0x1;
	s10 =	sld [smem:$0x3FBA];
	_ =	sdelay $0x3  }
0x37: {  	[smem:$0x3FBA] =	sst s10  }
0x38: {  	s10 =	sld [smem:$0x3FBB]  }
0x39: {  	_ = 	snop;
	(pc) =	sbr.ind lr, $3  }
0x3a: {  	_ = 	snop  }
0x3b: {  	_ = 	snop  }
0x3c: {  	p2 =	seq.s32 s10, $0x1;
	s10 =	sld [smem:$0x3FBA]  }
0x3d: {  	_ =	shalt  }
0x3e: {  	_ =	shalt  }
0x3f: {  	_ =	shalt  }
0x40: {  	_ =	shalt  }
0x41: {  	_ =	shalt  }
0x42: {  	_ =	shalt  }
0x43: {  	_ =	shalt  }
0x44: {  	_ =	shalt  }
0x45: {  	_ =	shalt  }
0x46: {  	_ =	shalt  }
0x47: {  	_ =	shalt  }
0x48: {  	_ =	shalt  }
0x49: {  	_ =	shalt  }
0x4a: {  	_ =	shalt  }
0x4b: {  	_ =	shalt  }
0x4c: {  	_ =	shalt  }
0x4d: {  	_ =	shalt  }
0x4e: {  	_ =	shalt  }
0x4f: {  	_ =	shalt  }
0x50: {  	_ =	shalt  }
0x51: {  	_ =	shalt  }
0x52: {  	_ =	shalt  }
0x53: {  	_ =	shalt  }
0x54: {  	_ =	shalt  }
0x55: {  	_ =	shalt  }
0x56: {  	_ =	shalt  }
0x57: {  	_ =	shalt  }
0x58: {  	_ =	shalt  }
0x59: {  	_ =	shalt  }
0x5a: {  	_ =	shalt  }
0x5b: {  	_ =	shalt  }
0x5c: {  	_ =	shalt  }
0x5d: {  	_ =	shalt  }
0x5e: {  	_ =	shalt  }
0x5f: {  	_ =	shalt  }
0x60: {  	_ =	shalt  }
0x61: {  	_ =	shalt  }
0x62: {  	_ =	shalt  }
0x63: {  	_ =	shalt  }
0x64: {  	_ =	shalt  }
0x65: {  	_ =	shalt  }
0x66: {  	_ =	shalt  }
0x67: {  	_ =	shalt  }
0x68: {  	_ =	shalt  }
0x69: {  	_ =	shalt  }
0x6a: {  	_ =	shalt  }
0x6b: {  	_ =	shalt  }
0x6c: {  	_ =	shalt  }
0x6d: {  	_ =	shalt  }
0x6e: {  	_ =	shalt  }
0x6f: {  	_ =	shalt  }
0x70: {  	_ =	shalt  }
0x71: {  	_ =	shalt  }
0x72: {  	_ =	shalt  }
0x73: {  	_ =	shalt  }
0x74: {  	_ =	shalt  }
0x75: {  	_ =	shalt  }
0x76: {  	_ =	shalt  }
0x77: {  	_ =	shalt  }
0x78: {  	_ =	shalt  }
0x79: {  	_ =	shalt  }
0x7a: {  	_ =	shalt  }
0x7b: {  	_ =	shalt  }
0x7c: {  	_ =	shalt  }
0x7d: {  	_ =	shalt  }
0x7e: {  	_ =	shalt  }
0x7f: {  	_ =	shalt  }
0x80: {  	_ =	shalt  }
0x81: {  	_ =	shalt  }
0x82: {  	_ =	shalt  }
0x83: {  	_ =	shalt  }
0x84: {  	_ =	shalt  }
0x85: {  	_ =	shalt  }
0x86: {  	_ =	shalt  }
0x87: {  	_ =	shalt  }
.Lfunc_end0:
.L_simem_size_0:
called_computation_lowered:
.L_overlay_start_0:
0x88: {  	s2 =	sld [smem:$0x3FD9]  }
0x89: {  	s3 =	sld [smem:$0x3FFE];
	_ =	sdelay $0x1  }
0x8a: {  	s1 =	srdreg.scid  }
0x8b: {  	s0 =	sand.u32 $0x1, s1  }
0x8c: {  	s17 =	sshll.u32 s0, $0xA;
	s2 =	sadd.s32 s3, s2  }
0x8d: {  	s2 =	sadd.s32 s2, s17  }
0x8e: {  	[smem:$0x3FC6] =	sst s2  }
0x8f: {  	_ = 	snop  }
0x90: {  	s2 =	sld [smem:$0x3FD0];
	(tm) =	ssettm $0x1  }
0x91: {  	s18 =	sld [smem:$0x3FFB];
	_ =	sdelay $0x3  }
0x92: {  	_ =	strace s18  }
0x93: {  	s3 =	sld [smem:$0x3FFC];
	_ =	sdelay $0x3  }
0x94: {  	_ =	strace s3  }
0x95: {  	s3 =	sld [smem:$0x3FFD];
	_ =	sdelay $0x3  }
0x96: {  	_ =	strace s3  }
0x97: {  	_ =	strace $0x8FFFFFFF  }
0x98: {  	s19 =	sld [smem:$0x3FDB];
	_ =	sdelay $0x1  }
0x99: {  	s4 =	simm.s32 $_scs_section_size  }
0x9a: {  	s5 =	simm.s32 $_size__tile_overlayer_lowered;
	s6 =	simm.s32 $_tile_overlayer_lowered  }
0x9b: {  	s22 =	simm.s32 $0x1BFF;
	s21 =	sshll.u32 s6, $0x1;
	s3 =	sadd.s32 s4, s19  }
0x9c: {  	s7 =	simm.s32 $0x0;
	s20 =	sshll.u32 s5, $0x1;
	s5 =	sadd.s32 s21, s3  }
0x9d: {  	[timem:s7], [sflag:s22] =	dma.local [hbm:s5], s20  }
0x9e: {  	_ =	swait.ge [sflag:s22], s20  }
0x9f: {  	s4 =	ssub.s32 $0x0, s20;
	[sflag:s22] =	ssyncset.done $0x0  }
0xa0: {  	[sflag:s22] =	ssyncadd.s32 s4;
	_ =	sdelay $0x1  }
0xa1: {  	s23 =	simm.s32 $0x1B8B  }
0xa2: {  	_ =	swait.ge [sflag:s23], $0x1  }
0xa3: {  	[sflag:s23] =	ssyncset.done $0x0  }
0xa4: {  	s25 =	simm.s32 $0x1B8E;
	s24 =	sld [smem:$0x3FFE];
	[sflag:s23] =	ssyncadd.s32 $0xFFFFFFFF  }
0xa5: {  	s26 =	simm.s32 $execute0_lowered;
	[smem:$0x3FD2] =	sst s25  }
0xa6: {  	s5 =	sshll.u32 s26, $0x1;
	_ =	strace $0x80000046;
	[dreg:$0x1] =	wrdreg $0xFFFFFFFF  }
0xa7: {  	s28 =	simm.s32 $_size_execute0_lowered;
	s3 =	sadd.s32 s3, s5;
	[dreg:$0x0] =	wrdreg $0x0  }
0xa8: {  	s5 =	sshll.u32 s28, $0x1;
	[dreg:$0x2] =	wrdreg s3  }
0xa9: {  	[dreg:$0x3] =	wrdreg s5  }
0xaa: {  	[dreg:$0x4] =	wrdreg $0xC0  }
0xab: {  	_ =	task [dreg:s7], $0x5FFFF  }
0xac: {  	[dreg:$0x1] =	wrdreg $0xFFFFFFFF  }
0xad: {  	[dreg:$0x0] =	wrdreg $0x60  }
0xae: {  	[dreg:$0x2] =	wrdreg s24  }
0xaf: {  	[dreg:$0x3] =	wrdreg s2  }
0xb0: {  	[dreg:$0x4] =	wrdreg $0x9  }
0xb1: {  	_ =	task.clear_ibuf [dreg:s7], $0x5FFFF;
	_ =	strace $0x90000046  }
0xb2: {  	s29 =	simm.s32 $0x9;
	_ =	strace $0x80000048  }
0xb3: {  	_ =	swait.ge [sflag:s29], $0x1  }
0xb4: {  	[sflag:s29] =	ssyncadd.s32 $0xFFFFFFFF  }
0xb5: {  	_ =	strace $0x90000048  }
0xb6: {  	_ =	sfence  }
0xb7: {  	s30 =	sld [smem:$0x0];
	_ =	sdelay $0x2  }
0xb8: {  	s31 =	sshll.u32 s1, $0xD;
	s1 =	sshrl.u32 s1, $0x2  }
0xb9: {  	s3 =	sand.u32 $0x4000, s31;
	s1 =	sadd.s32 s1, s30  }
0xba: {  	s0 =	sor.u32 s3, s0;
	s1 =	sshll.u32 s1, $0x11  }
0xbb: {  	s0 =	sor.u32 s1, s0  }
0xbc: {  	s0 =	sadd.s32 $0x8F2B, s0  }
0xbd: {  	[sflag:s0] =	ssyncadd.remote.s32 $0x1  }
0xbe: {  	_ =	sfence.sel $0xFFFF  }
0xbf: {  	[dreg:$0x0] =	wrdreg $0xFFFFFFFF;
	(pc) =	sbr.abs _section_cstart, $3  }
0xc0: {  	[dreg:$0x1] =	wrdreg $0xFFFFFFFF  }
0xc1: {  	_ =	task.clear_ibuf [dreg:s7], $0x2FFFF;
	_ =	strace $0x9FFFFFFF  }
0xc2: {  	(tm) =	ssettm $0x7FFFFFFF  }
0xc3: {  	_ =	shalt  }
tec
execute0_lowered:
.L_overlay_start_1:
0x0: {  	(tag) =	ssettag $0x1  }
0x1: {  	s0 =	rddreg [dreg:$0x0]  }
0x2: {  	s2 =	rddreg [dreg:$0x1]  }
0x3: {  	s3 =	simm.s32 $0x0;
	s1 =	srdreg.scid;
	s4 =	stileid.u32  }
0x4: {  	s11 =	simm.s32 $0x80;
	s13 =	simm.s32 $0x1;
	s15 =	simm.s32 $0xE400  }
0x5: {  	s18 =	simm.s32 $0x122B0;
	s19 =	simm.s32 $0x12338;
	s20 =	simm.s32 $0x123C0  }
0x6: {  	s21 =	simm.s32 $0x12448;
	s22 =	simm.s32 $0x124D0;
	s23 =	simm.s32 $0x12558  }
0x7: {  	s24 =	simm.s32 $0x125E0;
	s25 =	simm.s32 $0x12668;
	s26 =	simm.s32 $0x126F0  }
0x8: {  	s28 =	simm.s32 $0x12778;
	s1 =	sand.u32 $0x1, s1;
	s4 =	sshll.u32 s4, $0x1  }
0x9: {  	s8 =	simm.s32 $0x0;
	[smem:$0x7FF] =	sst s3;
	s5 =	sor.u32 s1, s4  }
.Ltmp0:
0xa: {  	s1 =	ssub.s32 $0x2, s1;
	s6 =	sshll.u32 s5, $0x6;
	(pc) =	sbr.rel .LBB2_1-.Ltmp0, $4  }
0xb: {  	v0 =	vlaneseq.u32;
	s4 =	sadd.s32 $0xF5BA00, s0;
	s7 =	sshrl.u32 s1, $0x1;
	s0 =	sadd.s32 s6, s0  }
0xc: {  	v0 =	vmul.u32 $0x88, v0;
	_ =	strace $0x80000047;
	s1 =	ssub.s32 s1, s7;
	s0 =	sadd.s32 $0xF42A00, s0  }
0xd: {  	s5 =	sshll.u32 s5, $0x2;
	s31 =	smax.u32 s1, $0x1;
	[dreg:$0x3] =	wrdreg s0  }
0xe: {  	v1 =	vadd.s32 $0x880, v0;
	v2 =	vadd.s32 $0x1100, v0;
	v3 =	vadd.s32 $0x1980, v0;
	s1 =	simm.s32 $0x10600;
	[dreg:$0x4] =	wrdreg s31;
	s0 =	simm.s32 $0x2  }
.LBB2_8:
0xf: {  	s6 =	simm.s32 $0x3  }
0x10: {  	_ =	swait.ge [sflag:s6], $0x400  }
0x11: {  	[sflag:s6] =	ssyncset.done $0x0  }
0x12: {  	[sflag:s6] =	ssyncadd.s32 $0xFFFFFC00  }
0x13: {  	_ =	swait.ge [sflag:s6], $0x400  }
0x14: {  	[sflag:s6] =	ssyncset.done $0x0  }
0x15: {  	[sflag:s6] =	ssyncadd.s32 $0xFFFFFC00  }
0x16: {  	_ =	swait.ge [sflag:s6], $0x400  }
0x17: {  	[sflag:s6] =	ssyncset.done $0x0  }
0x18: {  	[sflag:s6] =	ssyncadd.s32 $0xFFFFFC00  }
0x19: {  	_ =	swait.ge [sflag:s6], $0x400  }
0x1a: {  	[sflag:s6] =	ssyncset.done $0x0  }
0x1b: {  	[sflag:s6] =	ssyncadd.s32 $0xFFFFFC00  }
0x1c: {  	_ =	swait.ge [sflag:s6], $0x400  }
0x1d: {  	[sflag:s6] =	ssyncset.done $0x0  }
0x1e: {  	[sflag:s6] =	ssyncadd.s32 $0xFFFFFC00  }
0x1f: {  	_ =	swait.ge [sflag:s6], $0x400  }
0x20: {  	[sflag:s6] =	ssyncset.done $0x0  }
0x21: {  	[sflag:s6] =	ssyncadd.s32 $0xFFFFFC00  }
0x22: {  	_ =	swait.ge [sflag:s6], $0x400  }
0x23: {  	[sflag:s6] =	ssyncset.done $0x0  }
0x24: {  	[sflag:s6] =	ssyncadd.s32 $0xFFFFFC00  }
0x25: {  	_ =	swait.ge [sflag:s6], $0x400  }
0x26: {  	[sflag:s6] =	ssyncset.done $0x0  }
0x27: {  	s7 =	simm.s32 $0x4;
	[sflag:s6] =	ssyncadd.s32 $0xFFFFFC00  }
0x28: {  	_ =	swait.ge [sflag:s7], $0x400  }
0x29: {  	[sflag:s7] =	ssyncset.done $0x0  }
0x2a: {  	[sflag:s7] =	ssyncadd.s32 $0xFFFFFC00  }
0x2b: {  	_ =	swait.ge [sflag:s7], $0x400  }
0x2c: {  	[sflag:s7] =	ssyncset.done $0x0  }
0x2d: {  	[sflag:s7] =	ssyncadd.s32 $0xFFFFFC00  }
0x2e: {  	_ =	swait.ge [sflag:s7], $0x400  }
0x2f: {  	[sflag:s7] =	ssyncset.done $0x0  }
0x30: {  	[sflag:s7] =	ssyncadd.s32 $0xFFFFFC00  }
0x31: {  	_ =	swait.ge [sflag:s7], $0x400  }
0x32: {  	[sflag:s7] =	ssyncset.done $0x0  }
0x33: {  	[sflag:s7] =	ssyncadd.s32 $0xFFFFFC00  }
0x34: {  	_ =	swait.ge [sflag:s7], $0x400  }
0x35: {  	[sflag:s7] =	ssyncset.done $0x0  }
0x36: {  	[sflag:s7] =	ssyncadd.s32 $0xFFFFFC00  }
0x37: {  	_ =	swait.ge [sflag:s7], $0x400  }
0x38: {  	[sflag:s7] =	ssyncset.done $0x0  }
0x39: {  	[sflag:s7] =	ssyncadd.s32 $0xFFFFFC00  }
0x3a: {  	_ =	swait.ge [sflag:s7], $0x400  }
0x3b: {  	[sflag:s7] =	ssyncset.done $0x0  }
0x3c: {  	[sflag:s7] =	ssyncadd.s32 $0xFFFFFC00  }
0x3d: {  	_ =	swait.ge [sflag:s7], $0x400  }
0x3e: {  	s8 =	rddreg [dreg:$0x5]  }
0x3f: {  	s31 =	rddreg [dreg:$0x4];
	s8 =	sadd.s32 $0x1, s8  }
0x40: {  	p0 =	sne.s32 s8, s31  }
.Ltmp1:
0x41: {  	_ = 	snop;
	(pc) =	sbr.rel @!p0 .LBB2_9-.Ltmp1, $3  }
0x42: {  	_ =	sdelay $0x1  }
0x43: {  	[sflag:s7] =	ssyncset.done $0x0  }
0x44: {  	[sflag:s7] =	ssyncadd.s32 $0xFFFFFC00  }
.LBB2_1:
0x45: {  	[dreg:$0x5] =	wrdreg s8  }
0x46: {  	s6 =	rddreg [dreg:$0x3]  }
0x47: {  	s7 =	simm.s32 $0x200;
	s17 =	simm.s32 $0x4000;
	s30 =	simm.s32 $0x5  }
0x48: {  	[tilespmem:s3], [sflag:$0x5] =	stream.strided.gather [hbm4b:s6+s7], $0x6400, s17, s7, $0x38;
	[tilespmem:$0x12800] =	vst v63  }
0x49: {  	_ =	swait.ge [sflag:s30], $0x6400  }
0x4a: {  	[sflag:s30] =	ssyncset.done $0x0  }
0x4b: {  	s31 =	simm.s32 $0x6400;
	s29 =	simm.s32 $0x0;
	[sflag:s30] =	ssyncadd.s32 $0xFFFF9C00  }
0x4c: {  	[tilespmem:s31], [sflag:$0x1] =	stream.indirect.gather [hbm4b:s4+s11], $0x80, s3, s11, $0xb8;
	[tilespmem:$0x12800] =	vst v63  }
.LBB2_2:
0x4d: {  	s30 =	sshll.u32 s29, $0x1  }
0x4e: {  	_ =	swait.ge [sflag:s13], $0x4000;
	s9 =	sand.u32 $0x2, s30  }
0x4f: {  	s6 =	sshll.u32 s29, $0x8;
	s8 =	simm.s32 $0xA400;
	s31 =	sor.u32 $0x1, s9  }
0x50: {  	[sflag:s13] =	ssyncset.done $0x0;
	s6 =	sand.u32 $0x3FFFFE00, s6;
	s7 =	sshll.u32 s31, $0x7  }
0x51: {  	p0 =	seq.s32 s29, $0x0;
	[sflag:s13] =	ssyncadd.s32 $0xFFFFC000;
	s6 =	sor.u32 s7, s6  }
0x52: {  	[tilespmem:s8], [sflag:$0x2] =	stream.indirect.gather [hbm4b:s4+s11], $0x80, s6, s11, $0xb8;
	[tilespmem:$0x12800] =	vst v63  }
0x53: {  	s6 =	simm.s32 @!p0 $0x3  }
0x54: {  	_ =	swait.ge @!p0 [sflag:s6], $0x400  }
0x55: {  	[sflag:s6] =	ssyncset.done @!p0 $0x0  }
0x56: {  	[sflag:s6] =	ssyncadd.s32 @!p0 $0xFFFFFC00  }
0x57: {  	_ =	swait.ge @!p0 [sflag:s6], $0x400  }
0x58: {  	[sflag:s6] =	ssyncset.done @!p0 $0x0  }
0x59: {  	[sflag:s6] =	ssyncadd.s32 @!p0 $0xFFFFFC00  }
0x5a: {  	_ =	swait.ge @!p0 [sflag:s6], $0x400  }
0x5b: {  	[sflag:s6] =	ssyncset.done @!p0 $0x0  }
0x5c: {  	[sflag:s6] =	ssyncadd.s32 @!p0 $0xFFFFFC00  }
0x5d: {  	_ =	swait.ge @!p0 [sflag:s6], $0x400  }
0x5e: {  	[sflag:s6] =	ssyncset.done @!p0 $0x0  }
0x5f: {  	[sflag:s6] =	ssyncadd.s32 @!p0 $0xFFFFFC00  }
0x60: {  	_ =	swait.ge @!p0 [sflag:s6], $0x400  }
0x61: {  	[sflag:s6] =	ssyncset.done @!p0 $0x0  }
0x62: {  	[sflag:s6] =	ssyncadd.s32 @!p0 $0xFFFFFC00  }
0x63: {  	_ =	swait.ge @!p0 [sflag:s6], $0x400  }
0x64: {  	[sflag:s6] =	ssyncset.done @!p0 $0x0  }
0x65: {  	[sflag:s6] =	ssyncadd.s32 @!p0 $0xFFFFFC00  }
0x66: {  	_ =	swait.ge @!p0 [sflag:s6], $0x400  }
0x67: {  	[sflag:s6] =	ssyncset.done @!p0 $0x0  }
0x68: {  	s10 =	simm.s32 $0x0;
	[sflag:s6] =	ssyncadd.s32 @!p0 $0xFFFFFC00  }
0x69: {  	v4 =	vmov s10;
	_ =	swait.ge @!p0 [sflag:s6], $0x400  }
0x6a: {  	v5 =	vand.u32 $0x78, v4;
	[sflag:s6] =	ssyncset.done @!p0 $0x0  }
0x6b: {  	s16 =	simm.s32 $0x6500;
	v22 =	vand.u32 $0x4, v4;
	v20 =	vadd.s32 v0, v5;
	[sflag:s6] =	ssyncadd.s32 @!p0 $0xFFFFFC00  }
0x6c: {  	v6 =	vor.u32 v22, v20;
	v4 =	vld [tilespmem:s16+$0xFFFFFF00];
	_ =	sdelay $0x4  }
0x6d: {  	v21 =	vadd.s32 v1, v5;
	[tilespmem:v6+s15+$0x0] =	vst.idx.msk $0xffff, v4  }
0x6e: {  	v6 =	vor.u32 v22, v21;
	v4 =	vld [tilespmem:s16+$0xFFFFFF10];
	_ =	sdelay $0x4  }
0x6f: {  	v29 =	vadd.s32 v2, v5;
	[tilespmem:v6+s15+$0x0] =	vst.idx.msk $0xffff, v4  }
0x70: {  	s12 =	simm.s32 $0x4;
	v6 =	vor.u32 v22, v29;
	v4 =	vld [tilespmem:s16+$0xFFFFFF20]  }
0x71: {  	v7 =	vmov s12  }
0x72: {  	v8 =	vand.u32 $0x78, v7  }
0x73: {  	v28 =	vand.u32 $0x4, v7;
	v26 =	vadd.s32 v0, v8;
	s6 =	simm.s32 $0x6700  }
0x74: {  	v9 =	vor.u32 v28, v26;
	v7 =	vld [tilespmem:s6+$0xFFFFFF00]  }
0x75: {  	v27 =	vadd.s32 v3, v5;
	[tilespmem:v6+s15+$0x0] =	vst.idx.msk $0xffff, v4  }
0x76: {  	v5 =	vor.u32 v22, v27;
	v4 =	vld [tilespmem:s16+$0xFFFFFF30];
	_ =	sdelay $0x2  }
0x77: {  	[tilespmem:v9+s15+$0x0] =	vst.idx.msk $0xffff, v7;
	v6 =	vadd.s32 v1, v8  }
0x78: {  	v7 =	vld [tilespmem:s6+$0xFFFFFF10];
	v9 =	vor.u32 v28, v6  }
0x79: {  	v12 =	vor.u32 $0x1, v22;
	[tilespmem:v5+s15+$0x0] =	vst.idx.msk $0xffff, v4  }
0x7a: {  	v10 =	vor.u32 v12, v20;
	v5 =	vld [tilespmem:s16+$0xFFFFFF80];
	_ =	sdelay $0x2  }
0x7b: {  	[tilespmem:v9+s15+$0x0] =	vst.idx.msk $0xffff, v7;
	v4 =	vadd.s32 v2, v8  }
0x7c: {  	s14 =	simm.s32 $0x8;
	v7 =	vld [tilespmem:s6+$0xFFFFFF20];
	v9 =	vor.u32 v28, v4  }
0x7d: {  	v11 =	vmov s14;
	[tilespmem:v10+s15+$0x0] =	vst.idx.msk $0xffff, v5  }
0x7e: {  	v14 =	vand.u32 $0x78, v11;
	v15 =	vor.u32 v12, v21;
	v13 =	vld [tilespmem:s16+$0xFFFFFF90]  }
0x7f: {  	s7 =	simm.s32 $0x6900;
	v10 =	vand.u32 $0x4, v11;
	v11 =	vadd.s32 v0, v14  }
0x80: {  	v16 =	vld [tilespmem:s7+$0xFFFFFF00];
	v17 =	vor.u32 v10, v11  }
0x81: {  	[tilespmem:v9+s15+$0x0] =	vst.idx.msk $0xffff, v7;
	v5 =	vadd.s32 v3, v8  }
0x82: {  	v7 =	vld [tilespmem:s6+$0xFFFFFF30];
	v8 =	vor.u32 v28, v5  }
0x83: {  	[tilespmem:v15+s15+$0x0] =	vst.idx.msk $0xffff, v13  }
0x84: {  	v15 =	vor.u32 v12, v29;
	v13 =	vld [tilespmem:s16+$0xFFFFFFA0]  }
0x85: {  	v9 =	vadd.s32 v1, v14;
	[tilespmem:v17+s15+$0x0] =	vst.idx.msk $0xffff, v16  }
0x86: {  	v17 =	vor.u32 v10, v9;
	v16 =	vld [tilespmem:s7+$0xFFFFFF10]  }
0x87: {  	v18 =	vor.u32 $0x1, v28;
	[tilespmem:v8+s15+$0x0] =	vst.idx.msk $0xffff, v7  }
0x88: {  	v19 =	vor.u32 v18, v26;
	v7 =	vld [tilespmem:s6+$0xFFFFFF80]  }
0x89: {  	[tilespmem:v15+s15+$0x0] =	vst.idx.msk $0xffff, v13  }
0x8a: {  	v12 =	vor.u32 v12, v27;
	v23 =	vld [tilespmem:s16+$0xFFFFFFB0]  }
0x8b: {  	s8 =	simm.s32 $0xC;
	v8 =	vadd.s32 v2, v14;
	[tilespmem:v17+s15+$0x0] =	vst.idx.msk $0xffff, v16  }
0x8c: {  	v17 =	vor.u32 v10, v8;
	v13 =	vmov s8;
	v16 =	vld [tilespmem:s7+$0xFFFFFF20]  }
0x8d: {  	[tilespmem:v19+s15+$0x0] =	vst.idx.msk $0xffff, v7;
	v24 =	vand.u32 $0x78, v13  }
0x8e: {  	s10 =	simm.s32 $0x6B00;
	v25 =	vor.u32 v18, v6;
	v19 =	vld [tilespmem:s6+$0xFFFFFF90];
	v13 =	vand.u32 $0x4, v13;
	v15 =	vadd.s32 v0, v24  }
0x8f: {  	v30 =	vor.u32 $0x2, v22;
	[tilespmem:v12+s15+$0x0] =	vst.idx.msk $0xffff, v23;
	v12 =	vld [tilespmem:s10+$0xFFFFFF00];
	v23 =	vor.u32 v13, v15  }
0x90: {  	v32 =	vor.u32 v30, v20;
	v31 =	vld [tilespmem:s16+$0x0]  }
0x91: {  	v7 =	vadd.s32 v3, v14;
	[tilespmem:v17+s15+$0x0] =	vst.idx.msk $0xffff, v16  }
0x92: {  	v17 =	vor.u32 v10, v7;
	v14 =	vld [tilespmem:s7+$0xFFFFFF30]  }
0x93: {  	[tilespmem:v25+s15+$0x0] =	vst.idx.msk $0xffff, v19  }
0x94: {  	v25 =	vor.u32 v18, v4;
	v16 =	vadd.s32 v1, v24;
	v19 =	vld [tilespmem:s6+$0xFFFFFFA0];
	[tilespmem:v23+s15+$0x0] =	vst.idx.msk $0xffff, v12  }
0x95: {  	v23 =	vor.u32 v13, v16;
	v12 =	vld [tilespmem:s10+$0xFFFFFF10];
	[tilespmem:v32+s15+$0x0] =	vst.idx.msk $0xffff, v31  }
0x96: {  	v50 =	vor.u32 v30, v21;
	v31 =	vld [tilespmem:s16+$0x10]  }
0x97: {  	v33 =	vor.u32 $0x1, v10;
	[tilespmem:v17+s15+$0x0] =	vst.idx.msk $0xffff, v14  }
0x98: {  	v17 =	vor.u32 v33, v11;
	v14 =	vld [tilespmem:s7+$0xFFFFFF80]  }
0x99: {  	[tilespmem:v25+s15+$0x0] =	vst.idx.msk $0xffff, v19  }
0x9a: {  	v18 =	vor.u32 v18, v5;
	v25 =	vld [tilespmem:s6+$0xFFFFFFB0];
	[tilespmem:v23+s15+$0x0] =	vst.idx.msk $0xffff, v12;
	v12 =	vadd.s32 v2, v24  }
0x9b: {  	s17 =	simm.s32 $0x10;
	v23 =	vld [tilespmem:s10+$0xFFFFFF20];
	v34 =	vor.u32 v13, v12;
	[tilespmem:v50+s15+$0x0] =	vst.idx.msk $0xffff, v31  }
0x9c: {  	v51 =	vor.u32 v30, v29;
	v19 =	vmov s17;
	v31 =	vld [tilespmem:s16+$0x20]  }
0x9d: {  	v35 =	vand.u32 $0x78, v19;
	[tilespmem:v17+s15+$0x0] =	vst.idx.msk $0xffff, v14  }
0x9e: {  	s12 =	simm.s32 $0x6D00;
	v37 =	vor.u32 v33, v9;
	v19 =	vand.u32 $0x4, v19;
	v17 =	vadd.s32 v0, v35;
	v36 =	vld [tilespmem:s7+$0xFFFFFF90]  }
0x9f: {  	v38 =	vor.u32 $0x2, v28;
	[tilespmem:v18+s15+$0x0] =	vst.idx.msk $0xffff, v25;
	v18 =	vld [tilespmem:s12+$0xFFFFFF00];
	v25 =	vor.u32 v19, v17  }
0xa0: {  	v14 =	vadd.s32 v3, v24;
	v24 =	vor.u32 v38, v26;
	[tilespmem:v34+s15+$0x0] =	vst.idx.msk $0xffff, v23;
	v23 =	vld [tilespmem:s6+$0x0]  }
0xa1: {  	v39 =	vor.u32 v13, v14;
	v34 =	vld [tilespmem:s10+$0xFFFFFF30];
	[tilespmem:v51+s15+$0x0] =	vst.idx.msk $0xffff, v31  }
0xa2: {  	v30 =	vor.u32 v30, v27;
	v31 =	vld [tilespmem:s16+$0x30]  }
0xa3: {  	[tilespmem:v37+s15+$0x0] =	vst.idx.msk $0xffff, v36  }
0xa4: {  	v53 =	vor.u32 v33, v8;
	[tilespmem:v25+s15+$0x0] =	vst.idx.msk $0xffff, v18;
	v18 =	vadd.s32 v1, v35;
	v52 =	vld [tilespmem:s7+$0xFFFFFFA0]  }
0xa5: {  	v25 =	vld [tilespmem:s12+$0xFFFFFF10];
	v54 =	vor.u32 v19, v18;
	[tilespmem:v24+s15+$0x0] =	vst.idx.msk $0xffff, v23  }
0xa6: {  	v40 =	vor.u32 $0x1, v13;
	v24 =	vor.u32 v38, v6;
	[tilespmem:v39+s15+$0x0] =	vst.idx.msk $0xffff, v34;
	v23 =	vld [tilespmem:s6+$0x10]  }
0xa7: {  	v41 =	vor.u32 $0x3, v22;
	v55 =	vor.u32 v40, v15;
	v34 =	vld [tilespmem:s10+$0xFFFFFF80];
	[tilespmem:v30+s15+$0x0] =	vst.idx.msk $0xffff, v31  }
0xa8: {  	v31 =	vor.u32 v41, v20;
	v22 =	vld [tilespmem:s16+$0x80]  }
0xa9: {  	[tilespmem:v53+s15+$0x0] =	vst.idx.msk $0xffff, v52  }
0xaa: {  	v33 =	vor.u32 v33, v7;
	[tilespmem:v54+s15+$0x0] =	vst.idx.msk $0xffff, v25;
	v20 =	vadd.s32 v2, v35;
	v32 =	vld [tilespmem:s7+$0xFFFFFFB0]  }
0xab: {  	s17 =	simm.s32 $0x14;
	v56 =	vld [tilespmem:s12+$0xFFFFFF20];
	v57 =	vor.u32 v19, v20;
	[tilespmem:v24+s15+$0x0] =	vst.idx.msk $0xffff, v23  }
0xac: {  	v58 =	vor.u32 v38, v4;
	v23 =	vmov s17;
	[tilespmem:v55+s15+$0x0] =	vst.idx.msk $0xffff, v34;
	v24 =	vld [tilespmem:s6+$0x20]  }
0xad: {  	v42 =	vor.u32 v40, v16;
	v30 =	vand.u32 $0x78, v23;
	v39 =	vld [tilespmem:s10+$0xFFFFFF90];
	[tilespmem:v31+s15+$0x0] =	vst.idx.msk $0xffff, v22  }
0xae: {  	s14 =	simm.s32 $0x6F00;
	v43 =	vor.u32 v41, v21;
	v23 =	vand.u32 $0x4, v23;
	v22 =	vadd.s32 v0, v30;
	v31 =	vld [tilespmem:s16+$0x90]  }
0xaf: {  	v59 =	vld [tilespmem:s14+$0xFFFFFF00];
	v25 =	vor.u32 $0x2, v10;
	[tilespmem:v33+s15+$0x0] =	vst.idx.msk $0xffff, v32;
	v60 =	vor.u32 v23, v22  }
0xb0: {  	v21 =	vadd.s32 v3, v35;
	v62 =	vor.u32 v25, v11;
	[tilespmem:v57+s15+$0x0] =	vst.idx.msk $0xffff, v56;
	v61 =	vld [tilespmem:s7+$0x0]  }
0xb1: {  	v44 =	vor.u32 v19, v21;
	v37 =	vld [tilespmem:s12+$0xFFFFFF30];
	[tilespmem:v58+s15+$0x0] =	vst.idx.msk $0xffff, v24  }
0xb2: {  	v63 =	vor.u32 v38, v5;
	[tilespmem:v42+s15+$0x0] =	vst.idx.msk $0xffff, v39;
	v34 =	vld [tilespmem:s6+$0x30]  }
0xb3: {  	[tilespmem:v43+s15+$0x0] =	vst.idx.msk $0xffff, v31  }
0xb4: {  	v45 =	vor.u32 v40, v12;
	v42 =	vld [tilespmem:s10+$0xFFFFFFA0];
	[tilespmem:v60+s15+$0x0] =	vst.idx.msk $0xffff, v59  }
0xb5: {  	v29 =	vor.u32 v41, v29;
	v24 =	vadd.s32 v1, v30;
	[tilespmem:v62+s15+$0x0] =	vst.idx.msk $0xffff, v61;
	v43 =	vld [tilespmem:s16+$0xA0]  }
0xb6: {  	v47 =	vor.u32 v23, v24;
	[tilespmem:v44+s15+$0x0] =	vst.idx.msk $0xffff, v37;
	v46 =	vld [tilespmem:s14+$0xFFFFFF10]  }
0xb7: {  	v35 =	vor.u32 $0x1, v19;
	v33 =	vld [tilespmem:s7+$0x10];
	[tilespmem:v63+s15+$0x0] =	vst.idx.msk $0xffff, v34;
	v34 =	vor.u32 v25, v9  }
0xb8: {  	v28 =	vor.u32 $0x3, v28;
	v39 =	vor.u32 v35, v17;
	v38 =	vld [tilespmem:s12+$0xFFFFFF80]  }
0xb9: {  	v32 =	vor.u32 v28, v26;
	[tilespmem:v45+s15+$0x0] =	vst.idx.msk $0xffff, v42;
	v31 =	vld [tilespmem:s6+$0x80]  }
0xba: {  	v37 =	vor.u32 v40, v14;
	v36 =	vld [tilespmem:s10+$0xFFFFFFB0];
	[tilespmem:v29+s15+$0x0] =	vst.idx.msk $0xffff, v43  }
0xbb: {  	v27 =	vor.u32 v41, v27;
	s8 =	sshrl.u32 s29, $0x1;
	v26 =	vadd.s32 v2, v30;
	[tilespmem:v47+s15+$0x0] =	vst.idx.msk $0xffff, v46;
	v29 =	vld [tilespmem:s16+$0xB0]  }
.LBB2_3:
0xbc: {  	s17 =	sadd.s32 $0x4, s17;
	v40 =	vld [tilespmem:s14+$0xFFFFFF20];
	v41 =	vor.u32 v23, v26;
	[tilespmem:v34+s15+$0x0] =	vst.idx.msk $0xffff, v33;
	v42 =	vmovc v7;
	v7 =	vmov v14;
	v14 =	vmov v21;
	s16 =	smov.u32 s12;
	s12 =	smov.u32 s14  }
0xbd: {  	v34 =	vor.u32 v25, v8;
	v43 =	vmovc v35;
	v44 =	vmov v28;
	v21 =	vmov s17;
	p1 =	slt.u32 s17, $0x7C;
	[tilespmem:v39+s15+$0x0] =	vst.idx.msk $0xffff, v38;
	v33 =	vld [tilespmem:s7+$0x20]  }
0xbe: {  	v38 =	vor.u32 v43, v18;
	v28 =	vand.u32 $0x78, v21;
	v35 =	vld [tilespmem:s16+$0xFFFFFF90];
	[tilespmem:v32+s15+$0x0] =	vst.idx.msk $0xffff, v31  }
0xbf: {  	s14 =	sadd.s32 $0x200, s14;
	v45 =	vand.u32 $0x4, v21;
	v32 =	vor.u32 v44, v6;
	v46 =	vadd.s32 v0, v28;
	[tilespmem:v37+s15+$0x0] =	vst.idx.msk $0xffff, v36;
	v31 =	vld [tilespmem:s6+$0x90]  }
0xc0: {  	v39 =	vor.u32 $0x2, v13;
	v6 =	vmovc v9;
	v9 =	vmov v16;
	v36 =	vld [tilespmem:s14+$0xFFFFFF00];
	v37 =	vor.u32 v45, v46;
	[tilespmem:v27+s15+$0x0] =	vst.idx.msk $0xffff, v29  }
0xc1: {  	v21 =	vadd.s32 v3, v30;
	v30 =	vmov v28;
	v29 =	vor.u32 v39, v15;
	[tilespmem:v41+s15+$0x0] =	vst.idx.msk $0xffff, v40;
	v27 =	vld [tilespmem:s10+$0x0]  }
0xc2: {  	v16 =	vmov v18;
	v18 =	vmov v24;
	v40 =	vor.u32 v23, v21;
	v28 =	vld [tilespmem:s12+$0xFFFFFF30];
	[tilespmem:v34+s15+$0x0] =	vst.idx.msk $0xffff, v33  }
0xc3: {  	v47 =	vor.u32 v25, v42;
	v25 =	vmov v39;
	[tilespmem:v38+s15+$0x0] =	vst.idx.msk $0xffff, v35;
	v41 =	vld [tilespmem:s7+$0x30]  }
0xc4: {  	v49 =	vor.u32 v43, v20;
	v48 =	vld [tilespmem:s16+$0xFFFFFFA0];
	[tilespmem:v32+s15+$0x0] =	vst.idx.msk $0xffff, v31  }
0xc5: {  	v51 =	vor.u32 v44, v4;
	v4 =	vmov v8;
	v24 =	vadd.s32 v1, v30;
	[tilespmem:v37+s15+$0x0] =	vst.idx.msk $0xffff, v36;
	v50 =	vld [tilespmem:s6+$0xA0]  }
0xc6: {  	v8 =	vmovc v12;
	v12 =	vmov v20;
	v20 =	vmov v26;
	v53 =	vor.u32 v45, v24;
	v52 =	vld [tilespmem:s14+$0xFFFFFF10];
	[tilespmem:v29+s15+$0x0] =	vst.idx.msk $0xffff, v27  }
.Ltmp2:
0xc7: {  	v34 =	vor.u32 v25, v9;
	v35 =	vor.u32 $0x1, v23;
	[tilespmem:v40+s15+$0x0] =	vst.idx.msk $0xffff, v28;
	v33 =	vld [tilespmem:s10+$0x10];
	(pc) =	sbr.rel @p1 .LBB2_3-.Ltmp2, $4  }
0xc8: {  	v39 =	vor.u32 v35, v22;
	v28 =	vor.u32 $0x3, v10;
	v10 =	vmovc v13;
	v13 =	vmov v19;
	v38 =	vld [tilespmem:s12+$0xFFFFFF80];
	[tilespmem:v47+s15+$0x0] =	vst.idx.msk $0xffff, v41  }
0xc9: {  	v19 =	vmovc v23;
	v23 =	vmov v45;
	v32 =	vor.u32 v28, v11;
	v11 =	vmov v15;
	[tilespmem:v49+s15+$0x0] =	vst.idx.msk $0xffff, v48;
	v31 =	vld [tilespmem:s7+$0x80]  }
0xca: {  	v37 =	vor.u32 v43, v14;
	v15 =	vmovc v17;
	v17 =	vmov v22;
	v22 =	vmov v46;
	v36 =	vld [tilespmem:s16+$0xFFFFFFB0];
	[tilespmem:v51+s15+$0x0] =	vst.idx.msk $0xffff, v50  }
0xcb: {  	v26 =	vadd.s32 v2, v30;
	v27 =	vor.u32 v44, v5;
	v5 =	vmov v42;
	[tilespmem:v53+s15+$0x0] =	vst.idx.msk $0xffff, v52;
	v29 =	vld [tilespmem:s6+$0xB0];
	s6 =	smov.u32 s7;
	s7 =	smov.u32 s10;
	s10 =	smov.u32 s16  }
0xcc: {  	v40 =	vld [tilespmem:s14+$0xFFFFFF20];
	v41 =	vor.u32 v23, v26;
	_ =	sdelay $0x4  }
0xcd: {  	v30 =	vadd.s32 v3, v30;
	[tilespmem:v41+s15+$0x0] =	vst.idx.msk $0xffff, v40  }
0xce: {  	v47 =	vor.u32 v23, v30;
	v40 =	vld [tilespmem:s14+$0xFFFFFF30];
	_ =	sdelay $0x4  }
0xcf: {  	v48 =	vor.u32 $0x1, v23;
	[tilespmem:v47+s15+$0x0] =	vst.idx.msk $0xffff, v40  }
0xd0: {  	v42 =	vor.u32 v48, v22;
	v41 =	vld [tilespmem:s14+$0xFFFFFF80];
	_ =	sdelay $0x3  }
0xd1: {  	[tilespmem:v39+s15+$0x0] =	vst.idx.msk $0xffff, v38  }
0xd2: {  	v49 =	vor.u32 v35, v18;
	v38 =	vld [tilespmem:s12+$0xFFFFFF90];
	[tilespmem:v42+s15+$0x0] =	vst.idx.msk $0xffff, v41  }
0xd3: {  	v50 =	vor.u32 v48, v24;
	v41 =	vld [tilespmem:s14+$0xFFFFFF90];
	_ =	sdelay $0x3  }
0xd4: {  	[tilespmem:v49+s15+$0x0] =	vst.idx.msk $0xffff, v38  }
0xd5: {  	v51 =	vor.u32 v35, v20;
	v38 =	vld [tilespmem:s12+$0xFFFFFFA0];
	[tilespmem:v50+s15+$0x0] =	vst.idx.msk $0xffff, v41  }
0xd6: {  	v52 =	vor.u32 v48, v26;
	v41 =	vld [tilespmem:s14+$0xFFFFFFA0];
	_ =	sdelay $0x3  }
0xd7: {  	[tilespmem:v51+s15+$0x0] =	vst.idx.msk $0xffff, v38  }
0xd8: {  	v53 =	vor.u32 v35, v21;
	v38 =	vld [tilespmem:s12+$0xFFFFFFB0];
	[tilespmem:v52+s15+$0x0] =	vst.idx.msk $0xffff, v41  }
0xd9: {  	v40 =	vor.u32 v48, v30;
	v54 =	vld [tilespmem:s14+$0xFFFFFFB0];
	_ =	sdelay $0x2  }
0xda: {  	v55 =	vor.u32 $0x2, v13;
	[tilespmem:v37+s15+$0x0] =	vst.idx.msk $0xffff, v36  }
0xdb: {  	v57 =	vor.u32 $0x2, v19;
	v56 =	vor.u32 v55, v15;
	v37 =	vld [tilespmem:s10+$0x0];
	[tilespmem:v53+s15+$0x0] =	vst.idx.msk $0xffff, v38  }
0xdc: {  	v59 =	vor.u32 $0x2, v23;
	v58 =	vor.u32 v57, v17;
	v38 =	vld [tilespmem:s12+$0x0];
	[tilespmem:v40+s15+$0x0] =	vst.idx.msk $0xffff, v54  }
0xdd: {  	v43 =	vor.u32 v59, v22;
	v40 =	vld [tilespmem:s14+$0x0];
	_ =	sdelay $0x2  }
0xde: {  	[tilespmem:v56+s15+$0x0] =	vst.idx.msk $0xffff, v37  }
0xdf: {  	v60 =	vor.u32 v55, v16;
	v37 =	vld [tilespmem:s10+$0x10];
	[tilespmem:v58+s15+$0x0] =	vst.idx.msk $0xffff, v38  }
0xe0: {  	v61 =	vor.u32 v57, v18;
	v38 =	vld [tilespmem:s12+$0x10];
	[tilespmem:v43+s15+$0x0] =	vst.idx.msk $0xffff, v40  }
0xe1: {  	v62 =	vor.u32 v59, v24;
	v40 =	vld [tilespmem:s14+$0x10];
	_ =	sdelay $0x1  }
0xe2: {  	[tilespmem:v34+s15+$0x0] =	vst.idx.msk $0xffff, v33  }
0xe3: {  	v63 =	vor.u32 v25, v8;
	v33 =	vld [tilespmem:s7+$0x20];
	[tilespmem:v60+s15+$0x0] =	vst.idx.msk $0xffff, v37  }
0xe4: {  	v45 =	vor.u32 v55, v12;
	v37 =	vld [tilespmem:s10+$0x20];
	[tilespmem:v61+s15+$0x0] =	vst.idx.msk $0xffff, v38  }
0xe5: {  	v46 =	vor.u32 v57, v20;
	v38 =	vld [tilespmem:s12+$0x20];
	[tilespmem:v62+s15+$0x0] =	vst.idx.msk $0xffff, v40  }
0xe6: {  	v47 =	vor.u32 v59, v26;
	v40 =	vld [tilespmem:s14+$0x20];
	_ =	sdelay $0x1  }
0xe7: {  	[tilespmem:v63+s15+$0x0] =	vst.idx.msk $0xffff, v33  }
0xe8: {  	v25 =	vor.u32 v25, v7;
	v33 =	vld [tilespmem:s7+$0x30];
	[tilespmem:v45+s15+$0x0] =	vst.idx.msk $0xffff, v37  }
0xe9: {  	v36 =	vor.u32 v55, v14;
	v48 =	vld [tilespmem:s10+$0x30];
	[tilespmem:v46+s15+$0x0] =	vst.idx.msk $0xffff, v38  }
0xea: {  	v35 =	vor.u32 v57, v21;
	v49 =	vld [tilespmem:s12+$0x30];
	[tilespmem:v47+s15+$0x0] =	vst.idx.msk $0xffff, v40  }
0xeb: {  	v39 =	vor.u32 v59, v30;
	v50 =	vld [tilespmem:s14+$0x30];
	_ =	sdelay $0x1  }
0xec: {  	v10 =	vor.u32 $0x3, v10;
	[tilespmem:v25+s15+$0x0] =	vst.idx.msk $0xffff, v33  }
0xed: {  	v13 =	vor.u32 $0x3, v13;
	v11 =	vor.u32 v10, v11;
	v25 =	vld [tilespmem:s7+$0x80];
	[tilespmem:v36+s15+$0x0] =	vst.idx.msk $0xffff, v48  }
0xee: {  	v19 =	vor.u32 $0x3, v19;
	v15 =	vor.u32 v13, v15;
	v51 =	vld [tilespmem:s10+$0x80];
	[tilespmem:v35+s15+$0x0] =	vst.idx.msk $0xffff, v49  }
0xef: {  	v17 =	vor.u32 v19, v17;
	v23 =	vor.u32 $0x3, v23;
	v52 =	vld [tilespmem:s12+$0x80];
	[tilespmem:v39+s15+$0x0] =	vst.idx.msk $0xffff, v50  }
0xf0: {  	v22 =	vor.u32 v23, v22;
	v53 =	vld [tilespmem:s14+$0x80]  }
0xf1: {  	[tilespmem:v32+s15+$0x0] =	vst.idx.msk $0xffff, v31  }
0xf2: {  	v6 =	vor.u32 v28, v6;
	v31 =	vld [tilespmem:s6+$0x90];
	[tilespmem:v11+s15+$0x0] =	vst.idx.msk $0xffff, v25  }
0xf3: {  	v9 =	vor.u32 v10, v9;
	v11 =	vld [tilespmem:s7+$0x90];
	[tilespmem:v15+s15+$0x0] =	vst.idx.msk $0xffff, v51  }
0xf4: {  	v16 =	vor.u32 v13, v16;
	v15 =	vld [tilespmem:s10+$0x90];
	[tilespmem:v17+s15+$0x0] =	vst.idx.msk $0xffff, v52  }
0xf5: {  	v18 =	vor.u32 v19, v18;
	v17 =	vld [tilespmem:s12+$0x90];
	[tilespmem:v22+s15+$0x0] =	vst.idx.msk $0xffff, v53  }
0xf6: {  	v24 =	vor.u32 v23, v24;
	v22 =	vld [tilespmem:s14+$0x90]  }
0xf7: {  	[tilespmem:v6+s15+$0x0] =	vst.idx.msk $0xffff, v31  }
0xf8: {  	v4 =	vor.u32 v28, v4;
	v6 =	vld [tilespmem:s6+$0xA0];
	[tilespmem:v9+s15+$0x0] =	vst.idx.msk $0xffff, v11  }
0xf9: {  	v8 =	vor.u32 v10, v8;
	v9 =	vld [tilespmem:s7+$0xA0];
	[tilespmem:v16+s15+$0x0] =	vst.idx.msk $0xffff, v15  }
0xfa: {  	v12 =	vor.u32 v13, v12;
	v11 =	vld [tilespmem:s10+$0xA0];
	[tilespmem:v18+s15+$0x0] =	vst.idx.msk $0xffff, v17  }
0xfb: {  	v16 =	vor.u32 v19, v20;
	v15 =	vld [tilespmem:s12+$0xA0];
	[tilespmem:v24+s15+$0x0] =	vst.idx.msk $0xffff, v22  }
0xfc: {  	v18 =	vor.u32 v23, v26;
	v17 =	vld [tilespmem:s14+$0xA0]  }
0xfd: {  	[tilespmem:v4+s15+$0x0] =	vst.idx.msk $0xffff, v6  }
0xfe: {  	v5 =	vor.u32 v28, v5;
	v4 =	vld [tilespmem:s6+$0xB0];
	[tilespmem:v8+s15+$0x0] =	vst.idx.msk $0xffff, v9  }
0xff: {  	v7 =	vor.u32 v10, v7;
	v6 =	vld [tilespmem:s7+$0xB0];
	[tilespmem:v12+s15+$0x0] =	vst.idx.msk $0xffff, v11  }
0x100: {  	v9 =	vor.u32 v13, v14;
	v8 =	vld [tilespmem:s10+$0xB0];
	[tilespmem:v16+s15+$0x0] =	vst.idx.msk $0xffff, v15  }
0x101: {  	v11 =	vor.u32 v19, v21;
	v10 =	vld [tilespmem:s12+$0xB0];
	[tilespmem:v18+s15+$0x0] =	vst.idx.msk $0xffff, v17  }
0x102: {  	[tilespmem:v27+s15+$0x0] =	vst.idx.msk $0xffff, v29;
	v13 =	vor.u32 v23, v30;
	v12 =	vld [tilespmem:s14+$0xB0]  }
0x103: {  	[tilespmem:v5+s15+$0x0] =	vst.idx.msk $0xffff, v4;
	s12 =	sor.u32 s5, s9;
	s14 =	sshll.u32 s29, $0x13  }
0x104: {  	[tilespmem:v7+s15+$0x0] =	vst.idx.msk $0xffff, v6;
	s6 =	sshll.u32 s12, $0xA;
	s7 =	sand.u32 $0x3F00000, s14  }
0x105: {  	[tilespmem:v9+s15+$0x0] =	vst.idx.msk $0xffff, v8;
	s6 =	sor.u32 s7, s6  }
0x106: {  	[tilespmem:v11+s15+$0x0] =	vst.idx.msk $0xffff, v10;
	s6 =	sshrl.u32 s6, $0x3  }
0x107: {  	s6 =	sadd.s32 s2, s6;
	[tilespmem:v13+s15+$0x0] =	vst.idx.msk $0xffff, v12  }
0x108: {  	[hbm4b:s6+s3] =	stream.linear.scatter [tilespmem:s15], [sflag:$0x3], $0x80, $0x38;
	[tilespmem:$0x12800] =	vst v63  }
0x109: {  	s17 =	simm.s32 $0xE488;
	s16 =	sadd.s32 $0x10, s6  }
0x10a: {  	[hbm4b:s16+s3] =	stream.linear.scatter [tilespmem:s17], [sflag:$0x3], $0x80, $0x38;
	[tilespmem:$0x12800] =	vst v63  }
0x10b: {  	s10 =	simm.s32 $0xE510;
	s9 =	sadd.s32 $0x20, s6  }
0x10c: {  	[hbm4b:s9+s3] =	stream.linear.scatter [tilespmem:s10], [sflag:$0x3], $0x80, $0x38;
	[tilespmem:$0x12800] =	vst v63  }
0x10d: {  	s14 =	simm.s32 $0xE598;
	s12 =	sadd.s32 $0x30, s6  }
0x10e: {  	[hbm4b:s12+s3] =	stream.linear.scatter [tilespmem:s14], [sflag:$0x3], $0x80, $0x38;
	[tilespmem:$0x12800] =	vst v63  }
0x10f: {  	s16 =	sadd.s32 $0x40, s6;
	s17 =	simm.s32 $0xE620  }
0x110: {  	[hbm4b:s16+s3] =	stream.linear.scatter [tilespmem:s17], [sflag:$0x3], $0x80, $0x38;
	[tilespmem:$0x12800] =	vst v63  }
0x111: {  	s9 =	sadd.s32 $0x50, s6;
	s10 =	simm.s32 $0xE6A8  }
0x112: {  	[hbm4b:s9+s3] =	stream.linear.scatter [tilespmem:s10], [sflag:$0x3], $0x80, $0x38;
	[tilespmem:$0x12800] =	vst v63  }
0x113: {  	s12 =	sadd.s32 $0x60, s6;
	s14 =	simm.s32 $0xE730  }
0x114: {  	[hbm4b:s12+s3] =	stream.linear.scatter [tilespmem:s14], [sflag:$0x3], $0x80, $0x38;
	[tilespmem:$0x12800] =	vst v63  }
0x115: {  	s16 =	sadd.s32 $0x70, s6;
	s17 =	simm.s32 $0xE7B8  }
0x116: {  	[hbm4b:s16+s3] =	stream.linear.scatter [tilespmem:s17], [sflag:$0x3], $0x80, $0x38;
	[tilespmem:$0x12800] =	vst v63  }
0x117: {  	s9 =	sadd.s32 $0x4000, s6;
	s10 =	simm.s32 $0xE840  }
0x118: {  	[hbm4b:s9+s3] =	stream.linear.scatter [tilespmem:s10], [sflag:$0x3], $0x80, $0x38;
	[tilespmem:$0x12800] =	vst v63  }
0x119: {  	s12 =	sadd.s32 $0x4010, s6;
	s14 =	simm.s32 $0xE8C8  }
0x11a: {  	[hbm4b:s12+s3] =	stream.linear.scatter [tilespmem:s14], [sflag:$0x3], $0x80, $0x38;
	[tilespmem:$0x12800] =	vst v63  }
0x11b: {  	s16 =	sadd.s32 $0x4020, s6;
	s17 =	simm.s32 $0xE950  }
0x11c: {  	[hbm4b:s16+s3] =	stream.linear.scatter [tilespmem:s17], [sflag:$0x3], $0x80, $0x38;
	[tilespmem:$0x12800] =	vst v63  }
0x11d: {  	s9 =	sadd.s32 $0x4030, s6;
	s10 =	simm.s32 $0xE9D8  }
0x11e: {  	[hbm4b:s9+s3] =	stream.linear.scatter [tilespmem:s10], [sflag:$0x3], $0x80, $0x38;
	[tilespmem:$0x12800] =	vst v63  }
0x11f: {  	s12 =	sadd.s32 $0x4040, s6;
	s14 =	simm.s32 $0xEA60  }
0x120: {  	[hbm4b:s12+s3] =	stream.linear.scatter [tilespmem:s14], [sflag:$0x3], $0x80, $0x38;
	[tilespmem:$0x12800] =	vst v63  }
0x121: {  	s16 =	sadd.s32 $0x4050, s6;
	s17 =	simm.s32 $0xEAE8  }
0x122: {  	[hbm4b:s16+s3] =	stream.linear.scatter [tilespmem:s17], [sflag:$0x3], $0x80, $0x38;
	[tilespmem:$0x12800] =	vst v63  }
0x123: {  	s9 =	sadd.s32 $0x4060, s6;
	s10 =	simm.s32 $0xEB70  }
0x124: {  	[hbm4b:s9+s3] =	stream.linear.scatter [tilespmem:s10], [sflag:$0x3], $0x80, $0x38;
	[tilespmem:$0x12800] =	vst v63  }
0x125: {  	s12 =	sadd.s32 $0x4070, s6;
	s14 =	simm.s32 $0xEBF8  }
0x126: {  	[hbm4b:s12+s3] =	stream.linear.scatter [tilespmem:s14], [sflag:$0x3], $0x80, $0x38;
	[tilespmem:$0x12800] =	vst v63  }
0x127: {  	s16 =	sadd.s32 $0x8000, s6;
	s17 =	simm.s32 $0xEC80  }
0x128: {  	[hbm4b:s16+s3] =	stream.linear.scatter [tilespmem:s17], [sflag:$0x3], $0x80, $0x38;
	[tilespmem:$0x12800] =	vst v63  }
0x129: {  	s9 =	sadd.s32 $0x8010, s6;
	s10 =	simm.s32 $0xED08  }
0x12a: {  	[hbm4b:s9+s3] =	stream.linear.scatter [tilespmem:s10], [sflag:$0x3], $0x80, $0x38;
	[tilespmem:$0x12800] =	vst v63  }
0x12b: {  	s12 =	sadd.s32 $0x8020, s6;
	s14 =	simm.s32 $0xED90  }
0x12c: {  	[hbm4b:s12+s3] =	stream.linear.scatter [tilespmem:s14], [sflag:$0x3], $0x80, $0x38;
	[tilespmem:$0x12800] =	vst v63  }
0x12d: {  	s16 =	sadd.s32 $0x8030, s6;
	s17 =	simm.s32 $0xEE18  }
0x12e: {  	[hbm4b:s16+s3] =	stream.linear.scatter [tilespmem:s17], [sflag:$0x3], $0x80, $0x38;
	[tilespmem:$0x12800] =	vst v63  }
0x12f: {  	s9 =	sadd.s32 $0x8040, s6;
	s10 =	simm.s32 $0xEEA0  }
0x130: {  	[hbm4b:s9+s3] =	stream.linear.scatter [tilespmem:s10], [sflag:$0x3], $0x80, $0x38;
	[tilespmem:$0x12800] =	vst v63  }
0x131: {  	s12 =	sadd.s32 $0x8050, s6;
	s14 =	simm.s32 $0xEF28  }
0x132: {  	[hbm4b:s12+s3] =	stream.linear.scatter [tilespmem:s14], [sflag:$0x3], $0x80, $0x38;
	[tilespmem:$0x12800] =	vst v63  }
0x133: {  	s16 =	sadd.s32 $0x8060, s6;
	s17 =	simm.s32 $0xEFB0  }
0x134: {  	[hbm4b:s16+s3] =	stream.linear.scatter [tilespmem:s17], [sflag:$0x3], $0x80, $0x38;
	[tilespmem:$0x12800] =	vst v63  }
0x135: {  	s9 =	sadd.s32 $0x8070, s6;
	s10 =	simm.s32 $0xF038  }
0x136: {  	[hbm4b:s9+s3] =	stream.linear.scatter [tilespmem:s10], [sflag:$0x3], $0x80, $0x38;
	[tilespmem:$0x12800] =	vst v63  }
0x137: {  	s12 =	sadd.s32 $0xC000, s6;
	s14 =	simm.s32 $0xF0C0  }
0x138: {  	[hbm4b:s12+s3] =	stream.linear.scatter [tilespmem:s14], [sflag:$0x3], $0x80, $0x38;
	[tilespmem:$0x12800] =	vst v63  }
0x139: {  	s16 =	sadd.s32 $0xC010, s6;
	s17 =	simm.s32 $0xF148  }
0x13a: {  	[hbm4b:s16+s3] =	stream.linear.scatter [tilespmem:s17], [sflag:$0x3], $0x80, $0x38;
	[tilespmem:$0x12800] =	vst v63  }
0x13b: {  	s9 =	sadd.s32 $0xC020, s6;
	s10 =	simm.s32 $0xF1D0  }
0x13c: {  	[hbm4b:s9+s3] =	stream.linear.scatter [tilespmem:s10], [sflag:$0x3], $0x80, $0x38;
	[tilespmem:$0x12800] =	vst v63  }
0x13d: {  	s12 =	sadd.s32 $0xC030, s6;
	s14 =	simm.s32 $0xF258  }
0x13e: {  	[hbm4b:s12+s3] =	stream.linear.scatter [tilespmem:s14], [sflag:$0x3], $0x80, $0x38;
	[tilespmem:$0x12800] =	vst v63  }
0x13f: {  	s16 =	sadd.s32 $0xC040, s6;
	s17 =	simm.s32 $0xF2E0  }
0x140: {  	[hbm4b:s16+s3] =	stream.linear.scatter [tilespmem:s17], [sflag:$0x3], $0x80, $0x38;
	[tilespmem:$0x12800] =	vst v63  }
0x141: {  	s9 =	sadd.s32 $0xC050, s6;
	s10 =	simm.s32 $0xF368  }
0x142: {  	[hbm4b:s9+s3] =	stream.linear.scatter [tilespmem:s10], [sflag:$0x3], $0x80, $0x38;
	[tilespmem:$0x12800] =	vst v63  }
0x143: {  	s12 =	sadd.s32 $0xC060, s6;
	s14 =	simm.s32 $0xF3F0  }
0x144: {  	[hbm4b:s12+s3] =	stream.linear.scatter [tilespmem:s14], [sflag:$0x3], $0x80, $0x38;
	[tilespmem:$0x12800] =	vst v63  }
0x145: {  	s16 =	sadd.s32 $0xC070, s6;
	s17 =	simm.s32 $0xF478  }
0x146: {  	[hbm4b:s16+s3] =	stream.linear.scatter [tilespmem:s17], [sflag:$0x3], $0x80, $0x38;
	[tilespmem:$0x12800] =	vst v63  }
0x147: {  	s7 =	sadd.s32 $0x10000, s6;
	s10 =	simm.s32 $0xF500  }
0x148: {  	[hbm4b:s7+s3] =	stream.linear.scatter [tilespmem:s10], [sflag:$0x3], $0x80, $0x38;
	[tilespmem:$0x12800] =	vst v63  }
0x149: {  	s12 =	sadd.s32 $0x10, s7;
	s14 =	simm.s32 $0xF588  }
0x14a: {  	[hbm4b:s12+s3] =	stream.linear.scatter [tilespmem:s14], [sflag:$0x3], $0x80, $0x38;
	[tilespmem:$0x12800] =	vst v63  }
0x14b: {  	s16 =	sadd.s32 $0x20, s7;
	s17 =	simm.s32 $0xF610  }
0x14c: {  	[hbm4b:s16+s3] =	stream.linear.scatter [tilespmem:s17], [sflag:$0x3], $0x80, $0x38;
	[tilespmem:$0x12800] =	vst v63  }
0x14d: {  	s12 =	sadd.s32 $0x30, s7;
	s14 =	simm.s32 $0xF698  }
0x14e: {  	[hbm4b:s12+s3] =	stream.linear.scatter [tilespmem:s14], [sflag:$0x3], $0x80, $0x38;
	[tilespmem:$0x12800] =	vst v63  }
0x14f: {  	s16 =	sadd.s32 $0x40, s7;
	s17 =	simm.s32 $0xF720  }
0x150: {  	[hbm4b:s16+s3] =	stream.linear.scatter [tilespmem:s17], [sflag:$0x3], $0x80, $0x38;
	[tilespmem:$0x12800] =	vst v63  }
0x151: {  	s10 =	sadd.s32 $0x50, s7;
	s12 =	simm.s32 $0xF7A8  }
0x152: {  	[hbm4b:s10+s3] =	stream.linear.scatter [tilespmem:s12], [sflag:$0x3], $0x80, $0x38;
	[tilespmem:$0x12800] =	vst v63  }
0x153: {  	s14 =	sadd.s32 $0x60, s7;
	s16 =	simm.s32 $0xF830  }
0x154: {  	[hbm4b:s14+s3] =	stream.linear.scatter [tilespmem:s16], [sflag:$0x3], $0x80, $0x38;
	[tilespmem:$0x12800] =	vst v63  }
0x155: {  	s7 =	sadd.s32 $0x70, s7;
	s17 =	simm.s32 $0xF8B8  }
0x156: {  	[hbm4b:s7+s3] =	stream.linear.scatter [tilespmem:s17], [sflag:$0x3], $0x80, $0x38;
	[tilespmem:$0x12800] =	vst v63  }
0x157: {  	s10 =	simm.s32 $0xF940;
	s7 =	sadd.s32 $0x14000, s6  }
0x158: {  	[hbm4b:s7+s3] =	stream.linear.scatter [tilespmem:s10], [sflag:$0x3], $0x80, $0x38;
	[tilespmem:$0x12800] =	vst v63  }
0x159: {  	s14 =	simm.s32 $0xF9C8;
	s12 =	sadd.s32 $0x10, s7  }
0x15a: {  	[hbm4b:s12+s3] =	stream.linear.scatter [tilespmem:s14], [sflag:$0x3], $0x80, $0x38;
	[tilespmem:$0x12800] =	vst v63  }
0x15b: {  	s17 =	simm.s32 $0xFA50;
	s16 =	sadd.s32 $0x20, s7  }
0x15c: {  	[hbm4b:s16+s3] =	stream.linear.scatter [tilespmem:s17], [sflag:$0x3], $0x80, $0x38;
	[tilespmem:$0x12800] =	vst v63  }
0x15d: {  	s12 =	sadd.s32 $0x30, s7;
	s14 =	simm.s32 $0xFAD8  }
0x15e: {  	[hbm4b:s12+s3] =	stream.linear.scatter [tilespmem:s14], [sflag:$0x3], $0x80, $0x38;
	[tilespmem:$0x12800] =	vst v63  }
0x15f: {  	s16 =	sadd.s32 $0x40, s7;
	s17 =	simm.s32 $0xFB60  }
0x160: {  	[hbm4b:s16+s3] =	stream.linear.scatter [tilespmem:s17], [sflag:$0x3], $0x80, $0x38;
	[tilespmem:$0x12800] =	vst v63  }
0x161: {  	s10 =	sadd.s32 $0x50, s7;
	s12 =	simm.s32 $0xFBE8  }
0x162: {  	[hbm4b:s10+s3] =	stream.linear.scatter [tilespmem:s12], [sflag:$0x3], $0x80, $0x38;
	[tilespmem:$0x12800] =	vst v63  }
0x163: {  	s14 =	sadd.s32 $0x60, s7;
	s16 =	simm.s32 $0xFC70  }
0x164: {  	[hbm4b:s14+s3] =	stream.linear.scatter [tilespmem:s16], [sflag:$0x3], $0x80, $0x38;
	[tilespmem:$0x12800] =	vst v63  }
0x165: {  	s7 =	sadd.s32 $0x70, s7;
	s17 =	simm.s32 $0xFCF8  }
0x166: {  	[hbm4b:s7+s3] =	stream.linear.scatter [tilespmem:s17], [sflag:$0x3], $0x80, $0x38;
	[tilespmem:$0x12800] =	vst v63  }
0x167: {  	s10 =	simm.s32 $0xFD80;
	s7 =	sadd.s32 $0x18000, s6  }
0x168: {  	[hbm4b:s7+s3] =	stream.linear.scatter [tilespmem:s10], [sflag:$0x3], $0x80, $0x38;
	[tilespmem:$0x12800] =	vst v63  }
0x169: {  	s14 =	simm.s32 $0xFE08;
	s12 =	sadd.s32 $0x10, s7  }
0x16a: {  	[hbm4b:s12+s3] =	stream.linear.scatter [tilespmem:s14], [sflag:$0x3], $0x80, $0x38;
	[tilespmem:$0x12800] =	vst v63  }
0x16b: {  	s17 =	simm.s32 $0xFE90;
	s16 =	sadd.s32 $0x20, s7  }
0x16c: {  	[hbm4b:s16+s3] =	stream.linear.scatter [tilespmem:s17], [sflag:$0x3], $0x80, $0x38;
	[tilespmem:$0x12800] =	vst v63  }
0x16d: {  	s12 =	sadd.s32 $0x30, s7;
	s14 =	simm.s32 $0xFF18  }
0x16e: {  	[hbm4b:s12+s3] =	stream.linear.scatter [tilespmem:s14], [sflag:$0x3], $0x80, $0x38;
	[tilespmem:$0x12800] =	vst v63  }
0x16f: {  	s16 =	sadd.s32 $0x40, s7;
	s17 =	simm.s32 $0xFFA0  }
0x170: {  	[hbm4b:s16+s3] =	stream.linear.scatter [tilespmem:s17], [sflag:$0x3], $0x80, $0x38;
	[tilespmem:$0x12800] =	vst v63  }
0x171: {  	s12 =	sadd.s32 $0x50, s7;
	s14 =	simm.s32 $0x10028  }
0x172: {  	[hbm4b:s12+s3] =	stream.linear.scatter [tilespmem:s14], [sflag:$0x3], $0x80, $0x38;
	[tilespmem:$0x12800] =	vst v63  }
0x173: {  	s16 =	sadd.s32 $0x60, s7;
	s17 =	simm.s32 $0x100B0  }
0x174: {  	[hbm4b:s16+s3] =	stream.linear.scatter [tilespmem:s17], [sflag:$0x3], $0x80, $0x38;
	[tilespmem:$0x12800] =	vst v63  }
0x175: {  	s7 =	sadd.s32 $0x70, s7;
	s12 =	simm.s32 $0x10138  }
0x176: {  	[hbm4b:s7+s3] =	stream.linear.scatter [tilespmem:s12], [sflag:$0x3], $0x80, $0x38;
	[tilespmem:$0x12800] =	vst v63  }
0x177: {  	s6 =	sadd.s32 $0x1C000, s6;
	s14 =	simm.s32 $0x101C0  }
0x178: {  	[hbm4b:s6+s3] =	stream.linear.scatter [tilespmem:s14], [sflag:$0x3], $0x80, $0x38;
	[tilespmem:$0x12800] =	vst v63  }
0x179: {  	s16 =	sadd.s32 $0x10, s6;
	s17 =	simm.s32 $0x10248  }
0x17a: {  	[hbm4b:s16+s3] =	stream.linear.scatter [tilespmem:s17], [sflag:$0x3], $0x80, $0x38;
	[tilespmem:$0x12800] =	vst v63  }
0x17b: {  	s9 =	sadd.s32 $0x20, s6;
	s10 =	simm.s32 $0x102D0  }
0x17c: {  	[hbm4b:s9+s3] =	stream.linear.scatter [tilespmem:s10], [sflag:$0x3], $0x80, $0x38;
	[tilespmem:$0x12800] =	vst v63  }
0x17d: {  	s12 =	sadd.s32 $0x30, s6;
	s14 =	simm.s32 $0x10358  }
0x17e: {  	[hbm4b:s12+s3] =	stream.linear.scatter [tilespmem:s14], [sflag:$0x3], $0x80, $0x38;
	[tilespmem:$0x12800] =	vst v63  }
0x17f: {  	s16 =	sadd.s32 $0x40, s6;
	s17 =	simm.s32 $0x103E0  }
0x180: {  	[hbm4b:s16+s3] =	stream.linear.scatter [tilespmem:s17], [sflag:$0x3], $0x80, $0x38;
	[tilespmem:$0x12800] =	vst v63  }
0x181: {  	s10 =	sadd.s32 $0x50, s6;
	s12 =	simm.s32 $0x10468  }
0x182: {  	[hbm4b:s10+s3] =	stream.linear.scatter [tilespmem:s12], [sflag:$0x3], $0x80, $0x38;
	[tilespmem:$0x12800] =	vst v63  }
0x183: {  	s14 =	sadd.s32 $0x60, s6;
	s16 =	simm.s32 $0x104F0  }
0x184: {  	[hbm4b:s14+s3] =	stream.linear.scatter [tilespmem:s16], [sflag:$0x3], $0x80, $0x38;
	[tilespmem:$0x12800] =	vst v63  }
0x185: {  	s6 =	sadd.s32 $0x70, s6;
	s17 =	simm.s32 $0x10578  }
0x186: {  	[hbm4b:s6+s3] =	stream.linear.scatter [tilespmem:s17], [sflag:$0x3], $0x80, $0x38;
	[tilespmem:$0x12800] =	vst v63  }
0x187: {  	_ =	swait.ge [sflag:s0], $0x4000  }
0x188: {  	[sflag:s0] =	ssyncset.done $0x0  }
0x189: {  	s6 =	simm.s32 @!p0 $0x4;
	[sflag:s0] =	ssyncadd.s32 $0xFFFFC000  }
0x18a: {  	_ =	swait.ge @!p0 [sflag:s6], $0x400  }
0x18b: {  	[sflag:s6] =	ssyncset.done @!p0 $0x0  }
0x18c: {  	[sflag:s6] =	ssyncadd.s32 @!p0 $0xFFFFFC00  }
0x18d: {  	_ =	swait.ge @!p0 [sflag:s6], $0x400  }
0x18e: {  	[sflag:s6] =	ssyncset.done @!p0 $0x0  }
0x18f: {  	[sflag:s6] =	ssyncadd.s32 @!p0 $0xFFFFFC00  }
0x190: {  	_ =	swait.ge @!p0 [sflag:s6], $0x400  }
0x191: {  	[sflag:s6] =	ssyncset.done @!p0 $0x0  }
0x192: {  	[sflag:s6] =	ssyncadd.s32 @!p0 $0xFFFFFC00  }
0x193: {  	_ =	swait.ge @!p0 [sflag:s6], $0x400  }
0x194: {  	[sflag:s6] =	ssyncset.done @!p0 $0x0  }
0x195: {  	[sflag:s6] =	ssyncadd.s32 @!p0 $0xFFFFFC00  }
0x196: {  	_ =	swait.ge @!p0 [sflag:s6], $0x400  }
0x197: {  	[sflag:s6] =	ssyncset.done @!p0 $0x0  }
0x198: {  	[sflag:s6] =	ssyncadd.s32 @!p0 $0xFFFFFC00  }
0x199: {  	_ =	swait.ge @!p0 [sflag:s6], $0x400  }
0x19a: {  	[sflag:s6] =	ssyncset.done @!p0 $0x0  }
0x19b: {  	[sflag:s6] =	ssyncadd.s32 @!p0 $0xFFFFFC00  }
0x19c: {  	_ =	swait.ge @!p0 [sflag:s6], $0x400  }
0x19d: {  	[sflag:s6] =	ssyncset.done @!p0 $0x0  }
0x19e: {  	s9 =	simm.s32 $0x0;
	[sflag:s6] =	ssyncadd.s32 @!p0 $0xFFFFFC00  }
0x19f: {  	v4 =	vmov s9;
	_ =	swait.ge @!p0 [sflag:s6], $0x400  }
0x1a0: {  	v5 =	vand.u32 $0x78, v4;
	[sflag:s6] =	ssyncset.done @!p0 $0x0  }
0x1a1: {  	v22 =	vand.u32 $0x4, v4;
	v18 =	vadd.s32 v0, v5;
	s14 =	simm.s32 $0xA400;
	[sflag:s6] =	ssyncadd.s32 @!p0 $0xFFFFFC00  }
0x1a2: {  	v6 =	vor.u32 v22, v18;
	v4 =	vld [tilespmem:s14+$0x0];
	_ =	sdelay $0x4  }
0x1a3: {  	v20 =	vadd.s32 v1, v5;
	[tilespmem:v6+s1+$0x0] =	vst.idx.msk $0xffff, v4  }
0x1a4: {  	v6 =	vor.u32 v22, v20;
	v4 =	vld [tilespmem:s14+$0x10];
	_ =	sdelay $0x4  }
0x1a5: {  	v21 =	vadd.s32 v2, v5;
	[tilespmem:v6+s1+$0x0] =	vst.idx.msk $0xffff, v4  }
0x1a6: {  	v6 =	vor.u32 v22, v21;
	v4 =	vld [tilespmem:s14+$0x20];
	_ =	sdelay $0x4  }
0x1a7: {  	v26 =	vadd.s32 v3, v5;
	s10 =	simm.s32 $0x4;
	[tilespmem:v6+s1+$0x0] =	vst.idx.msk $0xffff, v4  }
0x1a8: {  	v4 =	vmov s10;
	v6 =	vor.u32 v22, v26;
	v5 =	vld [tilespmem:s14+$0x30]  }
0x1a9: {  	v7 =	vand.u32 $0x78, v4  }
0x1aa: {  	s6 =	simm.s32 $0xA600;
	v29 =	vand.u32 $0x4, v4;
	v27 =	vadd.s32 v0, v7  }
0x1ab: {  	v4 =	vld [tilespmem:s6+$0x0];
	v8 =	vor.u32 v29, v27;
	_ =	sdelay $0x1  }
0x1ac: {  	v9 =	vor.u32 $0x1, v22;
	[tilespmem:v6+s1+$0x0] =	vst.idx.msk $0xffff, v5  }
0x1ad: {  	v10 =	vor.u32 v9, v18;
	v5 =	vld [tilespmem:s14+$0x80];
	_ =	sdelay $0x1  }
0x1ae: {  	v6 =	vadd.s32 v1, v7;
	[tilespmem:v8+s1+$0x0] =	vst.idx.msk $0xffff, v4  }
0x1af: {  	v8 =	vor.u32 v29, v6;
	v4 =	vld [tilespmem:s6+$0x10];
	_ =	sdelay $0x1  }
0x1b0: {  	[tilespmem:v10+s1+$0x0] =	vst.idx.msk $0xffff, v5  }
0x1b1: {  	v10 =	vor.u32 v9, v20;
	v5 =	vld [tilespmem:s14+$0x90];
	_ =	sdelay $0x1  }
0x1b2: {  	[tilespmem:v8+s1+$0x0] =	vst.idx.msk $0xffff, v4;
	v4 =	vadd.s32 v2, v7  }
0x1b3: {  	s12 =	simm.s32 $0x8;
	v8 =	vld [tilespmem:s6+$0x20];
	v12 =	vor.u32 v29, v4  }
0x1b4: {  	v11 =	vmov s12  }
0x1b5: {  	v14 =	vand.u32 $0x78, v11;
	[tilespmem:v10+s1+$0x0] =	vst.idx.msk $0xffff, v5  }
0x1b6: {  	s7 =	simm.s32 $0xA800;
	v15 =	vor.u32 v9, v21;
	v10 =	vand.u32 $0x4, v11;
	v11 =	vadd.s32 v0, v14;
	v13 =	vld [tilespmem:s14+$0xA0]  }
0x1b7: {  	v16 =	vld [tilespmem:s7+$0x0];
	v17 =	vor.u32 v10, v11  }
0x1b8: {  	v5 =	vadd.s32 v3, v7;
	[tilespmem:v12+s1+$0x0] =	vst.idx.msk $0xffff, v8  }
0x1b9: {  	v12 =	vor.u32 v29, v5;
	v7 =	vld [tilespmem:s6+$0x30];
	_ =	sdelay $0x1  }
0x1ba: {  	[tilespmem:v15+s1+$0x0] =	vst.idx.msk $0xffff, v13  }
0x1bb: {  	v9 =	vor.u32 v9, v26;
	v8 =	vadd.s32 v1, v14;
	[tilespmem:v17+s1+$0x0] =	vst.idx.msk $0xffff, v16;
	v13 =	vld [tilespmem:s14+$0xB0]  }
0x1bc: {  	v16 =	vor.u32 v10, v8;
	v15 =	vld [tilespmem:s7+$0x10]  }
0x1bd: {  	[tilespmem:v12+s1+$0x0] =	vst.idx.msk $0xffff, v7;
	v12 =	vor.u32 $0x1, v29  }
0x1be: {  	v7 =	vld [tilespmem:s6+$0x80];
	v17 =	vor.u32 v12, v27;
	_ =	sdelay $0x1  }
0x1bf: {  	v19 =	vor.u32 $0x2, v22;
	[tilespmem:v9+s1+$0x0] =	vst.idx.msk $0xffff, v13  }
0x1c0: {  	v23 =	vor.u32 v19, v18;
	s16 =	simm.s32 $0xC;
	[tilespmem:v16+s1+$0x0] =	vst.idx.msk $0xffff, v15;
	v9 =	vadd.s32 v2, v14;
	v16 =	vld [tilespmem:s14+$0x100]  }
0x1c1: {  	v13 =	vmov s16;
	v24 =	vld [tilespmem:s7+$0x20];
	v25 =	vor.u32 v10, v9  }
0x1c2: {  	v28 =	vand.u32 $0x78, v13;
	[tilespmem:v17+s1+$0x0] =	vst.idx.msk $0xffff, v7  }
0x1c3: {  	s9 =	simm.s32 $0xAA00;
	v30 =	vor.u32 v12, v6;
	v13 =	vand.u32 $0x4, v13;
	v15 =	vadd.s32 v0, v28;
	v17 =	vld [tilespmem:s6+$0x90]  }
0x1c4: {  	v31 =	vld [tilespmem:s9+$0x0];
	v54 =	vor.u32 v13, v15  }
0x1c5: {  	[tilespmem:v23+s1+$0x0] =	vst.idx.msk $0xffff, v16  }
0x1c6: {  	v7 =	vadd.s32 v3, v14;
	[tilespmem:v25+s1+$0x0] =	vst.idx.msk $0xffff, v24;
	v23 =	vor.u32 v19, v20;
	v14 =	vld [tilespmem:s14+$0x110]  }
0x1c7: {  	v25 =	vor.u32 v10, v7;
	v24 =	vld [tilespmem:s7+$0x30]  }
0x1c8: {  	[tilespmem:v30+s1+$0x0] =	vst.idx.msk $0xffff, v17  }
0x1c9: {  	v16 =	vadd.s32 v1, v28;
	v30 =	vor.u32 v12, v4;
	[tilespmem:v54+s1+$0x0] =	vst.idx.msk $0xffff, v31;
	v17 =	vld [tilespmem:s6+$0xA0]  }
0x1ca: {  	v55 =	vor.u32 v13, v16;
	v31 =	vld [tilespmem:s9+$0x10]  }
0x1cb: {  	[tilespmem:v23+s1+$0x0] =	vst.idx.msk $0xffff, v14  }
0x1cc: {  	[tilespmem:v25+s1+$0x0] =	vst.idx.msk $0xffff, v24;
	v23 =	vor.u32 $0x1, v10;
	v24 =	vor.u32 v19, v21;
	v14 =	vld [tilespmem:s14+$0x120]  }
0x1cd: {  	v25 =	vld [tilespmem:s7+$0x80];
	v56 =	vor.u32 v23, v11  }
0x1ce: {  	[tilespmem:v30+s1+$0x0] =	vst.idx.msk $0xffff, v17  }
0x1cf: {  	v57 =	vor.u32 v12, v5;
	v12 =	vadd.s32 v2, v28;
	[tilespmem:v55+s1+$0x0] =	vst.idx.msk $0xffff, v31;
	v30 =	vld [tilespmem:s6+$0xB0]  }
0x1d0: {  	s17 =	simm.s32 $0x10;
	v58 =	vor.u32 v13, v12;
	v31 =	vld [tilespmem:s9+$0x20]  }
0x1d1: {  	v17 =	vmov s17;
	[tilespmem:v24+s1+$0x0] =	vst.idx.msk $0xffff, v14  }
0x1d2: {  	v59 =	vor.u32 v19, v26;
	[tilespmem:v56+s1+$0x0] =	vst.idx.msk $0xffff, v25;
	v24 =	vand.u32 $0x78, v17;
	v25 =	vld [tilespmem:s14+$0x130]  }
0x1d3: {  	s10 =	simm.s32 $0xAC00;
	v61 =	vor.u32 v23, v8;
	v19 =	vand.u32 $0x4, v17;
	v60 =	vld [tilespmem:s7+$0x90];
	v17 =	vadd.s32 v0, v24  }
0x1d4: {  	v63 =	vor.u32 $0x2, v29;
	[tilespmem:v57+s1+$0x0] =	vst.idx.msk $0xffff, v30;
	v30 =	vld [tilespmem:s10+$0x0];
	v62 =	vor.u32 v19, v17  }
0x1d5: {  	v14 =	vadd.s32 v3, v28;
	[tilespmem:v58+s1+$0x0] =	vst.idx.msk $0xffff, v31;
	v31 =	vor.u32 v63, v27;
	v28 =	vld [tilespmem:s6+$0x100]  }
0x1d6: {  	v46 =	vor.u32 v13, v14;
	v32 =	vld [tilespmem:s9+$0x30]  }
0x1d7: {  	v40 =	vor.u32 $0x3, v22;
	[tilespmem:v59+s1+$0x0] =	vst.idx.msk $0xffff, v25  }
0x1d8: {  	[tilespmem:v61+s1+$0x0] =	vst.idx.msk $0xffff, v60;
	v25 =	vor.u32 v40, v18;
	v22 =	vld [tilespmem:s14+$0x180]  }
0x1d9: {  	v48 =	vor.u32 v23, v9;
	v18 =	vadd.s32 v1, v24;
	v47 =	vld [tilespmem:s7+$0xA0];
	[tilespmem:v62+s1+$0x0] =	vst.idx.msk $0xffff, v30  }
0x1da: {  	v49 =	vor.u32 v19, v18;
	v30 =	vld [tilespmem:s10+$0x10];
	[tilespmem:v31+s1+$0x0] =	vst.idx.msk $0xffff, v28  }
0x1db: {  	v50 =	vor.u32 $0x1, v13;
	[tilespmem:v46+s1+$0x0] =	vst.idx.msk $0xffff, v32;
	v31 =	vor.u32 v63, v6;
	v28 =	vld [tilespmem:s6+$0x110]  }
0x1dc: {  	v51 =	vor.u32 v50, v15;
	v32 =	vld [tilespmem:s9+$0x80]  }
0x1dd: {  	[tilespmem:v25+s1+$0x0] =	vst.idx.msk $0xffff, v22  }
0x1de: {  	v52 =	vor.u32 v40, v20;
	[tilespmem:v48+s1+$0x0] =	vst.idx.msk $0xffff, v47;
	v25 =	vld [tilespmem:s14+$0x190]  }
0x1df: {  	s16 =	simm.s32 $0x14;
	v53 =	vor.u32 v23, v7;
	v20 =	vadd.s32 v2, v24;
	v35 =	vld [tilespmem:s7+$0xB0];
	[tilespmem:v49+s1+$0x0] =	vst.idx.msk $0xffff, v30  }
0x1e0: {  	v54 =	vor.u32 v19, v20;
	v22 =	vmov s16;
	v34 =	vld [tilespmem:s10+$0x20];
	[tilespmem:v31+s1+$0x0] =	vst.idx.msk $0xffff, v28  }
0x1e1: {  	v30 =	vand.u32 $0x78, v22;
	[tilespmem:v51+s1+$0x0] =	vst.idx.msk $0xffff, v32;
	v31 =	vor.u32 v63, v4;
	v28 =	vld [tilespmem:s6+$0x120]  }
0x1e2: {  	s12 =	simm.s32 $0xAE00;
	v55 =	vor.u32 v50, v16;
	v23 =	vand.u32 $0x4, v22;
	v22 =	vadd.s32 v0, v30;
	v32 =	vld [tilespmem:s9+$0x90]  }
0x1e3: {  	v56 =	vld [tilespmem:s12+$0x0];
	v57 =	vor.u32 v23, v22;
	[tilespmem:v52+s1+$0x0] =	vst.idx.msk $0xffff, v25  }
0x1e4: {  	v58 =	vor.u32 v40, v21;
	[tilespmem:v53+s1+$0x0] =	vst.idx.msk $0xffff, v35;
	v25 =	vor.u32 $0x2, v10;
	v33 =	vld [tilespmem:s14+$0x1A0]  }
0x1e5: {  	v21 =	vadd.s32 v3, v24;
	[tilespmem:v54+s1+$0x0] =	vst.idx.msk $0xffff, v34;
	v59 =	vld [tilespmem:s7+$0x100];
	v60 =	vor.u32 v25, v11  }
0x1e6: {  	v44 =	vor.u32 v19, v21;
	v41 =	vld [tilespmem:s10+$0x30];
	[tilespmem:v31+s1+$0x0] =	vst.idx.msk $0xffff, v28  }
0x1e7: {  	v61 =	vor.u32 v63, v5;
	[tilespmem:v55+s1+$0x0] =	vst.idx.msk $0xffff, v32;
	v31 =	vld [tilespmem:s6+$0x130]  }
0x1e8: {  	v45 =	vor.u32 v50, v12;
	[tilespmem:v57+s1+$0x0] =	vst.idx.msk $0xffff, v56;
	v62 =	vld [tilespmem:s9+$0xA0]  }
0x1e9: {  	v24 =	vadd.s32 v1, v30;
	[tilespmem:v58+s1+$0x0] =	vst.idx.msk $0xffff, v33  }
0x1ea: {  	v63 =	vor.u32 v23, v24;
	v42 =	vld [tilespmem:s12+$0x10];
	[tilespmem:v60+s1+$0x0] =	vst.idx.msk $0xffff, v59  }
0x1eb: {  	v35 =	vor.u32 $0x1, v19;
	v34 =	vor.u32 v25, v8;
	[tilespmem:v44+s1+$0x0] =	vst.idx.msk $0xffff, v41;
	v33 =	vld [tilespmem:s7+$0x110]  }
0x1ec: {  	v29 =	vor.u32 $0x3, v29;
	v39 =	vor.u32 v35, v17;
	v38 =	vld [tilespmem:s10+$0x80];
	[tilespmem:v61+s1+$0x0] =	vst.idx.msk $0xffff, v31  }
0x1ed: {  	v32 =	vor.u32 v29, v27;
	[tilespmem:v45+s1+$0x0] =	vst.idx.msk $0xffff, v62;
	v31 =	vld [tilespmem:s6+$0x180]  }
0x1ee: {  	v37 =	vor.u32 v50, v14;
	v36 =	vld [tilespmem:s9+$0xB0]  }
0x1ef: {  	v26 =	vor.u32 v40, v26;
	v27 =	vadd.s32 v2, v30;
	v28 =	vld [tilespmem:s14+$0x1B0];
	[tilespmem:v63+s1+$0x0] =	vst.idx.msk $0xffff, v42  }
.LBB2_5:
0x1f0: {  	s16 =	sadd.s32 $0x4, s16;
	v40 =	vld [tilespmem:s12+$0x20];
	v41 =	vor.u32 v23, v27;
	[tilespmem:v34+s1+$0x0] =	vst.idx.msk $0xffff, v33;
	v42 =	vmovc v7;
	v7 =	vmov v14;
	v14 =	vmov v21;
	s14 =	smov.u32 s10;
	s10 =	smov.u32 s12  }
0x1f1: {  	v34 =	vor.u32 v25, v9;
	v43 =	vmovc v35;
	v44 =	vmov v29;
	v21 =	vmov s16;
	p0 =	slt.u32 s16, $0x7C;
	[tilespmem:v39+s1+$0x0] =	vst.idx.msk $0xffff, v38;
	v33 =	vld [tilespmem:s7+$0x120]  }
0x1f2: {  	v38 =	vor.u32 v43, v18;
	v29 =	vand.u32 $0x78, v21;
	v35 =	vld [tilespmem:s14+$0x90];
	[tilespmem:v32+s1+$0x0] =	vst.idx.msk $0xffff, v31  }
0x1f3: {  	s12 =	sadd.s32 $0x200, s12;
	v45 =	vand.u32 $0x4, v21;
	v32 =	vor.u32 v44, v6;
	v46 =	vadd.s32 v0, v29;
	[tilespmem:v37+s1+$0x0] =	vst.idx.msk $0xffff, v36;
	v31 =	vld [tilespmem:s6+$0x190]  }
0x1f4: {  	v39 =	vor.u32 $0x2, v13;
	v6 =	vmovc v8;
	v8 =	vmov v16;
	v36 =	vld [tilespmem:s12+$0x0];
	v37 =	vor.u32 v45, v46;
	[tilespmem:v26+s1+$0x0] =	vst.idx.msk $0xffff, v28  }
0x1f5: {  	v21 =	vadd.s32 v3, v30;
	v30 =	vmov v29;
	v28 =	vor.u32 v39, v15;
	[tilespmem:v41+s1+$0x0] =	vst.idx.msk $0xffff, v40;
	v26 =	vld [tilespmem:s9+$0x100]  }
0x1f6: {  	v16 =	vmov v18;
	v18 =	vmov v24;
	v40 =	vor.u32 v23, v21;
	v29 =	vld [tilespmem:s10+$0x30];
	[tilespmem:v34+s1+$0x0] =	vst.idx.msk $0xffff, v33  }
0x1f7: {  	v47 =	vor.u32 v25, v42;
	v25 =	vmov v39;
	[tilespmem:v38+s1+$0x0] =	vst.idx.msk $0xffff, v35;
	v41 =	vld [tilespmem:s7+$0x130]  }
0x1f8: {  	v49 =	vor.u32 v43, v20;
	v48 =	vld [tilespmem:s14+$0xA0];
	[tilespmem:v32+s1+$0x0] =	vst.idx.msk $0xffff, v31  }
0x1f9: {  	v51 =	vor.u32 v44, v4;
	v4 =	vmov v9;
	v24 =	vadd.s32 v1, v30;
	[tilespmem:v37+s1+$0x0] =	vst.idx.msk $0xffff, v36;
	v50 =	vld [tilespmem:s6+$0x1A0]  }
0x1fa: {  	v9 =	vmovc v12;
	v12 =	vmov v20;
	v20 =	vmov v27;
	v53 =	vor.u32 v45, v24;
	v52 =	vld [tilespmem:s12+$0x10];
	[tilespmem:v28+s1+$0x0] =	vst.idx.msk $0xffff, v26  }
.Ltmp3:
0x1fb: {  	v34 =	vor.u32 v25, v8;
	v35 =	vor.u32 $0x1, v23;
	[tilespmem:v40+s1+$0x0] =	vst.idx.msk $0xffff, v29;
	v33 =	vld [tilespmem:s9+$0x110];
	(pc) =	sbr.rel @p0 .LBB2_5-.Ltmp3, $4  }
0x1fc: {  	v39 =	vor.u32 v35, v22;
	v29 =	vor.u32 $0x3, v10;
	v10 =	vmovc v13;
	v13 =	vmov v19;
	v38 =	vld [tilespmem:s10+$0x80];
	[tilespmem:v47+s1+$0x0] =	vst.idx.msk $0xffff, v41  }
0x1fd: {  	v19 =	vmovc v23;
	v23 =	vmov v45;
	v32 =	vor.u32 v29, v11;
	v11 =	vmov v15;
	[tilespmem:v49+s1+$0x0] =	vst.idx.msk $0xffff, v48;
	v31 =	vld [tilespmem:s7+$0x180]  }
0x1fe: {  	v37 =	vor.u32 v43, v14;
	v15 =	vmovc v17;
	v17 =	vmov v22;
	v22 =	vmov v46;
	v36 =	vld [tilespmem:s14+$0xB0];
	[tilespmem:v51+s1+$0x0] =	vst.idx.msk $0xffff, v50  }
0x1ff: {  	v27 =	vadd.s32 v2, v30;
	v26 =	vor.u32 v44, v5;
	v5 =	vmov v42;
	[tilespmem:v53+s1+$0x0] =	vst.idx.msk $0xffff, v52;
	v28 =	vld [tilespmem:s6+$0x1B0];
	s6 =	smov.u32 s7;
	s7 =	smov.u32 s9;
	s9 =	smov.u32 s14  }
0x200: {  	v40 =	vld [tilespmem:s12+$0x20];
	v41 =	vor.u32 v23, v27;
	_ =	sdelay $0x4  }
0x201: {  	v30 =	vadd.s32 v3, v30;
	[tilespmem:v41+s1+$0x0] =	vst.idx.msk $0xffff, v40  }
0x202: {  	v58 =	vor.u32 v23, v30;
	v40 =	vld [tilespmem:s12+$0x30];
	_ =	sdelay $0x4  }
0x203: {  	v59 =	vor.u32 $0x1, v23;
	[tilespmem:v58+s1+$0x0] =	vst.idx.msk $0xffff, v40  }
0x204: {  	v42 =	vor.u32 v59, v22;
	v41 =	vld [tilespmem:s12+$0x80];
	_ =	sdelay $0x3  }
0x205: {  	[tilespmem:v39+s1+$0x0] =	vst.idx.msk $0xffff, v38  }
0x206: {  	v60 =	vor.u32 v35, v18;
	v38 =	vld [tilespmem:s10+$0x90];
	[tilespmem:v42+s1+$0x0] =	vst.idx.msk $0xffff, v41  }
0x207: {  	v61 =	vor.u32 v59, v24;
	v41 =	vld [tilespmem:s12+$0x90];
	_ =	sdelay $0x3  }
0x208: {  	[tilespmem:v60+s1+$0x0] =	vst.idx.msk $0xffff, v38  }
0x209: {  	v62 =	vor.u32 v35, v20;
	v38 =	vld [tilespmem:s10+$0xA0];
	[tilespmem:v61+s1+$0x0] =	vst.idx.msk $0xffff, v41  }
0x20a: {  	v63 =	vor.u32 v59, v27;
	v41 =	vld [tilespmem:s12+$0xA0];
	_ =	sdelay $0x3  }
0x20b: {  	[tilespmem:v62+s1+$0x0] =	vst.idx.msk $0xffff, v38  }
0x20c: {  	v44 =	vor.u32 v35, v21;
	v38 =	vld [tilespmem:s10+$0xB0];
	[tilespmem:v63+s1+$0x0] =	vst.idx.msk $0xffff, v41  }
0x20d: {  	v40 =	vor.u32 v59, v30;
	v45 =	vld [tilespmem:s12+$0xB0];
	_ =	sdelay $0x1  }
0x20e: {  	v46 =	vor.u32 $0x2, v13;
	[tilespmem:v37+s1+$0x0] =	vst.idx.msk $0xffff, v36  }
0x20f: {  	v47 =	vor.u32 v46, v15;
	v37 =	vld [tilespmem:s9+$0x100]  }
0x210: {  	v48 =	vor.u32 $0x2, v19;
	[tilespmem:v44+s1+$0x0] =	vst.idx.msk $0xffff, v38  }
0x211: {  	v50 =	vor.u32 $0x2, v23;
	v49 =	vor.u32 v48, v17;
	v38 =	vld [tilespmem:s10+$0x100];
	[tilespmem:v40+s1+$0x0] =	vst.idx.msk $0xffff, v45  }
0x212: {  	v43 =	vor.u32 v50, v22;
	v40 =	vld [tilespmem:s12+$0x100];
	_ =	sdelay $0x1  }
0x213: {  	[tilespmem:v47+s1+$0x0] =	vst.idx.msk $0xffff, v37  }
0x214: {  	v51 =	vor.u32 v46, v16;
	v37 =	vld [tilespmem:s9+$0x110]  }
0x215: {  	[tilespmem:v49+s1+$0x0] =	vst.idx.msk $0xffff, v38  }
0x216: {  	v52 =	vor.u32 v48, v18;
	v38 =	vld [tilespmem:s10+$0x110];
	[tilespmem:v43+s1+$0x0] =	vst.idx.msk $0xffff, v40  }
0x217: {  	v53 =	vor.u32 v50, v24;
	v40 =	vld [tilespmem:s12+$0x110];
	_ =	sdelay $0x1  }
0x218: {  	[tilespmem:v51+s1+$0x0] =	vst.idx.msk $0xffff, v37  }
0x219: {  	[tilespmem:v34+s1+$0x0] =	vst.idx.msk $0xffff, v33;
	v55 =	vor.u32 v46, v12;
	v37 =	vld [tilespmem:s9+$0x120]  }
0x21a: {  	v54 =	vor.u32 v25, v9;
	v33 =	vld [tilespmem:s7+$0x120];
	[tilespmem:v52+s1+$0x0] =	vst.idx.msk $0xffff, v38  }
0x21b: {  	v56 =	vor.u32 v48, v20;
	v38 =	vld [tilespmem:s10+$0x120];
	[tilespmem:v53+s1+$0x0] =	vst.idx.msk $0xffff, v40  }
0x21c: {  	v57 =	vor.u32 v50, v27;
	v40 =	vld [tilespmem:s12+$0x120];
	_ =	sdelay $0x1  }
0x21d: {  	[tilespmem:v55+s1+$0x0] =	vst.idx.msk $0xffff, v37  }
0x21e: {  	v36 =	vor.u32 v46, v14;
	[tilespmem:v54+s1+$0x0] =	vst.idx.msk $0xffff, v33;
	v59 =	vld [tilespmem:s9+$0x130]  }
0x21f: {  	v33 =	vld [tilespmem:s7+$0x130];
	v58 =	vor.u32 v25, v7;
	[tilespmem:v56+s1+$0x0] =	vst.idx.msk $0xffff, v38  }
0x220: {  	v35 =	vor.u32 v48, v21;
	v60 =	vld [tilespmem:s10+$0x130];
	[tilespmem:v57+s1+$0x0] =	vst.idx.msk $0xffff, v40  }
0x221: {  	v39 =	vor.u32 v50, v30;
	v61 =	vld [tilespmem:s12+$0x130];
	_ =	sdelay $0x1  }
0x222: {  	v62 =	vor.u32 $0x3, v13;
	[tilespmem:v36+s1+$0x0] =	vst.idx.msk $0xffff, v59  }
0x223: {  	v10 =	vor.u32 $0x3, v10;
	[tilespmem:v58+s1+$0x0] =	vst.idx.msk $0xffff, v33;
	v36 =	vor.u32 v62, v15;
	v63 =	vld [tilespmem:s9+$0x180]  }
0x224: {  	v11 =	vor.u32 v10, v11;
	v25 =	vld [tilespmem:s7+$0x180];
	[tilespmem:v35+s1+$0x0] =	vst.idx.msk $0xffff, v60;
	v40 =	vor.u32 $0x3, v19  }
0x225: {  	v43 =	vor.u32 $0x3, v23;
	v41 =	vld [tilespmem:s10+$0x180];
	v42 =	vor.u32 v40, v17;
	[tilespmem:v39+s1+$0x0] =	vst.idx.msk $0xffff, v61  }
0x226: {  	v45 =	vor.u32 v43, v22;
	v44 =	vld [tilespmem:s12+$0x180]  }
0x227: {  	[tilespmem:v32+s1+$0x0] =	vst.idx.msk $0xffff, v31  }
0x228: {  	v6 =	vor.u32 v29, v6;
	v31 =	vld [tilespmem:s6+$0x190];
	[tilespmem:v36+s1+$0x0] =	vst.idx.msk $0xffff, v63  }
0x229: {  	v46 =	vor.u32 v62, v16;
	[tilespmem:v11+s1+$0x0] =	vst.idx.msk $0xffff, v25;
	v15 =	vld [tilespmem:s9+$0x190]  }
0x22a: {  	v8 =	vor.u32 v10, v8;
	v11 =	vld [tilespmem:s7+$0x190];
	[tilespmem:v42+s1+$0x0] =	vst.idx.msk $0xffff, v41  }
0x22b: {  	v47 =	vor.u32 v40, v18;
	v17 =	vld [tilespmem:s10+$0x190];
	[tilespmem:v45+s1+$0x0] =	vst.idx.msk $0xffff, v44  }
0x22c: {  	v48 =	vor.u32 v43, v24;
	v22 =	vld [tilespmem:s12+$0x190]  }
0x22d: {  	[tilespmem:v6+s1+$0x0] =	vst.idx.msk $0xffff, v31  }
0x22e: {  	v4 =	vor.u32 v29, v4;
	v6 =	vld [tilespmem:s6+$0x1A0];
	[tilespmem:v46+s1+$0x0] =	vst.idx.msk $0xffff, v15  }
0x22f: {  	v51 =	vor.u32 v62, v12;
	[tilespmem:v8+s1+$0x0] =	vst.idx.msk $0xffff, v11;
	v50 =	vld [tilespmem:s9+$0x1A0]  }
0x230: {  	v49 =	vor.u32 v10, v9;
	v8 =	vld [tilespmem:s7+$0x1A0];
	[tilespmem:v47+s1+$0x0] =	vst.idx.msk $0xffff, v17  }
0x231: {  	v53 =	vor.u32 v40, v20;
	v52 =	vld [tilespmem:s10+$0x1A0];
	[tilespmem:v48+s1+$0x0] =	vst.idx.msk $0xffff, v22  }
0x232: {  	v55 =	vor.u32 v43, v27;
	v54 =	vld [tilespmem:s12+$0x1A0]  }
0x233: {  	[tilespmem:v4+s1+$0x0] =	vst.idx.msk $0xffff, v6  }
0x234: {  	v5 =	vor.u32 v29, v5;
	v4 =	vld [tilespmem:s6+$0x1B0];
	[tilespmem:v51+s1+$0x0] =	vst.idx.msk $0xffff, v50  }
0x235: {  	v59 =	vor.u32 v62, v14;
	[tilespmem:v49+s1+$0x0] =	vst.idx.msk $0xffff, v8;
	v58 =	vld [tilespmem:s9+$0x1B0]  }
0x236: {  	v56 =	vld [tilespmem:s7+$0x1B0];
	v57 =	vor.u32 v10, v7;
	[tilespmem:v53+s1+$0x0] =	vst.idx.msk $0xffff, v52  }
0x237: {  	v61 =	vor.u32 v40, v21;
	v60 =	vld [tilespmem:s10+$0x1B0];
	[tilespmem:v55+s1+$0x0] =	vst.idx.msk $0xffff, v54  }
0x238: {  	[tilespmem:v26+s1+$0x0] =	vst.idx.msk $0xffff, v28;
	v63 =	vor.u32 v43, v30;
	v62 =	vld [tilespmem:s12+$0x1B0]  }
0x239: {  	[tilespmem:v5+s1+$0x0] =	vst.idx.msk $0xffff, v4;
	s7 =	sor.u32 s5, s31  }
0x23a: {  	s6 =	sshll.u32 s7, $0xA;
	s9 =	sshll.u32 s8, $0x14;
	[tilespmem:v59+s1+$0x0] =	vst.idx.msk $0xffff, v58  }
0x23b: {  	s6 =	sor.u32 s9, s6;
	[tilespmem:v57+s1+$0x0] =	vst.idx.msk $0xffff, v56  }
0x23c: {  	s6 =	sshrl.u32 s6, $0x3;
	[tilespmem:v61+s1+$0x0] =	vst.idx.msk $0xffff, v60  }
0x23d: {  	s6 =	sadd.s32 s2, s6;
	[tilespmem:v63+s1+$0x0] =	vst.idx.msk $0xffff, v62  }
0x23e: {  	[hbm4b:s6+s3] =	stream.linear.scatter [tilespmem:s1], [sflag:$0x4], $0x80, $0x38;
	[tilespmem:$0x12800] =	vst v63  }
0x23f: {  	s10 =	sadd.s32 $0x10, s6;
	s12 =	simm.s32 $0x10688  }
0x240: {  	[hbm4b:s10+s3] =	stream.linear.scatter [tilespmem:s12], [sflag:$0x4], $0x80, $0x38;
	[tilespmem:$0x12800] =	vst v63  }
0x241: {  	s16 =	simm.s32 $0x10710;
	s14 =	sadd.s32 $0x20, s6  }
0x242: {  	[hbm4b:s14+s3] =	stream.linear.scatter [tilespmem:s16], [sflag:$0x4], $0x80, $0x38;
	[tilespmem:$0x12800] =	vst v63  }
0x243: {  	s31 =	simm.s32 $0x10798;
	s17 =	sadd.s32 $0x30, s6  }
0x244: {  	[hbm4b:s17+s3] =	stream.linear.scatter [tilespmem:s31], [sflag:$0x4], $0x80, $0x38;
	[tilespmem:$0x12800] =	vst v63  }
0x245: {  	s9 =	simm.s32 $0x10820;
	s8 =	sadd.s32 $0x40, s6  }
0x246: {  	[hbm4b:s8+s3] =	stream.linear.scatter [tilespmem:s9], [sflag:$0x4], $0x80, $0x38;
	[tilespmem:$0x12800] =	vst v63  }
0x247: {  	s10 =	sadd.s32 $0x50, s6;
	s12 =	simm.s32 $0x108A8  }
0x248: {  	[hbm4b:s10+s3] =	stream.linear.scatter [tilespmem:s12], [sflag:$0x4], $0x80, $0x38;
	[tilespmem:$0x12800] =	vst v63  }
0x249: {  	s14 =	sadd.s32 $0x60, s6;
	s16 =	simm.s32 $0x10930  }
0x24a: {  	[hbm4b:s14+s3] =	stream.linear.scatter [tilespmem:s16], [sflag:$0x4], $0x80, $0x38;
	[tilespmem:$0x12800] =	vst v63  }
0x24b: {  	s17 =	sadd.s32 $0x70, s6;
	s31 =	simm.s32 $0x109B8  }
0x24c: {  	[hbm4b:s17+s3] =	stream.linear.scatter [tilespmem:s31], [sflag:$0x4], $0x80, $0x38;
	[tilespmem:$0x12800] =	vst v63  }
0x24d: {  	s8 =	sadd.s32 $0x4000, s6;
	s9 =	simm.s32 $0x10A40  }
0x24e: {  	[hbm4b:s8+s3] =	stream.linear.scatter [tilespmem:s9], [sflag:$0x4], $0x80, $0x38;
	[tilespmem:$0x12800] =	vst v63  }
0x24f: {  	s10 =	sadd.s32 $0x4010, s6;
	s12 =	simm.s32 $0x10AC8  }
0x250: {  	[hbm4b:s10+s3] =	stream.linear.scatter [tilespmem:s12], [sflag:$0x4], $0x80, $0x38;
	[tilespmem:$0x12800] =	vst v63  }
0x251: {  	s14 =	sadd.s32 $0x4020, s6;
	s16 =	simm.s32 $0x10B50  }
0x252: {  	[hbm4b:s14+s3] =	stream.linear.scatter [tilespmem:s16], [sflag:$0x4], $0x80, $0x38;
	[tilespmem:$0x12800] =	vst v63  }
0x253: {  	s17 =	sadd.s32 $0x4030, s6;
	s31 =	simm.s32 $0x10BD8  }
0x254: {  	[hbm4b:s17+s3] =	stream.linear.scatter [tilespmem:s31], [sflag:$0x4], $0x80, $0x38;
	[tilespmem:$0x12800] =	vst v63  }
0x255: {  	s8 =	sadd.s32 $0x4040, s6;
	s9 =	simm.s32 $0x10C60  }
0x256: {  	[hbm4b:s8+s3] =	stream.linear.scatter [tilespmem:s9], [sflag:$0x4], $0x80, $0x38;
	[tilespmem:$0x12800] =	vst v63  }
0x257: {  	s10 =	sadd.s32 $0x4050, s6;
	s12 =	simm.s32 $0x10CE8  }
0x258: {  	[hbm4b:s10+s3] =	stream.linear.scatter [tilespmem:s12], [sflag:$0x4], $0x80, $0x38;
	[tilespmem:$0x12800] =	vst v63  }
0x259: {  	s14 =	sadd.s32 $0x4060, s6;
	s16 =	simm.s32 $0x10D70  }
0x25a: {  	[hbm4b:s14+s3] =	stream.linear.scatter [tilespmem:s16], [sflag:$0x4], $0x80, $0x38;
	[tilespmem:$0x12800] =	vst v63  }
0x25b: {  	s17 =	sadd.s32 $0x4070, s6;
	s31 =	simm.s32 $0x10DF8  }
0x25c: {  	[hbm4b:s17+s3] =	stream.linear.scatter [tilespmem:s31], [sflag:$0x4], $0x80, $0x38;
	[tilespmem:$0x12800] =	vst v63  }
0x25d: {  	s8 =	sadd.s32 $0x8000, s6;
	s9 =	simm.s32 $0x10E80  }
0x25e: {  	[hbm4b:s8+s3] =	stream.linear.scatter [tilespmem:s9], [sflag:$0x4], $0x80, $0x38;
	[tilespmem:$0x12800] =	vst v63  }
0x25f: {  	s10 =	sadd.s32 $0x8010, s6;
	s12 =	simm.s32 $0x10F08  }
0x260: {  	[hbm4b:s10+s3] =	stream.linear.scatter [tilespmem:s12], [sflag:$0x4], $0x80, $0x38;
	[tilespmem:$0x12800] =	vst v63  }
0x261: {  	s14 =	sadd.s32 $0x8020, s6;
	s16 =	simm.s32 $0x10F90  }
0x262: {  	[hbm4b:s14+s3] =	stream.linear.scatter [tilespmem:s16], [sflag:$0x4], $0x80, $0x38;
	[tilespmem:$0x12800] =	vst v63  }
0x263: {  	s17 =	sadd.s32 $0x8030, s6;
	s31 =	simm.s32 $0x11018  }
0x264: {  	[hbm4b:s17+s3] =	stream.linear.scatter [tilespmem:s31], [sflag:$0x4], $0x80, $0x38;
	[tilespmem:$0x12800] =	vst v63  }
0x265: {  	s8 =	sadd.s32 $0x8040, s6;
	s9 =	simm.s32 $0x110A0  }
0x266: {  	[hbm4b:s8+s3] =	stream.linear.scatter [tilespmem:s9], [sflag:$0x4], $0x80, $0x38;
	[tilespmem:$0x12800] =	vst v63  }
0x267: {  	s10 =	sadd.s32 $0x8050, s6;
	s12 =	simm.s32 $0x11128  }
0x268: {  	[hbm4b:s10+s3] =	stream.linear.scatter [tilespmem:s12], [sflag:$0x4], $0x80, $0x38;
	[tilespmem:$0x12800] =	vst v63  }
0x269: {  	s14 =	sadd.s32 $0x8060, s6;
	s16 =	simm.s32 $0x111B0  }
0x26a: {  	[hbm4b:s14+s3] =	stream.linear.scatter [tilespmem:s16], [sflag:$0x4], $0x80, $0x38;
	[tilespmem:$0x12800] =	vst v63  }
0x26b: {  	s17 =	sadd.s32 $0x8070, s6;
	s31 =	simm.s32 $0x11238  }
0x26c: {  	[hbm4b:s17+s3] =	stream.linear.scatter [tilespmem:s31], [sflag:$0x4], $0x80, $0x38;
	[tilespmem:$0x12800] =	vst v63  }
0x26d: {  	s8 =	sadd.s32 $0xC000, s6;
	s9 =	simm.s32 $0x112C0  }
0x26e: {  	[hbm4b:s8+s3] =	stream.linear.scatter [tilespmem:s9], [sflag:$0x4], $0x80, $0x38;
	[tilespmem:$0x12800] =	vst v63  }
0x26f: {  	s10 =	sadd.s32 $0xC010, s6;
	s12 =	simm.s32 $0x11348  }
0x270: {  	[hbm4b:s10+s3] =	stream.linear.scatter [tilespmem:s12], [sflag:$0x4], $0x80, $0x38;
	[tilespmem:$0x12800] =	vst v63  }
0x271: {  	s14 =	sadd.s32 $0xC020, s6;
	s16 =	simm.s32 $0x113D0  }
0x272: {  	[hbm4b:s14+s3] =	stream.linear.scatter [tilespmem:s16], [sflag:$0x4], $0x80, $0x38;
	[tilespmem:$0x12800] =	vst v63  }
0x273: {  	s17 =	sadd.s32 $0xC030, s6;
	s31 =	simm.s32 $0x11458  }
0x274: {  	[hbm4b:s17+s3] =	stream.linear.scatter [tilespmem:s31], [sflag:$0x4], $0x80, $0x38;
	[tilespmem:$0x12800] =	vst v63  }
0x275: {  	s8 =	sadd.s32 $0xC040, s6;
	s9 =	simm.s32 $0x114E0  }
0x276: {  	[hbm4b:s8+s3] =	stream.linear.scatter [tilespmem:s9], [sflag:$0x4], $0x80, $0x38;
	[tilespmem:$0x12800] =	vst v63  }
0x277: {  	s10 =	sadd.s32 $0xC050, s6;
	s12 =	simm.s32 $0x11568  }
0x278: {  	[hbm4b:s10+s3] =	stream.linear.scatter [tilespmem:s12], [sflag:$0x4], $0x80, $0x38;
	[tilespmem:$0x12800] =	vst v63  }
0x279: {  	s14 =	sadd.s32 $0xC060, s6;
	s16 =	simm.s32 $0x115F0  }
0x27a: {  	[hbm4b:s14+s3] =	stream.linear.scatter [tilespmem:s16], [sflag:$0x4], $0x80, $0x38;
	[tilespmem:$0x12800] =	vst v63  }
0x27b: {  	s17 =	sadd.s32 $0xC070, s6;
	s31 =	simm.s32 $0x11678  }
0x27c: {  	[hbm4b:s17+s3] =	stream.linear.scatter [tilespmem:s31], [sflag:$0x4], $0x80, $0x38;
	[tilespmem:$0x12800] =	vst v63  }
0x27d: {  	s7 =	sadd.s32 $0x10000, s6;
	s9 =	simm.s32 $0x11700  }
0x27e: {  	[hbm4b:s7+s3] =	stream.linear.scatter [tilespmem:s9], [sflag:$0x4], $0x80, $0x38;
	[tilespmem:$0x12800] =	vst v63  }
0x27f: {  	s10 =	sadd.s32 $0x10, s7;
	s12 =	simm.s32 $0x11788  }
0x280: {  	[hbm4b:s10+s3] =	stream.linear.scatter [tilespmem:s12], [sflag:$0x4], $0x80, $0x38;
	[tilespmem:$0x12800] =	vst v63  }
0x281: {  	s14 =	sadd.s32 $0x20, s7;
	s16 =	simm.s32 $0x11810  }
0x282: {  	[hbm4b:s14+s3] =	stream.linear.scatter [tilespmem:s16], [sflag:$0x4], $0x80, $0x38;
	[tilespmem:$0x12800] =	vst v63  }
0x283: {  	s17 =	sadd.s32 $0x30, s7;
	s31 =	simm.s32 $0x11898  }
0x284: {  	[hbm4b:s17+s3] =	stream.linear.scatter [tilespmem:s31], [sflag:$0x4], $0x80, $0x38;
	[tilespmem:$0x12800] =	vst v63  }
0x285: {  	s9 =	sadd.s32 $0x40, s7;
	s10 =	simm.s32 $0x11920  }
0x286: {  	[hbm4b:s9+s3] =	stream.linear.scatter [tilespmem:s10], [sflag:$0x4], $0x80, $0x38;
	[tilespmem:$0x12800] =	vst v63  }
0x287: {  	s12 =	sadd.s32 $0x50, s7;
	s14 =	simm.s32 $0x119A8  }
0x288: {  	[hbm4b:s12+s3] =	stream.linear.scatter [tilespmem:s14], [sflag:$0x4], $0x80, $0x38;
	[tilespmem:$0x12800] =	vst v63  }
0x289: {  	s16 =	sadd.s32 $0x60, s7;
	s17 =	simm.s32 $0x11A30  }
0x28a: {  	[hbm4b:s16+s3] =	stream.linear.scatter [tilespmem:s17], [sflag:$0x4], $0x80, $0x38;
	[tilespmem:$0x12800] =	vst v63  }
0x28b: {  	s7 =	sadd.s32 $0x70, s7;
	s31 =	simm.s32 $0x11AB8  }
0x28c: {  	[hbm4b:s7+s3] =	stream.linear.scatter [tilespmem:s31], [sflag:$0x4], $0x80, $0x38;
	[tilespmem:$0x12800] =	vst v63  }
0x28d: {  	s9 =	simm.s32 $0x11B40;
	s7 =	sadd.s32 $0x14000, s6  }
0x28e: {  	[hbm4b:s7+s3] =	stream.linear.scatter [tilespmem:s9], [sflag:$0x4], $0x80, $0x38;
	[tilespmem:$0x12800] =	vst v63  }
0x28f: {  	s12 =	simm.s32 $0x11BC8;
	s10 =	sadd.s32 $0x10, s7  }
0x290: {  	[hbm4b:s10+s3] =	stream.linear.scatter [tilespmem:s12], [sflag:$0x4], $0x80, $0x38;
	[tilespmem:$0x12800] =	vst v63  }
0x291: {  	s16 =	simm.s32 $0x11C50;
	s14 =	sadd.s32 $0x20, s7  }
0x292: {  	[hbm4b:s14+s3] =	stream.linear.scatter [tilespmem:s16], [sflag:$0x4], $0x80, $0x38;
	[tilespmem:$0x12800] =	vst v63  }
0x293: {  	s31 =	simm.s32 $0x11CD8;
	s17 =	sadd.s32 $0x30, s7  }
0x294: {  	[hbm4b:s17+s3] =	stream.linear.scatter [tilespmem:s31], [sflag:$0x4], $0x80, $0x38;
	[tilespmem:$0x12800] =	vst v63  }
0x295: {  	s10 =	sadd.s32 $0x40, s7;
	s12 =	simm.s32 $0x11D60  }
0x296: {  	[hbm4b:s10+s3] =	stream.linear.scatter [tilespmem:s12], [sflag:$0x4], $0x80, $0x38;
	[tilespmem:$0x12800] =	vst v63  }
0x297: {  	s14 =	sadd.s32 $0x50, s7;
	s16 =	simm.s32 $0x11DE8  }
0x298: {  	[hbm4b:s14+s3] =	stream.linear.scatter [tilespmem:s16], [sflag:$0x4], $0x80, $0x38;
	[tilespmem:$0x12800] =	vst v63  }
0x299: {  	s17 =	sadd.s32 $0x60, s7;
	s31 =	simm.s32 $0x11E70  }
0x29a: {  	[hbm4b:s17+s3] =	stream.linear.scatter [tilespmem:s31], [sflag:$0x4], $0x80, $0x38;
	[tilespmem:$0x12800] =	vst v63  }
0x29b: {  	s7 =	sadd.s32 $0x70, s7;
	s10 =	simm.s32 $0x11EF8  }
0x29c: {  	[hbm4b:s7+s3] =	stream.linear.scatter [tilespmem:s10], [sflag:$0x4], $0x80, $0x38;
	[tilespmem:$0x12800] =	vst v63  }
0x29d: {  	s12 =	simm.s32 $0x11F80;
	s7 =	sadd.s32 $0x18000, s6  }
0x29e: {  	[hbm4b:s7+s3] =	stream.linear.scatter [tilespmem:s12], [sflag:$0x4], $0x80, $0x38;
	[tilespmem:$0x12800] =	vst v63  }
0x29f: {  	s16 =	simm.s32 $0x12008;
	s14 =	sadd.s32 $0x10, s7  }
0x2a0: {  	[hbm4b:s14+s3] =	stream.linear.scatter [tilespmem:s16], [sflag:$0x4], $0x80, $0x38;
	[tilespmem:$0x12800] =	vst v63  }
0x2a1: {  	s31 =	simm.s32 $0x12090;
	s17 =	sadd.s32 $0x20, s7  }
0x2a2: {  	[hbm4b:s17+s3] =	stream.linear.scatter [tilespmem:s31], [sflag:$0x4], $0x80, $0x38;
	[tilespmem:$0x12800] =	vst v63  }
0x2a3: {  	s10 =	sadd.s32 $0x30, s7;
	s12 =	simm.s32 $0x12118  }
0x2a4: {  	[hbm4b:s10+s3] =	stream.linear.scatter [tilespmem:s12], [sflag:$0x4], $0x80, $0x38;
	[tilespmem:$0x12800] =	vst v63  }
0x2a5: {  	s14 =	sadd.s32 $0x40, s7;
	s16 =	simm.s32 $0x121A0  }
0x2a6: {  	[hbm4b:s14+s3] =	stream.linear.scatter [tilespmem:s16], [sflag:$0x4], $0x80, $0x38;
	[tilespmem:$0x12800] =	vst v63  }
0x2a7: {  	s17 =	sadd.s32 $0x50, s7;
	s31 =	simm.s32 $0x12228  }
0x2a8: {  	[hbm4b:s17+s3] =	stream.linear.scatter [tilespmem:s31], [sflag:$0x4], $0x80, $0x38;
	[tilespmem:$0x12800] =	vst v63  }
0x2a9: {  	s9 =	sadd.s32 $0x60, s7  }
0x2aa: {  	[hbm4b:s9+s3] =	stream.linear.scatter [tilespmem:s18], [sflag:$0x4], $0x80, $0x38;
	[tilespmem:$0x12800] =	vst v63  }
0x2ab: {  	s7 =	sadd.s32 $0x70, s7  }
0x2ac: {  	[hbm4b:s7+s3] =	stream.linear.scatter [tilespmem:s19], [sflag:$0x4], $0x80, $0x38;
	[tilespmem:$0x12800] =	vst v63  }
0x2ad: {  	s6 =	sadd.s32 $0x1C000, s6  }
0x2ae: {  	[hbm4b:s6+s3] =	stream.linear.scatter [tilespmem:s20], [sflag:$0x4], $0x80, $0x38;
	[tilespmem:$0x12800] =	vst v63  }
0x2af: {  	s10 =	sadd.s32 $0x10, s6  }
0x2b0: {  	[hbm4b:s10+s3] =	stream.linear.scatter [tilespmem:s21], [sflag:$0x4], $0x80, $0x38;
	[tilespmem:$0x12800] =	vst v63  }
0x2b1: {  	s12 =	sadd.s32 $0x20, s6  }
0x2b2: {  	[hbm4b:s12+s3] =	stream.linear.scatter [tilespmem:s22], [sflag:$0x4], $0x80, $0x38;
	[tilespmem:$0x12800] =	vst v63  }
0x2b3: {  	s14 =	sadd.s32 $0x30, s6  }
0x2b4: {  	[hbm4b:s14+s3] =	stream.linear.scatter [tilespmem:s23], [sflag:$0x4], $0x80, $0x38;
	[tilespmem:$0x12800] =	vst v63  }
0x2b5: {  	s16 =	sadd.s32 $0x40, s6  }
0x2b6: {  	[hbm4b:s16+s3] =	stream.linear.scatter [tilespmem:s24], [sflag:$0x4], $0x80, $0x38;
	[tilespmem:$0x12800] =	vst v63  }
0x2b7: {  	p0 =	seq.s32 s29, $0x63;
	s17 =	sadd.s32 $0x50, s6  }
0x2b8: {  	[hbm4b:s17+s3] =	stream.linear.scatter [tilespmem:s25], [sflag:$0x4], $0x80, $0x38;
	[tilespmem:$0x12800] =	vst v63  }
.Ltmp4:
0x2b9: {  	_ = 	snop;
	(pc) =	sbr.rel @p0 .LBB2_8-.Ltmp4, $4  }
0x2ba: {  	s31 =	sadd.s32 $0x60, s6  }
0x2bb: {  	[hbm4b:s31+s3] =	stream.linear.scatter [tilespmem:s26], [sflag:$0x4], $0x80, $0x38;
	[tilespmem:$0x12800] =	vst v63  }
0x2bc: {  	s6 =	sadd.s32 $0x70, s6  }
0x2bd: {  	[hbm4b:s6+s3] =	stream.linear.scatter [tilespmem:s28], [sflag:$0x4], $0x80, $0x38;
	[tilespmem:$0x12800] =	vst v63  }
.Ltmp5:
0x2be: {  	(pc) =	sbr.rel .LBB2_2-.Ltmp5, $4  }
0x2bf: {  	s6 =	sshll.u32 s30, $0x7  }
0x2c0: {  	s6 =	sadd.s32 $0x100, s6  }
0x2c1: {  	s7 =	simm.s32 $0x6400;
	s29 =	sadd.s32 $0x1, s29;
	s6 =	sand.u32 $0xFF00, s6  }
0x2c2: {  	[tilespmem:s7], [sflag:$0x1] =	stream.indirect.gather [hbm4b:s4+s11], $0x80, s6, s11, $0xb8;
	[tilespmem:$0x12800] =	vst v63  }
.LBB2_9:
0x2c3: {  	_ =	sfence.sel $0x180000  }
0x2c4: {  	[bflag:$0x0] =	sbarrier.arrive $0xFFFF  }
0x2c5: {  	_ =	strace $0x90000047  }
0x2c6: {  	s0 =	stileid.u32;
	[bflag:$0x2] =	sbarrier.arrive $0xFFFF  }
0x2c7: {  	p0 =	sne.s32 s0, $0x0;
	s0 =	rddreg [dreg:$0x2]  }
0x2c8: {  	s0 =	sadd.s32 @!p0 $0x100000, s0  }
0x2c9: {  	[sflag:s0] =	ssyncadd.tile.s32 @!p0 $0x1;
	_ =	shalt  }
.Lfunc_end2:
_tile_overlayer_lowered:
.L_overlay_start_2:
0x2ca: {  	(tag) =	ssettag $0x2  }
0x2cb: {  	s0 =	rddreg [dreg:$0x0];
	s2 =	stileid.u32  }
0x2cc: {  	s1 =	rddreg [dreg:$0x1];
	p0 =	sne.s32 s2, $0x0  }
0x2cd: {  	s3 =	rddreg [dreg:$0x2];
	[bflag:$0x3] =	sbarrier.arrive $0xFFFF;
	s2 =	simm.s32 @!p0 $0x1C05  }
0x2ce: {  	[timem:s3], [sflag:s2] =	dma.local @!p0 [hbm:s0], s1  }
0x2cf: {  	s0 =	simm.s32 @!p0 $0x5  }
0x2d0: {  	_ =	swait.ge @!p0 [sflag:s0], s1  }
0x2d1: {  	s1 =	ssub.s32 @!p0 $0x0, s1;
	[sflag:s0] =	ssyncset.done @!p0 $0x0  }
0x2d2: {  	[sflag:s0] =	ssyncadd.s32 @!p0 s1  }
0x2d3: {  	[bflag:$0x3] =	sbarrier.arrive $0xFFFF  }
0x2d4: {  	_ =	shalt  }

</sc_bundles>
